<compile_context>
chip_gen: v7x
topology: tpu7x:2x2x1
jax: 0.10.2.dev20260603
libtpu: 0.0.44.dev20260713+nightly
codegen_flags: <defaults>
</compile_context>

<pallas_src>
import jax
import jax.numpy as jnp
from jax import lax
from jax.experimental import pallas as pl
from jax.experimental.pallas import tpu as pltpu
from jax.experimental.pallas import tpu_sc as plsc

N_A = 10000
N_P = 10000
E = 320000
D_IN = 128
OUT = 64
H = 8
DH = OUT // H
NEG = 0.2

NC = 2
NS = 16
NW = NC * NS
EPW = E // NW
CH = 80
NCHUNK = EPW // CH
N_ACC = 10240
ROWS_PER_SUB = N_ACC // NS
COMB_W = OUT + 2 * H
ACC_W = OUT + H

R_BLK = 2000
NB = N_A // R_BLK

_HI = jax.lax.Precision.HIGHEST


def _pre_body(xa_ref, xp_ref, wa_ref, wp_ref, ba_ref, bp_ref, as_ref, ad_ref,
              comb_out, sd_out, shift_out, ms, md):
    i = pl.program_id(0)
    xab = jnp.dot(xa_ref[...], wa_ref[...],
                  preferred_element_type=jnp.float32) + ba_ref[...]
    xpb = jnp.dot(xp_ref[...], wp_ref[...],
                  preferred_element_type=jnp.float32) + bp_ref[...]
    asb = jnp.dot(xpb, as_ref[...], preferred_element_type=jnp.float32,
                  precision=_HI)
    adb = jnp.dot(xab, ad_ref[...], preferred_element_type=jnp.float32,
                  precision=_HI)
    sd = jnp.concatenate([asb, adb], axis=1)
    comb_out[...] = jnp.concatenate([sd, xpb], axis=1)
    sd_out[...] = sd
    bs = jnp.max(asb, axis=0, keepdims=True)
    bd = jnp.max(adb, axis=0, keepdims=True)

    @pl.when(i == 0)
    def _():
        ms[...] = bs
        md[...] = bd

    @pl.when(i > 0)
    def _():
        ms[...] = jnp.maximum(ms[...], bs)
        md[...] = jnp.maximum(md[...], bd)

    @pl.when(i == NB - 1)
    def _():
        tot = ms[...] + md[...]
        sh = jnp.maximum(tot, NEG * tot)
        shift_out[...] = jnp.concatenate([sh, sh], axis=1)


def _perm(v, idx):
    return jnp.take_along_axis(v, idx, axis=0, mode="promise_in_bounds")


NSET = 4


def _sc_body(ei3_hbm, comb_hbm, sd_hbm, shift_hbm, acc_out, *scr):
    acc_sh, sidx_all, didx_all = scr[0], scr[1], scr[2]
    gs = list(scr[3:3 + NSET])
    gd = list(scr[3 + NSET:3 + 2 * NSET])
    msg = list(scr[3 + 2 * NSET:3 + 3 * NSET])
    shiftv = scr[3 + 3 * NSET]
    semg = list(scr[4 + 3 * NSET:4 + 4 * NSET])
    sems = list(scr[4 + 4 * NSET:4 + 5 * NSET])
    c = lax.axis_index("c")
    s = lax.axis_index("s")
    wid = c * NS + s
    row0 = s * ROWS_PER_SUB
    pltpu.sync_copy(shift_hbm, shiftv)
    crow = wid * NCHUNK
    pltpu.sync_copy(ei3_hbm.at[0, pl.ds(crow, NCHUNK)], sidx_all)
    pltpu.sync_copy(ei3_hbm.at[1, pl.ds(crow, NCHUNK)], didx_all)
    zero16 = jnp.zeros((16,), jnp.float32)

    @pl.loop(0, CH)
    def _zrow(r):
        for jj in range(OUT // 16):
            msg[0][r, pl.ds(16 * jj, 16)] = zero16
        msg[0][r, pl.ds(ACC_W - 16, 16)] = zero16

    for k in range(ROWS_PER_SUB // CH):
        pltpu.sync_copy(msg[0], acc_sh.at[pl.ds(row0 + k * CH, CH)])
    if ROWS_PER_SUB % CH:
        rem = ROWS_PER_SUB % CH
        pltpu.sync_copy(
            msg[0].at[pl.ds(0, rem)],
            acc_sh.at[pl.ds(row0 + (ROWS_PER_SUB // CH) * CH, rem)])
    iota = lax.iota(jnp.int32, 16)
    perm8 = (iota + 8) & 15
    perms = [8 + 2 * j + (iota >> 3) for j in range(4)]
    shift = shiftv[...]

    plsc.subcore_barrier()

    def issue_gathers(ci, p):
        pltpu.async_copy(comb_hbm.at[sidx_all.at[ci]], gs[p], semg[p])
        pltpu.async_copy(sd_hbm.at[didx_all.at[ci]], gd[p], semg[p])

    def drain_gathers(p):
        pltpu.make_async_copy(comb_hbm.at[pl.ds(0, CH)], gs[p], semg[p]).wait()
        pltpu.make_async_copy(sd_hbm.at[pl.ds(0, CH)], gd[p], semg[p]).wait()

    def drain_scatter(p):
        pltpu.make_async_copy(acc_out.at[0, pl.ds(0, CH)], msg[p], sems[p]).wait()

    def compute(p):
        gsp, gdp, msgp = gs[p], gd[p], msg[p]

        @plsc.parallel_loop(0, CH, unroll=4)
        def _edge(e):
            sv = _perm(gsp[e, pl.ds(0, 16)], perm8)
            dv = gdp[e, :]
            al = sv + dv
            al = jnp.maximum(al, NEG * al)
            ex = jnp.exp(al - shift)
            msgp[e, pl.ds(ACC_W - 16, 16)] = ex
            for j in range(4):
                xv = gsp[e, pl.ds(2 * H + j * 16, 16)]
                msgp[e, pl.ds(j * 16, 16)] = xv * _perm(ex, perms[j])

    def issue_scatter(ci, p):
        pltpu.async_copy(msg[p], acc_sh.at[didx_all.at[ci]], sems[p], add=True)

    for k in range(NSET - 1):
        issue_gathers(k, k)

    @pl.loop(0, NCHUNK // NSET)
    def _quad(t):
        base = NSET * t
        for k in range(NSET):
            ci = base + k
            drain_gathers(k)
            pref = ci + (NSET - 1)

            @pl.when(pref < NCHUNK)
            def _():
                issue_gathers(pref, (k + NSET - 1) % NSET)

            @pl.when(t > 0)
            def _():
                drain_scatter(k)

            compute(k)
            issue_scatter(ci, k)

    for ci in range(NCHUNK - NCHUNK % NSET, NCHUNK):
        k = ci % NSET
        drain_gathers(k)
        drain_scatter(k)
        compute(k)
        issue_scatter(ci, k)
    for k in range(NSET):
        drain_scatter(k)

    plsc.subcore_barrier()
    pltpu.sync_copy(acc_sh.at[pl.ds(row0, ROWS_PER_SUB)],
                    acc_out.at[c, pl.ds(row0, ROWS_PER_SUB)])


RPW2 = N_ACC // NW
CHN = 160
NCH2 = RPW2 // CHN


def _sc2_body(acc_hbm, out_hbm, b0a, b1a, oba, b0b, b1b, obb, sema, semb):
    c = lax.axis_index("c")
    s = lax.axis_index("s")
    wid = c * NS + s
    iota = lax.iota(jnp.int32, 16)
    perms = [8 + 2 * j + (iota >> 3) for j in range(4)]
    g0 = wid * RPW2
    g1 = g0 + CHN
    d = [pltpu.async_copy(acc_hbm.at[0, pl.ds(g0, CHN)], b0a, sema),
         pltpu.async_copy(acc_hbm.at[1, pl.ds(g0, CHN)], b1a, sema),
         pltpu.async_copy(acc_hbm.at[0, pl.ds(g1, CHN)], b0b, semb),
         pltpu.async_copy(acc_hbm.at[1, pl.ds(g1, CHN)], b1b, semb)]

    def norm(b0, b1, ob):
        @plsc.parallel_loop(0, CHN, unroll=4)
        def _row(r):
            den = b0[r, pl.ds(ACC_W - 16, 16)] + b1[r, pl.ds(ACC_W - 16, 16)] + 1e-16
            recip = 1.0 / den
            for j in range(4):
                nj = b0[r, pl.ds(j * 16, 16)] + b1[r, pl.ds(j * 16, 16)]
                ob[r, pl.ds(j * 16, 16)] = jnp.maximum(
                    nj * _perm(recip, perms[j]), 0.0)

    @pl.when(wid < NW - 1)
    def _():
        d[0].wait()
        d[1].wait()
        norm(b0a, b1a, oba)
        pltpu.sync_copy(oba, out_hbm.at[pl.ds(g0, CHN)])
        d[2].wait()
        d[3].wait()
        norm(b0b, b1b, obb)
        pltpu.sync_copy(obb, out_hbm.at[pl.ds(g1, CHN)])

    @pl.when(wid == NW - 1)
    def _():
        d[0].wait()
        d[1].wait()
        d[2].wait()
        d[3].wait()
        norm(b0a, b1a, oba)
        rem = N_A - (NW - 1) * RPW2
        pltpu.sync_copy(oba.at[pl.ds(0, rem)],
                        out_hbm.at[pl.ds(N_A - rem, rem)])


def kernel(x_author, x_paper, ei_author_writes_paper, ei_paper_written_by_author,
           W_author, b_author, W_paper, b_paper,
           att_src_ap, att_dst_ap, att_src_pa, att_dst_pa, k_W, k_b, q):
    f32 = jnp.float32
    ei3 = ei_paper_written_by_author.reshape(2, NW * NCHUNK, CH)
    eye = jnp.eye(H, dtype=f32)
    a_src = (att_src_pa[:, :, None] * eye[:, None, :]).reshape(OUT, H)
    a_dst = (att_dst_pa[:, :, None] * eye[:, None, :]).reshape(OUT, H)

    comb_tab, sd_tab, shift = pl.pallas_call(
        _pre_body,
        grid=(NB,),
        in_specs=[
            pl.BlockSpec((R_BLK, D_IN), lambda i: (i, 0)),
            pl.BlockSpec((R_BLK, D_IN), lambda i: (i, 0)),
            pl.BlockSpec((D_IN, OUT), lambda i: (0, 0)),
            pl.BlockSpec((D_IN, OUT), lambda i: (0, 0)),
            pl.BlockSpec((1, OUT), lambda i: (0, 0)),
            pl.BlockSpec((1, OUT), lambda i: (0, 0)),
            pl.BlockSpec((OUT, H), lambda i: (0, 0)),
            pl.BlockSpec((OUT, H), lambda i: (0, 0)),
        ],
        out_specs=[
            pl.BlockSpec((R_BLK, COMB_W), lambda i: (i, 0)),
            pl.BlockSpec((R_BLK, 2 * H), lambda i: (i, 0)),
            pl.BlockSpec((1, 2 * H), lambda i: (0, 0)),
        ],
        out_shape=[
            jax.ShapeDtypeStruct((N_P, COMB_W), f32),
            jax.ShapeDtypeStruct((N_P, 2 * H), f32),
            jax.ShapeDtypeStruct((1, 2 * H), f32),
        ],
        scratch_shapes=[
            pltpu.VMEM((1, H), f32),
            pltpu.VMEM((1, H), f32),
        ],
    )(x_author, x_paper, W_author, W_paper,
      b_author.reshape(1, OUT), b_paper.reshape(1, OUT), a_src, a_dst)

    mesh = plsc.VectorSubcoreMesh(core_axis_name="c", subcore_axis_name="s",
                                  num_cores=NC, num_subcores=NS)
    acc = pl.kernel(
        _sc_body,
        out_type=jax.ShapeDtypeStruct((NC, N_ACC, ACC_W), f32),
        mesh=mesh,
        compiler_params=pltpu.CompilerParams(use_tc_tiling_on_sc=False),
        scratch_types=[
            pltpu.VMEM_SHARED((N_ACC, ACC_W), f32),
            pltpu.VMEM((NCHUNK, CH), jnp.int32),
            pltpu.VMEM((NCHUNK, CH), jnp.int32),
        ] + [pltpu.VMEM((CH, COMB_W), f32)] * NSET
          + [pltpu.VMEM((CH, 2 * H), f32)] * NSET
          + [pltpu.VMEM((CH, ACC_W), f32)] * NSET
          + [pltpu.VMEM((16,), f32)]
          + [pltpu.SemaphoreType.DMA] * (2 * NSET),
    )(ei3, comb_tab, sd_tab, shift.reshape(2 * H))

    out = pl.kernel(
        _sc2_body,
        out_type=jax.ShapeDtypeStruct((N_A, OUT), f32),
        mesh=mesh,
        compiler_params=pltpu.CompilerParams(use_tc_tiling_on_sc=False),
        scratch_types=[
            pltpu.VMEM((CHN, ACC_W), f32),
            pltpu.VMEM((CHN, ACC_W), f32),
            pltpu.VMEM((CHN, OUT), f32),
            pltpu.VMEM((CHN, ACC_W), f32),
            pltpu.VMEM((CHN, ACC_W), f32),
            pltpu.VMEM((CHN, OUT), f32),
            pltpu.SemaphoreType.DMA,
            pltpu.SemaphoreType.DMA,
        ],
    )(acc)
    return out

# --- scband reference (transcript-rebuilt; emitter-appended) ---
"""Pipeline reference for scband-han-66924180407026 (READ-ONLY COPY).

The authoritative reference and input builder live on the scoring server;
editing this copy changes nothing except your own understanding.
"""

import jax, jax.numpy as jnp
import numpy as np

N_A = 10000
N_P = 10000
E = 320000
D_IN = 128
OUT = 64
H = 8
DH = OUT // H
NEG = 0.2


def _edge_softmax(alpha, dst, n):
    amax = jax.ops.segment_max(alpha, dst, num_segments=n)
    amax = jnp.where(jnp.isfinite(amax), amax, 0.0)
    ex = jnp.exp(alpha - amax[dst])
    den = jax.ops.segment_sum(ex, dst, num_segments=n)
    return ex / (den[dst] + 1e-16)


def _conv(x_src, x_dst, att_s, att_d, ei, n_dst):
    src, dst = ei[0], ei[1]
    a_s = (x_src * att_s[None]).sum(-1)
    a_d = (x_dst * att_d[None]).sum(-1)
    alpha = a_s[src] + a_d[dst]
    alpha = jnp.where(alpha >= 0, alpha, NEG * alpha)
    alpha = _edge_softmax(alpha, dst, n_dst)
    msg = x_src[src] * alpha[:, :, None]
    out = jax.ops.segment_sum(msg, dst, num_segments=n_dst)
    return jax.nn.relu(out.reshape(n_dst, H * DH))


def setup_inputs(seed: int = 0):
    key = jax.random.key(seed)
    ks = jax.random.split(key, 14)
    s_in = 1.0 / np.sqrt(D_IN)
    s_out = 1.0 / np.sqrt(OUT)
    return {
        "x_author": jax.random.normal(ks[0], (N_A, D_IN), jnp.float32),
        "x_paper": jax.random.normal(ks[1], (N_P, D_IN), jnp.float32),
        "ei_author_writes_paper": jax.random.randint(ks[2], (2, E), 0, N_P),
        "ei_paper_written_by_author": jax.random.randint(ks[3], (2, E), 0, N_A),
        "W_author": jax.random.normal(ks[4], (D_IN, OUT), jnp.float32) * s_in,
        "b_author": jnp.zeros((OUT,), jnp.float32),
        "W_paper": jax.random.normal(ks[5], (D_IN, OUT), jnp.float32) * s_in,
        "b_paper": jnp.zeros((OUT,), jnp.float32),
        "att_src_ap": jax.random.normal(ks[6], (H, DH), jnp.float32) * 0.1,
        "att_dst_ap": jax.random.normal(ks[7], (H, DH), jnp.float32) * 0.1,
        "att_src_pa": jax.random.normal(ks[8], (H, DH), jnp.float32) * 0.1,
        "att_dst_pa": jax.random.normal(ks[9], (H, DH), jnp.float32) * 0.1,
        "k_W": jax.random.normal(ks[10], (OUT, OUT), jnp.float32) * s_out,
        "k_b": jnp.zeros((OUT,), jnp.float32),
        "q": jax.random.normal(ks[11], (OUT,), jnp.float32) * 0.1,
    }


def reference(x_author, x_paper, ei_author_writes_paper, ei_paper_written_by_author,
              W_author, b_author, W_paper, b_paper,
              att_src_ap, att_dst_ap, att_src_pa, att_dst_pa, k_W, k_b, q):
    # node-type projections, reshaped to heads
    xa = (x_author @ W_author + b_author).reshape(N_A, H, DH)
    xp = (x_paper @ W_paper + b_paper).reshape(N_P, H, DH)
    # per-edge-type GAT-style message passing (dropout in eval mode = identity)
    out_paper = _conv(xa, xp, att_src_ap, att_dst_ap, ei_author_writes_paper, N_P)
    out_author = _conv(xp, xa, att_src_pa, att_dst_pa, ei_paper_written_by_author, N_A)

    def group(outs):
        o = jnp.stack(outs)  # [K, N, F]
        score = (q * jnp.tanh(o @ k_W + k_b).mean(axis=1)).sum(-1)  # [K]
        attn = jax.nn.softmax(score)
        return (attn[:, None, None] * o).sum(0)

    # semantic attention per destination node type; HAN returns x_dict['author']
    _ = group([out_paper])
    return group([out_author])

if __name__ == "__main__":
    import jax
    _d = setup_inputs()
    print(jax.jit(kernel)(*tuple(_d.values())))

</pallas_src>

<mosaic_0001>
#map = affine_map<(d0, d1) -> (0, 0, 0)>
#map1 = affine_map<(d0, d1) -> (0, 0)>
module attributes {stable_mosaic.version = 14 : i64} {
  func.func @_sc2_body(%arg0: i32, %arg1: i32, %arg2: memref<2x10240x72xf32, #tpu.memory_space<hbm>>, %arg3: memref<10000x64xf32, #tpu.memory_space<hbm>>, %arg4: memref<160x72xf32, #tpu.memory_space<vmem>>, %arg5: memref<160x72xf32, #tpu.memory_space<vmem>>, %arg6: memref<160x64xf32, #tpu.memory_space<vmem>>, %arg7: memref<160x72xf32, #tpu.memory_space<vmem>>, %arg8: memref<160x72xf32, #tpu.memory_space<vmem>>, %arg9: memref<160x64xf32, #tpu.memory_space<vmem>>, %arg10: memref<!tpu.dma_semaphore, #tpu.memory_space<semaphore_mem>>, %arg11: memref<!tpu.dma_semaphore, #tpu.memory_space<semaphore_mem>>) attributes {dimension_semantics = [#tpu.dimension_semantics<core_parallel>, #tpu.dimension_semantics<subcore_parallel>], iteration_bounds = array<i64: 2, 16>, scalar_prefetch = 0 : i64, scratch_operands = 8 : i64, tpu.core_type = #tpu.core_type<sc_vector_subcore>, window_params = [{transform_indices = #map}, {transform_indices = #map1}]} {
    %mul3A = arith.constant 16 : i32
    %mul3A_0 = arith.muli %arg0, %mul3A : i32
    %add3A = arith.addi %mul3A_0, %arg1 : i32
    %iota3A = tpu.iota {dimensions = array<i32: 0>} : vector<16xi32>
    %shift_right_arithmetic3A = arith.constant 3 : i32
    %shift_right_arithmetic3A_1 = vector.broadcast %shift_right_arithmetic3A : i32 to vector<16xi32>
    %shift_right_arithmetic3A_2 = arith.shrsi %iota3A, %shift_right_arithmetic3A_1 : vector<16xi32>
    %add3A_3 = arith.constant 8 : i32
    %add3A_4 = vector.broadcast %add3A_3 : i32 to vector<16xi32>
    %add3A_5 = arith.addi %add3A_4, %shift_right_arithmetic3A_2 : vector<16xi32>
    %shift_right_arithmetic3A_6 = arith.constant 3 : i32
    %shift_right_arithmetic3A_7 = vector.broadcast %shift_right_arithmetic3A_6 : i32 to vector<16xi32>
    %shift_right_arithmetic3A_8 = arith.shrsi %iota3A, %shift_right_arithmetic3A_7 : vector<16xi32>
    %add3A_9 = arith.constant 10 : i32
    %add3A_10 = vector.broadcast %add3A_9 : i32 to vector<16xi32>
    %add3A_11 = arith.addi %add3A_10, %shift_right_arithmetic3A_8 : vector<16xi32>
    %shift_right_arithmetic3A_12 = arith.constant 3 : i32
    %shift_right_arithmetic3A_13 = vector.broadcast %shift_right_arithmetic3A_12 : i32 to vector<16xi32>
    %shift_right_arithmetic3A_14 = arith.shrsi %iota3A, %shift_right_arithmetic3A_13 : vector<16xi32>
    %add3A_15 = arith.constant 12 : i32
    %add3A_16 = vector.broadcast %add3A_15 : i32 to vector<16xi32>
    %add3A_17 = arith.addi %add3A_16, %shift_right_arithmetic3A_14 : vector<16xi32>
    %shift_right_arithmetic3A_18 = arith.constant 3 : i32
    %shift_right_arithmetic3A_19 = vector.broadcast %shift_right_arithmetic3A_18 : i32 to vector<16xi32>
    %shift_right_arithmetic3A_20 = arith.shrsi %iota3A, %shift_right_arithmetic3A_19 : vector<16xi32>
    %add3A_21 = arith.constant 14 : i32
    %add3A_22 = vector.broadcast %add3A_21 : i32 to vector<16xi32>
    %add3A_23 = arith.addi %add3A_22, %shift_right_arithmetic3A_20 : vector<16xi32>
    %mul3A_24 = arith.constant 320 : i32
    %mul3A_25 = arith.muli %add3A, %mul3A_24 : i32
    %add3A_26 = arith.constant 160 : i32
    %add3A_27 = arith.addi %mul3A_25, %add3A_26 : i32
    %dma_start3A = arith.constant 0 : i32
    %dma_start3A_28 = arith.constant 0 : i32
    %dma_start3A_29 = tpu.memref_slice %arg2[%dma_start3A, %mul3A_25, %dma_start3A_28] : memref<2x10240x72xf32, #tpu.memory_space<hbm>> -> memref<1x160x72xf32, #tpu.memory_space<hbm>>
    %dma_start3A_30 = tpu.memref_squeeze %dma_start3A_29 : memref<1x160x72xf32, #tpu.memory_space<hbm>> -> memref<160x72xf32, #tpu.memory_space<hbm>>
    %dma_start3A_31 = arith.constant 0 : i32
    %dma_start3A_32 = tpu.memref_slice %arg2[%dma_start3A, %mul3A_25, %dma_start3A_31] : memref<2x10240x72xf32, #tpu.memory_space<hbm>> -> memref<1x160x72xf32, #tpu.memory_space<hbm>>
    %dma_start3A_33 = tpu.memref_squeeze %dma_start3A_32 : memref<1x160x72xf32, #tpu.memory_space<hbm>> -> memref<160x72xf32, #tpu.memory_space<hbm>>
    tpu.enqueue_dma source(%dma_start3A_33 : memref<160x72xf32, #tpu.memory_space<hbm>>) target(%arg4 : memref<160x72xf32, #tpu.memory_space<vmem>>) target_semaphore(%arg10 : memref<!tpu.dma_semaphore, #tpu.memory_space<semaphore_mem>>)
    %dma_start3A_34 = arith.constant 1 : i32
    %dma_start3A_35 = arith.constant 0 : i32
    %dma_start3A_36 = tpu.memref_slice %arg2[%dma_start3A_34, %mul3A_25, %dma_start3A_35] : memref<2x10240x72xf32, #tpu.memory_space<hbm>> -> memref<1x160x72xf32, #tpu.memory_space<hbm>>
    %dma_start3A_37 = tpu.memref_squeeze %dma_start3A_36 : memref<1x160x72xf32, #tpu.memory_space<hbm>> -> memref<160x72xf32, #tpu.memory_space<hbm>>
    %dma_start3A_38 = arith.constant 0 : i32
    %dma_start3A_39 = tpu.memref_slice %arg2[%dma_start3A_34, %mul3A_25, %dma_start3A_38] : memref<2x10240x72xf32, #tpu.memory_space<hbm>> -> memref<1x160x72xf32, #tpu.memory_space<hbm>>
    %dma_start3A_40 = tpu.memref_squeeze %dma_start3A_39 : memref<1x160x72xf32, #tpu.memory_space<hbm>> -> memref<160x72xf32, #tpu.memory_space<hbm>>
    tpu.enqueue_dma source(%dma_start3A_40 : memref<160x72xf32, #tpu.memory_space<hbm>>) target(%arg5 : memref<160x72xf32, #tpu.memory_space<vmem>>) target_semaphore(%arg10 : memref<!tpu.dma_semaphore, #tpu.memory_space<semaphore_mem>>)
    %dma_start3A_41 = arith.constant 0 : i32
    %dma_start3A_42 = arith.constant 0 : i32
    %dma_start3A_43 = tpu.memref_slice %arg2[%dma_start3A_41, %add3A_27, %dma_start3A_42] : memref<2x10240x72xf32, #tpu.memory_space<hbm>> -> memref<1x160x72xf32, #tpu.memory_space<hbm>>
    %dma_start3A_44 = tpu.memref_squeeze %dma_start3A_43 : memref<1x160x72xf32, #tpu.memory_space<hbm>> -> memref<160x72xf32, #tpu.memory_space<hbm>>
    %dma_start3A_45 = arith.constant 0 : i32
    %dma_start3A_46 = tpu.memref_slice %arg2[%dma_start3A_41, %add3A_27, %dma_start3A_45] : memref<2x10240x72xf32, #tpu.memory_space<hbm>> -> memref<1x160x72xf32, #tpu.memory_space<hbm>>
    %dma_start3A_47 = tpu.memref_squeeze %dma_start3A_46 : memref<1x160x72xf32, #tpu.memory_space<hbm>> -> memref<160x72xf32, #tpu.memory_space<hbm>>
    tpu.enqueue_dma source(%dma_start3A_47 : memref<160x72xf32, #tpu.memory_space<hbm>>) target(%arg7 : memref<160x72xf32, #tpu.memory_space<vmem>>) target_semaphore(%arg11 : memref<!tpu.dma_semaphore, #tpu.memory_space<semaphore_mem>>)
    %dma_start3A_48 = arith.constant 1 : i32
    %dma_start3A_49 = arith.constant 0 : i32
    %dma_start3A_50 = tpu.memref_slice %arg2[%dma_start3A_48, %add3A_27, %dma_start3A_49] : memref<2x10240x72xf32, #tpu.memory_space<hbm>> -> memref<1x160x72xf32, #tpu.memory_space<hbm>>
    %dma_start3A_51 = tpu.memref_squeeze %dma_start3A_50 : memref<1x160x72xf32, #tpu.memory_space<hbm>> -> memref<160x72xf32, #tpu.memory_space<hbm>>
    %dma_start3A_52 = arith.constant 0 : i32
    %dma_start3A_53 = tpu.memref_slice %arg2[%dma_start3A_48, %add3A_27, %dma_start3A_52] : memref<2x10240x72xf32, #tpu.memory_space<hbm>> -> memref<1x160x72xf32, #tpu.memory_space<hbm>>
    %dma_start3A_54 = tpu.memref_squeeze %dma_start3A_53 : memref<1x160x72xf32, #tpu.memory_space<hbm>> -> memref<160x72xf32, #tpu.memory_space<hbm>>
    tpu.enqueue_dma source(%dma_start3A_54 : memref<160x72xf32, #tpu.memory_space<hbm>>) target(%arg8 : memref<160x72xf32, #tpu.memory_space<vmem>>) target_semaphore(%arg11 : memref<!tpu.dma_semaphore, #tpu.memory_space<semaphore_mem>>)
    %lt3A = arith.constant 31 : i32
    %lt3A_55 = arith.cmpi slt, %add3A, %lt3A : i32
    %convert_element_type3A = arith.extui %lt3A_55 : i1 to i32
    %cond3A = arith.constant 0 : i32
    %cond3A_56 = arith.constant 1 : i32
    %cond3A_57 = arith.constant 0 : i32
    %cond3A_58 = arith.constant 1 : i32
    %cond3A_59 = arith.constant 0 : i32
    %cond3A_60 = arith.cmpi ne, %convert_element_type3A, %cond3A_59 : i32
    scf.if %cond3A_60 {
      %dma_wait3A = arith.constant 0 : i32
      %dma_wait3A_69 = tpu.memref_slice %arg2[%cond3A, %mul3A_25, %dma_wait3A] : memref<2x10240x72xf32, #tpu.memory_space<hbm>> -> memref<1x160x72xf32, #tpu.memory_space<hbm>>
      %dma_wait3A_70 = tpu.memref_squeeze %dma_wait3A_69 : memref<1x160x72xf32, #tpu.memory_space<hbm>> -> memref<160x72xf32, #tpu.memory_space<hbm>>
      %dma_wait3A_71 = arith.constant 0 : i32
      %dma_wait3A_72 = tpu.memref_slice %arg2[%cond3A, %mul3A_25, %dma_wait3A_71] : memref<2x10240x72xf32, #tpu.memory_space<hbm>> -> memref<1x160x72xf32, #tpu.memory_space<hbm>>
      %dma_wait3A_73 = tpu.memref_squeeze %dma_wait3A_72 : memref<1x160x72xf32, #tpu.memory_space<hbm>> -> memref<160x72xf32, #tpu.memory_space<hbm>>
      tpu.wait_dma2 semaphore(%arg10 : memref<!tpu.dma_semaphore, #tpu.memory_space<semaphore_mem>>) src(%dma_wait3A_73 : memref<160x72xf32, #tpu.memory_space<hbm>>) dst(%arg4 : memref<160x72xf32, #tpu.memory_space<vmem>>)
      %dma_wait3A_74 = arith.constant 0 : i32
      %dma_wait3A_75 = tpu.memref_slice %arg2[%cond3A_56, %mul3A_25, %dma_wait3A_74] : memref<2x10240x72xf32, #tpu.memory_space<hbm>> -> memref<1x160x72xf32, #tpu.memory_space<hbm>>
      %dma_wait3A_76 = tpu.memref_squeeze %dma_wait3A_75 : memref<1x160x72xf32, #tpu.memory_space<hbm>> -> memref<160x72xf32, #tpu.memory_space<hbm>>
      %dma_wait3A_77 = arith.constant 0 : i32
      %dma_wait3A_78 = tpu.memref_slice %arg2[%cond3A_56, %mul3A_25, %dma_wait3A_77] : memref<2x10240x72xf32, #tpu.memory_space<hbm>> -> memref<1x160x72xf32, #tpu.memory_space<hbm>>
      %dma_wait3A_79 = tpu.memref_squeeze %dma_wait3A_78 : memref<1x160x72xf32, #tpu.memory_space<hbm>> -> memref<160x72xf32, #tpu.memory_space<hbm>>
      tpu.wait_dma2 semaphore(%arg10 : memref<!tpu.dma_semaphore, #tpu.memory_space<semaphore_mem>>) src(%dma_wait3A_79 : memref<160x72xf32, #tpu.memory_space<hbm>>) dst(%arg5 : memref<160x72xf32, #tpu.memory_space<vmem>>)
      %parallel_loop3A = arith.constant 0 : i32
      %parallel_loop3A_80 = arith.constant 160 : i32
      %parallel_loop3A_81 = arith.constant 1 : i32
      scf.for %parallel_loop3A_97 = %parallel_loop3A to %parallel_loop3A_80 step %parallel_loop3A_81  : i32 {
        %parallel_loop3A_98 = arith.index_cast %parallel_loop3A_97 : i32 to index
        %parallel_loop3A_99 = arith.constant 56 : index
        %parallel_loop3A_100 = tpu.vector_load %arg4[%parallel_loop3A_98, %parallel_loop3A_99] {strides = array<i32>} : memref<160x72xf32, #tpu.memory_space<vmem>>, vector<1x16xf32>,
        %parallel_loop3A_101 = vector.shape_cast %parallel_loop3A_100 : vector<1x16xf32> to vector<16xf32>
        %parallel_loop3A_102 = arith.index_cast %parallel_loop3A_97 : i32 to index
        %parallel_loop3A_103 = arith.constant 56 : index
        %parallel_loop3A_104 = tpu.vector_load %arg5[%parallel_loop3A_102, %parallel_loop3A_103] {strides = array<i32>} : memref<160x72xf32, #tpu.memory_space<vmem>>, vector<1x16xf32>,
        %parallel_loop3A_105 = vector.shape_cast %parallel_loop3A_104 : vector<1x16xf32> to vector<16xf32>
        %parallel_loop3A_106 = arith.addf %parallel_loop3A_101, %parallel_loop3A_105 : vector<16xf32>
        %parallel_loop3A_107 = arith.constant 1.000000e-16 : f32
        %parallel_loop3A_108 = vector.broadcast %parallel_loop3A_107 : f32 to vector<16xf32>
        %parallel_loop3A_109 = arith.addf %parallel_loop3A_106, %parallel_loop3A_108 : vector<16xf32>
        %parallel_loop3A_110 = arith.constant 1.000000e+00 : f32
        %parallel_loop3A_111 = vector.broadcast %parallel_loop3A_110 : f32 to vector<16xf32>
        %parallel_loop3A_112 = arith.divf %parallel_loop3A_111, %parallel_loop3A_109 : vector<16xf32>
        %parallel_loop3A_113 = arith.index_cast %parallel_loop3A_97 : i32 to index
        %parallel_loop3A_114 = arith.constant 0 : index
        %parallel_loop3A_115 = tpu.vector_load %arg4[%parallel_loop3A_113, %parallel_loop3A_114] {strides = array<i32>} : memref<160x72xf32, #tpu.memory_space<vmem>>, vector<1x16xf32>,
        %parallel_loop3A_116 = vector.shape_cast %parallel_loop3A_115 : vector<1x16xf32> to vector<16xf32>
        %parallel_loop3A_117 = arith.index_cast %parallel_loop3A_97 : i32 to index
        %parallel_loop3A_118 = arith.constant 0 : index
        %parallel_loop3A_119 = tpu.vector_load %arg5[%parallel_loop3A_117, %parallel_loop3A_118] {strides = array<i32>} : memref<160x72xf32, #tpu.memory_space<vmem>>, vector<1x16xf32>,
        %parallel_loop3A_120 = vector.shape_cast %parallel_loop3A_119 : vector<1x16xf32> to vector<16xf32>
        %parallel_loop3A_121 = arith.addf %parallel_loop3A_116, %parallel_loop3A_120 : vector<16xf32>
        %parallel_loop3A_122 = vector.shape_cast %add3A_5 : vector<16xi32> to vector<16x1xi32>
        %parallel_loop3A_123 = vector.shape_cast %parallel_loop3A_122 : vector<16x1xi32> to vector<16xi32>
        %parallel_loop3A_124 = tpu.dynamic_gather %parallel_loop3A_112[%parallel_loop3A_123] in [0] : vector<16xf32>, vector<16xi32> -> vector<16xf32>
        %parallel_loop3A_125 = arith.mulf %parallel_loop3A_121, %parallel_loop3A_124 : vector<16xf32>
        %parallel_loop3A_126 = arith.constant 0.000000e+00 : f32
        %parallel_loop3A_127 = vector.broadcast %parallel_loop3A_126 : f32 to vector<16xf32>
        %parallel_loop3A_128 = arith.maximumf %parallel_loop3A_125, %parallel_loop3A_127 : vector<16xf32>
        %parallel_loop3A_129 = arith.index_cast %parallel_loop3A_97 : i32 to index
        %parallel_loop3A_130 = arith.constant 0 : index
        %parallel_loop3A_131 = tpu.vector_load %arg6[%parallel_loop3A_129, %parallel_loop3A_130] {strides = array<i32>} : memref<160x64xf32, #tpu.memory_space<vmem>>, vector<1x16xf32>,
        %parallel_loop3A_132 = vector.shape_cast %parallel_loop3A_131 : vector<1x16xf32> to vector<16xf32>
        %parallel_loop3A_133 = vector.shape_cast %parallel_loop3A_128 : vector<16xf32> to vector<1x16xf32>
        tpu.vector_store %arg6[%parallel_loop3A_129, %parallel_loop3A_130], %parallel_loop3A_133 {strides = array<i32>} : memref<160x64xf32, #tpu.memory_space<vmem>>, vector<1x16xf32>,
        %parallel_loop3A_134 = arith.index_cast %parallel_loop3A_97 : i32 to index
        %parallel_loop3A_135 = arith.constant 16 : index
        %parallel_loop3A_136 = tpu.vector_load %arg4[%parallel_loop3A_134, %parallel_loop3A_135] {strides = array<i32>} : memref<160x72xf32, #tpu.memory_space<vmem>>, vector<1x16xf32>,
        %parallel_loop3A_137 = vector.shape_cast %parallel_loop3A_136 : vector<1x16xf32> to vector<16xf32>
        %parallel_loop3A_138 = arith.index_cast %parallel_loop3A_97 : i32 to index
        %parallel_loop3A_139 = arith.constant 16 : index
        %parallel_loop3A_140 = tpu.vector_load %arg5[%parallel_loop3A_138, %parallel_loop3A_139] {strides = array<i32>} : memref<160x72xf32, #tpu.memory_space<vmem>>, vector<1x16xf32>,
        %parallel_loop3A_141 = vector.shape_cast %parallel_loop3A_140 : vector<1x16xf32> to vector<16xf32>
        %parallel_loop3A_142 = arith.addf %parallel_loop3A_137, %parallel_loop3A_141 : vector<16xf32>
        %parallel_loop3A_143 = vector.shape_cast %add3A_11 : vector<16xi32> to vector<16x1xi32>
        %parallel_loop3A_144 = vector.shape_cast %parallel_loop3A_143 : vector<16x1xi32> to vector<16xi32>
        %parallel_loop3A_145 = tpu.dynamic_gather %parallel_loop3A_112[%parallel_loop3A_144] in [0] : vector<16xf32>, vector<16xi32> -> vector<16xf32>
        %parallel_loop3A_146 = arith.mulf %parallel_loop3A_142, %parallel_loop3A_145 : vector<16xf32>
        %parallel_loop3A_147 = arith.constant 0.000000e+00 : f32
        %parallel_loop3A_148 = vector.broadcast %parallel_loop3A_147 : f32 to vector<16xf32>
        %parallel_loop3A_149 = arith.maximumf %parallel_loop3A_146, %parallel_loop3A_148 : vector<16xf32>
        %parallel_loop3A_150 = arith.index_cast %parallel_loop3A_97 : i32 to index
        %parallel_loop3A_151 = arith.constant 16 : index
        %parallel_loop3A_152 = tpu.vector_load %arg6[%parallel_loop3A_150, %parallel_loop3A_151] {strides = array<i32>} : memref<160x64xf32, #tpu.memory_space<vmem>>, vector<1x16xf32>,
        %parallel_loop3A_153 = vector.shape_cast %parallel_loop3A_152 : vector<1x16xf32> to vector<16xf32>
        %parallel_loop3A_154 = vector.shape_cast %parallel_loop3A_149 : vector<16xf32> to vector<1x16xf32>
        tpu.vector_store %arg6[%parallel_loop3A_150, %parallel_loop3A_151], %parallel_loop3A_154 {strides = array<i32>} : memref<160x64xf32, #tpu.memory_space<vmem>>, vector<1x16xf32>,
        %parallel_loop3A_155 = arith.index_cast %parallel_loop3A_97 : i32 to index
        %parallel_loop3A_156 = arith.constant 32 : index
        %parallel_loop3A_157 = tpu.vector_load %arg4[%parallel_loop3A_155, %parallel_loop3A_156] {strides = array<i32>} : memref<160x72xf32, #tpu.memory_space<vmem>>, vector<1x16xf32>,
        %parallel_loop3A_158 = vector.shape_cast %parallel_loop3A_157 : vector<1x16xf32> to vector<16xf32>
        %parallel_loop3A_159 = arith.index_cast %parallel_loop3A_97 : i32 to index
        %parallel_loop3A_160 = arith.constant 32 : index
        %parallel_loop3A_161 = tpu.vector_load %arg5[%parallel_loop3A_159, %parallel_loop3A_160] {strides = array<i32>} : memref<160x72xf32, #tpu.memory_space<vmem>>, vector<1x16xf32>,
        %parallel_loop3A_162 = vector.shape_cast %parallel_loop3A_161 : vector<1x16xf32> to vector<16xf32>
        %parallel_loop3A_163 = arith.addf %parallel_loop3A_158, %parallel_loop3A_162 : vector<16xf32>
        %parallel_loop3A_164 = vector.shape_cast %add3A_17 : vector<16xi32> to vector<16x1xi32>
        %parallel_loop3A_165 = vector.shape_cast %parallel_loop3A_164 : vector<16x1xi32> to vector<16xi32>
        %parallel_loop3A_166 = tpu.dynamic_gather %parallel_loop3A_112[%parallel_loop3A_165] in [0] : vector<16xf32>, vector<16xi32> -> vector<16xf32>
        %parallel_loop3A_167 = arith.mulf %parallel_loop3A_163, %parallel_loop3A_166 : vector<16xf32>
        %parallel_loop3A_168 = arith.constant 0.000000e+00 : f32
        %parallel_loop3A_169 = vector.broadcast %parallel_loop3A_168 : f32 to vector<16xf32>
        %parallel_loop3A_170 = arith.maximumf %parallel_loop3A_167, %parallel_loop3A_169 : vector<16xf32>
        %parallel_loop3A_171 = arith.index_cast %parallel_loop3A_97 : i32 to index
        %parallel_loop3A_172 = arith.constant 32 : index
        %parallel_loop3A_173 = tpu.vector_load %arg6[%parallel_loop3A_171, %parallel_loop3A_172] {strides = array<i32>} : memref<160x64xf32, #tpu.memory_space<vmem>>, vector<1x16xf32>,
        %parallel_loop3A_174 = vector.shape_cast %parallel_loop3A_173 : vector<1x16xf32> to vector<16xf32>
        %parallel_loop3A_175 = vector.shape_cast %parallel_loop3A_170 : vector<16xf32> to vector<1x16xf32>
        tpu.vector_store %arg6[%parallel_loop3A_171, %parallel_loop3A_172], %parallel_loop3A_175 {strides = array<i32>} : memref<160x64xf32, #tpu.memory_space<vmem>>, vector<1x16xf32>,
        %parallel_loop3A_176 = arith.index_cast %parallel_loop3A_97 : i32 to index
        %parallel_loop3A_177 = arith.constant 48 : index
        %parallel_loop3A_178 = tpu.vector_load %arg4[%parallel_loop3A_176, %parallel_loop3A_177] {strides = array<i32>} : memref<160x72xf32, #tpu.memory_space<vmem>>, vector<1x16xf32>,
        %parallel_loop3A_179 = vector.shape_cast %parallel_loop3A_178 : vector<1x16xf32> to vector<16xf32>
        %parallel_loop3A_180 = arith.index_cast %parallel_loop3A_97 : i32 to index
        %parallel_loop3A_181 = arith.constant 48 : index
        %parallel_loop3A_182 = tpu.vector_load %arg5[%parallel_loop3A_180, %parallel_loop3A_181] {strides = array<i32>} : memref<160x72xf32, #tpu.memory_space<vmem>>, vector<1x16xf32>,
        %parallel_loop3A_183 = vector.shape_cast %parallel_loop3A_182 : vector<1x16xf32> to vector<16xf32>
        %parallel_loop3A_184 = arith.addf %parallel_loop3A_179, %parallel_loop3A_183 : vector<16xf32>
        %parallel_loop3A_185 = vector.shape_cast %add3A_23 : vector<16xi32> to vector<16x1xi32>
        %parallel_loop3A_186 = vector.shape_cast %parallel_loop3A_185 : vector<16x1xi32> to vector<16xi32>
        %parallel_loop3A_187 = tpu.dynamic_gather %parallel_loop3A_112[%parallel_loop3A_186] in [0] : vector<16xf32>, vector<16xi32> -> vector<16xf32>
        %parallel_loop3A_188 = arith.mulf %parallel_loop3A_184, %parallel_loop3A_187 : vector<16xf32>
        %parallel_loop3A_189 = arith.constant 0.000000e+00 : f32
        %parallel_loop3A_190 = vector.broadcast %parallel_loop3A_189 : f32 to vector<16xf32>
        %parallel_loop3A_191 = arith.maximumf %parallel_loop3A_188, %parallel_loop3A_190 : vector<16xf32>
        %parallel_loop3A_192 = arith.index_cast %parallel_loop3A_97 : i32 to index
        %parallel_loop3A_193 = arith.constant 48 : index
        %parallel_loop3A_194 = tpu.vector_load %arg6[%parallel_loop3A_192, %parallel_loop3A_193] {strides = array<i32>} : memref<160x64xf32, #tpu.memory_space<vmem>>, vector<1x16xf32>,
        %parallel_loop3A_195 = vector.shape_cast %parallel_loop3A_194 : vector<1x16xf32> to vector<16xf32>
        %parallel_loop3A_196 = vector.shape_cast %parallel_loop3A_191 : vector<16xf32> to vector<1x16xf32>
        tpu.vector_store %arg6[%parallel_loop3A_192, %parallel_loop3A_193], %parallel_loop3A_196 {strides = array<i32>} : memref<160x64xf32, #tpu.memory_space<vmem>>, vector<1x16xf32>,
      } {sc.loop_unroll_factor = 4 : i64, sc.parallel_access}
      "tpu.region"() ({
        %run_scoped3A = tpu.sem_alloc : memref<!tpu.dma_semaphore, #tpu.memory_space<semaphore_mem>>
        %dma_start3A_97 = arith.constant 0 : i32
        %dma_start3A_98 = tpu.memref_slice %arg3[%mul3A_25, %dma_start3A_97] : memref<10000x64xf32, #tpu.memory_space<hbm>> -> memref<160x64xf32, #tpu.memory_space<hbm>>
        %dma_start3A_99 = arith.constant 0 : i32
        %dma_start3A_100 = tpu.memref_slice %arg3[%mul3A_25, %dma_start3A_99] : memref<10000x64xf32, #tpu.memory_space<hbm>> -> memref<160x64xf32, #tpu.memory_space<hbm>>
        tpu.enqueue_dma source(%arg6 : memref<160x64xf32, #tpu.memory_space<vmem>>) target(%dma_start3A_100 : memref<160x64xf32, #tpu.memory_space<hbm>>) target_semaphore(%run_scoped3A : memref<!tpu.dma_semaphore, #tpu.memory_space<semaphore_mem>>)
        %dma_wait3A_101 = arith.constant 0 : i32
        %dma_wait3A_102 = tpu.memref_slice %arg3[%mul3A_25, %dma_wait3A_101] : memref<10000x64xf32, #tpu.memory_space<hbm>> -> memref<160x64xf32, #tpu.memory_space<hbm>>
        %dma_wait3A_103 = arith.constant 0 : i32
        %dma_wait3A_104 = tpu.memref_slice %arg3[%mul3A_25, %dma_wait3A_103] : memref<10000x64xf32, #tpu.memory_space<hbm>> -> memref<160x64xf32, #tpu.memory_space<hbm>>
        tpu.wait_dma2 semaphore(%run_scoped3A : memref<!tpu.dma_semaphore, #tpu.memory_space<semaphore_mem>>) src(%arg6 : memref<160x64xf32, #tpu.memory_space<vmem>>) dst(%dma_wait3A_104 : memref<160x64xf32, #tpu.memory_space<hbm>>)
        tpu.yield
      }) : () -> ()
      %dma_wait3A_82 = arith.constant 0 : i32
      %dma_wait3A_83 = tpu.memref_slice %arg2[%cond3A_57, %add3A_27, %dma_wait3A_82] : memref<2x10240x72xf32, #tpu.memory_space<hbm>> -> memref<1x160x72xf32, #tpu.memory_space<hbm>>
      %dma_wait3A_84 = tpu.memref_squeeze %dma_wait3A_83 : memref<1x160x72xf32, #tpu.memory_space<hbm>> -> memref<160x72xf32, #tpu.memory_space<hbm>>
      %dma_wait3A_85 = arith.constant 0 : i32
      %dma_wait3A_86 = tpu.memref_slice %arg2[%cond3A_57, %add3A_27, %dma_wait3A_85] : memref<2x10240x72xf32, #tpu.memory_space<hbm>> -> memref<1x160x72xf32, #tpu.memory_space<hbm>>
      %dma_wait3A_87 = tpu.memref_squeeze %dma_wait3A_86 : memref<1x160x72xf32, #tpu.memory_space<hbm>> -> memref<160x72xf32, #tpu.memory_space<hbm>>
      tpu.wait_dma2 semaphore(%arg11 : memref<!tpu.dma_semaphore, #tpu.memory_space<semaphore_mem>>) src(%dma_wait3A_87 : memref<160x72xf32, #tpu.memory_space<hbm>>) dst(%arg7 : memref<160x72xf32, #tpu.memory_space<vmem>>)
      %dma_wait3A_88 = arith.constant 0 : i32
      %dma_wait3A_89 = tpu.memref_slice %arg2[%cond3A_58, %add3A_27, %dma_wait3A_88] : memref<2x10240x72xf32, #tpu.memory_space<hbm>> -> memref<1x160x72xf32, #tpu.memory_space<hbm>>
      %dma_wait3A_90 = tpu.memref_squeeze %dma_wait3A_89 : memref<1x160x72xf32, #tpu.memory_space<hbm>> -> memref<160x72xf32, #tpu.memory_space<hbm>>
      %dma_wait3A_91 = arith.constant 0 : i32
      %dma_wait3A_92 = tpu.memref_slice %arg2[%cond3A_58, %add3A_27, %dma_wait3A_91] : memref<2x10240x72xf32, #tpu.memory_space<hbm>> -> memref<1x160x72xf32, #tpu.memory_space<hbm>>
      %dma_wait3A_93 = tpu.memref_squeeze %dma_wait3A_92 : memref<1x160x72xf32, #tpu.memory_space<hbm>> -> memref<160x72xf32, #tpu.memory_space<hbm>>
      tpu.wait_dma2 semaphore(%arg11 : memref<!tpu.dma_semaphore, #tpu.memory_space<semaphore_mem>>) src(%dma_wait3A_93 : memref<160x72xf32, #tpu.memory_space<hbm>>) dst(%arg8 : memref<160x72xf32, #tpu.memory_space<vmem>>)
      %parallel_loop3A_94 = arith.constant 0 : i32
      %parallel_loop3A_95 = arith.constant 160 : i32
      %parallel_loop3A_96 = arith.constant 1 : i32
      scf.for %parallel_loop3A_97 = %parallel_loop3A_94 to %parallel_loop3A_95 step %parallel_loop3A_96  : i32 {
        %parallel_loop3A_98 = arith.index_cast %parallel_loop3A_97 : i32 to index
        %parallel_loop3A_99 = arith.constant 56 : index
        %parallel_loop3A_100 = tpu.vector_load %arg7[%parallel_loop3A_98, %parallel_loop3A_99] {strides = array<i32>} : memref<160x72xf32, #tpu.memory_space<vmem>>, vector<1x16xf32>,
        %parallel_loop3A_101 = vector.shape_cast %parallel_loop3A_100 : vector<1x16xf32> to vector<16xf32>
        %parallel_loop3A_102 = arith.index_cast %parallel_loop3A_97 : i32 to index
        %parallel_loop3A_103 = arith.constant 56 : index
        %parallel_loop3A_104 = tpu.vector_load %arg8[%parallel_loop3A_102, %parallel_loop3A_103] {strides = array<i32>} : memref<160x72xf32, #tpu.memory_space<vmem>>, vector<1x16xf32>,
        %parallel_loop3A_105 = vector.shape_cast %parallel_loop3A_104 : vector<1x16xf32> to vector<16xf32>
        %parallel_loop3A_106 = arith.addf %parallel_loop3A_101, %parallel_loop3A_105 : vector<16xf32>
        %parallel_loop3A_107 = arith.constant 1.000000e-16 : f32
        %parallel_loop3A_108 = vector.broadcast %parallel_loop3A_107 : f32 to vector<16xf32>
        %parallel_loop3A_109 = arith.addf %parallel_loop3A_106, %parallel_loop3A_108 : vector<16xf32>
        %parallel_loop3A_110 = arith.constant 1.000000e+00 : f32
        %parallel_loop3A_111 = vector.broadcast %parallel_loop3A_110 : f32 to vector<16xf32>
        %parallel_loop3A_112 = arith.divf %parallel_loop3A_111, %parallel_loop3A_109 : vector<16xf32>
        %parallel_loop3A_113 = arith.index_cast %parallel_loop3A_97 : i32 to index
        %parallel_loop3A_114 = arith.constant 0 : index
        %parallel_loop3A_115 = tpu.vector_load %arg7[%parallel_loop3A_113, %parallel_loop3A_114] {strides = array<i32>} : memref<160x72xf32, #tpu.memory_space<vmem>>, vector<1x16xf32>,
        %parallel_loop3A_116 = vector.shape_cast %parallel_loop3A_115 : vector<1x16xf32> to vector<16xf32>
        %parallel_loop3A_117 = arith.index_cast %parallel_loop3A_97 : i32 to index
        %parallel_loop3A_118 = arith.constant 0 : index
        %parallel_loop3A_119 = tpu.vector_load %arg8[%parallel_loop3A_117, %parallel_loop3A_118] {strides = array<i32>} : memref<160x72xf32, #tpu.memory_space<vmem>>, vector<1x16xf32>,
        %parallel_loop3A_120 = vector.shape_cast %parallel_loop3A_119 : vector<1x16xf32> to vector<16xf32>
        %parallel_loop3A_121 = arith.addf %parallel_loop3A_116, %parallel_loop3A_120 : vector<16xf32>
        %parallel_loop3A_122 = vector.shape_cast %add3A_5 : vector<16xi32> to vector<16x1xi32>
        %parallel_loop3A_123 = vector.shape_cast %parallel_loop3A_122 : vector<16x1xi32> to vector<16xi32>
        %parallel_loop3A_124 = tpu.dynamic_gather %parallel_loop3A_112[%parallel_loop3A_123] in [0] : vector<16xf32>, vector<16xi32> -> vector<16xf32>
        %parallel_loop3A_125 = arith.mulf %parallel_loop3A_121, %parallel_loop3A_124 : vector<16xf32>
        %parallel_loop3A_126 = arith.constant 0.000000e+00 : f32
        %parallel_loop3A_127 = vector.broadcast %parallel_loop3A_126 : f32 to vector<16xf32>
        %parallel_loop3A_128 = arith.maximumf %parallel_loop3A_125, %parallel_loop3A_127 : vector<16xf32>
        %parallel_loop3A_129 = arith.index_cast %parallel_loop3A_97 : i32 to index
        %parallel_loop3A_130 = arith.constant 0 : index
        %parallel_loop3A_131 = tpu.vector_load %arg9[%parallel_loop3A_129, %parallel_loop3A_130] {strides = array<i32>} : memref<160x64xf32, #tpu.memory_space<vmem>>, vector<1x16xf32>,
        %parallel_loop3A_132 = vector.shape_cast %parallel_loop3A_131 : vector<1x16xf32> to vector<16xf32>
        %parallel_loop3A_133 = vector.shape_cast %parallel_loop3A_128 : vector<16xf32> to vector<1x16xf32>
        tpu.vector_store %arg9[%parallel_loop3A_129, %parallel_loop3A_130], %parallel_loop3A_133 {strides = array<i32>} : memref<160x64xf32, #tpu.memory_space<vmem>>, vector<1x16xf32>,
        %parallel_loop3A_134 = arith.index_cast %parallel_loop3A_97 : i32 to index
        %parallel_loop3A_135 = arith.constant 16 : index
        %parallel_loop3A_136 = tpu.vector_load %arg7[%parallel_loop3A_134, %parallel_loop3A_135] {strides = array<i32>} : memref<160x72xf32, #tpu.memory_space<vmem>>, vector<1x16xf32>,
        %parallel_loop3A_137 = vector.shape_cast %parallel_loop3A_136 : vector<1x16xf32> to vector<16xf32>
        %parallel_loop3A_138 = arith.index_cast %parallel_loop3A_97 : i32 to index
        %parallel_loop3A_139 = arith.constant 16 : index
        %parallel_loop3A_140 = tpu.vector_load %arg8[%parallel_loop3A_138, %parallel_loop3A_139] {strides = array<i32>} : memref<160x72xf32, #tpu.memory_space<vmem>>, vector<1x16xf32>,
        %parallel_loop3A_141 = vector.shape_cast %parallel_loop3A_140 : vector<1x16xf32> to vector<16xf32>
        %parallel_loop3A_142 = arith.addf %parallel_loop3A_137, %parallel_loop3A_141 : vector<16xf32>
        %parallel_loop3A_143 = vector.shape_cast %add3A_11 : vector<16xi32> to vector<16x1xi32>
        %parallel_loop3A_144 = vector.shape_cast %parallel_loop3A_143 : vector<16x1xi32> to vector<16xi32>
        %parallel_loop3A_145 = tpu.dynamic_gather %parallel_loop3A_112[%parallel_loop3A_144] in [0] : vector<16xf32>, vector<16xi32> -> vector<16xf32>
        %parallel_loop3A_146 = arith.mulf %parallel_loop3A_142, %parallel_loop3A_145 : vector<16xf32>
        %parallel_loop3A_147 = arith.constant 0.000000e+00 : f32
        %parallel_loop3A_148 = vector.broadcast %parallel_loop3A_147 : f32 to vector<16xf32>
        %parallel_loop3A_149 = arith.maximumf %parallel_loop3A_146, %parallel_loop3A_148 : vector<16xf32>
        %parallel_loop3A_150 = arith.index_cast %parallel_loop3A_97 : i32 to index
        %parallel_loop3A_151 = arith.constant 16 : index
        %parallel_loop3A_152 = tpu.vector_load %arg9[%parallel_loop3A_150, %parallel_loop3A_151] {strides = array<i32>} : memref<160x64xf32, #tpu.memory_space<vmem>>, vector<1x16xf32>,
        %parallel_loop3A_153 = vector.shape_cast %parallel_loop3A_152 : vector<1x16xf32> to vector<16xf32>
        %parallel_loop3A_154 = vector.shape_cast %parallel_loop3A_149 : vector<16xf32> to vector<1x16xf32>
        tpu.vector_store %arg9[%parallel_loop3A_150, %parallel_loop3A_151], %parallel_loop3A_154 {strides = array<i32>} : memref<160x64xf32, #tpu.memory_space<vmem>>, vector<1x16xf32>,
        %parallel_loop3A_155 = arith.index_cast %parallel_loop3A_97 : i32 to index
        %parallel_loop3A_156 = arith.constant 32 : index
        %parallel_loop3A_157 = tpu.vector_load %arg7[%parallel_loop3A_155, %parallel_loop3A_156] {strides = array<i32>} : memref<160x72xf32, #tpu.memory_space<vmem>>, vector<1x16xf32>,
        %parallel_loop3A_158 = vector.shape_cast %parallel_loop3A_157 : vector<1x16xf32> to vector<16xf32>
        %parallel_loop3A_159 = arith.index_cast %parallel_loop3A_97 : i32 to index
        %parallel_loop3A_160 = arith.constant 32 : index
        %parallel_loop3A_161 = tpu.vector_load %arg8[%parallel_loop3A_159, %parallel_loop3A_160] {strides = array<i32>} : memref<160x72xf32, #tpu.memory_space<vmem>>, vector<1x16xf32>,
        %parallel_loop3A_162 = vector.shape_cast %parallel_loop3A_161 : vector<1x16xf32> to vector<16xf32>
        %parallel_loop3A_163 = arith.addf %parallel_loop3A_158, %parallel_loop3A_162 : vector<16xf32>
        %parallel_loop3A_164 = vector.shape_cast %add3A_17 : vector<16xi32> to vector<16x1xi32>
        %parallel_loop3A_165 = vector.shape_cast %parallel_loop3A_164 : vector<16x1xi32> to vector<16xi32>
        %parallel_loop3A_166 = tpu.dynamic_gather %parallel_loop3A_112[%parallel_loop3A_165] in [0] : vector<16xf32>, vector<16xi32> -> vector<16xf32>
        %parallel_loop3A_167 = arith.mulf %parallel_loop3A_163, %parallel_loop3A_166 : vector<16xf32>
        %parallel_loop3A_168 = arith.constant 0.000000e+00 : f32
        %parallel_loop3A_169 = vector.broadcast %parallel_loop3A_168 : f32 to vector<16xf32>
        %parallel_loop3A_170 = arith.maximumf %parallel_loop3A_167, %parallel_loop3A_169 : vector<16xf32>
        %parallel_loop3A_171 = arith.index_cast %parallel_loop3A_97 : i32 to index
        %parallel_loop3A_172 = arith.constant 32 : index
        %parallel_loop3A_173 = tpu.vector_load %arg9[%parallel_loop3A_171, %parallel_loop3A_172] {strides = array<i32>} : memref<160x64xf32, #tpu.memory_space<vmem>>, vector<1x16xf32>,
        %parallel_loop3A_174 = vector.shape_cast %parallel_loop3A_173 : vector<1x16xf32> to vector<16xf32>
        %parallel_loop3A_175 = vector.shape_cast %parallel_loop3A_170 : vector<16xf32> to vector<1x16xf32>
        tpu.vector_store %arg9[%parallel_loop3A_171, %parallel_loop3A_172], %parallel_loop3A_175 {strides = array<i32>} : memref<160x64xf32, #tpu.memory_space<vmem>>, vector<1x16xf32>,
        %parallel_loop3A_176 = arith.index_cast %parallel_loop3A_97 : i32 to index
        %parallel_loop3A_177 = arith.constant 48 : index
        %parallel_loop3A_178 = tpu.vector_load %arg7[%parallel_loop3A_176, %parallel_loop3A_177] {strides = array<i32>} : memref<160x72xf32, #tpu.memory_space<vmem>>, vector<1x16xf32>,
        %parallel_loop3A_179 = vector.shape_cast %parallel_loop3A_178 : vector<1x16xf32> to vector<16xf32>
        %parallel_loop3A_180 = arith.index_cast %parallel_loop3A_97 : i32 to index
        %parallel_loop3A_181 = arith.constant 48 : index
        %parallel_loop3A_182 = tpu.vector_load %arg8[%parallel_loop3A_180, %parallel_loop3A_181] {strides = array<i32>} : memref<160x72xf32, #tpu.memory_space<vmem>>, vector<1x16xf32>,
        %parallel_loop3A_183 = vector.shape_cast %parallel_loop3A_182 : vector<1x16xf32> to vector<16xf32>
        %parallel_loop3A_184 = arith.addf %parallel_loop3A_179, %parallel_loop3A_183 : vector<16xf32>
        %parallel_loop3A_185 = vector.shape_cast %add3A_23 : vector<16xi32> to vector<16x1xi32>
        %parallel_loop3A_186 = vector.shape_cast %parallel_loop3A_185 : vector<16x1xi32> to vector<16xi32>
        %parallel_loop3A_187 = tpu.dynamic_gather %parallel_loop3A_112[%parallel_loop3A_186] in [0] : vector<16xf32>, vector<16xi32> -> vector<16xf32>
        %parallel_loop3A_188 = arith.mulf %parallel_loop3A_184, %parallel_loop3A_187 : vector<16xf32>
        %parallel_loop3A_189 = arith.constant 0.000000e+00 : f32
        %parallel_loop3A_190 = vector.broadcast %parallel_loop3A_189 : f32 to vector<16xf32>
        %parallel_loop3A_191 = arith.maximumf %parallel_loop3A_188, %parallel_loop3A_190 : vector<16xf32>
        %parallel_loop3A_192 = arith.index_cast %parallel_loop3A_97 : i32 to index
        %parallel_loop3A_193 = arith.constant 48 : index
        %parallel_loop3A_194 = tpu.vector_load %arg9[%parallel_loop3A_192, %parallel_loop3A_193] {strides = array<i32>} : memref<160x64xf32, #tpu.memory_space<vmem>>, vector<1x16xf32>,
        %parallel_loop3A_195 = vector.shape_cast %parallel_loop3A_194 : vector<1x16xf32> to vector<16xf32>
        %parallel_loop3A_196 = vector.shape_cast %parallel_loop3A_191 : vector<16xf32> to vector<1x16xf32>
        tpu.vector_store %arg9[%parallel_loop3A_192, %parallel_loop3A_193], %parallel_loop3A_196 {strides = array<i32>} : memref<160x64xf32, #tpu.memory_space<vmem>>, vector<1x16xf32>,
      } {sc.loop_unroll_factor = 4 : i64, sc.parallel_access}
      "tpu.region"() ({
        %run_scoped3A = tpu.sem_alloc : memref<!tpu.dma_semaphore, #tpu.memory_space<semaphore_mem>>
        %dma_start3A_97 = arith.constant 0 : i32
        %dma_start3A_98 = tpu.memref_slice %arg3[%add3A_27, %dma_start3A_97] : memref<10000x64xf32, #tpu.memory_space<hbm>> -> memref<160x64xf32, #tpu.memory_space<hbm>>
        %dma_start3A_99 = arith.constant 0 : i32
        %dma_start3A_100 = tpu.memref_slice %arg3[%add3A_27, %dma_start3A_99] : memref<10000x64xf32, #tpu.memory_space<hbm>> -> memref<160x64xf32, #tpu.memory_space<hbm>>
        tpu.enqueue_dma source(%arg9 : memref<160x64xf32, #tpu.memory_space<vmem>>) target(%dma_start3A_100 : memref<160x64xf32, #tpu.memory_space<hbm>>) target_semaphore(%run_scoped3A : memref<!tpu.dma_semaphore, #tpu.memory_space<semaphore_mem>>)
        %dma_wait3A_101 = arith.constant 0 : i32
        %dma_wait3A_102 = tpu.memref_slice %arg3[%add3A_27, %dma_wait3A_101] : memref<10000x64xf32, #tpu.memory_space<hbm>> -> memref<160x64xf32, #tpu.memory_space<hbm>>
        %dma_wait3A_103 = arith.constant 0 : i32
        %dma_wait3A_104 = tpu.memref_slice %arg3[%add3A_27, %dma_wait3A_103] : memref<10000x64xf32, #tpu.memory_space<hbm>> -> memref<160x64xf32, #tpu.memory_space<hbm>>
        tpu.wait_dma2 semaphore(%run_scoped3A : memref<!tpu.dma_semaphore, #tpu.memory_space<semaphore_mem>>) src(%arg9 : memref<160x64xf32, #tpu.memory_space<vmem>>) dst(%dma_wait3A_104 : memref<160x64xf32, #tpu.memory_space<hbm>>)
        tpu.yield
      }) : () -> ()
    } else {
    }
    %eq3A = arith.constant 31 : i32
    %eq3A_61 = arith.cmpi eq, %add3A, %eq3A : i32
    %convert_element_type3A_62 = arith.extui %eq3A_61 : i1 to i32
    %cond3A_63 = arith.constant 0 : i32
    %cond3A_64 = arith.constant 1 : i32
    %cond3A_65 = arith.constant 0 : i32
    %cond3A_66 = arith.constant 1 : i32
    %cond3A_67 = arith.constant 0 : i32
    %cond3A_68 = arith.cmpi ne, %convert_element_type3A_62, %cond3A_67 : i32
    scf.if %cond3A_68 {
      %dma_wait3A = arith.constant 0 : i32
      %dma_wait3A_69 = tpu.memref_slice %arg2[%cond3A_63, %mul3A_25, %dma_wait3A] : memref<2x10240x72xf32, #tpu.memory_space<hbm>> -> memref<1x160x72xf32, #tpu.memory_space<hbm>>
      %dma_wait3A_70 = tpu.memref_squeeze %dma_wait3A_69 : memref<1x160x72xf32, #tpu.memory_space<hbm>> -> memref<160x72xf32, #tpu.memory_space<hbm>>
      %dma_wait3A_71 = arith.constant 0 : i32
      %dma_wait3A_72 = tpu.memref_slice %arg2[%cond3A_63, %mul3A_25, %dma_wait3A_71] : memref<2x10240x72xf32, #tpu.memory_space<hbm>> -> memref<1x160x72xf32, #tpu.memory_space<hbm>>
      %dma_wait3A_73 = tpu.memref_squeeze %dma_wait3A_72 : memref<1x160x72xf32, #tpu.memory_space<hbm>> -> memref<160x72xf32, #tpu.memory_space<hbm>>
      tpu.wait_dma2 semaphore(%arg10 : memref<!tpu.dma_semaphore, #tpu.memory_space<semaphore_mem>>) src(%dma_wait3A_73 : memref<160x72xf32, #tpu.memory_space<hbm>>) dst(%arg4 : memref<160x72xf32, #tpu.memory_space<vmem>>)
      %dma_wait3A_74 = arith.constant 0 : i32
      %dma_wait3A_75 = tpu.memref_slice %arg2[%cond3A_64, %mul3A_25, %dma_wait3A_74] : memref<2x10240x72xf32, #tpu.memory_space<hbm>> -> memref<1x160x72xf32, #tpu.memory_space<hbm>>
      %dma_wait3A_76 = tpu.memref_squeeze %dma_wait3A_75 : memref<1x160x72xf32, #tpu.memory_space<hbm>> -> memref<160x72xf32, #tpu.memory_space<hbm>>
      %dma_wait3A_77 = arith.constant 0 : i32
      %dma_wait3A_78 = tpu.memref_slice %arg2[%cond3A_64, %mul3A_25, %dma_wait3A_77] : memref<2x10240x72xf32, #tpu.memory_space<hbm>> -> memref<1x160x72xf32, #tpu.memory_space<hbm>>
      %dma_wait3A_79 = tpu.memref_squeeze %dma_wait3A_78 : memref<1x160x72xf32, #tpu.memory_space<hbm>> -> memref<160x72xf32, #tpu.memory_space<hbm>>
      tpu.wait_dma2 semaphore(%arg10 : memref<!tpu.dma_semaphore, #tpu.memory_space<semaphore_mem>>) src(%dma_wait3A_79 : memref<160x72xf32, #tpu.memory_space<hbm>>) dst(%arg5 : memref<160x72xf32, #tpu.memory_space<vmem>>)
      %dma_wait3A_80 = arith.constant 0 : i32
      %dma_wait3A_81 = tpu.memref_slice %arg2[%cond3A_65, %add3A_27, %dma_wait3A_80] : memref<2x10240x72xf32, #tpu.memory_space<hbm>> -> memref<1x160x72xf32, #tpu.memory_space<hbm>>
      %dma_wait3A_82 = tpu.memref_squeeze %dma_wait3A_81 : memref<1x160x72xf32, #tpu.memory_space<hbm>> -> memref<160x72xf32, #tpu.memory_space<hbm>>
      %dma_wait3A_83 = arith.constant 0 : i32
      %dma_wait3A_84 = tpu.memref_slice %arg2[%cond3A_65, %add3A_27, %dma_wait3A_83] : memref<2x10240x72xf32, #tpu.memory_space<hbm>> -> memref<1x160x72xf32, #tpu.memory_space<hbm>>
      %dma_wait3A_85 = tpu.memref_squeeze %dma_wait3A_84 : memref<1x160x72xf32, #tpu.memory_space<hbm>> -> memref<160x72xf32, #tpu.memory_space<hbm>>
      tpu.wait_dma2 semaphore(%arg11 : memref<!tpu.dma_semaphore, #tpu.memory_space<semaphore_mem>>) src(%dma_wait3A_85 : memref<160x72xf32, #tpu.memory_space<hbm>>) dst(%arg7 : memref<160x72xf32, #tpu.memory_space<vmem>>)
      %dma_wait3A_86 = arith.constant 0 : i32
      %dma_wait3A_87 = tpu.memref_slice %arg2[%cond3A_66, %add3A_27, %dma_wait3A_86] : memref<2x10240x72xf32, #tpu.memory_space<hbm>> -> memref<1x160x72xf32, #tpu.memory_space<hbm>>
      %dma_wait3A_88 = tpu.memref_squeeze %dma_wait3A_87 : memref<1x160x72xf32, #tpu.memory_space<hbm>> -> memref<160x72xf32, #tpu.memory_space<hbm>>
      %dma_wait3A_89 = arith.constant 0 : i32
      %dma_wait3A_90 = tpu.memref_slice %arg2[%cond3A_66, %add3A_27, %dma_wait3A_89] : memref<2x10240x72xf32, #tpu.memory_space<hbm>> -> memref<1x160x72xf32, #tpu.memory_space<hbm>>
      %dma_wait3A_91 = tpu.memref_squeeze %dma_wait3A_90 : memref<1x160x72xf32, #tpu.memory_space<hbm>> -> memref<160x72xf32, #tpu.memory_space<hbm>>
      tpu.wait_dma2 semaphore(%arg11 : memref<!tpu.dma_semaphore, #tpu.memory_space<semaphore_mem>>) src(%dma_wait3A_91 : memref<160x72xf32, #tpu.memory_space<hbm>>) dst(%arg8 : memref<160x72xf32, #tpu.memory_space<vmem>>)
      %parallel_loop3A = arith.constant 0 : i32
      %parallel_loop3A_92 = arith.constant 160 : i32
      %parallel_loop3A_93 = arith.constant 1 : i32
      scf.for %parallel_loop3A_94 = %parallel_loop3A to %parallel_loop3A_92 step %parallel_loop3A_93  : i32 {
        %parallel_loop3A_95 = arith.index_cast %parallel_loop3A_94 : i32 to index
        %parallel_loop3A_96 = arith.constant 56 : index
        %parallel_loop3A_97 = tpu.vector_load %arg4[%parallel_loop3A_95, %parallel_loop3A_96] {strides = array<i32>} : memref<160x72xf32, #tpu.memory_space<vmem>>, vector<1x16xf32>,
        %parallel_loop3A_98 = vector.shape_cast %parallel_loop3A_97 : vector<1x16xf32> to vector<16xf32>
        %parallel_loop3A_99 = arith.index_cast %parallel_loop3A_94 : i32 to index
        %parallel_loop3A_100 = arith.constant 56 : index
        %parallel_loop3A_101 = tpu.vector_load %arg5[%parallel_loop3A_99, %parallel_loop3A_100] {strides = array<i32>} : memref<160x72xf32, #tpu.memory_space<vmem>>, vector<1x16xf32>,
        %parallel_loop3A_102 = vector.shape_cast %parallel_loop3A_101 : vector<1x16xf32> to vector<16xf32>
        %parallel_loop3A_103 = arith.addf %parallel_loop3A_98, %parallel_loop3A_102 : vector<16xf32>
        %parallel_loop3A_104 = arith.constant 1.000000e-16 : f32
        %parallel_loop3A_105 = vector.broadcast %parallel_loop3A_104 : f32 to vector<16xf32>
        %parallel_loop3A_106 = arith.addf %parallel_loop3A_103, %parallel_loop3A_105 : vector<16xf32>
        %parallel_loop3A_107 = arith.constant 1.000000e+00 : f32
        %parallel_loop3A_108 = vector.broadcast %parallel_loop3A_107 : f32 to vector<16xf32>
        %parallel_loop3A_109 = arith.divf %parallel_loop3A_108, %parallel_loop3A_106 : vector<16xf32>
        %parallel_loop3A_110 = arith.index_cast %parallel_loop3A_94 : i32 to index
        %parallel_loop3A_111 = arith.constant 0 : index
        %parallel_loop3A_112 = tpu.vector_load %arg4[%parallel_loop3A_110, %parallel_loop3A_111] {strides = array<i32>} : memref<160x72xf32, #tpu.memory_space<vmem>>, vector<1x16xf32>,
        %parallel_loop3A_113 = vector.shape_cast %parallel_loop3A_112 : vector<1x16xf32> to vector<16xf32>
        %parallel_loop3A_114 = arith.index_cast %parallel_loop3A_94 : i32 to index
        %parallel_loop3A_115 = arith.constant 0 : index
        %parallel_loop3A_116 = tpu.vector_load %arg5[%parallel_loop3A_114, %parallel_loop3A_115] {strides = array<i32>} : memref<160x72xf32, #tpu.memory_space<vmem>>, vector<1x16xf32>,
        %parallel_loop3A_117 = vector.shape_cast %parallel_loop3A_116 : vector<1x16xf32> to vector<16xf32>
        %parallel_loop3A_118 = arith.addf %parallel_loop3A_113, %parallel_loop3A_117 : vector<16xf32>
        %parallel_loop3A_119 = vector.shape_cast %add3A_5 : vector<16xi32> to vector<16x1xi32>
        %parallel_loop3A_120 = vector.shape_cast %parallel_loop3A_119 : vector<16x1xi32> to vector<16xi32>
        %parallel_loop3A_121 = tpu.dynamic_gather %parallel_loop3A_109[%parallel_loop3A_120] in [0] : vector<16xf32>, vector<16xi32> -> vector<16xf32>
        %parallel_loop3A_122 = arith.mulf %parallel_loop3A_118, %parallel_loop3A_121 : vector<16xf32>
        %parallel_loop3A_123 = arith.constant 0.000000e+00 : f32
        %parallel_loop3A_124 = vector.broadcast %parallel_loop3A_123 : f32 to vector<16xf32>
        %parallel_loop3A_125 = arith.maximumf %parallel_loop3A_122, %parallel_loop3A_124 : vector<16xf32>
        %parallel_loop3A_126 = arith.index_cast %parallel_loop3A_94 : i32 to index
        %parallel_loop3A_127 = arith.constant 0 : index
        %parallel_loop3A_128 = tpu.vector_load %arg6[%parallel_loop3A_126, %parallel_loop3A_127] {strides = array<i32>} : memref<160x64xf32, #tpu.memory_space<vmem>>, vector<1x16xf32>,
        %parallel_loop3A_129 = vector.shape_cast %parallel_loop3A_128 : vector<1x16xf32> to vector<16xf32>
        %parallel_loop3A_130 = vector.shape_cast %parallel_loop3A_125 : vector<16xf32> to vector<1x16xf32>
        tpu.vector_store %arg6[%parallel_loop3A_126, %parallel_loop3A_127], %parallel_loop3A_130 {strides = array<i32>} : memref<160x64xf32, #tpu.memory_space<vmem>>, vector<1x16xf32>,
        %parallel_loop3A_131 = arith.index_cast %parallel_loop3A_94 : i32 to index
        %parallel_loop3A_132 = arith.constant 16 : index
        %parallel_loop3A_133 = tpu.vector_load %arg4[%parallel_loop3A_131, %parallel_loop3A_132] {strides = array<i32>} : memref<160x72xf32, #tpu.memory_space<vmem>>, vector<1x16xf32>,
        %parallel_loop3A_134 = vector.shape_cast %parallel_loop3A_133 : vector<1x16xf32> to vector<16xf32>
        %parallel_loop3A_135 = arith.index_cast %parallel_loop3A_94 : i32 to index
        %parallel_loop3A_136 = arith.constant 16 : index
        %parallel_loop3A_137 = tpu.vector_load %arg5[%parallel_loop3A_135, %parallel_loop3A_136] {strides = array<i32>} : memref<160x72xf32, #tpu.memory_space<vmem>>, vector<1x16xf32>,
        %parallel_loop3A_138 = vector.shape_cast %parallel_loop3A_137 : vector<1x16xf32> to vector<16xf32>
        %parallel_loop3A_139 = arith.addf %parallel_loop3A_134, %parallel_loop3A_138 : vector<16xf32>
        %parallel_loop3A_140 = vector.shape_cast %add3A_11 : vector<16xi32> to vector<16x1xi32>
        %parallel_loop3A_141 = vector.shape_cast %parallel_loop3A_140 : vector<16x1xi32> to vector<16xi32>
        %parallel_loop3A_142 = tpu.dynamic_gather %parallel_loop3A_109[%parallel_loop3A_141] in [0] : vector<16xf32>, vector<16xi32> -> vector<16xf32>
        %parallel_loop3A_143 = arith.mulf %parallel_loop3A_139, %parallel_loop3A_142 : vector<16xf32>
        %parallel_loop3A_144 = arith.constant 0.000000e+00 : f32
        %parallel_loop3A_145 = vector.broadcast %parallel_loop3A_144 : f32 to vector<16xf32>
        %parallel_loop3A_146 = arith.maximumf %parallel_loop3A_143, %parallel_loop3A_145 : vector<16xf32>
        %parallel_loop3A_147 = arith.index_cast %parallel_loop3A_94 : i32 to index
        %parallel_loop3A_148 = arith.constant 16 : index
        %parallel_loop3A_149 = tpu.vector_load %arg6[%parallel_loop3A_147, %parallel_loop3A_148] {strides = array<i32>} : memref<160x64xf32, #tpu.memory_space<vmem>>, vector<1x16xf32>,
        %parallel_loop3A_150 = vector.shape_cast %parallel_loop3A_149 : vector<1x16xf32> to vector<16xf32>
        %parallel_loop3A_151 = vector.shape_cast %parallel_loop3A_146 : vector<16xf32> to vector<1x16xf32>
        tpu.vector_store %arg6[%parallel_loop3A_147, %parallel_loop3A_148], %parallel_loop3A_151 {strides = array<i32>} : memref<160x64xf32, #tpu.memory_space<vmem>>, vector<1x16xf32>,
        %parallel_loop3A_152 = arith.index_cast %parallel_loop3A_94 : i32 to index
        %parallel_loop3A_153 = arith.constant 32 : index
        %parallel_loop3A_154 = tpu.vector_load %arg4[%parallel_loop3A_152, %parallel_loop3A_153] {strides = array<i32>} : memref<160x72xf32, #tpu.memory_space<vmem>>, vector<1x16xf32>,
        %parallel_loop3A_155 = vector.shape_cast %parallel_loop3A_154 : vector<1x16xf32> to vector<16xf32>
        %parallel_loop3A_156 = arith.index_cast %parallel_loop3A_94 : i32 to index
        %parallel_loop3A_157 = arith.constant 32 : index
        %parallel_loop3A_158 = tpu.vector_load %arg5[%parallel_loop3A_156, %parallel_loop3A_157] {strides = array<i32>} : memref<160x72xf32, #tpu.memory_space<vmem>>, vector<1x16xf32>,
        %parallel_loop3A_159 = vector.shape_cast %parallel_loop3A_158 : vector<1x16xf32> to vector<16xf32>
        %parallel_loop3A_160 = arith.addf %parallel_loop3A_155, %parallel_loop3A_159 : vector<16xf32>
        %parallel_loop3A_161 = vector.shape_cast %add3A_17 : vector<16xi32> to vector<16x1xi32>
        %parallel_loop3A_162 = vector.shape_cast %parallel_loop3A_161 : vector<16x1xi32> to vector<16xi32>
        %parallel_loop3A_163 = tpu.dynamic_gather %parallel_loop3A_109[%parallel_loop3A_162] in [0] : vector<16xf32>, vector<16xi32> -> vector<16xf32>
        %parallel_loop3A_164 = arith.mulf %parallel_loop3A_160, %parallel_loop3A_163 : vector<16xf32>
        %parallel_loop3A_165 = arith.constant 0.000000e+00 : f32
        %parallel_loop3A_166 = vector.broadcast %parallel_loop3A_165 : f32 to vector<16xf32>
        %parallel_loop3A_167 = arith.maximumf %parallel_loop3A_164, %parallel_loop3A_166 : vector<16xf32>
        %parallel_loop3A_168 = arith.index_cast %parallel_loop3A_94 : i32 to index
        %parallel_loop3A_169 = arith.constant 32 : index
        %parallel_loop3A_170 = tpu.vector_load %arg6[%parallel_loop3A_168, %parallel_loop3A_169] {strides = array<i32>} : memref<160x64xf32, #tpu.memory_space<vmem>>, vector<1x16xf32>,
        %parallel_loop3A_171 = vector.shape_cast %parallel_loop3A_170 : vector<1x16xf32> to vector<16xf32>
        %parallel_loop3A_172 = vector.shape_cast %parallel_loop3A_167 : vector<16xf32> to vector<1x16xf32>
        tpu.vector_store %arg6[%parallel_loop3A_168, %parallel_loop3A_169], %parallel_loop3A_172 {strides = array<i32>} : memref<160x64xf32, #tpu.memory_space<vmem>>, vector<1x16xf32>,
        %parallel_loop3A_173 = arith.index_cast %parallel_loop3A_94 : i32 to index
        %parallel_loop3A_174 = arith.constant 48 : index
        %parallel_loop3A_175 = tpu.vector_load %arg4[%parallel_loop3A_173, %parallel_loop3A_174] {strides = array<i32>} : memref<160x72xf32, #tpu.memory_space<vmem>>, vector<1x16xf32>,
        %parallel_loop3A_176 = vector.shape_cast %parallel_loop3A_175 : vector<1x16xf32> to vector<16xf32>
        %parallel_loop3A_177 = arith.index_cast %parallel_loop3A_94 : i32 to index
        %parallel_loop3A_178 = arith.constant 48 : index
        %parallel_loop3A_179 = tpu.vector_load %arg5[%parallel_loop3A_177, %parallel_loop3A_178] {strides = array<i32>} : memref<160x72xf32, #tpu.memory_space<vmem>>, vector<1x16xf32>,
        %parallel_loop3A_180 = vector.shape_cast %parallel_loop3A_179 : vector<1x16xf32> to vector<16xf32>
        %parallel_loop3A_181 = arith.addf %parallel_loop3A_176, %parallel_loop3A_180 : vector<16xf32>
        %parallel_loop3A_182 = vector.shape_cast %add3A_23 : vector<16xi32> to vector<16x1xi32>
        %parallel_loop3A_183 = vector.shape_cast %parallel_loop3A_182 : vector<16x1xi32> to vector<16xi32>
        %parallel_loop3A_184 = tpu.dynamic_gather %parallel_loop3A_109[%parallel_loop3A_183] in [0] : vector<16xf32>, vector<16xi32> -> vector<16xf32>
        %parallel_loop3A_185 = arith.mulf %parallel_loop3A_181, %parallel_loop3A_184 : vector<16xf32>
        %parallel_loop3A_186 = arith.constant 0.000000e+00 : f32
        %parallel_loop3A_187 = vector.broadcast %parallel_loop3A_186 : f32 to vector<16xf32>
        %parallel_loop3A_188 = arith.maximumf %parallel_loop3A_185, %parallel_loop3A_187 : vector<16xf32>
        %parallel_loop3A_189 = arith.index_cast %parallel_loop3A_94 : i32 to index
        %parallel_loop3A_190 = arith.constant 48 : index
        %parallel_loop3A_191 = tpu.vector_load %arg6[%parallel_loop3A_189, %parallel_loop3A_190] {strides = array<i32>} : memref<160x64xf32, #tpu.memory_space<vmem>>, vector<1x16xf32>,
        %parallel_loop3A_192 = vector.shape_cast %parallel_loop3A_191 : vector<1x16xf32> to vector<16xf32>
        %parallel_loop3A_193 = vector.shape_cast %parallel_loop3A_188 : vector<16xf32> to vector<1x16xf32>
        tpu.vector_store %arg6[%parallel_loop3A_189, %parallel_loop3A_190], %parallel_loop3A_193 {strides = array<i32>} : memref<160x64xf32, #tpu.memory_space<vmem>>, vector<1x16xf32>,
      } {sc.loop_unroll_factor = 4 : i64, sc.parallel_access}
      "tpu.region"() ({
        %run_scoped3A = tpu.sem_alloc : memref<!tpu.dma_semaphore, #tpu.memory_space<semaphore_mem>>
        %dma_start3A_94 = arith.constant 0 : i32
        %dma_start3A_95 = arith.constant 0 : i32
        %dma_start3A_96 = tpu.memref_slice %arg6[%dma_start3A_94, %dma_start3A_95] : memref<160x64xf32, #tpu.memory_space<vmem>> -> memref<80x64xf32, #tpu.memory_space<vmem>>
        %dma_start3A_97 = arith.constant 9920 : i32
        %dma_start3A_98 = arith.constant 0 : i32
        %dma_start3A_99 = tpu.memref_slice %arg3[%dma_start3A_97, %dma_start3A_98] : memref<10000x64xf32, #tpu.memory_space<hbm>> -> memref<80x64xf32, #tpu.memory_space<hbm>>
        %dma_start3A_100 = arith.constant 9920 : i32
        %dma_start3A_101 = arith.constant 0 : i32
        %dma_start3A_102 = tpu.memref_slice %arg3[%dma_start3A_100, %dma_start3A_101] : memref<10000x64xf32, #tpu.memory_space<hbm>> -> memref<80x64xf32, #tpu.memory_space<hbm>>
        %dma_start3A_103 = arith.constant 0 : i32
        %dma_start3A_104 = arith.constant 0 : i32
        %dma_start3A_105 = tpu.memref_slice %arg6[%dma_start3A_103, %dma_start3A_104] : memref<160x64xf32, #tpu.memory_space<vmem>> -> memref<80x64xf32, #tpu.memory_space<vmem>>
        tpu.enqueue_dma source(%dma_start3A_105 : memref<80x64xf32, #tpu.memory_space<vmem>>) target(%dma_start3A_102 : memref<80x64xf32, #tpu.memory_space<hbm>>) target_semaphore(%run_scoped3A : memref<!tpu.dma_semaphore, #tpu.memory_space<semaphore_mem>>)
        %dma_wait3A_106 = arith.constant 0 : i32
        %dma_wait3A_107 = arith.constant 0 : i32
        %dma_wait3A_108 = tpu.memref_slice %arg6[%dma_wait3A_106, %dma_wait3A_107] : memref<160x64xf32, #tpu.memory_space<vmem>> -> memref<80x64xf32, #tpu.memory_space<vmem>>
        %dma_wait3A_109 = arith.constant 9920 : i32
        %dma_wait3A_110 = arith.constant 0 : i32
        %dma_wait3A_111 = tpu.memref_slice %arg3[%dma_wait3A_109, %dma_wait3A_110] : memref<10000x64xf32, #tpu.memory_space<hbm>> -> memref<80x64xf32, #tpu.memory_space<hbm>>
        %dma_wait3A_112 = arith.constant 9920 : i32
        %dma_wait3A_113 = arith.constant 0 : i32
        %dma_wait3A_114 = tpu.memref_slice %arg3[%dma_wait3A_112, %dma_wait3A_113] : memref<10000x64xf32, #tpu.memory_space<hbm>> -> memref<80x64xf32, #tpu.memory_space<hbm>>
        %dma_wait3A_115 = arith.constant 0 : i32
        %dma_wait3A_116 = arith.constant 0 : i32
        %dma_wait3A_117 = tpu.memref_slice %arg6[%dma_wait3A_115, %dma_wait3A_116] : memref<160x64xf32, #tpu.memory_space<vmem>> -> memref<80x64xf32, #tpu.memory_space<vmem>>
        tpu.wait_dma2 semaphore(%run_scoped3A : memref<!tpu.dma_semaphore, #tpu.memory_space<semaphore_mem>>) src(%dma_wait3A_117 : memref<80x64xf32, #tpu.memory_space<vmem>>) dst(%dma_wait3A_114 : memref<80x64xf32, #tpu.memory_space<hbm>>)
        tpu.yield
      }) : () -> ()
    } else {
    }
    return
  }
}

#map = affine_map<(d0, d1) -> (0, 0, 0)>
#map1 = affine_map<(d0, d1) -> (0, 0)>
#map2 = affine_map<(d0, d1) -> (0)>
module attributes {stable_mosaic.version = 14 : i64} {
  func.func @_sc_body(%arg0: i32, %arg1: i32, %arg2: memref<2x4000x80xi32, #tpu.memory_space<hbm>>, %arg3: memref<10000x80xf32, #tpu.memory_space<hbm>>, %arg4: memref<10000x16xf32, #tpu.memory_space<hbm>>, %arg5: memref<16xf32, #tpu.memory_space<hbm>>, %arg6: memref<2x10240x72xf32, #tpu.memory_space<hbm>>, %arg7: memref<10240x72xf32, #tpu.memory_space<vmem_shared>>, %arg8: memref<125x80xi32, #tpu.memory_space<vmem>>, %arg9: memref<125x80xi32, #tpu.memory_space<vmem>>, %arg10: memref<80x80xf32, #tpu.memory_space<vmem>>, %arg11: memref<80x80xf32, #tpu.memory_space<vmem>>, %arg12: memref<80x80xf32, #tpu.memory_space<vmem>>, %arg13: memref<80x80xf32, #tpu.memory_space<vmem>>, %arg14: memref<80x16xf32, #tpu.memory_space<vmem>>, %arg15: memref<80x16xf32, #tpu.memory_space<vmem>>, %arg16: memref<80x16xf32, #tpu.memory_space<vmem>>, %arg17: memref<80x16xf32, #tpu.memory_space<vmem>>, %arg18: memref<80x72xf32, #tpu.memory_space<vmem>>, %arg19: memref<80x72xf32, #tpu.memory_space<vmem>>, %arg20: memref<80x72xf32, #tpu.memory_space<vmem>>, %arg21: memref<80x72xf32, #tpu.memory_space<vmem>>, %arg22: memref<16xf32, #tpu.memory_space<vmem>>, %arg23: memref<!tpu.dma_semaphore, #tpu.memory_space<semaphore_mem>>, %arg24: memref<!tpu.dma_semaphore, #tpu.memory_space<semaphore_mem>>, %arg25: memref<!tpu.dma_semaphore, #tpu.memory_space<semaphore_mem>>, %arg26: memref<!tpu.dma_semaphore, #tpu.memory_space<semaphore_mem>>, %arg27: memref<!tpu.dma_semaphore, #tpu.memory_space<semaphore_mem>>, %arg28: memref<!tpu.dma_semaphore, #tpu.memory_space<semaphore_mem>>, %arg29: memref<!tpu.dma_semaphore, #tpu.memory_space<semaphore_mem>>, %arg30: memref<!tpu.dma_semaphore, #tpu.memory_space<semaphore_mem>>) attributes {dimension_semantics = [#tpu.dimension_semantics<core_parallel>, #tpu.dimension_semantics<subcore_parallel>], iteration_bounds = array<i64: 2, 16>, scalar_prefetch = 0 : i64, scratch_operands = 24 : i64, tpu.core_type = #tpu.core_type<sc_vector_subcore>, window_params = [{transform_indices = #map}, {transform_indices = #map1}, {transform_indices = #map1}, {transform_indices = #map2}, {transform_indices = #map}]} {
    %mul3A = arith.constant 16 : i32
    %mul3A_0 = arith.muli %arg0, %mul3A : i32
    %add3A = arith.addi %mul3A_0, %arg1 : i32
    %mul3A_1 = arith.constant 640 : i32
    %mul3A_2 = arith.muli %arg1, %mul3A_1 : i32
    "tpu.region"() ({
      %run_scoped3A_169 = tpu.sem_alloc : memref<!tpu.dma_semaphore, #tpu.memory_space<semaphore_mem>>
      tpu.enqueue_dma source(%arg5 : memref<16xf32, #tpu.memory_space<hbm>>) target(%arg22 : memref<16xf32, #tpu.memory_space<vmem>>) target_semaphore(%run_scoped3A_169 : memref<!tpu.dma_semaphore, #tpu.memory_space<semaphore_mem>>)
      tpu.wait_dma2 semaphore(%run_scoped3A_169 : memref<!tpu.dma_semaphore, #tpu.memory_space<semaphore_mem>>) src(%arg5 : memref<16xf32, #tpu.memory_space<hbm>>) dst(%arg22 : memref<16xf32, #tpu.memory_space<vmem>>)
      tpu.yield
    }) : () -> ()
    %mul3A_3 = arith.constant 125 : i32
    %mul3A_4 = arith.muli %add3A, %mul3A_3 : i32
    %run_scoped3A = arith.constant 0 : i32
    "tpu.region"() ({
      %run_scoped3A_169 = tpu.sem_alloc : memref<!tpu.dma_semaphore, #tpu.memory_space<semaphore_mem>>
      %dma_start3A_170 = arith.constant 0 : i32
      %dma_start3A_171 = tpu.memref_slice %arg2[%run_scoped3A, %mul3A_4, %dma_start3A_170] : memref<2x4000x80xi32, #tpu.memory_space<hbm>> -> memref<1x125x80xi32, #tpu.memory_space<hbm>>
      %dma_start3A_172 = tpu.memref_squeeze %dma_start3A_171 : memref<1x125x80xi32, #tpu.memory_space<hbm>> -> memref<125x80xi32, #tpu.memory_space<hbm>>
      %dma_start3A_173 = arith.constant 0 : i32
      %dma_start3A_174 = tpu.memref_slice %arg2[%run_scoped3A, %mul3A_4, %dma_start3A_173] : memref<2x4000x80xi32, #tpu.memory_space<hbm>> -> memref<1x125x80xi32, #tpu.memory_space<hbm>>
      %dma_start3A_175 = tpu.memref_squeeze %dma_start3A_174 : memref<1x125x80xi32, #tpu.memory_space<hbm>> -> memref<125x80xi32, #tpu.memory_space<hbm>>
      tpu.enqueue_dma source(%dma_start3A_175 : memref<125x80xi32, #tpu.memory_space<hbm>>) target(%arg8 : memref<125x80xi32, #tpu.memory_space<vmem>>) target_semaphore(%run_scoped3A_169 : memref<!tpu.dma_semaphore, #tpu.memory_space<semaphore_mem>>)
      %dma_wait3A_176 = arith.constant 0 : i32
      %dma_wait3A_177 = tpu.memref_slice %arg2[%run_scoped3A, %mul3A_4, %dma_wait3A_176] : memref<2x4000x80xi32, #tpu.memory_space<hbm>> -> memref<1x125x80xi32, #tpu.memory_space<hbm>>
      %dma_wait3A_178 = tpu.memref_squeeze %dma_wait3A_177 : memref<1x125x80xi32, #tpu.memory_space<hbm>> -> memref<125x80xi32, #tpu.memory_space<hbm>>
      %dma_wait3A_179 = arith.constant 0 : i32
      %dma_wait3A_180 = tpu.memref_slice %arg2[%run_scoped3A, %mul3A_4, %dma_wait3A_179] : memref<2x4000x80xi32, #tpu.memory_space<hbm>> -> memref<1x125x80xi32, #tpu.memory_space<hbm>>
      %dma_wait3A_181 = tpu.memref_squeeze %dma_wait3A_180 : memref<1x125x80xi32, #tpu.memory_space<hbm>> -> memref<125x80xi32, #tpu.memory_space<hbm>>
      tpu.wait_dma2 semaphore(%run_scoped3A_169 : memref<!tpu.dma_semaphore, #tpu.memory_space<semaphore_mem>>) src(%dma_wait3A_181 : memref<125x80xi32, #tpu.memory_space<hbm>>) dst(%arg8 : memref<125x80xi32, #tpu.memory_space<vmem>>)
      tpu.yield
    }) : () -> ()
    %run_scoped3A_5 = arith.constant 1 : i32
    "tpu.region"() ({
      %run_scoped3A_169 = tpu.sem_alloc : memref<!tpu.dma_semaphore, #tpu.memory_space<semaphore_mem>>
      %dma_start3A_170 = arith.constant 0 : i32
      %dma_start3A_171 = tpu.memref_slice %arg2[%run_scoped3A_5, %mul3A_4, %dma_start3A_170] : memref<2x4000x80xi32, #tpu.memory_space<hbm>> -> memref<1x125x80xi32, #tpu.memory_space<hbm>>
      %dma_start3A_172 = tpu.memref_squeeze %dma_start3A_171 : memref<1x125x80xi32, #tpu.memory_space<hbm>> -> memref<125x80xi32, #tpu.memory_space<hbm>>
      %dma_start3A_173 = arith.constant 0 : i32
      %dma_start3A_174 = tpu.memref_slice %arg2[%run_scoped3A_5, %mul3A_4, %dma_start3A_173] : memref<2x4000x80xi32, #tpu.memory_space<hbm>> -> memref<1x125x80xi32, #tpu.memory_space<hbm>>
      %dma_start3A_175 = tpu.memref_squeeze %dma_start3A_174 : memref<1x125x80xi32, #tpu.memory_space<hbm>> -> memref<125x80xi32, #tpu.memory_space<hbm>>
      tpu.enqueue_dma source(%dma_start3A_175 : memref<125x80xi32, #tpu.memory_space<hbm>>) target(%arg9 : memref<125x80xi32, #tpu.memory_space<vmem>>) target_semaphore(%run_scoped3A_169 : memref<!tpu.dma_semaphore, #tpu.memory_space<semaphore_mem>>)
      %dma_wait3A_176 = arith.constant 0 : i32
      %dma_wait3A_177 = tpu.memref_slice %arg2[%run_scoped3A_5, %mul3A_4, %dma_wait3A_176] : memref<2x4000x80xi32, #tpu.memory_space<hbm>> -> memref<1x125x80xi32, #tpu.memory_space<hbm>>
      %dma_wait3A_178 = tpu.memref_squeeze %dma_wait3A_177 : memref<1x125x80xi32, #tpu.memory_space<hbm>> -> memref<125x80xi32, #tpu.memory_space<hbm>>
      %dma_wait3A_179 = arith.constant 0 : i32
      %dma_wait3A_180 = tpu.memref_slice %arg2[%run_scoped3A_5, %mul3A_4, %dma_wait3A_179] : memref<2x4000x80xi32, #tpu.memory_space<hbm>> -> memref<1x125x80xi32, #tpu.memory_space<hbm>>
      %dma_wait3A_181 = tpu.memref_squeeze %dma_wait3A_180 : memref<1x125x80xi32, #tpu.memory_space<hbm>> -> memref<125x80xi32, #tpu.memory_space<hbm>>
      tpu.wait_dma2 semaphore(%run_scoped3A_169 : memref<!tpu.dma_semaphore, #tpu.memory_space<semaphore_mem>>) src(%dma_wait3A_181 : memref<125x80xi32, #tpu.memory_space<hbm>>) dst(%arg9 : memref<125x80xi32, #tpu.memory_space<vmem>>)
      tpu.yield
    }) : () -> ()
    %broadcast_in_dim3A = arith.constant 0.000000e+00 : f32
    %broadcast_in_dim3A_6 = vector.broadcast %broadcast_in_dim3A : f32 to vector<16xf32>
    %scan3A = arith.constant 0 : i32
    %scan3A_7 = arith.constant 80 : i32
    %scan3A_8 = arith.addi %scan3A, %scan3A_7 : i32
    %scan3A_9 = arith.constant 1 : i32
    scf.for %scan3A_169 = %scan3A to %scan3A_8 step %scan3A_9  : i32 {
      %mul3A_170 = arith.constant 1 : i32
      %mul3A_171 = arith.muli %scan3A_169, %mul3A_170 : i32
      %add3A_172 = arith.constant 0 : i32
      %add3A_173 = arith.addi %add3A_172, %mul3A_171 : i32
      %swap3A = arith.index_cast %add3A_173 : i32 to index
      %swap3A_174 = arith.constant 0 : index
      %swap3A_175 = tpu.vector_load %arg18[%swap3A, %swap3A_174] {strides = array<i32>} : memref<80x72xf32, #tpu.memory_space<vmem>>, vector<1x16xf32>,
      %swap3A_176 = vector.shape_cast %swap3A_175 : vector<1x16xf32> to vector<16xf32>
      %swap3A_177 = vector.shape_cast %broadcast_in_dim3A_6 : vector<16xf32> to vector<1x16xf32>
      tpu.vector_store %arg18[%swap3A, %swap3A_174], %swap3A_177 {strides = array<i32>} : memref<80x72xf32, #tpu.memory_space<vmem>>, vector<1x16xf32>,
      %swap3A_178 = arith.index_cast %add3A_173 : i32 to index
      %swap3A_179 = arith.constant 16 : index
      %swap3A_180 = tpu.vector_load %arg18[%swap3A_178, %swap3A_179] {strides = array<i32>} : memref<80x72xf32, #tpu.memory_space<vmem>>, vector<1x16xf32>,
      %swap3A_181 = vector.shape_cast %swap3A_180 : vector<1x16xf32> to vector<16xf32>
      %swap3A_182 = vector.shape_cast %broadcast_in_dim3A_6 : vector<16xf32> to vector<1x16xf32>
      tpu.vector_store %arg18[%swap3A_178, %swap3A_179], %swap3A_182 {strides = array<i32>} : memref<80x72xf32, #tpu.memory_space<vmem>>, vector<1x16xf32>,
      %swap3A_183 = arith.index_cast %add3A_173 : i32 to index
      %swap3A_184 = arith.constant 32 : index
      %swap3A_185 = tpu.vector_load %arg18[%swap3A_183, %swap3A_184] {strides = array<i32>} : memref<80x72xf32, #tpu.memory_space<vmem>>, vector<1x16xf32>,
      %swap3A_186 = vector.shape_cast %swap3A_185 : vector<1x16xf32> to vector<16xf32>
      %swap3A_187 = vector.shape_cast %broadcast_in_dim3A_6 : vector<16xf32> to vector<1x16xf32>
      tpu.vector_store %arg18[%swap3A_183, %swap3A_184], %swap3A_187 {strides = array<i32>} : memref<80x72xf32, #tpu.memory_space<vmem>>, vector<1x16xf32>,
      %swap3A_188 = arith.index_cast %add3A_173 : i32 to index
      %swap3A_189 = arith.constant 48 : index
      %swap3A_190 = tpu.vector_load %arg18[%swap3A_188, %swap3A_189] {strides = array<i32>} : memref<80x72xf32, #tpu.memory_space<vmem>>, vector<1x16xf32>,
      %swap3A_191 = vector.shape_cast %swap3A_190 : vector<1x16xf32> to vector<16xf32>
      %swap3A_192 = vector.shape_cast %broadcast_in_dim3A_6 : vector<16xf32> to vector<1x16xf32>
      tpu.vector_store %arg18[%swap3A_188, %swap3A_189], %swap3A_192 {strides = array<i32>} : memref<80x72xf32, #tpu.memory_space<vmem>>, vector<1x16xf32>,
      %swap3A_193 = arith.index_cast %add3A_173 : i32 to index
      %swap3A_194 = arith.constant 56 : index
      %swap3A_195 = tpu.vector_load %arg18[%swap3A_193, %swap3A_194] {strides = array<i32>} : memref<80x72xf32, #tpu.memory_space<vmem>>, vector<1x16xf32>,
      %swap3A_196 = vector.shape_cast %swap3A_195 : vector<1x16xf32> to vector<16xf32>
      %swap3A_197 = vector.shape_cast %broadcast_in_dim3A_6 : vector<16xf32> to vector<1x16xf32>
      tpu.vector_store %arg18[%swap3A_193, %swap3A_194], %swap3A_197 {strides = array<i32>} : memref<80x72xf32, #tpu.memory_space<vmem>>, vector<1x16xf32>,
    }
    %scan3A_10 = arith.constant 80 : i32
    %add3A_11 = arith.constant 0 : i32
    %add3A_12 = arith.addi %mul3A_2, %add3A_11 : i32
    "tpu.region"() ({
      %run_scoped3A_169 = tpu.sem_alloc : memref<!tpu.dma_semaphore, #tpu.memory_space<semaphore_mem>>
      %dma_start3A_170 = arith.constant 0 : i32
      %dma_start3A_171 = tpu.memref_slice %arg7[%add3A_12, %dma_start3A_170] : memref<10240x72xf32, #tpu.memory_space<vmem_shared>> -> memref<80x72xf32, #tpu.memory_space<vmem_shared>>
      %dma_start3A_172 = arith.constant 0 : i32
      %dma_start3A_173 = tpu.memref_slice %arg7[%add3A_12, %dma_start3A_172] : memref<10240x72xf32, #tpu.memory_space<vmem_shared>> -> memref<80x72xf32, #tpu.memory_space<vmem_shared>>
      tpu.enqueue_dma source(%arg18 : memref<80x72xf32, #tpu.memory_space<vmem>>) target(%dma_start3A_173 : memref<80x72xf32, #tpu.memory_space<vmem_shared>>) target_semaphore(%run_scoped3A_169 : memref<!tpu.dma_semaphore, #tpu.memory_space<semaphore_mem>>)
      %dma_wait3A_174 = arith.constant 0 : i32
      %dma_wait3A_175 = tpu.memref_slice %arg7[%add3A_12, %dma_wait3A_174] : memref<10240x72xf32, #tpu.memory_space<vmem_shared>> -> memref<80x72xf32, #tpu.memory_space<vmem_shared>>
      %dma_wait3A_176 = arith.constant 0 : i32
      %dma_wait3A_177 = tpu.memref_slice %arg7[%add3A_12, %dma_wait3A_176] : memref<10240x72xf32, #tpu.memory_space<vmem_shared>> -> memref<80x72xf32, #tpu.memory_space<vmem_shared>>
      tpu.wait_dma2 semaphore(%run_scoped3A_169 : memref<!tpu.dma_semaphore, #tpu.memory_space<semaphore_mem>>) src(%arg18 : memref<80x72xf32, #tpu.memory_space<vmem>>) dst(%dma_wait3A_177 : memref<80x72xf32, #tpu.memory_space<vmem_shared>>)
      tpu.yield
    }) : () -> ()
    %add3A_13 = arith.constant 80 : i32
    %add3A_14 = arith.addi %mul3A_2, %add3A_13 : i32
    "tpu.region"() ({
      %run_scoped3A_169 = tpu.sem_alloc : memref<!tpu.dma_semaphore, #tpu.memory_space<semaphore_mem>>
      %dma_start3A_170 = arith.constant 0 : i32
      %dma_start3A_171 = tpu.memref_slice %arg7[%add3A_14, %dma_start3A_170] : memref<10240x72xf32, #tpu.memory_space<vmem_shared>> -> memref<80x72xf32, #tpu.memory_space<vmem_shared>>
      %dma_start3A_172 = arith.constant 0 : i32
      %dma_start3A_173 = tpu.memref_slice %arg7[%add3A_14, %dma_start3A_172] : memref<10240x72xf32, #tpu.memory_space<vmem_shared>> -> memref<80x72xf32, #tpu.memory_space<vmem_shared>>
      tpu.enqueue_dma source(%arg18 : memref<80x72xf32, #tpu.memory_space<vmem>>) target(%dma_start3A_173 : memref<80x72xf32, #tpu.memory_space<vmem_shared>>) target_semaphore(%run_scoped3A_169 : memref<!tpu.dma_semaphore, #tpu.memory_space<semaphore_mem>>)
      %dma_wait3A_174 = arith.constant 0 : i32
      %dma_wait3A_175 = tpu.memref_slice %arg7[%add3A_14, %dma_wait3A_174] : memref<10240x72xf32, #tpu.memory_space<vmem_shared>> -> memref<80x72xf32, #tpu.memory_space<vmem_shared>>
      %dma_wait3A_176 = arith.constant 0 : i32
      %dma_wait3A_177 = tpu.memref_slice %arg7[%add3A_14, %dma_wait3A_176] : memref<10240x72xf32, #tpu.memory_space<vmem_shared>> -> memref<80x72xf32, #tpu.memory_space<vmem_shared>>
      tpu.wait_dma2 semaphore(%run_scoped3A_169 : memref<!tpu.dma_semaphore, #tpu.memory_space<semaphore_mem>>) src(%arg18 : memref<80x72xf32, #tpu.memory_space<vmem>>) dst(%dma_wait3A_177 : memref<80x72xf32, #tpu.memory_space<vmem_shared>>)
      tpu.yield
    }) : () -> ()
    %add3A_15 = arith.constant 160 : i32
    %add3A_16 = arith.addi %mul3A_2, %add3A_15 : i32
    "tpu.region"() ({
      %run_scoped3A_169 = tpu.sem_alloc : memref<!tpu.dma_semaphore, #tpu.memory_space<semaphore_mem>>
      %dma_start3A_170 = arith.constant 0 : i32
      %dma_start3A_171 = tpu.memref_slice %arg7[%add3A_16, %dma_start3A_170] : memref<10240x72xf32, #tpu.memory_space<vmem_shared>> -> memref<80x72xf32, #tpu.memory_space<vmem_shared>>
      %dma_start3A_172 = arith.constant 0 : i32
      %dma_start3A_173 = tpu.memref_slice %arg7[%add3A_16, %dma_start3A_172] : memref<10240x72xf32, #tpu.memory_space<vmem_shared>> -> memref<80x72xf32, #tpu.memory_space<vmem_shared>>
      tpu.enqueue_dma source(%arg18 : memref<80x72xf32, #tpu.memory_space<vmem>>) target(%dma_start3A_173 : memref<80x72xf32, #tpu.memory_space<vmem_shared>>) target_semaphore(%run_scoped3A_169 : memref<!tpu.dma_semaphore, #tpu.memory_space<semaphore_mem>>)
      %dma_wait3A_174 = arith.constant 0 : i32
      %dma_wait3A_175 = tpu.memref_slice %arg7[%add3A_16, %dma_wait3A_174] : memref<10240x72xf32, #tpu.memory_space<vmem_shared>> -> memref<80x72xf32, #tpu.memory_space<vmem_shared>>
      %dma_wait3A_176 = arith.constant 0 : i32
      %dma_wait3A_177 = tpu.memref_slice %arg7[%add3A_16, %dma_wait3A_176] : memref<10240x72xf32, #tpu.memory_space<vmem_shared>> -> memref<80x72xf32, #tpu.memory_space<vmem_shared>>
      tpu.wait_dma2 semaphore(%run_scoped3A_169 : memref<!tpu.dma_semaphore, #tpu.memory_space<semaphore_mem>>) src(%arg18 : memref<80x72xf32, #tpu.memory_space<vmem>>) dst(%dma_wait3A_177 : memref<80x72xf32, #tpu.memory_space<vmem_shared>>)
      tpu.yield
    }) : () -> ()
    %add3A_17 = arith.constant 240 : i32
    %add3A_18 = arith.addi %mul3A_2, %add3A_17 : i32
    "tpu.region"() ({
      %run_scoped3A_169 = tpu.sem_alloc : memref<!tpu.dma_semaphore, #tpu.memory_space<semaphore_mem>>
      %dma_start3A_170 = arith.constant 0 : i32
      %dma_start3A_171 = tpu.memref_slice %arg7[%add3A_18, %dma_start3A_170] : memref<10240x72xf32, #tpu.memory_space<vmem_shared>> -> memref<80x72xf32, #tpu.memory_space<vmem_shared>>
      %dma_start3A_172 = arith.constant 0 : i32
      %dma_start3A_173 = tpu.memref_slice %arg7[%add3A_18, %dma_start3A_172] : memref<10240x72xf32, #tpu.memory_space<vmem_shared>> -> memref<80x72xf32, #tpu.memory_space<vmem_shared>>
      tpu.enqueue_dma source(%arg18 : memref<80x72xf32, #tpu.memory_space<vmem>>) target(%dma_start3A_173 : memref<80x72xf32, #tpu.memory_space<vmem_shared>>) target_semaphore(%run_scoped3A_169 : memref<!tpu.dma_semaphore, #tpu.memory_space<semaphore_mem>>)
      %dma_wait3A_174 = arith.constant 0 : i32
      %dma_wait3A_175 = tpu.memref_slice %arg7[%add3A_18, %dma_wait3A_174] : memref<10240x72xf32, #tpu.memory_space<vmem_shared>> -> memref<80x72xf32, #tpu.memory_space<vmem_shared>>
      %dma_wait3A_176 = arith.constant 0 : i32
      %dma_wait3A_177 = tpu.memref_slice %arg7[%add3A_18, %dma_wait3A_176] : memref<10240x72xf32, #tpu.memory_space<vmem_shared>> -> memref<80x72xf32, #tpu.memory_space<vmem_shared>>
      tpu.wait_dma2 semaphore(%run_scoped3A_169 : memref<!tpu.dma_semaphore, #tpu.memory_space<semaphore_mem>>) src(%arg18 : memref<80x72xf32, #tpu.memory_space<vmem>>) dst(%dma_wait3A_177 : memref<80x72xf32, #tpu.memory_space<vmem_shared>>)
      tpu.yield
    }) : () -> ()
    %add3A_19 = arith.constant 320 : i32
    %add3A_20 = arith.addi %mul3A_2, %add3A_19 : i32
    "tpu.region"() ({
      %run_scoped3A_169 = tpu.sem_alloc : memref<!tpu.dma_semaphore, #tpu.memory_space<semaphore_mem>>
      %dma_start3A_170 = arith.constant 0 : i32
      %dma_start3A_171 = tpu.memref_slice %arg7[%add3A_20, %dma_start3A_170] : memref<10240x72xf32, #tpu.memory_space<vmem_shared>> -> memref<80x72xf32, #tpu.memory_space<vmem_shared>>
      %dma_start3A_172 = arith.constant 0 : i32
      %dma_start3A_173 = tpu.memref_slice %arg7[%add3A_20, %dma_start3A_172] : memref<10240x72xf32, #tpu.memory_space<vmem_shared>> -> memref<80x72xf32, #tpu.memory_space<vmem_shared>>
      tpu.enqueue_dma source(%arg18 : memref<80x72xf32, #tpu.memory_space<vmem>>) target(%dma_start3A_173 : memref<80x72xf32, #tpu.memory_space<vmem_shared>>) target_semaphore(%run_scoped3A_169 : memref<!tpu.dma_semaphore, #tpu.memory_space<semaphore_mem>>)
      %dma_wait3A_174 = arith.constant 0 : i32
      %dma_wait3A_175 = tpu.memref_slice %arg7[%add3A_20, %dma_wait3A_174] : memref<10240x72xf32, #tpu.memory_space<vmem_shared>> -> memref<80x72xf32, #tpu.memory_space<vmem_shared>>
      %dma_wait3A_176 = arith.constant 0 : i32
      %dma_wait3A_177 = tpu.memref_slice %arg7[%add3A_20, %dma_wait3A_176] : memref<10240x72xf32, #tpu.memory_space<vmem_shared>> -> memref<80x72xf32, #tpu.memory_space<vmem_shared>>
      tpu.wait_dma2 semaphore(%run_scoped3A_169 : memref<!tpu.dma_semaphore, #tpu.memory_space<semaphore_mem>>) src(%arg18 : memref<80x72xf32, #tpu.memory_space<vmem>>) dst(%dma_wait3A_177 : memref<80x72xf32, #tpu.memory_space<vmem_shared>>)
      tpu.yield
    }) : () -> ()
    %add3A_21 = arith.constant 400 : i32
    %add3A_22 = arith.addi %mul3A_2, %add3A_21 : i32
    "tpu.region"() ({
      %run_scoped3A_169 = tpu.sem_alloc : memref<!tpu.dma_semaphore, #tpu.memory_space<semaphore_mem>>
      %dma_start3A_170 = arith.constant 0 : i32
      %dma_start3A_171 = tpu.memref_slice %arg7[%add3A_22, %dma_start3A_170] : memref<10240x72xf32, #tpu.memory_space<vmem_shared>> -> memref<80x72xf32, #tpu.memory_space<vmem_shared>>
      %dma_start3A_172 = arith.constant 0 : i32
      %dma_start3A_173 = tpu.memref_slice %arg7[%add3A_22, %dma_start3A_172] : memref<10240x72xf32, #tpu.memory_space<vmem_shared>> -> memref<80x72xf32, #tpu.memory_space<vmem_shared>>
      tpu.enqueue_dma source(%arg18 : memref<80x72xf32, #tpu.memory_space<vmem>>) target(%dma_start3A_173 : memref<80x72xf32, #tpu.memory_space<vmem_shared>>) target_semaphore(%run_scoped3A_169 : memref<!tpu.dma_semaphore, #tpu.memory_space<semaphore_mem>>)
      %dma_wait3A_174 = arith.constant 0 : i32
      %dma_wait3A_175 = tpu.memref_slice %arg7[%add3A_22, %dma_wait3A_174] : memref<10240x72xf32, #tpu.memory_space<vmem_shared>> -> memref<80x72xf32, #tpu.memory_space<vmem_shared>>
      %dma_wait3A_176 = arith.constant 0 : i32
      %dma_wait3A_177 = tpu.memref_slice %arg7[%add3A_22, %dma_wait3A_176] : memref<10240x72xf32, #tpu.memory_space<vmem_shared>> -> memref<80x72xf32, #tpu.memory_space<vmem_shared>>
      tpu.wait_dma2 semaphore(%run_scoped3A_169 : memref<!tpu.dma_semaphore, #tpu.memory_space<semaphore_mem>>) src(%arg18 : memref<80x72xf32, #tpu.memory_space<vmem>>) dst(%dma_wait3A_177 : memref<80x72xf32, #tpu.memory_space<vmem_shared>>)
      tpu.yield
    }) : () -> ()
    %add3A_23 = arith.constant 480 : i32
    %add3A_24 = arith.addi %mul3A_2, %add3A_23 : i32
    "tpu.region"() ({
      %run_scoped3A_169 = tpu.sem_alloc : memref<!tpu.dma_semaphore, #tpu.memory_space<semaphore_mem>>
      %dma_start3A_170 = arith.constant 0 : i32
      %dma_start3A_171 = tpu.memref_slice %arg7[%add3A_24, %dma_start3A_170] : memref<10240x72xf32, #tpu.memory_space<vmem_shared>> -> memref<80x72xf32, #tpu.memory_space<vmem_shared>>
      %dma_start3A_172 = arith.constant 0 : i32
      %dma_start3A_173 = tpu.memref_slice %arg7[%add3A_24, %dma_start3A_172] : memref<10240x72xf32, #tpu.memory_space<vmem_shared>> -> memref<80x72xf32, #tpu.memory_space<vmem_shared>>
      tpu.enqueue_dma source(%arg18 : memref<80x72xf32, #tpu.memory_space<vmem>>) target(%dma_start3A_173 : memref<80x72xf32, #tpu.memory_space<vmem_shared>>) target_semaphore(%run_scoped3A_169 : memref<!tpu.dma_semaphore, #tpu.memory_space<semaphore_mem>>)
      %dma_wait3A_174 = arith.constant 0 : i32
      %dma_wait3A_175 = tpu.memref_slice %arg7[%add3A_24, %dma_wait3A_174] : memref<10240x72xf32, #tpu.memory_space<vmem_shared>> -> memref<80x72xf32, #tpu.memory_space<vmem_shared>>
      %dma_wait3A_176 = arith.constant 0 : i32
      %dma_wait3A_177 = tpu.memref_slice %arg7[%add3A_24, %dma_wait3A_176] : memref<10240x72xf32, #tpu.memory_space<vmem_shared>> -> memref<80x72xf32, #tpu.memory_space<vmem_shared>>
      tpu.wait_dma2 semaphore(%run_scoped3A_169 : memref<!tpu.dma_semaphore, #tpu.memory_space<semaphore_mem>>) src(%arg18 : memref<80x72xf32, #tpu.memory_space<vmem>>) dst(%dma_wait3A_177 : memref<80x72xf32, #tpu.memory_space<vmem_shared>>)
      tpu.yield
    }) : () -> ()
    %add3A_25 = arith.constant 560 : i32
    %add3A_26 = arith.addi %mul3A_2, %add3A_25 : i32
    "tpu.region"() ({
      %run_scoped3A_169 = tpu.sem_alloc : memref<!tpu.dma_semaphore, #tpu.memory_space<semaphore_mem>>
      %dma_start3A_170 = arith.constant 0 : i32
      %dma_start3A_171 = tpu.memref_slice %arg7[%add3A_26, %dma_start3A_170] : memref<10240x72xf32, #tpu.memory_space<vmem_shared>> -> memref<80x72xf32, #tpu.memory_space<vmem_shared>>
      %dma_start3A_172 = arith.constant 0 : i32
      %dma_start3A_173 = tpu.memref_slice %arg7[%add3A_26, %dma_start3A_172] : memref<10240x72xf32, #tpu.memory_space<vmem_shared>> -> memref<80x72xf32, #tpu.memory_space<vmem_shared>>
      tpu.enqueue_dma source(%arg18 : memref<80x72xf32, #tpu.memory_space<vmem>>) target(%dma_start3A_173 : memref<80x72xf32, #tpu.memory_space<vmem_shared>>) target_semaphore(%run_scoped3A_169 : memref<!tpu.dma_semaphore, #tpu.memory_space<semaphore_mem>>)
      %dma_wait3A_174 = arith.constant 0 : i32
      %dma_wait3A_175 = tpu.memref_slice %arg7[%add3A_26, %dma_wait3A_174] : memref<10240x72xf32, #tpu.memory_space<vmem_shared>> -> memref<80x72xf32, #tpu.memory_space<vmem_shared>>
      %dma_wait3A_176 = arith.constant 0 : i32
      %dma_wait3A_177 = tpu.memref_slice %arg7[%add3A_26, %dma_wait3A_176] : memref<10240x72xf32, #tpu.memory_space<vmem_shared>> -> memref<80x72xf32, #tpu.memory_space<vmem_shared>>
      tpu.wait_dma2 semaphore(%run_scoped3A_169 : memref<!tpu.dma_semaphore, #tpu.memory_space<semaphore_mem>>) src(%arg18 : memref<80x72xf32, #tpu.memory_space<vmem>>) dst(%dma_wait3A_177 : memref<80x72xf32, #tpu.memory_space<vmem_shared>>)
      tpu.yield
    }) : () -> ()
    %iota3A = tpu.iota {dimensions = array<i32: 0>} : vector<16xi32>
    %add3A_27 = arith.constant 8 : i32
    %add3A_28 = vector.broadcast %add3A_27 : i32 to vector<16xi32>
    %add3A_29 = arith.addi %iota3A, %add3A_28 : vector<16xi32>
    %and3A = arith.constant 15 : i32
    %and3A_30 = vector.broadcast %and3A : i32 to vector<16xi32>
    %and3A_31 = arith.andi %add3A_29, %and3A_30 : vector<16xi32>
    %shift_right_arithmetic3A = arith.constant 3 : i32
    %shift_right_arithmetic3A_32 = vector.broadcast %shift_right_arithmetic3A : i32 to vector<16xi32>
    %shift_right_arithmetic3A_33 = arith.shrsi %iota3A, %shift_right_arithmetic3A_32 : vector<16xi32>
    %add3A_34 = arith.constant 8 : i32
    %add3A_35 = vector.broadcast %add3A_34 : i32 to vector<16xi32>
    %add3A_36 = arith.addi %add3A_35, %shift_right_arithmetic3A_33 : vector<16xi32>
    %shift_right_arithmetic3A_37 = arith.constant 3 : i32
    %shift_right_arithmetic3A_38 = vector.broadcast %shift_right_arithmetic3A_37 : i32 to vector<16xi32>
    %shift_right_arithmetic3A_39 = arith.shrsi %iota3A, %shift_right_arithmetic3A_38 : vector<16xi32>
    %add3A_40 = arith.constant 10 : i32
    %add3A_41 = vector.broadcast %add3A_40 : i32 to vector<16xi32>
    %add3A_42 = arith.addi %add3A_41, %shift_right_arithmetic3A_39 : vector<16xi32>
    %shift_right_arithmetic3A_43 = arith.constant 3 : i32
    %shift_right_arithmetic3A_44 = vector.broadcast %shift_right_arithmetic3A_43 : i32 to vector<16xi32>
    %shift_right_arithmetic3A_45 = arith.shrsi %iota3A, %shift_right_arithmetic3A_44 : vector<16xi32>
    %add3A_46 = arith.constant 12 : i32
    %add3A_47 = vector.broadcast %add3A_46 : i32 to vector<16xi32>
    %add3A_48 = arith.addi %add3A_47, %shift_right_arithmetic3A_45 : vector<16xi32>
    %shift_right_arithmetic3A_49 = arith.constant 3 : i32
    %shift_right_arithmetic3A_50 = vector.broadcast %shift_right_arithmetic3A_49 : i32 to vector<16xi32>
    %shift_right_arithmetic3A_51 = arith.shrsi %iota3A, %shift_right_arithmetic3A_50 : vector<16xi32>
    %add3A_52 = arith.constant 14 : i32
    %add3A_53 = vector.broadcast %add3A_52 : i32 to vector<16xi32>
    %add3A_54 = arith.addi %add3A_53, %shift_right_arithmetic3A_51 : vector<16xi32>
    %get3A = arith.constant 0 : index
    %get3A_55 = tpu.vector_load %arg22[%get3A] {strides = array<i32>} : memref<16xf32, #tpu.memory_space<vmem>>, vector<16xf32>,
    %get3A_56 = vector.shape_cast %get3A_55 : vector<16xf32> to vector<16xf32>
    %barrier3A = arith.constant 0 : index
    tpu.barrier barrier_id(%barrier3A)
    %dma_start3A = arith.constant 0 : i32
    %dma_start3A_57 = arith.constant 0 : i32
    %dma_start3A_58 = tpu.memref_slice %arg8[%dma_start3A, %dma_start3A_57] : memref<125x80xi32, #tpu.memory_space<vmem>> -> memref<1x80xi32, #tpu.memory_space<vmem>>
    %dma_start3A_59 = tpu.memref_squeeze %dma_start3A_58 : memref<1x80xi32, #tpu.memory_space<vmem>> -> memref<80xi32, #tpu.memory_space<vmem>>
    %dma_start3A_60 = arith.constant 0 : i32
    %dma_start3A_61 = arith.constant 0 : i32
    %dma_start3A_62 = tpu.memref_slice %arg3[%dma_start3A_60, %dma_start3A_61] : memref<10000x80xf32, #tpu.memory_space<hbm>> -> memref<10000x80xf32, #tpu.memory_space<hbm>>
    tpu.enqueue_indirect_dma source(%dma_start3A_62 : memref<10000x80xf32, #tpu.memory_space<hbm>>) target(%arg10 : memref<80x80xf32, #tpu.memory_space<vmem>>) offsets(%dma_start3A_59 : memref<80xi32, #tpu.memory_space<vmem>>) semaphore(%arg23 : memref<!tpu.dma_semaphore, #tpu.memory_space<semaphore_mem>>)
    %dma_start3A_63 = arith.constant 0 : i32
    %dma_start3A_64 = arith.constant 0 : i32
    %dma_start3A_65 = tpu.memref_slice %arg9[%dma_start3A_63, %dma_start3A_64] : memref<125x80xi32, #tpu.memory_space<vmem>> -> memref<1x80xi32, #tpu.memory_space<vmem>>
    %dma_start3A_66 = tpu.memref_squeeze %dma_start3A_65 : memref<1x80xi32, #tpu.memory_space<vmem>> -> memref<80xi32, #tpu.memory_space<vmem>>
    %dma_start3A_67 = arith.constant 0 : i32
    %dma_start3A_68 = arith.constant 0 : i32
    %dma_start3A_69 = tpu.memref_slice %arg4[%dma_start3A_67, %dma_start3A_68] : memref<10000x16xf32, #tpu.memory_space<hbm>> -> memref<10000x16xf32, #tpu.memory_space<hbm>>
    tpu.enqueue_indirect_dma source(%dma_start3A_69 : memref<10000x16xf32, #tpu.memory_space<hbm>>) target(%arg14 : memref<80x16xf32, #tpu.memory_space<vmem>>) offsets(%dma_start3A_66 : memref<80xi32, #tpu.memory_space<vmem>>) semaphore(%arg23 : memref<!tpu.dma_semaphore, #tpu.memory_space<semaphore_mem>>)
    %dma_start3A_70 = arith.constant 1 : i32
    %dma_start3A_71 = arith.constant 0 : i32
    %dma_start3A_72 = tpu.memref_slice %arg8[%dma_start3A_70, %dma_start3A_71] : memref<125x80xi32, #tpu.memory_space<vmem>> -> memref<1x80xi32, #tpu.memory_space<vmem>>
    %dma_start3A_73 = tpu.memref_squeeze %dma_start3A_72 : memref<1x80xi32, #tpu.memory_space<vmem>> -> memref<80xi32, #tpu.memory_space<vmem>>
    %dma_start3A_74 = arith.constant 0 : i32
    %dma_start3A_75 = arith.constant 0 : i32
    %dma_start3A_76 = tpu.memref_slice %arg3[%dma_start3A_74, %dma_start3A_75] : memref<10000x80xf32, #tpu.memory_space<hbm>> -> memref<10000x80xf32, #tpu.memory_space<hbm>>
    tpu.enqueue_indirect_dma source(%dma_start3A_76 : memref<10000x80xf32, #tpu.memory_space<hbm>>) target(%arg11 : memref<80x80xf32, #tpu.memory_space<vmem>>) offsets(%dma_start3A_73 : memref<80xi32, #tpu.memory_space<vmem>>) semaphore(%arg24 : memref<!tpu.dma_semaphore, #tpu.memory_space<semaphore_mem>>)
    %dma_start3A_77 = arith.constant 1 : i32
    %dma_start3A_78 = arith.constant 0 : i32
    %dma_start3A_79 = tpu.memref_slice %arg9[%dma_start3A_77, %dma_start3A_78] : memref<125x80xi32, #tpu.memory_space<vmem>> -> memref<1x80xi32, #tpu.memory_space<vmem>>
    %dma_start3A_80 = tpu.memref_squeeze %dma_start3A_79 : memref<1x80xi32, #tpu.memory_space<vmem>> -> memref<80xi32, #tpu.memory_space<vmem>>
    %dma_start3A_81 = arith.constant 0 : i32
    %dma_start3A_82 = arith.constant 0 : i32
    %dma_start3A_83 = tpu.memref_slice %arg4[%dma_start3A_81, %dma_start3A_82] : memref<10000x16xf32, #tpu.memory_space<hbm>> -> memref<10000x16xf32, #tpu.memory_space<hbm>>
    tpu.enqueue_indirect_dma source(%dma_start3A_83 : memref<10000x16xf32, #tpu.memory_space<hbm>>) target(%arg15 : memref<80x16xf32, #tpu.memory_space<vmem>>) offsets(%dma_start3A_80 : memref<80xi32, #tpu.memory_space<vmem>>) semaphore(%arg24 : memref<!tpu.dma_semaphore, #tpu.memory_space<semaphore_mem>>)
    %dma_start3A_84 = arith.constant 2 : i32
    %dma_start3A_85 = arith.constant 0 : i32
    %dma_start3A_86 = tpu.memref_slice %arg8[%dma_start3A_84, %dma_start3A_85] : memref<125x80xi32, #tpu.memory_space<vmem>> -> memref<1x80xi32, #tpu.memory_space<vmem>>
    %dma_start3A_87 = tpu.memref_squeeze %dma_start3A_86 : memref<1x80xi32, #tpu.memory_space<vmem>> -> memref<80xi32, #tpu.memory_space<vmem>>
    %dma_start3A_88 = arith.constant 0 : i32
    %dma_start3A_89 = arith.constant 0 : i32
    %dma_start3A_90 = tpu.memref_slice %arg3[%dma_start3A_88, %dma_start3A_89] : memref<10000x80xf32, #tpu.memory_space<hbm>> -> memref<10000x80xf32, #tpu.memory_space<hbm>>
    tpu.enqueue_indirect_dma source(%dma_start3A_90 : memref<10000x80xf32, #tpu.memory_space<hbm>>) target(%arg12 : memref<80x80xf32, #tpu.memory_space<vmem>>) offsets(%dma_start3A_87 : memref<80xi32, #tpu.memory_space<vmem>>) semaphore(%arg25 : memref<!tpu.dma_semaphore, #tpu.memory_space<semaphore_mem>>)
    %dma_start3A_91 = arith.constant 2 : i32
    %dma_start3A_92 = arith.constant 0 : i32
    %dma_start3A_93 = tpu.memref_slice %arg9[%dma_start3A_91, %dma_start3A_92] : memref<125x80xi32, #tpu.memory_space<vmem>> -> memref<1x80xi32, #tpu.memory_space<vmem>>
    %dma_start3A_94 = tpu.memref_squeeze %dma_start3A_93 : memref<1x80xi32, #tpu.memory_space<vmem>> -> memref<80xi32, #tpu.memory_space<vmem>>
    %dma_start3A_95 = arith.constant 0 : i32
    %dma_start3A_96 = arith.constant 0 : i32
    %dma_start3A_97 = tpu.memref_slice %arg4[%dma_start3A_95, %dma_start3A_96] : memref<10000x16xf32, #tpu.memory_space<hbm>> -> memref<10000x16xf32, #tpu.memory_space<hbm>>
    tpu.enqueue_indirect_dma source(%dma_start3A_97 : memref<10000x16xf32, #tpu.memory_space<hbm>>) target(%arg16 : memref<80x16xf32, #tpu.memory_space<vmem>>) offsets(%dma_start3A_94 : memref<80xi32, #tpu.memory_space<vmem>>) semaphore(%arg25 : memref<!tpu.dma_semaphore, #tpu.memory_space<semaphore_mem>>)
    %scan3A_98 = arith.constant 0 : i32
    %scan3A_99 = arith.constant 31 : i32
    %scan3A_100 = arith.addi %scan3A_98, %scan3A_99 : i32
    %scan3A_101 = arith.constant 1 : i32
    scf.for %scan3A_169 = %scan3A_98 to %scan3A_100 step %scan3A_101  : i32 {
      %mul3A_170 = arith.constant 1 : i32
      %mul3A_171 = arith.muli %scan3A_169, %mul3A_170 : i32
      %add3A_172 = arith.constant 0 : i32
      %add3A_173 = arith.addi %add3A_172, %mul3A_171 : i32
      %mul3A_174 = arith.constant 4 : i32
      %mul3A_175 = arith.muli %mul3A_174, %add3A_173 : i32
      %add3A_176 = arith.constant 0 : i32
      %add3A_177 = arith.addi %mul3A_175, %add3A_176 : i32
      %dma_wait3A_178 = arith.constant 0 : i32
      %dma_wait3A_179 = arith.constant 0 : i32
      %dma_wait3A_180 = tpu.memref_slice %arg3[%dma_wait3A_178, %dma_wait3A_179] : memref<10000x80xf32, #tpu.memory_space<hbm>> -> memref<80x80xf32, #tpu.memory_space<hbm>>
      %dma_wait3A_181 = arith.constant 0 : i32
      %dma_wait3A_182 = arith.constant 0 : i32
      %dma_wait3A_183 = tpu.memref_slice %arg3[%dma_wait3A_181, %dma_wait3A_182] : memref<10000x80xf32, #tpu.memory_space<hbm>> -> memref<80x80xf32, #tpu.memory_space<hbm>>
      tpu.wait_dma2 semaphore(%arg23 : memref<!tpu.dma_semaphore, #tpu.memory_space<semaphore_mem>>) src(%dma_wait3A_183 : memref<80x80xf32, #tpu.memory_space<hbm>>) dst(%arg10 : memref<80x80xf32, #tpu.memory_space<vmem>>)
      %dma_wait3A_184 = arith.constant 0 : i32
      %dma_wait3A_185 = arith.constant 0 : i32
      %dma_wait3A_186 = tpu.memref_slice %arg4[%dma_wait3A_184, %dma_wait3A_185] : memref<10000x16xf32, #tpu.memory_space<hbm>> -> memref<80x16xf32, #tpu.memory_space<hbm>>
      %dma_wait3A_187 = arith.constant 0 : i32
      %dma_wait3A_188 = arith.constant 0 : i32
      %dma_wait3A_189 = tpu.memref_slice %arg4[%dma_wait3A_187, %dma_wait3A_188] : memref<10000x16xf32, #tpu.memory_space<hbm>> -> memref<80x16xf32, #tpu.memory_space<hbm>>
      tpu.wait_dma2 semaphore(%arg23 : memref<!tpu.dma_semaphore, #tpu.memory_space<semaphore_mem>>) src(%dma_wait3A_189 : memref<80x16xf32, #tpu.memory_space<hbm>>) dst(%arg14 : memref<80x16xf32, #tpu.memory_space<vmem>>)
      %add3A_190 = arith.constant 3 : i32
      %add3A_191 = arith.addi %add3A_177, %add3A_190 : i32
      %lt3A = arith.constant 125 : i32
      %lt3A_192 = arith.cmpi slt, %add3A_191, %lt3A : i32
      %convert_element_type3A = arith.extui %lt3A_192 : i1 to i32
      %cond3A = arith.constant 0 : i32
      %cond3A_193 = arith.cmpi ne, %convert_element_type3A, %cond3A : i32
      scf.if %cond3A_193 {
        %dma_start3A_312 = arith.constant 0 : i32
        %dma_start3A_313 = tpu.memref_slice %arg8[%add3A_191, %dma_start3A_312] : memref<125x80xi32, #tpu.memory_space<vmem>> -> memref<1x80xi32, #tpu.memory_space<vmem>>
        %dma_start3A_314 = tpu.memref_squeeze %dma_start3A_313 : memref<1x80xi32, #tpu.memory_space<vmem>> -> memref<80xi32, #tpu.memory_space<vmem>>
        %dma_start3A_315 = arith.constant 0 : i32
        %dma_start3A_316 = arith.constant 0 : i32
        %dma_start3A_317 = tpu.memref_slice %arg3[%dma_start3A_315, %dma_start3A_316] : memref<10000x80xf32, #tpu.memory_space<hbm>> -> memref<10000x80xf32, #tpu.memory_space<hbm>>
        tpu.enqueue_indirect_dma source(%dma_start3A_317 : memref<10000x80xf32, #tpu.memory_space<hbm>>) target(%arg13 : memref<80x80xf32, #tpu.memory_space<vmem>>) offsets(%dma_start3A_314 : memref<80xi32, #tpu.memory_space<vmem>>) semaphore(%arg26 : memref<!tpu.dma_semaphore, #tpu.memory_space<semaphore_mem>>)
        %dma_start3A_318 = arith.constant 0 : i32
        %dma_start3A_319 = tpu.memref_slice %arg9[%add3A_191, %dma_start3A_318] : memref<125x80xi32, #tpu.memory_space<vmem>> -> memref<1x80xi32, #tpu.memory_space<vmem>>
        %dma_start3A_320 = tpu.memref_squeeze %dma_start3A_319 : memref<1x80xi32, #tpu.memory_space<vmem>> -> memref<80xi32, #tpu.memory_space<vmem>>
        %dma_start3A_321 = arith.constant 0 : i32
        %dma_start3A_322 = arith.constant 0 : i32
        %dma_start3A_323 = tpu.memref_slice %arg4[%dma_start3A_321, %dma_start3A_322] : memref<10000x16xf32, #tpu.memory_space<hbm>> -> memref<10000x16xf32, #tpu.memory_space<hbm>>
        tpu.enqueue_indirect_dma source(%dma_start3A_323 : memref<10000x16xf32, #tpu.memory_space<hbm>>) target(%arg17 : memref<80x16xf32, #tpu.memory_space<vmem>>) offsets(%dma_start3A_320 : memref<80xi32, #tpu.memory_space<vmem>>) semaphore(%arg26 : memref<!tpu.dma_semaphore, #tpu.memory_space<semaphore_mem>>)
      } else {
      }
      %gt3A = arith.constant 0 : i32
      %gt3A_194 = arith.cmpi sgt, %add3A_173, %gt3A : i32
      %convert_element_type3A_195 = arith.extui %gt3A_194 : i1 to i32
      %cond3A_196 = arith.constant 0 : i32
      %cond3A_197 = arith.cmpi ne, %convert_element_type3A_195, %cond3A_196 : i32
      scf.if %cond3A_197 {
        %dma_wait3A_312 = arith.constant 0 : i32
        %dma_wait3A_313 = arith.constant 0 : i32
        %dma_wait3A_314 = arith.constant 0 : i32
        %dma_wait3A_315 = tpu.memref_slice %arg6[%dma_wait3A_312, %dma_wait3A_313, %dma_wait3A_314] : memref<2x10240x72xf32, #tpu.memory_space<hbm>> -> memref<1x80x72xf32, #tpu.memory_space<hbm>>
        %dma_wait3A_316 = tpu.memref_squeeze %dma_wait3A_315 : memref<1x80x72xf32, #tpu.memory_space<hbm>> -> memref<80x72xf32, #tpu.memory_space<hbm>>
        %dma_wait3A_317 = arith.constant 0 : i32
        %dma_wait3A_318 = arith.constant 0 : i32
        %dma_wait3A_319 = tpu.memref_slice %arg6[%dma_wait3A_312, %dma_wait3A_317, %dma_wait3A_318] : memref<2x10240x72xf32, #tpu.memory_space<hbm>> -> memref<1x80x72xf32, #tpu.memory_space<hbm>>
        %dma_wait3A_320 = tpu.memref_squeeze %dma_wait3A_319 : memref<1x80x72xf32, #tpu.memory_space<hbm>> -> memref<80x72xf32, #tpu.memory_space<hbm>>
        tpu.wait_dma2 semaphore(%arg27 : memref<!tpu.dma_semaphore, #tpu.memory_space<semaphore_mem>>) src(%dma_wait3A_320 : memref<80x72xf32, #tpu.memory_space<hbm>>) dst(%arg18 : memref<80x72xf32, #tpu.memory_space<vmem>>)
      } else {
      }
      %parallel_loop3A_198 = arith.constant 0 : i32
      %parallel_loop3A_199 = arith.constant 80 : i32
      %parallel_loop3A_200 = arith.constant 1 : i32
      scf.for %parallel_loop3A_312 = %parallel_loop3A_198 to %parallel_loop3A_199 step %parallel_loop3A_200  : i32 {
        %parallel_loop3A_313 = arith.index_cast %parallel_loop3A_312 : i32 to index
        %parallel_loop3A_314 = arith.constant 0 : index
        %parallel_loop3A_315 = tpu.vector_load %arg10[%parallel_loop3A_313, %parallel_loop3A_314] {strides = array<i32>} : memref<80x80xf32, #tpu.memory_space<vmem>>, vector<1x16xf32>,
        %parallel_loop3A_316 = vector.shape_cast %parallel_loop3A_315 : vector<1x16xf32> to vector<16xf32>
        %parallel_loop3A_317 = vector.shape_cast %and3A_31 : vector<16xi32> to vector<16x1xi32>
        %parallel_loop3A_318 = vector.shape_cast %parallel_loop3A_317 : vector<16x1xi32> to vector<16xi32>
        %parallel_loop3A_319 = tpu.dynamic_gather %parallel_loop3A_316[%parallel_loop3A_318] in [0] : vector<16xf32>, vector<16xi32> -> vector<16xf32>
        %parallel_loop3A_320 = arith.index_cast %parallel_loop3A_312 : i32 to index
        %parallel_loop3A_321 = arith.constant 0 : index
        %parallel_loop3A_322 = tpu.vector_load %arg14[%parallel_loop3A_320, %parallel_loop3A_321] {strides = array<i32>} : memref<80x16xf32, #tpu.memory_space<vmem>>, vector<1x16xf32>,
        %parallel_loop3A_323 = vector.shape_cast %parallel_loop3A_322 : vector<1x16xf32> to vector<16xf32>
        %parallel_loop3A_324 = arith.addf %parallel_loop3A_319, %parallel_loop3A_323 : vector<16xf32>
        %parallel_loop3A_325 = arith.constant 2.000000e-01 : f32
        %parallel_loop3A_326 = vector.broadcast %parallel_loop3A_325 : f32 to vector<16xf32>
        %parallel_loop3A_327 = arith.mulf %parallel_loop3A_326, %parallel_loop3A_324 : vector<16xf32>
        %parallel_loop3A_328 = arith.maximumf %parallel_loop3A_324, %parallel_loop3A_327 : vector<16xf32>
        %parallel_loop3A_329 = arith.subf %parallel_loop3A_328, %get3A_56 : vector<16xf32>
        %parallel_loop3A_330 = math.exp %parallel_loop3A_329 : vector<16xf32>
        %parallel_loop3A_331 = arith.index_cast %parallel_loop3A_312 : i32 to index
        %parallel_loop3A_332 = arith.constant 56 : index
        %parallel_loop3A_333 = tpu.vector_load %arg18[%parallel_loop3A_331, %parallel_loop3A_332] {strides = array<i32>} : memref<80x72xf32, #tpu.memory_space<vmem>>, vector<1x16xf32>,
        %parallel_loop3A_334 = vector.shape_cast %parallel_loop3A_333 : vector<1x16xf32> to vector<16xf32>
        %parallel_loop3A_335 = vector.shape_cast %parallel_loop3A_330 : vector<16xf32> to vector<1x16xf32>
        tpu.vector_store %arg18[%parallel_loop3A_331, %parallel_loop3A_332], %parallel_loop3A_335 {strides = array<i32>} : memref<80x72xf32, #tpu.memory_space<vmem>>, vector<1x16xf32>,
        %parallel_loop3A_336 = arith.index_cast %parallel_loop3A_312 : i32 to index
        %parallel_loop3A_337 = arith.constant 16 : index
        %parallel_loop3A_338 = tpu.vector_load %arg10[%parallel_loop3A_336, %parallel_loop3A_337] {strides = array<i32>} : memref<80x80xf32, #tpu.memory_space<vmem>>, vector<1x16xf32>,
        %parallel_loop3A_339 = vector.shape_cast %parallel_loop3A_338 : vector<1x16xf32> to vector<16xf32>
        %parallel_loop3A_340 = vector.shape_cast %add3A_36 : vector<16xi32> to vector<16x1xi32>
        %parallel_loop3A_341 = vector.shape_cast %parallel_loop3A_340 : vector<16x1xi32> to vector<16xi32>
        %parallel_loop3A_342 = tpu.dynamic_gather %parallel_loop3A_330[%parallel_loop3A_341] in [0] : vector<16xf32>, vector<16xi32> -> vector<16xf32>
        %parallel_loop3A_343 = arith.mulf %parallel_loop3A_339, %parallel_loop3A_342 : vector<16xf32>
        %parallel_loop3A_344 = arith.index_cast %parallel_loop3A_312 : i32 to index
        %parallel_loop3A_345 = arith.constant 0 : index
        %parallel_loop3A_346 = tpu.vector_load %arg18[%parallel_loop3A_344, %parallel_loop3A_345] {strides = array<i32>} : memref<80x72xf32, #tpu.memory_space<vmem>>, vector<1x16xf32>,
        %parallel_loop3A_347 = vector.shape_cast %parallel_loop3A_346 : vector<1x16xf32> to vector<16xf32>
        %parallel_loop3A_348 = vector.shape_cast %parallel_loop3A_343 : vector<16xf32> to vector<1x16xf32>
        tpu.vector_store %arg18[%parallel_loop3A_344, %parallel_loop3A_345], %parallel_loop3A_348 {strides = array<i32>} : memref<80x72xf32, #tpu.memory_space<vmem>>, vector<1x16xf32>,
        %parallel_loop3A_349 = arith.index_cast %parallel_loop3A_312 : i32 to index
        %parallel_loop3A_350 = arith.constant 32 : index
        %parallel_loop3A_351 = tpu.vector_load %arg10[%parallel_loop3A_349, %parallel_loop3A_350] {strides = array<i32>} : memref<80x80xf32, #tpu.memory_space<vmem>>, vector<1x16xf32>,
        %parallel_loop3A_352 = vector.shape_cast %parallel_loop3A_351 : vector<1x16xf32> to vector<16xf32>
        %parallel_loop3A_353 = vector.shape_cast %add3A_42 : vector<16xi32> to vector<16x1xi32>
        %parallel_loop3A_354 = vector.shape_cast %parallel_loop3A_353 : vector<16x1xi32> to vector<16xi32>
        %parallel_loop3A_355 = tpu.dynamic_gather %parallel_loop3A_330[%parallel_loop3A_354] in [0] : vector<16xf32>, vector<16xi32> -> vector<16xf32>
        %parallel_loop3A_356 = arith.mulf %parallel_loop3A_352, %parallel_loop3A_355 : vector<16xf32>
        %parallel_loop3A_357 = arith.index_cast %parallel_loop3A_312 : i32 to index
        %parallel_loop3A_358 = arith.constant 16 : index
        %parallel_loop3A_359 = tpu.vector_load %arg18[%parallel_loop3A_357, %parallel_loop3A_358] {strides = array<i32>} : memref<80x72xf32, #tpu.memory_space<vmem>>, vector<1x16xf32>,
        %parallel_loop3A_360 = vector.shape_cast %parallel_loop3A_359 : vector<1x16xf32> to vector<16xf32>
        %parallel_loop3A_361 = vector.shape_cast %parallel_loop3A_356 : vector<16xf32> to vector<1x16xf32>
        tpu.vector_store %arg18[%parallel_loop3A_357, %parallel_loop3A_358], %parallel_loop3A_361 {strides = array<i32>} : memref<80x72xf32, #tpu.memory_space<vmem>>, vector<1x16xf32>,
        %parallel_loop3A_362 = arith.index_cast %parallel_loop3A_312 : i32 to index
        %parallel_loop3A_363 = arith.constant 48 : index
        %parallel_loop3A_364 = tpu.vector_load %arg10[%parallel_loop3A_362, %parallel_loop3A_363] {strides = array<i32>} : memref<80x80xf32, #tpu.memory_space<vmem>>, vector<1x16xf32>,
        %parallel_loop3A_365 = vector.shape_cast %parallel_loop3A_364 : vector<1x16xf32> to vector<16xf32>
        %parallel_loop3A_366 = vector.shape_cast %add3A_48 : vector<16xi32> to vector<16x1xi32>
        %parallel_loop3A_367 = vector.shape_cast %parallel_loop3A_366 : vector<16x1xi32> to vector<16xi32>
        %parallel_loop3A_368 = tpu.dynamic_gather %parallel_loop3A_330[%parallel_loop3A_367] in [0] : vector<16xf32>, vector<16xi32> -> vector<16xf32>
        %parallel_loop3A_369 = arith.mulf %parallel_loop3A_365, %parallel_loop3A_368 : vector<16xf32>
        %parallel_loop3A_370 = arith.index_cast %parallel_loop3A_312 : i32 to index
        %parallel_loop3A_371 = arith.constant 32 : index
        %parallel_loop3A_372 = tpu.vector_load %arg18[%parallel_loop3A_370, %parallel_loop3A_371] {strides = array<i32>} : memref<80x72xf32, #tpu.memory_space<vmem>>, vector<1x16xf32>,
        %parallel_loop3A_373 = vector.shape_cast %parallel_loop3A_372 : vector<1x16xf32> to vector<16xf32>
        %parallel_loop3A_374 = vector.shape_cast %parallel_loop3A_369 : vector<16xf32> to vector<1x16xf32>
        tpu.vector_store %arg18[%parallel_loop3A_370, %parallel_loop3A_371], %parallel_loop3A_374 {strides = array<i32>} : memref<80x72xf32, #tpu.memory_space<vmem>>, vector<1x16xf32>,
        %parallel_loop3A_375 = arith.index_cast %parallel_loop3A_312 : i32 to index
        %parallel_loop3A_376 = arith.constant 64 : index
        %parallel_loop3A_377 = tpu.vector_load %arg10[%parallel_loop3A_375, %parallel_loop3A_376] {strides = array<i32>} : memref<80x80xf32, #tpu.memory_space<vmem>>, vector<1x16xf32>,
        %parallel_loop3A_378 = vector.shape_cast %parallel_loop3A_377 : vector<1x16xf32> to vector<16xf32>
        %parallel_loop3A_379 = vector.shape_cast %add3A_54 : vector<16xi32> to vector<16x1xi32>
        %parallel_loop3A_380 = vector.shape_cast %parallel_loop3A_379 : vector<16x1xi32> to vector<16xi32>
        %parallel_loop3A_381 = tpu.dynamic_gather %parallel_loop3A_330[%parallel_loop3A_380] in [0] : vector<16xf32>, vector<16xi32> -> vector<16xf32>
        %parallel_loop3A_382 = arith.mulf %parallel_loop3A_378, %parallel_loop3A_381 : vector<16xf32>
        %parallel_loop3A_383 = arith.index_cast %parallel_loop3A_312 : i32 to index
        %parallel_loop3A_384 = arith.constant 48 : index
        %parallel_loop3A_385 = tpu.vector_load %arg18[%parallel_loop3A_383, %parallel_loop3A_384] {strides = array<i32>} : memref<80x72xf32, #tpu.memory_space<vmem>>, vector<1x16xf32>,
        %parallel_loop3A_386 = vector.shape_cast %parallel_loop3A_385 : vector<1x16xf32> to vector<16xf32>
        %parallel_loop3A_387 = vector.shape_cast %parallel_loop3A_382 : vector<16xf32> to vector<1x16xf32>
        tpu.vector_store %arg18[%parallel_loop3A_383, %parallel_loop3A_384], %parallel_loop3A_387 {strides = array<i32>} : memref<80x72xf32, #tpu.memory_space<vmem>>, vector<1x16xf32>,
      } {sc.loop_unroll_factor = 4 : i64, sc.parallel_access}
      %dma_start3A_201 = arith.constant 0 : i32
      %dma_start3A_202 = tpu.memref_slice %arg9[%add3A_177, %dma_start3A_201] : memref<125x80xi32, #tpu.memory_space<vmem>> -> memref<1x80xi32, #tpu.memory_space<vmem>>
      %dma_start3A_203 = tpu.memref_squeeze %dma_start3A_202 : memref<1x80xi32, #tpu.memory_space<vmem>> -> memref<80xi32, #tpu.memory_space<vmem>>
      %dma_start3A_204 = arith.constant 0 : i32
      %dma_start3A_205 = arith.constant 0 : i32
      %dma_start3A_206 = tpu.memref_slice %arg7[%dma_start3A_204, %dma_start3A_205] : memref<10240x72xf32, #tpu.memory_space<vmem_shared>> -> memref<10240x72xf32, #tpu.memory_space<vmem_shared>>
      tpu.enqueue_indirect_dma source(%arg18 : memref<80x72xf32, #tpu.memory_space<vmem>>) target(%dma_start3A_206 : memref<10240x72xf32, #tpu.memory_space<vmem_shared>>) offsets(%dma_start3A_203 : memref<80xi32, #tpu.memory_space<vmem>>) semaphore(%arg27 : memref<!tpu.dma_semaphore, #tpu.memory_space<semaphore_mem>>) {add = true}
      %add3A_207 = arith.constant 1 : i32
      %add3A_208 = arith.addi %mul3A_175, %add3A_207 : i32
      %dma_wait3A_209 = arith.constant 0 : i32
      %dma_wait3A_210 = arith.constant 0 : i32
      %dma_wait3A_211 = tpu.memref_slice %arg3[%dma_wait3A_209, %dma_wait3A_210] : memref<10000x80xf32, #tpu.memory_space<hbm>> -> memref<80x80xf32, #tpu.memory_space<hbm>>
      %dma_wait3A_212 = arith.constant 0 : i32
      %dma_wait3A_213 = arith.constant 0 : i32
      %dma_wait3A_214 = tpu.memref_slice %arg3[%dma_wait3A_212, %dma_wait3A_213] : memref<10000x80xf32, #tpu.memory_space<hbm>> -> memref<80x80xf32, #tpu.memory_space<hbm>>
      tpu.wait_dma2 semaphore(%arg24 : memref<!tpu.dma_semaphore, #tpu.memory_space<semaphore_mem>>) src(%dma_wait3A_214 : memref<80x80xf32, #tpu.memory_space<hbm>>) dst(%arg11 : memref<80x80xf32, #tpu.memory_space<vmem>>)
      %dma_wait3A_215 = arith.constant 0 : i32
      %dma_wait3A_216 = arith.constant 0 : i32
      %dma_wait3A_217 = tpu.memref_slice %arg4[%dma_wait3A_215, %dma_wait3A_216] : memref<10000x16xf32, #tpu.memory_space<hbm>> -> memref<80x16xf32, #tpu.memory_space<hbm>>
      %dma_wait3A_218 = arith.constant 0 : i32
      %dma_wait3A_219 = arith.constant 0 : i32
      %dma_wait3A_220 = tpu.memref_slice %arg4[%dma_wait3A_218, %dma_wait3A_219] : memref<10000x16xf32, #tpu.memory_space<hbm>> -> memref<80x16xf32, #tpu.memory_space<hbm>>
      tpu.wait_dma2 semaphore(%arg24 : memref<!tpu.dma_semaphore, #tpu.memory_space<semaphore_mem>>) src(%dma_wait3A_220 : memref<80x16xf32, #tpu.memory_space<hbm>>) dst(%arg15 : memref<80x16xf32, #tpu.memory_space<vmem>>)
      %add3A_221 = arith.constant 3 : i32
      %add3A_222 = arith.addi %add3A_208, %add3A_221 : i32
      %lt3A_223 = arith.constant 125 : i32
      %lt3A_224 = arith.cmpi slt, %add3A_222, %lt3A_223 : i32
      %convert_element_type3A_225 = arith.extui %lt3A_224 : i1 to i32
      %cond3A_226 = arith.constant 0 : i32
      %cond3A_227 = arith.cmpi ne, %convert_element_type3A_225, %cond3A_226 : i32
      scf.if %cond3A_227 {
        %dma_start3A_312 = arith.constant 0 : i32
        %dma_start3A_313 = tpu.memref_slice %arg8[%add3A_222, %dma_start3A_312] : memref<125x80xi32, #tpu.memory_space<vmem>> -> memref<1x80xi32, #tpu.memory_space<vmem>>
        %dma_start3A_314 = tpu.memref_squeeze %dma_start3A_313 : memref<1x80xi32, #tpu.memory_space<vmem>> -> memref<80xi32, #tpu.memory_space<vmem>>
        %dma_start3A_315 = arith.constant 0 : i32
        %dma_start3A_316 = arith.constant 0 : i32
        %dma_start3A_317 = tpu.memref_slice %arg3[%dma_start3A_315, %dma_start3A_316] : memref<10000x80xf32, #tpu.memory_space<hbm>> -> memref<10000x80xf32, #tpu.memory_space<hbm>>
        tpu.enqueue_indirect_dma source(%dma_start3A_317 : memref<10000x80xf32, #tpu.memory_space<hbm>>) target(%arg10 : memref<80x80xf32, #tpu.memory_space<vmem>>) offsets(%dma_start3A_314 : memref<80xi32, #tpu.memory_space<vmem>>) semaphore(%arg23 : memref<!tpu.dma_semaphore, #tpu.memory_space<semaphore_mem>>)
        %dma_start3A_318 = arith.constant 0 : i32
        %dma_start3A_319 = tpu.memref_slice %arg9[%add3A_222, %dma_start3A_318] : memref<125x80xi32, #tpu.memory_space<vmem>> -> memref<1x80xi32, #tpu.memory_space<vmem>>
        %dma_start3A_320 = tpu.memref_squeeze %dma_start3A_319 : memref<1x80xi32, #tpu.memory_space<vmem>> -> memref<80xi32, #tpu.memory_space<vmem>>
        %dma_start3A_321 = arith.constant 0 : i32
        %dma_start3A_322 = arith.constant 0 : i32
        %dma_start3A_323 = tpu.memref_slice %arg4[%dma_start3A_321, %dma_start3A_322] : memref<10000x16xf32, #tpu.memory_space<hbm>> -> memref<10000x16xf32, #tpu.memory_space<hbm>>
        tpu.enqueue_indirect_dma source(%dma_start3A_323 : memref<10000x16xf32, #tpu.memory_space<hbm>>) target(%arg14 : memref<80x16xf32, #tpu.memory_space<vmem>>) offsets(%dma_start3A_320 : memref<80xi32, #tpu.memory_space<vmem>>) semaphore(%arg23 : memref<!tpu.dma_semaphore, #tpu.memory_space<semaphore_mem>>)
      } else {
      }
      %gt3A_228 = arith.constant 0 : i32
      %gt3A_229 = arith.cmpi sgt, %add3A_173, %gt3A_228 : i32
      %convert_element_type3A_230 = arith.extui %gt3A_229 : i1 to i32
      %cond3A_231 = arith.constant 0 : i32
      %cond3A_232 = arith.cmpi ne, %convert_element_type3A_230, %cond3A_231 : i32
      scf.if %cond3A_232 {
        %dma_wait3A_312 = arith.constant 0 : i32
        %dma_wait3A_313 = arith.constant 0 : i32
        %dma_wait3A_314 = arith.constant 0 : i32
        %dma_wait3A_315 = tpu.memref_slice %arg6[%dma_wait3A_312, %dma_wait3A_313, %dma_wait3A_314] : memref<2x10240x72xf32, #tpu.memory_space<hbm>> -> memref<1x80x72xf32, #tpu.memory_space<hbm>>
        %dma_wait3A_316 = tpu.memref_squeeze %dma_wait3A_315 : memref<1x80x72xf32, #tpu.memory_space<hbm>> -> memref<80x72xf32, #tpu.memory_space<hbm>>
        %dma_wait3A_317 = arith.constant 0 : i32
        %dma_wait3A_318 = arith.constant 0 : i32
        %dma_wait3A_319 = tpu.memref_slice %arg6[%dma_wait3A_312, %dma_wait3A_317, %dma_wait3A_318] : memref<2x10240x72xf32, #tpu.memory_space<hbm>> -> memref<1x80x72xf32, #tpu.memory_space<hbm>>
        %dma_wait3A_320 = tpu.memref_squeeze %dma_wait3A_319 : memref<1x80x72xf32, #tpu.memory_space<hbm>> -> memref<80x72xf32, #tpu.memory_space<hbm>>
        tpu.wait_dma2 semaphore(%arg28 : memref<!tpu.dma_semaphore, #tpu.memory_space<semaphore_mem>>) src(%dma_wait3A_320 : memref<80x72xf32, #tpu.memory_space<hbm>>) dst(%arg19 : memref<80x72xf32, #tpu.memory_space<vmem>>)
      } else {
      }
      %parallel_loop3A_233 = arith.constant 0 : i32
      %parallel_loop3A_234 = arith.constant 80 : i32
      %parallel_loop3A_235 = arith.constant 1 : i32
      scf.for %parallel_loop3A_312 = %parallel_loop3A_233 to %parallel_loop3A_234 step %parallel_loop3A_235  : i32 {
        %parallel_loop3A_313 = arith.index_cast %parallel_loop3A_312 : i32 to index
        %parallel_loop3A_314 = arith.constant 0 : index
        %parallel_loop3A_315 = tpu.vector_load %arg11[%parallel_loop3A_313, %parallel_loop3A_314] {strides = array<i32>} : memref<80x80xf32, #tpu.memory_space<vmem>>, vector<1x16xf32>,
        %parallel_loop3A_316 = vector.shape_cast %parallel_loop3A_315 : vector<1x16xf32> to vector<16xf32>
        %parallel_loop3A_317 = vector.shape_cast %and3A_31 : vector<16xi32> to vector<16x1xi32>
        %parallel_loop3A_318 = vector.shape_cast %parallel_loop3A_317 : vector<16x1xi32> to vector<16xi32>
        %parallel_loop3A_319 = tpu.dynamic_gather %parallel_loop3A_316[%parallel_loop3A_318] in [0] : vector<16xf32>, vector<16xi32> -> vector<16xf32>
        %parallel_loop3A_320 = arith.index_cast %parallel_loop3A_312 : i32 to index
        %parallel_loop3A_321 = arith.constant 0 : index
        %parallel_loop3A_322 = tpu.vector_load %arg15[%parallel_loop3A_320, %parallel_loop3A_321] {strides = array<i32>} : memref<80x16xf32, #tpu.memory_space<vmem>>, vector<1x16xf32>,
        %parallel_loop3A_323 = vector.shape_cast %parallel_loop3A_322 : vector<1x16xf32> to vector<16xf32>
        %parallel_loop3A_324 = arith.addf %parallel_loop3A_319, %parallel_loop3A_323 : vector<16xf32>
        %parallel_loop3A_325 = arith.constant 2.000000e-01 : f32
        %parallel_loop3A_326 = vector.broadcast %parallel_loop3A_325 : f32 to vector<16xf32>
        %parallel_loop3A_327 = arith.mulf %parallel_loop3A_326, %parallel_loop3A_324 : vector<16xf32>
        %parallel_loop3A_328 = arith.maximumf %parallel_loop3A_324, %parallel_loop3A_327 : vector<16xf32>
        %parallel_loop3A_329 = arith.subf %parallel_loop3A_328, %get3A_56 : vector<16xf32>
        %parallel_loop3A_330 = math.exp %parallel_loop3A_329 : vector<16xf32>
        %parallel_loop3A_331 = arith.index_cast %parallel_loop3A_312 : i32 to index
        %parallel_loop3A_332 = arith.constant 56 : index
        %parallel_loop3A_333 = tpu.vector_load %arg19[%parallel_loop3A_331, %parallel_loop3A_332] {strides = array<i32>} : memref<80x72xf32, #tpu.memory_space<vmem>>, vector<1x16xf32>,
        %parallel_loop3A_334 = vector.shape_cast %parallel_loop3A_333 : vector<1x16xf32> to vector<16xf32>
        %parallel_loop3A_335 = vector.shape_cast %parallel_loop3A_330 : vector<16xf32> to vector<1x16xf32>
        tpu.vector_store %arg19[%parallel_loop3A_331, %parallel_loop3A_332], %parallel_loop3A_335 {strides = array<i32>} : memref<80x72xf32, #tpu.memory_space<vmem>>, vector<1x16xf32>,
        %parallel_loop3A_336 = arith.index_cast %parallel_loop3A_312 : i32 to index
        %parallel_loop3A_337 = arith.constant 16 : index
        %parallel_loop3A_338 = tpu.vector_load %arg11[%parallel_loop3A_336, %parallel_loop3A_337] {strides = array<i32>} : memref<80x80xf32, #tpu.memory_space<vmem>>, vector<1x16xf32>,
        %parallel_loop3A_339 = vector.shape_cast %parallel_loop3A_338 : vector<1x16xf32> to vector<16xf32>
        %parallel_loop3A_340 = vector.shape_cast %add3A_36 : vector<16xi32> to vector<16x1xi32>
        %parallel_loop3A_341 = vector.shape_cast %parallel_loop3A_340 : vector<16x1xi32> to vector<16xi32>
        %parallel_loop3A_342 = tpu.dynamic_gather %parallel_loop3A_330[%parallel_loop3A_341] in [0] : vector<16xf32>, vector<16xi32> -> vector<16xf32>
        %parallel_loop3A_343 = arith.mulf %parallel_loop3A_339, %parallel_loop3A_342 : vector<16xf32>
        %parallel_loop3A_344 = arith.index_cast %parallel_loop3A_312 : i32 to index
        %parallel_loop3A_345 = arith.constant 0 : index
        %parallel_loop3A_346 = tpu.vector_load %arg19[%parallel_loop3A_344, %parallel_loop3A_345] {strides = array<i32>} : memref<80x72xf32, #tpu.memory_space<vmem>>, vector<1x16xf32>,
        %parallel_loop3A_347 = vector.shape_cast %parallel_loop3A_346 : vector<1x16xf32> to vector<16xf32>
        %parallel_loop3A_348 = vector.shape_cast %parallel_loop3A_343 : vector<16xf32> to vector<1x16xf32>
        tpu.vector_store %arg19[%parallel_loop3A_344, %parallel_loop3A_345], %parallel_loop3A_348 {strides = array<i32>} : memref<80x72xf32, #tpu.memory_space<vmem>>, vector<1x16xf32>,
        %parallel_loop3A_349 = arith.index_cast %parallel_loop3A_312 : i32 to index
        %parallel_loop3A_350 = arith.constant 32 : index
        %parallel_loop3A_351 = tpu.vector_load %arg11[%parallel_loop3A_349, %parallel_loop3A_350] {strides = array<i32>} : memref<80x80xf32, #tpu.memory_space<vmem>>, vector<1x16xf32>,
        %parallel_loop3A_352 = vector.shape_cast %parallel_loop3A_351 : vector<1x16xf32> to vector<16xf32>
        %parallel_loop3A_353 = vector.shape_cast %add3A_42 : vector<16xi32> to vector<16x1xi32>
        %parallel_loop3A_354 = vector.shape_cast %parallel_loop3A_353 : vector<16x1xi32> to vector<16xi32>
        %parallel_loop3A_355 = tpu.dynamic_gather %parallel_loop3A_330[%parallel_loop3A_354] in [0] : vector<16xf32>, vector<16xi32> -> vector<16xf32>
        %parallel_loop3A_356 = arith.mulf %parallel_loop3A_352, %parallel_loop3A_355 : vector<16xf32>
        %parallel_loop3A_357 = arith.index_cast %parallel_loop3A_312 : i32 to index
        %parallel_loop3A_358 = arith.constant 16 : index
        %parallel_loop3A_359 = tpu.vector_load %arg19[%parallel_loop3A_357, %parallel_loop3A_358] {strides = array<i32>} : memref<80x72xf32, #tpu.memory_space<vmem>>, vector<1x16xf32>,
        %parallel_loop3A_360 = vector.shape_cast %parallel_loop3A_359 : vector<1x16xf32> to vector<16xf32>
        %parallel_loop3A_361 = vector.shape_cast %parallel_loop3A_356 : vector<16xf32> to vector<1x16xf32>
        tpu.vector_store %arg19[%parallel_loop3A_357, %parallel_loop3A_358], %parallel_loop3A_361 {strides = array<i32>} : memref<80x72xf32, #tpu.memory_space<vmem>>, vector<1x16xf32>,
        %parallel_loop3A_362 = arith.index_cast %parallel_loop3A_312 : i32 to index
        %parallel_loop3A_363 = arith.constant 48 : index
        %parallel_loop3A_364 = tpu.vector_load %arg11[%parallel_loop3A_362, %parallel_loop3A_363] {strides = array<i32>} : memref<80x80xf32, #tpu.memory_space<vmem>>, vector<1x16xf32>,
        %parallel_loop3A_365 = vector.shape_cast %parallel_loop3A_364 : vector<1x16xf32> to vector<16xf32>
        %parallel_loop3A_366 = vector.shape_cast %add3A_48 : vector<16xi32> to vector<16x1xi32>
        %parallel_loop3A_367 = vector.shape_cast %parallel_loop3A_366 : vector<16x1xi32> to vector<16xi32>
        %parallel_loop3A_368 = tpu.dynamic_gather %parallel_loop3A_330[%parallel_loop3A_367] in [0] : vector<16xf32>, vector<16xi32> -> vector<16xf32>
        %parallel_loop3A_369 = arith.mulf %parallel_loop3A_365, %parallel_loop3A_368 : vector<16xf32>
        %parallel_loop3A_370 = arith.index_cast %parallel_loop3A_312 : i32 to index
        %parallel_loop3A_371 = arith.constant 32 : index
        %parallel_loop3A_372 = tpu.vector_load %arg19[%parallel_loop3A_370, %parallel_loop3A_371] {strides = array<i32>} : memref<80x72xf32, #tpu.memory_space<vmem>>, vector<1x16xf32>,
        %parallel_loop3A_373 = vector.shape_cast %parallel_loop3A_372 : vector<1x16xf32> to vector<16xf32>
        %parallel_loop3A_374 = vector.shape_cast %parallel_loop3A_369 : vector<16xf32> to vector<1x16xf32>
        tpu.vector_store %arg19[%parallel_loop3A_370, %parallel_loop3A_371], %parallel_loop3A_374 {strides = array<i32>} : memref<80x72xf32, #tpu.memory_space<vmem>>, vector<1x16xf32>,
        %parallel_loop3A_375 = arith.index_cast %parallel_loop3A_312 : i32 to index
        %parallel_loop3A_376 = arith.constant 64 : index
        %parallel_loop3A_377 = tpu.vector_load %arg11[%parallel_loop3A_375, %parallel_loop3A_376] {strides = array<i32>} : memref<80x80xf32, #tpu.memory_space<vmem>>, vector<1x16xf32>,
        %parallel_loop3A_378 = vector.shape_cast %parallel_loop3A_377 : vector<1x16xf32> to vector<16xf32>
        %parallel_loop3A_379 = vector.shape_cast %add3A_54 : vector<16xi32> to vector<16x1xi32>
        %parallel_loop3A_380 = vector.shape_cast %parallel_loop3A_379 : vector<16x1xi32> to vector<16xi32>
        %parallel_loop3A_381 = tpu.dynamic_gather %parallel_loop3A_330[%parallel_loop3A_380] in [0] : vector<16xf32>, vector<16xi32> -> vector<16xf32>
        %parallel_loop3A_382 = arith.mulf %parallel_loop3A_378, %parallel_loop3A_381 : vector<16xf32>
        %parallel_loop3A_383 = arith.index_cast %parallel_loop3A_312 : i32 to index
        %parallel_loop3A_384 = arith.constant 48 : index
        %parallel_loop3A_385 = tpu.vector_load %arg19[%parallel_loop3A_383, %parallel_loop3A_384] {strides = array<i32>} : memref<80x72xf32, #tpu.memory_space<vmem>>, vector<1x16xf32>,
        %parallel_loop3A_386 = vector.shape_cast %parallel_loop3A_385 : vector<1x16xf32> to vector<16xf32>
        %parallel_loop3A_387 = vector.shape_cast %parallel_loop3A_382 : vector<16xf32> to vector<1x16xf32>
        tpu.vector_store %arg19[%parallel_loop3A_383, %parallel_loop3A_384], %parallel_loop3A_387 {strides = array<i32>} : memref<80x72xf32, #tpu.memory_space<vmem>>, vector<1x16xf32>,
      } {sc.loop_unroll_factor = 4 : i64, sc.parallel_access}
      %dma_start3A_236 = arith.constant 0 : i32
      %dma_start3A_237 = tpu.memref_slice %arg9[%add3A_208, %dma_start3A_236] : memref<125x80xi32, #tpu.memory_space<vmem>> -> memref<1x80xi32, #tpu.memory_space<vmem>>
      %dma_start3A_238 = tpu.memref_squeeze %dma_start3A_237 : memref<1x80xi32, #tpu.memory_space<vmem>> -> memref<80xi32, #tpu.memory_space<vmem>>
      %dma_start3A_239 = arith.constant 0 : i32
      %dma_start3A_240 = arith.constant 0 : i32
      %dma_start3A_241 = tpu.memref_slice %arg7[%dma_start3A_239, %dma_start3A_240] : memref<10240x72xf32, #tpu.memory_space<vmem_shared>> -> memref<10240x72xf32, #tpu.memory_space<vmem_shared>>
      tpu.enqueue_indirect_dma source(%arg19 : memref<80x72xf32, #tpu.memory_space<vmem>>) target(%dma_start3A_241 : memref<10240x72xf32, #tpu.memory_space<vmem_shared>>) offsets(%dma_start3A_238 : memref<80xi32, #tpu.memory_space<vmem>>) semaphore(%arg28 : memref<!tpu.dma_semaphore, #tpu.memory_space<semaphore_mem>>) {add = true}
      %add3A_242 = arith.constant 2 : i32
      %add3A_243 = arith.addi %mul3A_175, %add3A_242 : i32
      %dma_wait3A_244 = arith.constant 0 : i32
      %dma_wait3A_245 = arith.constant 0 : i32
      %dma_wait3A_246 = tpu.memref_slice %arg3[%dma_wait3A_244, %dma_wait3A_245] : memref<10000x80xf32, #tpu.memory_space<hbm>> -> memref<80x80xf32, #tpu.memory_space<hbm>>
      %dma_wait3A_247 = arith.constant 0 : i32
      %dma_wait3A_248 = arith.constant 0 : i32
      %dma_wait3A_249 = tpu.memref_slice %arg3[%dma_wait3A_247, %dma_wait3A_248] : memref<10000x80xf32, #tpu.memory_space<hbm>> -> memref<80x80xf32, #tpu.memory_space<hbm>>
      tpu.wait_dma2 semaphore(%arg25 : memref<!tpu.dma_semaphore, #tpu.memory_space<semaphore_mem>>) src(%dma_wait3A_249 : memref<80x80xf32, #tpu.memory_space<hbm>>) dst(%arg12 : memref<80x80xf32, #tpu.memory_space<vmem>>)
      %dma_wait3A_250 = arith.constant 0 : i32
      %dma_wait3A_251 = arith.constant 0 : i32
      %dma_wait3A_252 = tpu.memref_slice %arg4[%dma_wait3A_250, %dma_wait3A_251] : memref<10000x16xf32, #tpu.memory_space<hbm>> -> memref<80x16xf32, #tpu.memory_space<hbm>>
      %dma_wait3A_253 = arith.constant 0 : i32
      %dma_wait3A_254 = arith.constant 0 : i32
      %dma_wait3A_255 = tpu.memref_slice %arg4[%dma_wait3A_253, %dma_wait3A_254] : memref<10000x16xf32, #tpu.memory_space<hbm>> -> memref<80x16xf32, #tpu.memory_space<hbm>>
      tpu.wait_dma2 semaphore(%arg25 : memref<!tpu.dma_semaphore, #tpu.memory_space<semaphore_mem>>) src(%dma_wait3A_255 : memref<80x16xf32, #tpu.memory_space<hbm>>) dst(%arg16 : memref<80x16xf32, #tpu.memory_space<vmem>>)
      %add3A_256 = arith.constant 3 : i32
      %add3A_257 = arith.addi %add3A_243, %add3A_256 : i32
      %lt3A_258 = arith.constant 125 : i32
      %lt3A_259 = arith.cmpi slt, %add3A_257, %lt3A_258 : i32
      %convert_element_type3A_260 = arith.extui %lt3A_259 : i1 to i32
      %cond3A_261 = arith.constant 0 : i32
      %cond3A_262 = arith.cmpi ne, %convert_element_type3A_260, %cond3A_261 : i32
      scf.if %cond3A_262 {
        %dma_start3A_312 = arith.constant 0 : i32
        %dma_start3A_313 = tpu.memref_slice %arg8[%add3A_257, %dma_start3A_312] : memref<125x80xi32, #tpu.memory_space<vmem>> -> memref<1x80xi32, #tpu.memory_space<vmem>>
        %dma_start3A_314 = tpu.memref_squeeze %dma_start3A_313 : memref<1x80xi32, #tpu.memory_space<vmem>> -> memref<80xi32, #tpu.memory_space<vmem>>
        %dma_start3A_315 = arith.constant 0 : i32
        %dma_start3A_316 = arith.constant 0 : i32
        %dma_start3A_317 = tpu.memref_slice %arg3[%dma_start3A_315, %dma_start3A_316] : memref<10000x80xf32, #tpu.memory_space<hbm>> -> memref<10000x80xf32, #tpu.memory_space<hbm>>
        tpu.enqueue_indirect_dma source(%dma_start3A_317 : memref<10000x80xf32, #tpu.memory_space<hbm>>) target(%arg11 : memref<80x80xf32, #tpu.memory_space<vmem>>) offsets(%dma_start3A_314 : memref<80xi32, #tpu.memory_space<vmem>>) semaphore(%arg24 : memref<!tpu.dma_semaphore, #tpu.memory_space<semaphore_mem>>)
        %dma_start3A_318 = arith.constant 0 : i32
        %dma_start3A_319 = tpu.memref_slice %arg9[%add3A_257, %dma_start3A_318] : memref<125x80xi32, #tpu.memory_space<vmem>> -> memref<1x80xi32, #tpu.memory_space<vmem>>
        %dma_start3A_320 = tpu.memref_squeeze %dma_start3A_319 : memref<1x80xi32, #tpu.memory_space<vmem>> -> memref<80xi32, #tpu.memory_space<vmem>>
        %dma_start3A_321 = arith.constant 0 : i32
        %dma_start3A_322 = arith.constant 0 : i32
        %dma_start3A_323 = tpu.memref_slice %arg4[%dma_start3A_321, %dma_start3A_322] : memref<10000x16xf32, #tpu.memory_space<hbm>> -> memref<10000x16xf32, #tpu.memory_space<hbm>>
        tpu.enqueue_indirect_dma source(%dma_start3A_323 : memref<10000x16xf32, #tpu.memory_space<hbm>>) target(%arg15 : memref<80x16xf32, #tpu.memory_space<vmem>>) offsets(%dma_start3A_320 : memref<80xi32, #tpu.memory_space<vmem>>) semaphore(%arg24 : memref<!tpu.dma_semaphore, #tpu.memory_space<semaphore_mem>>)
      } else {
      }
      %gt3A_263 = arith.constant 0 : i32
      %gt3A_264 = arith.cmpi sgt, %add3A_173, %gt3A_263 : i32
      %convert_element_type3A_265 = arith.extui %gt3A_264 : i1 to i32
      %cond3A_266 = arith.constant 0 : i32
      %cond3A_267 = arith.cmpi ne, %convert_element_type3A_265, %cond3A_266 : i32
      scf.if %cond3A_267 {
        %dma_wait3A_312 = arith.constant 0 : i32
        %dma_wait3A_313 = arith.constant 0 : i32
        %dma_wait3A_314 = arith.constant 0 : i32
        %dma_wait3A_315 = tpu.memref_slice %arg6[%dma_wait3A_312, %dma_wait3A_313, %dma_wait3A_314] : memref<2x10240x72xf32, #tpu.memory_space<hbm>> -> memref<1x80x72xf32, #tpu.memory_space<hbm>>
        %dma_wait3A_316 = tpu.memref_squeeze %dma_wait3A_315 : memref<1x80x72xf32, #tpu.memory_space<hbm>> -> memref<80x72xf32, #tpu.memory_space<hbm>>
        %dma_wait3A_317 = arith.constant 0 : i32
        %dma_wait3A_318 = arith.constant 0 : i32
        %dma_wait3A_319 = tpu.memref_slice %arg6[%dma_wait3A_312, %dma_wait3A_317, %dma_wait3A_318] : memref<2x10240x72xf32, #tpu.memory_space<hbm>> -> memref<1x80x72xf32, #tpu.memory_space<hbm>>
        %dma_wait3A_320 = tpu.memref_squeeze %dma_wait3A_319 : memref<1x80x72xf32, #tpu.memory_space<hbm>> -> memref<80x72xf32, #tpu.memory_space<hbm>>
        tpu.wait_dma2 semaphore(%arg29 : memref<!tpu.dma_semaphore, #tpu.memory_space<semaphore_mem>>) src(%dma_wait3A_320 : memref<80x72xf32, #tpu.memory_space<hbm>>) dst(%arg20 : memref<80x72xf32, #tpu.memory_space<vmem>>)
      } else {
      }
      %parallel_loop3A_268 = arith.constant 0 : i32
      %parallel_loop3A_269 = arith.constant 80 : i32
      %parallel_loop3A_270 = arith.constant 1 : i32
      scf.for %parallel_loop3A_312 = %parallel_loop3A_268 to %parallel_loop3A_269 step %parallel_loop3A_270  : i32 {
        %parallel_loop3A_313 = arith.index_cast %parallel_loop3A_312 : i32 to index
        %parallel_loop3A_314 = arith.constant 0 : index
        %parallel_loop3A_315 = tpu.vector_load %arg12[%parallel_loop3A_313, %parallel_loop3A_314] {strides = array<i32>} : memref<80x80xf32, #tpu.memory_space<vmem>>, vector<1x16xf32>,
        %parallel_loop3A_316 = vector.shape_cast %parallel_loop3A_315 : vector<1x16xf32> to vector<16xf32>
        %parallel_loop3A_317 = vector.shape_cast %and3A_31 : vector<16xi32> to vector<16x1xi32>
        %parallel_loop3A_318 = vector.shape_cast %parallel_loop3A_317 : vector<16x1xi32> to vector<16xi32>
        %parallel_loop3A_319 = tpu.dynamic_gather %parallel_loop3A_316[%parallel_loop3A_318] in [0] : vector<16xf32>, vector<16xi32> -> vector<16xf32>
        %parallel_loop3A_320 = arith.index_cast %parallel_loop3A_312 : i32 to index
        %parallel_loop3A_321 = arith.constant 0 : index
        %parallel_loop3A_322 = tpu.vector_load %arg16[%parallel_loop3A_320, %parallel_loop3A_321] {strides = array<i32>} : memref<80x16xf32, #tpu.memory_space<vmem>>, vector<1x16xf32>,
        %parallel_loop3A_323 = vector.shape_cast %parallel_loop3A_322 : vector<1x16xf32> to vector<16xf32>
        %parallel_loop3A_324 = arith.addf %parallel_loop3A_319, %parallel_loop3A_323 : vector<16xf32>
        %parallel_loop3A_325 = arith.constant 2.000000e-01 : f32
        %parallel_loop3A_326 = vector.broadcast %parallel_loop3A_325 : f32 to vector<16xf32>
        %parallel_loop3A_327 = arith.mulf %parallel_loop3A_326, %parallel_loop3A_324 : vector<16xf32>
        %parallel_loop3A_328 = arith.maximumf %parallel_loop3A_324, %parallel_loop3A_327 : vector<16xf32>
        %parallel_loop3A_329 = arith.subf %parallel_loop3A_328, %get3A_56 : vector<16xf32>
        %parallel_loop3A_330 = math.exp %parallel_loop3A_329 : vector<16xf32>
        %parallel_loop3A_331 = arith.index_cast %parallel_loop3A_312 : i32 to index
        %parallel_loop3A_332 = arith.constant 56 : index
        %parallel_loop3A_333 = tpu.vector_load %arg20[%parallel_loop3A_331, %parallel_loop3A_332] {strides = array<i32>} : memref<80x72xf32, #tpu.memory_space<vmem>>, vector<1x16xf32>,
        %parallel_loop3A_334 = vector.shape_cast %parallel_loop3A_333 : vector<1x16xf32> to vector<16xf32>
        %parallel_loop3A_335 = vector.shape_cast %parallel_loop3A_330 : vector<16xf32> to vector<1x16xf32>
        tpu.vector_store %arg20[%parallel_loop3A_331, %parallel_loop3A_332], %parallel_loop3A_335 {strides = array<i32>} : memref<80x72xf32, #tpu.memory_space<vmem>>, vector<1x16xf32>,
        %parallel_loop3A_336 = arith.index_cast %parallel_loop3A_312 : i32 to index
        %parallel_loop3A_337 = arith.constant 16 : index
        %parallel_loop3A_338 = tpu.vector_load %arg12[%parallel_loop3A_336, %parallel_loop3A_337] {strides = array<i32>} : memref<80x80xf32, #tpu.memory_space<vmem>>, vector<1x16xf32>,
        %parallel_loop3A_339 = vector.shape_cast %parallel_loop3A_338 : vector<1x16xf32> to vector<16xf32>
        %parallel_loop3A_340 = vector.shape_cast %add3A_36 : vector<16xi32> to vector<16x1xi32>
        %parallel_loop3A_341 = vector.shape_cast %parallel_loop3A_340 : vector<16x1xi32> to vector<16xi32>
        %parallel_loop3A_342 = tpu.dynamic_gather %parallel_loop3A_330[%parallel_loop3A_341] in [0] : vector<16xf32>, vector<16xi32> -> vector<16xf32>
        %parallel_loop3A_343 = arith.mulf %parallel_loop3A_339, %parallel_loop3A_342 : vector<16xf32>
        %parallel_loop3A_344 = arith.index_cast %parallel_loop3A_312 : i32 to index
        %parallel_loop3A_345 = arith.constant 0 : index
        %parallel_loop3A_346 = tpu.vector_load %arg20[%parallel_loop3A_344, %parallel_loop3A_345] {strides = array<i32>} : memref<80x72xf32, #tpu.memory_space<vmem>>, vector<1x16xf32>,
        %parallel_loop3A_347 = vector.shape_cast %parallel_loop3A_346 : vector<1x16xf32> to vector<16xf32>
        %parallel_loop3A_348 = vector.shape_cast %parallel_loop3A_343 : vector<16xf32> to vector<1x16xf32>
        tpu.vector_store %arg20[%parallel_loop3A_344, %parallel_loop3A_345], %parallel_loop3A_348 {strides = array<i32>} : memref<80x72xf32, #tpu.memory_space<vmem>>, vector<1x16xf32>,
        %parallel_loop3A_349 = arith.index_cast %parallel_loop3A_312 : i32 to index
        %parallel_loop3A_350 = arith.constant 32 : index
        %parallel_loop3A_351 = tpu.vector_load %arg12[%parallel_loop3A_349, %parallel_loop3A_350] {strides = array<i32>} : memref<80x80xf32, #tpu.memory_space<vmem>>, vector<1x16xf32>,
        %parallel_loop3A_352 = vector.shape_cast %parallel_loop3A_351 : vector<1x16xf32> to vector<16xf32>
        %parallel_loop3A_353 = vector.shape_cast %add3A_42 : vector<16xi32> to vector<16x1xi32>
        %parallel_loop3A_354 = vector.shape_cast %parallel_loop3A_353 : vector<16x1xi32> to vector<16xi32>
        %parallel_loop3A_355 = tpu.dynamic_gather %parallel_loop3A_330[%parallel_loop3A_354] in [0] : vector<16xf32>, vector<16xi32> -> vector<16xf32>
        %parallel_loop3A_356 = arith.mulf %parallel_loop3A_352, %parallel_loop3A_355 : vector<16xf32>
        %parallel_loop3A_357 = arith.index_cast %parallel_loop3A_312 : i32 to index
        %parallel_loop3A_358 = arith.constant 16 : index
        %parallel_loop3A_359 = tpu.vector_load %arg20[%parallel_loop3A_357, %parallel_loop3A_358] {strides = array<i32>} : memref<80x72xf32, #tpu.memory_space<vmem>>, vector<1x16xf32>,
        %parallel_loop3A_360 = vector.shape_cast %parallel_loop3A_359 : vector<1x16xf32> to vector<16xf32>
        %parallel_loop3A_361 = vector.shape_cast %parallel_loop3A_356 : vector<16xf32> to vector<1x16xf32>
        tpu.vector_store %arg20[%parallel_loop3A_357, %parallel_loop3A_358], %parallel_loop3A_361 {strides = array<i32>} : memref<80x72xf32, #tpu.memory_space<vmem>>, vector<1x16xf32>,
        %parallel_loop3A_362 = arith.index_cast %parallel_loop3A_312 : i32 to index
        %parallel_loop3A_363 = arith.constant 48 : index
        %parallel_loop3A_364 = tpu.vector_load %arg12[%parallel_loop3A_362, %parallel_loop3A_363] {strides = array<i32>} : memref<80x80xf32, #tpu.memory_space<vmem>>, vector<1x16xf32>,
        %parallel_loop3A_365 = vector.shape_cast %parallel_loop3A_364 : vector<1x16xf32> to vector<16xf32>
        %parallel_loop3A_366 = vector.shape_cast %add3A_48 : vector<16xi32> to vector<16x1xi32>
        %parallel_loop3A_367 = vector.shape_cast %parallel_loop3A_366 : vector<16x1xi32> to vector<16xi32>
        %parallel_loop3A_368 = tpu.dynamic_gather %parallel_loop3A_330[%parallel_loop3A_367] in [0] : vector<16xf32>, vector<16xi32> -> vector<16xf32>
        %parallel_loop3A_369 = arith.mulf %parallel_loop3A_365, %parallel_loop3A_368 : vector<16xf32>
        %parallel_loop3A_370 = arith.index_cast %parallel_loop3A_312 : i32 to index
        %parallel_loop3A_371 = arith.constant 32 : index
        %parallel_loop3A_372 = tpu.vector_load %arg20[%parallel_loop3A_370, %parallel_loop3A_371] {strides = array<i32>} : memref<80x72xf32, #tpu.memory_space<vmem>>, vector<1x16xf32>,
        %parallel_loop3A_373 = vector.shape_cast %parallel_loop3A_372 : vector<1x16xf32> to vector<16xf32>
        %parallel_loop3A_374 = vector.shape_cast %parallel_loop3A_369 : vector<16xf32> to vector<1x16xf32>
        tpu.vector_store %arg20[%parallel_loop3A_370, %parallel_loop3A_371], %parallel_loop3A_374 {strides = array<i32>} : memref<80x72xf32, #tpu.memory_space<vmem>>, vector<1x16xf32>,
        %parallel_loop3A_375 = arith.index_cast %parallel_loop3A_312 : i32 to index
        %parallel_loop3A_376 = arith.constant 64 : index
        %parallel_loop3A_377 = tpu.vector_load %arg12[%parallel_loop3A_375, %parallel_loop3A_376] {strides = array<i32>} : memref<80x80xf32, #tpu.memory_space<vmem>>, vector<1x16xf32>,
        %parallel_loop3A_378 = vector.shape_cast %parallel_loop3A_377 : vector<1x16xf32> to vector<16xf32>
        %parallel_loop3A_379 = vector.shape_cast %add3A_54 : vector<16xi32> to vector<16x1xi32>
        %parallel_loop3A_380 = vector.shape_cast %parallel_loop3A_379 : vector<16x1xi32> to vector<16xi32>
        %parallel_loop3A_381 = tpu.dynamic_gather %parallel_loop3A_330[%parallel_loop3A_380] in [0] : vector<16xf32>, vector<16xi32> -> vector<16xf32>
        %parallel_loop3A_382 = arith.mulf %parallel_loop3A_378, %parallel_loop3A_381 : vector<16xf32>
        %parallel_loop3A_383 = arith.index_cast %parallel_loop3A_312 : i32 to index
        %parallel_loop3A_384 = arith.constant 48 : index
        %parallel_loop3A_385 = tpu.vector_load %arg20[%parallel_loop3A_383, %parallel_loop3A_384] {strides = array<i32>} : memref<80x72xf32, #tpu.memory_space<vmem>>, vector<1x16xf32>,
        %parallel_loop3A_386 = vector.shape_cast %parallel_loop3A_385 : vector<1x16xf32> to vector<16xf32>
        %parallel_loop3A_387 = vector.shape_cast %parallel_loop3A_382 : vector<16xf32> to vector<1x16xf32>
        tpu.vector_store %arg20[%parallel_loop3A_383, %parallel_loop3A_384], %parallel_loop3A_387 {strides = array<i32>} : memref<80x72xf32, #tpu.memory_space<vmem>>, vector<1x16xf32>,
      } {sc.loop_unroll_factor = 4 : i64, sc.parallel_access}
      %dma_start3A_271 = arith.constant 0 : i32
      %dma_start3A_272 = tpu.memref_slice %arg9[%add3A_243, %dma_start3A_271] : memref<125x80xi32, #tpu.memory_space<vmem>> -> memref<1x80xi32, #tpu.memory_space<vmem>>
      %dma_start3A_273 = tpu.memref_squeeze %dma_start3A_272 : memref<1x80xi32, #tpu.memory_space<vmem>> -> memref<80xi32, #tpu.memory_space<vmem>>
      %dma_start3A_274 = arith.constant 0 : i32
      %dma_start3A_275 = arith.constant 0 : i32
      %dma_start3A_276 = tpu.memref_slice %arg7[%dma_start3A_274, %dma_start3A_275] : memref<10240x72xf32, #tpu.memory_space<vmem_shared>> -> memref<10240x72xf32, #tpu.memory_space<vmem_shared>>
      tpu.enqueue_indirect_dma source(%arg20 : memref<80x72xf32, #tpu.memory_space<vmem>>) target(%dma_start3A_276 : memref<10240x72xf32, #tpu.memory_space<vmem_shared>>) offsets(%dma_start3A_273 : memref<80xi32, #tpu.memory_space<vmem>>) semaphore(%arg29 : memref<!tpu.dma_semaphore, #tpu.memory_space<semaphore_mem>>) {add = true}
      %add3A_277 = arith.constant 3 : i32
      %add3A_278 = arith.addi %mul3A_175, %add3A_277 : i32
      %dma_wait3A_279 = arith.constant 0 : i32
      %dma_wait3A_280 = arith.constant 0 : i32
      %dma_wait3A_281 = tpu.memref_slice %arg3[%dma_wait3A_279, %dma_wait3A_280] : memref<10000x80xf32, #tpu.memory_space<hbm>> -> memref<80x80xf32, #tpu.memory_space<hbm>>
      %dma_wait3A_282 = arith.constant 0 : i32
      %dma_wait3A_283 = arith.constant 0 : i32
      %dma_wait3A_284 = tpu.memref_slice %arg3[%dma_wait3A_282, %dma_wait3A_283] : memref<10000x80xf32, #tpu.memory_space<hbm>> -> memref<80x80xf32, #tpu.memory_space<hbm>>
      tpu.wait_dma2 semaphore(%arg26 : memref<!tpu.dma_semaphore, #tpu.memory_space<semaphore_mem>>) src(%dma_wait3A_284 : memref<80x80xf32, #tpu.memory_space<hbm>>) dst(%arg13 : memref<80x80xf32, #tpu.memory_space<vmem>>)
      %dma_wait3A_285 = arith.constant 0 : i32
      %dma_wait3A_286 = arith.constant 0 : i32
      %dma_wait3A_287 = tpu.memref_slice %arg4[%dma_wait3A_285, %dma_wait3A_286] : memref<10000x16xf32, #tpu.memory_space<hbm>> -> memref<80x16xf32, #tpu.memory_space<hbm>>
      %dma_wait3A_288 = arith.constant 0 : i32
      %dma_wait3A_289 = arith.constant 0 : i32
      %dma_wait3A_290 = tpu.memref_slice %arg4[%dma_wait3A_288, %dma_wait3A_289] : memref<10000x16xf32, #tpu.memory_space<hbm>> -> memref<80x16xf32, #tpu.memory_space<hbm>>
      tpu.wait_dma2 semaphore(%arg26 : memref<!tpu.dma_semaphore, #tpu.memory_space<semaphore_mem>>) src(%dma_wait3A_290 : memref<80x16xf32, #tpu.memory_space<hbm>>) dst(%arg17 : memref<80x16xf32, #tpu.memory_space<vmem>>)
      %add3A_291 = arith.constant 3 : i32
      %add3A_292 = arith.addi %add3A_278, %add3A_291 : i32
      %lt3A_293 = arith.constant 125 : i32
      %lt3A_294 = arith.cmpi slt, %add3A_292, %lt3A_293 : i32
      %convert_element_type3A_295 = arith.extui %lt3A_294 : i1 to i32
      %cond3A_296 = arith.constant 0 : i32
      %cond3A_297 = arith.cmpi ne, %convert_element_type3A_295, %cond3A_296 : i32
      scf.if %cond3A_297 {
        %dma_start3A_312 = arith.constant 0 : i32
        %dma_start3A_313 = tpu.memref_slice %arg8[%add3A_292, %dma_start3A_312] : memref<125x80xi32, #tpu.memory_space<vmem>> -> memref<1x80xi32, #tpu.memory_space<vmem>>
        %dma_start3A_314 = tpu.memref_squeeze %dma_start3A_313 : memref<1x80xi32, #tpu.memory_space<vmem>> -> memref<80xi32, #tpu.memory_space<vmem>>
        %dma_start3A_315 = arith.constant 0 : i32
        %dma_start3A_316 = arith.constant 0 : i32
        %dma_start3A_317 = tpu.memref_slice %arg3[%dma_start3A_315, %dma_start3A_316] : memref<10000x80xf32, #tpu.memory_space<hbm>> -> memref<10000x80xf32, #tpu.memory_space<hbm>>
        tpu.enqueue_indirect_dma source(%dma_start3A_317 : memref<10000x80xf32, #tpu.memory_space<hbm>>) target(%arg12 : memref<80x80xf32, #tpu.memory_space<vmem>>) offsets(%dma_start3A_314 : memref<80xi32, #tpu.memory_space<vmem>>) semaphore(%arg25 : memref<!tpu.dma_semaphore, #tpu.memory_space<semaphore_mem>>)
        %dma_start3A_318 = arith.constant 0 : i32
        %dma_start3A_319 = tpu.memref_slice %arg9[%add3A_292, %dma_start3A_318] : memref<125x80xi32, #tpu.memory_space<vmem>> -> memref<1x80xi32, #tpu.memory_space<vmem>>
        %dma_start3A_320 = tpu.memref_squeeze %dma_start3A_319 : memref<1x80xi32, #tpu.memory_space<vmem>> -> memref<80xi32, #tpu.memory_space<vmem>>
        %dma_start3A_321 = arith.constant 0 : i32
        %dma_start3A_322 = arith.constant 0 : i32
        %dma_start3A_323 = tpu.memref_slice %arg4[%dma_start3A_321, %dma_start3A_322] : memref<10000x16xf32, #tpu.memory_space<hbm>> -> memref<10000x16xf32, #tpu.memory_space<hbm>>
        tpu.enqueue_indirect_dma source(%dma_start3A_323 : memref<10000x16xf32, #tpu.memory_space<hbm>>) target(%arg16 : memref<80x16xf32, #tpu.memory_space<vmem>>) offsets(%dma_start3A_320 : memref<80xi32, #tpu.memory_space<vmem>>) semaphore(%arg25 : memref<!tpu.dma_semaphore, #tpu.memory_space<semaphore_mem>>)
      } else {
      }
      %gt3A_298 = arith.constant 0 : i32
      %gt3A_299 = arith.cmpi sgt, %add3A_173, %gt3A_298 : i32
      %convert_element_type3A_300 = arith.extui %gt3A_299 : i1 to i32
      %cond3A_301 = arith.constant 0 : i32
      %cond3A_302 = arith.cmpi ne, %convert_element_type3A_300, %cond3A_301 : i32
      scf.if %cond3A_302 {
        %dma_wait3A_312 = arith.constant 0 : i32
        %dma_wait3A_313 = arith.constant 0 : i32
        %dma_wait3A_314 = arith.constant 0 : i32
        %dma_wait3A_315 = tpu.memref_slice %arg6[%dma_wait3A_312, %dma_wait3A_313, %dma_wait3A_314] : memref<2x10240x72xf32, #tpu.memory_space<hbm>> -> memref<1x80x72xf32, #tpu.memory_space<hbm>>
        %dma_wait3A_316 = tpu.memref_squeeze %dma_wait3A_315 : memref<1x80x72xf32, #tpu.memory_space<hbm>> -> memref<80x72xf32, #tpu.memory_space<hbm>>
        %dma_wait3A_317 = arith.constant 0 : i32
        %dma_wait3A_318 = arith.constant 0 : i32
        %dma_wait3A_319 = tpu.memref_slice %arg6[%dma_wait3A_312, %dma_wait3A_317, %dma_wait3A_318] : memref<2x10240x72xf32, #tpu.memory_space<hbm>> -> memref<1x80x72xf32, #tpu.memory_space<hbm>>
        %dma_wait3A_320 = tpu.memref_squeeze %dma_wait3A_319 : memref<1x80x72xf32, #tpu.memory_space<hbm>> -> memref<80x72xf32, #tpu.memory_space<hbm>>
        tpu.wait_dma2 semaphore(%arg30 : memref<!tpu.dma_semaphore, #tpu.memory_space<semaphore_mem>>) src(%dma_wait3A_320 : memref<80x72xf32, #tpu.memory_space<hbm>>) dst(%arg21 : memref<80x72xf32, #tpu.memory_space<vmem>>)
      } else {
      }
      %parallel_loop3A_303 = arith.constant 0 : i32
      %parallel_loop3A_304 = arith.constant 80 : i32
      %parallel_loop3A_305 = arith.constant 1 : i32
      scf.for %parallel_loop3A_312 = %parallel_loop3A_303 to %parallel_loop3A_304 step %parallel_loop3A_305  : i32 {
        %parallel_loop3A_313 = arith.index_cast %parallel_loop3A_312 : i32 to index
        %parallel_loop3A_314 = arith.constant 0 : index
        %parallel_loop3A_315 = tpu.vector_load %arg13[%parallel_loop3A_313, %parallel_loop3A_314] {strides = array<i32>} : memref<80x80xf32, #tpu.memory_space<vmem>>, vector<1x16xf32>,
        %parallel_loop3A_316 = vector.shape_cast %parallel_loop3A_315 : vector<1x16xf32> to vector<16xf32>
        %parallel_loop3A_317 = vector.shape_cast %and3A_31 : vector<16xi32> to vector<16x1xi32>
        %parallel_loop3A_318 = vector.shape_cast %parallel_loop3A_317 : vector<16x1xi32> to vector<16xi32>
        %parallel_loop3A_319 = tpu.dynamic_gather %parallel_loop3A_316[%parallel_loop3A_318] in [0] : vector<16xf32>, vector<16xi32> -> vector<16xf32>
        %parallel_loop3A_320 = arith.index_cast %parallel_loop3A_312 : i32 to index
        %parallel_loop3A_321 = arith.constant 0 : index
        %parallel_loop3A_322 = tpu.vector_load %arg17[%parallel_loop3A_320, %parallel_loop3A_321] {strides = array<i32>} : memref<80x16xf32, #tpu.memory_space<vmem>>, vector<1x16xf32>,
        %parallel_loop3A_323 = vector.shape_cast %parallel_loop3A_322 : vector<1x16xf32> to vector<16xf32>
        %parallel_loop3A_324 = arith.addf %parallel_loop3A_319, %parallel_loop3A_323 : vector<16xf32>
        %parallel_loop3A_325 = arith.constant 2.000000e-01 : f32
        %parallel_loop3A_326 = vector.broadcast %parallel_loop3A_325 : f32 to vector<16xf32>
        %parallel_loop3A_327 = arith.mulf %parallel_loop3A_326, %parallel_loop3A_324 : vector<16xf32>
        %parallel_loop3A_328 = arith.maximumf %parallel_loop3A_324, %parallel_loop3A_327 : vector<16xf32>
        %parallel_loop3A_329 = arith.subf %parallel_loop3A_328, %get3A_56 : vector<16xf32>
        %parallel_loop3A_330 = math.exp %parallel_loop3A_329 : vector<16xf32>
        %parallel_loop3A_331 = arith.index_cast %parallel_loop3A_312 : i32 to index
        %parallel_loop3A_332 = arith.constant 56 : index
        %parallel_loop3A_333 = tpu.vector_load %arg21[%parallel_loop3A_331, %parallel_loop3A_332] {strides = array<i32>} : memref<80x72xf32, #tpu.memory_space<vmem>>, vector<1x16xf32>,
        %parallel_loop3A_334 = vector.shape_cast %parallel_loop3A_333 : vector<1x16xf32> to vector<16xf32>
        %parallel_loop3A_335 = vector.shape_cast %parallel_loop3A_330 : vector<16xf32> to vector<1x16xf32>
        tpu.vector_store %arg21[%parallel_loop3A_331, %parallel_loop3A_332], %parallel_loop3A_335 {strides = array<i32>} : memref<80x72xf32, #tpu.memory_space<vmem>>, vector<1x16xf32>,
        %parallel_loop3A_336 = arith.index_cast %parallel_loop3A_312 : i32 to index
        %parallel_loop3A_337 = arith.constant 16 : index
        %parallel_loop3A_338 = tpu.vector_load %arg13[%parallel_loop3A_336, %parallel_loop3A_337] {strides = array<i32>} : memref<80x80xf32, #tpu.memory_space<vmem>>, vector<1x16xf32>,
        %parallel_loop3A_339 = vector.shape_cast %parallel_loop3A_338 : vector<1x16xf32> to vector<16xf32>
        %parallel_loop3A_340 = vector.shape_cast %add3A_36 : vector<16xi32> to vector<16x1xi32>
        %parallel_loop3A_341 = vector.shape_cast %parallel_loop3A_340 : vector<16x1xi32> to vector<16xi32>
        %parallel_loop3A_342 = tpu.dynamic_gather %parallel_loop3A_330[%parallel_loop3A_341] in [0] : vector<16xf32>, vector<16xi32> -> vector<16xf32>
        %parallel_loop3A_343 = arith.mulf %parallel_loop3A_339, %parallel_loop3A_342 : vector<16xf32>
        %parallel_loop3A_344 = arith.index_cast %parallel_loop3A_312 : i32 to index
        %parallel_loop3A_345 = arith.constant 0 : index
        %parallel_loop3A_346 = tpu.vector_load %arg21[%parallel_loop3A_344, %parallel_loop3A_345] {strides = array<i32>} : memref<80x72xf32, #tpu.memory_space<vmem>>, vector<1x16xf32>,
        %parallel_loop3A_347 = vector.shape_cast %parallel_loop3A_346 : vector<1x16xf32> to vector<16xf32>
        %parallel_loop3A_348 = vector.shape_cast %parallel_loop3A_343 : vector<16xf32> to vector<1x16xf32>
        tpu.vector_store %arg21[%parallel_loop3A_344, %parallel_loop3A_345], %parallel_loop3A_348 {strides = array<i32>} : memref<80x72xf32, #tpu.memory_space<vmem>>, vector<1x16xf32>,
        %parallel_loop3A_349 = arith.index_cast %parallel_loop3A_312 : i32 to index
        %parallel_loop3A_350 = arith.constant 32 : index
        %parallel_loop3A_351 = tpu.vector_load %arg13[%parallel_loop3A_349, %parallel_loop3A_350] {strides = array<i32>} : memref<80x80xf32, #tpu.memory_space<vmem>>, vector<1x16xf32>,
        %parallel_loop3A_352 = vector.shape_cast %parallel_loop3A_351 : vector<1x16xf32> to vector<16xf32>
        %parallel_loop3A_353 = vector.shape_cast %add3A_42 : vector<16xi32> to vector<16x1xi32>
        %parallel_loop3A_354 = vector.shape_cast %parallel_loop3A_353 : vector<16x1xi32> to vector<16xi32>
        %parallel_loop3A_355 = tpu.dynamic_gather %parallel_loop3A_330[%parallel_loop3A_354] in [0] : vector<16xf32>, vector<16xi32> -> vector<16xf32>
        %parallel_loop3A_356 = arith.mulf %parallel_loop3A_352, %parallel_loop3A_355 : vector<16xf32>
        %parallel_loop3A_357 = arith.index_cast %parallel_loop3A_312 : i32 to index
        %parallel_loop3A_358 = arith.constant 16 : index
        %parallel_loop3A_359 = tpu.vector_load %arg21[%parallel_loop3A_357, %parallel_loop3A_358] {strides = array<i32>} : memref<80x72xf32, #tpu.memory_space<vmem>>, vector<1x16xf32>,
        %parallel_loop3A_360 = vector.shape_cast %parallel_loop3A_359 : vector<1x16xf32> to vector<16xf32>
        %parallel_loop3A_361 = vector.shape_cast %parallel_loop3A_356 : vector<16xf32> to vector<1x16xf32>
        tpu.vector_store %arg21[%parallel_loop3A_357, %parallel_loop3A_358], %parallel_loop3A_361 {strides = array<i32>} : memref<80x72xf32, #tpu.memory_space<vmem>>, vector<1x16xf32>,
        %parallel_loop3A_362 = arith.index_cast %parallel_loop3A_312 : i32 to index
        %parallel_loop3A_363 = arith.constant 48 : index
        %parallel_loop3A_364 = tpu.vector_load %arg13[%parallel_loop3A_362, %parallel_loop3A_363] {strides = array<i32>} : memref<80x80xf32, #tpu.memory_space<vmem>>, vector<1x16xf32>,
        %parallel_loop3A_365 = vector.shape_cast %parallel_loop3A_364 : vector<1x16xf32> to vector<16xf32>
        %parallel_loop3A_366 = vector.shape_cast %add3A_48 : vector<16xi32> to vector<16x1xi32>
        %parallel_loop3A_367 = vector.shape_cast %parallel_loop3A_366 : vector<16x1xi32> to vector<16xi32>
        %parallel_loop3A_368 = tpu.dynamic_gather %parallel_loop3A_330[%parallel_loop3A_367] in [0] : vector<16xf32>, vector<16xi32> -> vector<16xf32>
        %parallel_loop3A_369 = arith.mulf %parallel_loop3A_365, %parallel_loop3A_368 : vector<16xf32>
        %parallel_loop3A_370 = arith.index_cast %parallel_loop3A_312 : i32 to index
        %parallel_loop3A_371 = arith.constant 32 : index
        %parallel_loop3A_372 = tpu.vector_load %arg21[%parallel_loop3A_370, %parallel_loop3A_371] {strides = array<i32>} : memref<80x72xf32, #tpu.memory_space<vmem>>, vector<1x16xf32>,
        %parallel_loop3A_373 = vector.shape_cast %parallel_loop3A_372 : vector<1x16xf32> to vector<16xf32>
        %parallel_loop3A_374 = vector.shape_cast %parallel_loop3A_369 : vector<16xf32> to vector<1x16xf32>
        tpu.vector_store %arg21[%parallel_loop3A_370, %parallel_loop3A_371], %parallel_loop3A_374 {strides = array<i32>} : memref<80x72xf32, #tpu.memory_space<vmem>>, vector<1x16xf32>,
        %parallel_loop3A_375 = arith.index_cast %parallel_loop3A_312 : i32 to index
        %parallel_loop3A_376 = arith.constant 64 : index
        %parallel_loop3A_377 = tpu.vector_load %arg13[%parallel_loop3A_375, %parallel_loop3A_376] {strides = array<i32>} : memref<80x80xf32, #tpu.memory_space<vmem>>, vector<1x16xf32>,
        %parallel_loop3A_378 = vector.shape_cast %parallel_loop3A_377 : vector<1x16xf32> to vector<16xf32>
        %parallel_loop3A_379 = vector.shape_cast %add3A_54 : vector<16xi32> to vector<16x1xi32>
        %parallel_loop3A_380 = vector.shape_cast %parallel_loop3A_379 : vector<16x1xi32> to vector<16xi32>
        %parallel_loop3A_381 = tpu.dynamic_gather %parallel_loop3A_330[%parallel_loop3A_380] in [0] : vector<16xf32>, vector<16xi32> -> vector<16xf32>
        %parallel_loop3A_382 = arith.mulf %parallel_loop3A_378, %parallel_loop3A_381 : vector<16xf32>
        %parallel_loop3A_383 = arith.index_cast %parallel_loop3A_312 : i32 to index
        %parallel_loop3A_384 = arith.constant 48 : index
        %parallel_loop3A_385 = tpu.vector_load %arg21[%parallel_loop3A_383, %parallel_loop3A_384] {strides = array<i32>} : memref<80x72xf32, #tpu.memory_space<vmem>>, vector<1x16xf32>,
        %parallel_loop3A_386 = vector.shape_cast %parallel_loop3A_385 : vector<1x16xf32> to vector<16xf32>
        %parallel_loop3A_387 = vector.shape_cast %parallel_loop3A_382 : vector<16xf32> to vector<1x16xf32>
        tpu.vector_store %arg21[%parallel_loop3A_383, %parallel_loop3A_384], %parallel_loop3A_387 {strides = array<i32>} : memref<80x72xf32, #tpu.memory_space<vmem>>, vector<1x16xf32>,
      } {sc.loop_unroll_factor = 4 : i64, sc.parallel_access}
      %dma_start3A_306 = arith.constant 0 : i32
      %dma_start3A_307 = tpu.memref_slice %arg9[%add3A_278, %dma_start3A_306] : memref<125x80xi32, #tpu.memory_space<vmem>> -> memref<1x80xi32, #tpu.memory_space<vmem>>
      %dma_start3A_308 = tpu.memref_squeeze %dma_start3A_307 : memref<1x80xi32, #tpu.memory_space<vmem>> -> memref<80xi32, #tpu.memory_space<vmem>>
      %dma_start3A_309 = arith.constant 0 : i32
      %dma_start3A_310 = arith.constant 0 : i32
      %dma_start3A_311 = tpu.memref_slice %arg7[%dma_start3A_309, %dma_start3A_310] : memref<10240x72xf32, #tpu.memory_space<vmem_shared>> -> memref<10240x72xf32, #tpu.memory_space<vmem_shared>>
      tpu.enqueue_indirect_dma source(%arg21 : memref<80x72xf32, #tpu.memory_space<vmem>>) target(%dma_start3A_311 : memref<10240x72xf32, #tpu.memory_space<vmem_shared>>) offsets(%dma_start3A_308 : memref<80xi32, #tpu.memory_space<vmem>>) semaphore(%arg30 : memref<!tpu.dma_semaphore, #tpu.memory_space<semaphore_mem>>) {add = true}
    }
    %scan3A_102 = arith.constant 31 : i32
    %dma_wait3A = arith.constant 0 : i32
    %dma_wait3A_103 = arith.constant 0 : i32
    %dma_wait3A_104 = tpu.memref_slice %arg3[%dma_wait3A, %dma_wait3A_103] : memref<10000x80xf32, #tpu.memory_space<hbm>> -> memref<80x80xf32, #tpu.memory_space<hbm>>
    %dma_wait3A_105 = arith.constant 0 : i32
    %dma_wait3A_106 = arith.constant 0 : i32
    %dma_wait3A_107 = tpu.memref_slice %arg3[%dma_wait3A_105, %dma_wait3A_106] : memref<10000x80xf32, #tpu.memory_space<hbm>> -> memref<80x80xf32, #tpu.memory_space<hbm>>
    tpu.wait_dma2 semaphore(%arg23 : memref<!tpu.dma_semaphore, #tpu.memory_space<semaphore_mem>>) src(%dma_wait3A_107 : memref<80x80xf32, #tpu.memory_space<hbm>>) dst(%arg10 : memref<80x80xf32, #tpu.memory_space<vmem>>)
    %dma_wait3A_108 = arith.constant 0 : i32
    %dma_wait3A_109 = arith.constant 0 : i32
    %dma_wait3A_110 = tpu.memref_slice %arg4[%dma_wait3A_108, %dma_wait3A_109] : memref<10000x16xf32, #tpu.memory_space<hbm>> -> memref<80x16xf32, #tpu.memory_space<hbm>>
    %dma_wait3A_111 = arith.constant 0 : i32
    %dma_wait3A_112 = arith.constant 0 : i32
    %dma_wait3A_113 = tpu.memref_slice %arg4[%dma_wait3A_111, %dma_wait3A_112] : memref<10000x16xf32, #tpu.memory_space<hbm>> -> memref<80x16xf32, #tpu.memory_space<hbm>>
    tpu.wait_dma2 semaphore(%arg23 : memref<!tpu.dma_semaphore, #tpu.memory_space<semaphore_mem>>) src(%dma_wait3A_113 : memref<80x16xf32, #tpu.memory_space<hbm>>) dst(%arg14 : memref<80x16xf32, #tpu.memory_space<vmem>>)
    %dma_wait3A_114 = arith.constant 0 : i32
    %dma_wait3A_115 = arith.constant 0 : i32
    %dma_wait3A_116 = arith.constant 0 : i32
    %dma_wait3A_117 = tpu.memref_slice %arg6[%dma_wait3A_114, %dma_wait3A_115, %dma_wait3A_116] : memref<2x10240x72xf32, #tpu.memory_space<hbm>> -> memref<1x80x72xf32, #tpu.memory_space<hbm>>
    %dma_wait3A_118 = tpu.memref_squeeze %dma_wait3A_117 : memref<1x80x72xf32, #tpu.memory_space<hbm>> -> memref<80x72xf32, #tpu.memory_space<hbm>>
    %dma_wait3A_119 = arith.constant 0 : i32
    %dma_wait3A_120 = arith.constant 0 : i32
    %dma_wait3A_121 = tpu.memref_slice %arg6[%dma_wait3A_114, %dma_wait3A_119, %dma_wait3A_120] : memref<2x10240x72xf32, #tpu.memory_space<hbm>> -> memref<1x80x72xf32, #tpu.memory_space<hbm>>
    %dma_wait3A_122 = tpu.memref_squeeze %dma_wait3A_121 : memref<1x80x72xf32, #tpu.memory_space<hbm>> -> memref<80x72xf32, #tpu.memory_space<hbm>>
    tpu.wait_dma2 semaphore(%arg27 : memref<!tpu.dma_semaphore, #tpu.memory_space<semaphore_mem>>) src(%dma_wait3A_122 : memref<80x72xf32, #tpu.memory_space<hbm>>) dst(%arg18 : memref<80x72xf32, #tpu.memory_space<vmem>>)
    %parallel_loop3A = arith.constant 0 : i32
    %parallel_loop3A_123 = arith.constant 80 : i32
    %parallel_loop3A_124 = arith.constant 1 : i32
    scf.for %parallel_loop3A_169 = %parallel_loop3A to %parallel_loop3A_123 step %parallel_loop3A_124  : i32 {
      %parallel_loop3A_170 = arith.index_cast %parallel_loop3A_169 : i32 to index
      %parallel_loop3A_171 = arith.constant 0 : index
      %parallel_loop3A_172 = tpu.vector_load %arg10[%parallel_loop3A_170, %parallel_loop3A_171] {strides = array<i32>} : memref<80x80xf32, #tpu.memory_space<vmem>>, vector<1x16xf32>,
      %parallel_loop3A_173 = vector.shape_cast %parallel_loop3A_172 : vector<1x16xf32> to vector<16xf32>
      %parallel_loop3A_174 = vector.shape_cast %and3A_31 : vector<16xi32> to vector<16x1xi32>
      %parallel_loop3A_175 = vector.shape_cast %parallel_loop3A_174 : vector<16x1xi32> to vector<16xi32>
      %parallel_loop3A_176 = tpu.dynamic_gather %parallel_loop3A_173[%parallel_loop3A_175] in [0] : vector<16xf32>, vector<16xi32> -> vector<16xf32>
      %parallel_loop3A_177 = arith.index_cast %parallel_loop3A_169 : i32 to index
      %parallel_loop3A_178 = arith.constant 0 : index
      %parallel_loop3A_179 = tpu.vector_load %arg14[%parallel_loop3A_177, %parallel_loop3A_178] {strides = array<i32>} : memref<80x16xf32, #tpu.memory_space<vmem>>, vector<1x16xf32>,
      %parallel_loop3A_180 = vector.shape_cast %parallel_loop3A_179 : vector<1x16xf32> to vector<16xf32>
      %parallel_loop3A_181 = arith.addf %parallel_loop3A_176, %parallel_loop3A_180 : vector<16xf32>
      %parallel_loop3A_182 = arith.constant 2.000000e-01 : f32
      %parallel_loop3A_183 = vector.broadcast %parallel_loop3A_182 : f32 to vector<16xf32>
      %parallel_loop3A_184 = arith.mulf %parallel_loop3A_183, %parallel_loop3A_181 : vector<16xf32>
      %parallel_loop3A_185 = arith.maximumf %parallel_loop3A_181, %parallel_loop3A_184 : vector<16xf32>
      %parallel_loop3A_186 = arith.subf %parallel_loop3A_185, %get3A_56 : vector<16xf32>
      %parallel_loop3A_187 = math.exp %parallel_loop3A_186 : vector<16xf32>
      %parallel_loop3A_188 = arith.index_cast %parallel_loop3A_169 : i32 to index
      %parallel_loop3A_189 = arith.constant 56 : index
      %parallel_loop3A_190 = tpu.vector_load %arg18[%parallel_loop3A_188, %parallel_loop3A_189] {strides = array<i32>} : memref<80x72xf32, #tpu.memory_space<vmem>>, vector<1x16xf32>,
      %parallel_loop3A_191 = vector.shape_cast %parallel_loop3A_190 : vector<1x16xf32> to vector<16xf32>
      %parallel_loop3A_192 = vector.shape_cast %parallel_loop3A_187 : vector<16xf32> to vector<1x16xf32>
      tpu.vector_store %arg18[%parallel_loop3A_188, %parallel_loop3A_189], %parallel_loop3A_192 {strides = array<i32>} : memref<80x72xf32, #tpu.memory_space<vmem>>, vector<1x16xf32>,
      %parallel_loop3A_193 = arith.index_cast %parallel_loop3A_169 : i32 to index
      %parallel_loop3A_194 = arith.constant 16 : index
      %parallel_loop3A_195 = tpu.vector_load %arg10[%parallel_loop3A_193, %parallel_loop3A_194] {strides = array<i32>} : memref<80x80xf32, #tpu.memory_space<vmem>>, vector<1x16xf32>,
      %parallel_loop3A_196 = vector.shape_cast %parallel_loop3A_195 : vector<1x16xf32> to vector<16xf32>
      %parallel_loop3A_197 = vector.shape_cast %add3A_36 : vector<16xi32> to vector<16x1xi32>
      %parallel_loop3A_198 = vector.shape_cast %parallel_loop3A_197 : vector<16x1xi32> to vector<16xi32>
      %parallel_loop3A_199 = tpu.dynamic_gather %parallel_loop3A_187[%parallel_loop3A_198] in [0] : vector<16xf32>, vector<16xi32> -> vector<16xf32>
      %parallel_loop3A_200 = arith.mulf %parallel_loop3A_196, %parallel_loop3A_199 : vector<16xf32>
      %parallel_loop3A_201 = arith.index_cast %parallel_loop3A_169 : i32 to index
      %parallel_loop3A_202 = arith.constant 0 : index
      %parallel_loop3A_203 = tpu.vector_load %arg18[%parallel_loop3A_201, %parallel_loop3A_202] {strides = array<i32>} : memref<80x72xf32, #tpu.memory_space<vmem>>, vector<1x16xf32>,
      %parallel_loop3A_204 = vector.shape_cast %parallel_loop3A_203 : vector<1x16xf32> to vector<16xf32>
      %parallel_loop3A_205 = vector.shape_cast %parallel_loop3A_200 : vector<16xf32> to vector<1x16xf32>
      tpu.vector_store %arg18[%parallel_loop3A_201, %parallel_loop3A_202], %parallel_loop3A_205 {strides = array<i32>} : memref<80x72xf32, #tpu.memory_space<vmem>>, vector<1x16xf32>,
      %parallel_loop3A_206 = arith.index_cast %parallel_loop3A_169 : i32 to index
      %parallel_loop3A_207 = arith.constant 32 : index
      %parallel_loop3A_208 = tpu.vector_load %arg10[%parallel_loop3A_206, %parallel_loop3A_207] {strides = array<i32>} : memref<80x80xf32, #tpu.memory_space<vmem>>, vector<1x16xf32>,
      %parallel_loop3A_209 = vector.shape_cast %parallel_loop3A_208 : vector<1x16xf32> to vector<16xf32>
      %parallel_loop3A_210 = vector.shape_cast %add3A_42 : vector<16xi32> to vector<16x1xi32>
      %parallel_loop3A_211 = vector.shape_cast %parallel_loop3A_210 : vector<16x1xi32> to vector<16xi32>
      %parallel_loop3A_212 = tpu.dynamic_gather %parallel_loop3A_187[%parallel_loop3A_211] in [0] : vector<16xf32>, vector<16xi32> -> vector<16xf32>
      %parallel_loop3A_213 = arith.mulf %parallel_loop3A_209, %parallel_loop3A_212 : vector<16xf32>
      %parallel_loop3A_214 = arith.index_cast %parallel_loop3A_169 : i32 to index
      %parallel_loop3A_215 = arith.constant 16 : index
      %parallel_loop3A_216 = tpu.vector_load %arg18[%parallel_loop3A_214, %parallel_loop3A_215] {strides = array<i32>} : memref<80x72xf32, #tpu.memory_space<vmem>>, vector<1x16xf32>,
      %parallel_loop3A_217 = vector.shape_cast %parallel_loop3A_216 : vector<1x16xf32> to vector<16xf32>
      %parallel_loop3A_218 = vector.shape_cast %parallel_loop3A_213 : vector<16xf32> to vector<1x16xf32>
      tpu.vector_store %arg18[%parallel_loop3A_214, %parallel_loop3A_215], %parallel_loop3A_218 {strides = array<i32>} : memref<80x72xf32, #tpu.memory_space<vmem>>, vector<1x16xf32>,
      %parallel_loop3A_219 = arith.index_cast %parallel_loop3A_169 : i32 to index
      %parallel_loop3A_220 = arith.constant 48 : index
      %parallel_loop3A_221 = tpu.vector_load %arg10[%parallel_loop3A_219, %parallel_loop3A_220] {strides = array<i32>} : memref<80x80xf32, #tpu.memory_space<vmem>>, vector<1x16xf32>,
      %parallel_loop3A_222 = vector.shape_cast %parallel_loop3A_221 : vector<1x16xf32> to vector<16xf32>
      %parallel_loop3A_223 = vector.shape_cast %add3A_48 : vector<16xi32> to vector<16x1xi32>
      %parallel_loop3A_224 = vector.shape_cast %parallel_loop3A_223 : vector<16x1xi32> to vector<16xi32>
      %parallel_loop3A_225 = tpu.dynamic_gather %parallel_loop3A_187[%parallel_loop3A_224] in [0] : vector<16xf32>, vector<16xi32> -> vector<16xf32>
      %parallel_loop3A_226 = arith.mulf %parallel_loop3A_222, %parallel_loop3A_225 : vector<16xf32>
      %parallel_loop3A_227 = arith.index_cast %parallel_loop3A_169 : i32 to index
      %parallel_loop3A_228 = arith.constant 32 : index
      %parallel_loop3A_229 = tpu.vector_load %arg18[%parallel_loop3A_227, %parallel_loop3A_228] {strides = array<i32>} : memref<80x72xf32, #tpu.memory_space<vmem>>, vector<1x16xf32>,
      %parallel_loop3A_230 = vector.shape_cast %parallel_loop3A_229 : vector<1x16xf32> to vector<16xf32>
      %parallel_loop3A_231 = vector.shape_cast %parallel_loop3A_226 : vector<16xf32> to vector<1x16xf32>
      tpu.vector_store %arg18[%parallel_loop3A_227, %parallel_loop3A_228], %parallel_loop3A_231 {strides = array<i32>} : memref<80x72xf32, #tpu.memory_space<vmem>>, vector<1x16xf32>,
      %parallel_loop3A_232 = arith.index_cast %parallel_loop3A_169 : i32 to index
      %parallel_loop3A_233 = arith.constant 64 : index
      %parallel_loop3A_234 = tpu.vector_load %arg10[%parallel_loop3A_232, %parallel_loop3A_233] {strides = array<i32>} : memref<80x80xf32, #tpu.memory_space<vmem>>, vector<1x16xf32>,
      %parallel_loop3A_235 = vector.shape_cast %parallel_loop3A_234 : vector<1x16xf32> to vector<16xf32>
      %parallel_loop3A_236 = vector.shape_cast %add3A_54 : vector<16xi32> to vector<16x1xi32>
      %parallel_loop3A_237 = vector.shape_cast %parallel_loop3A_236 : vector<16x1xi32> to vector<16xi32>
      %parallel_loop3A_238 = tpu.dynamic_gather %parallel_loop3A_187[%parallel_loop3A_237] in [0] : vector<16xf32>, vector<16xi32> -> vector<16xf32>
      %parallel_loop3A_239 = arith.mulf %parallel_loop3A_235, %parallel_loop3A_238 : vector<16xf32>
      %parallel_loop3A_240 = arith.index_cast %parallel_loop3A_169 : i32 to index
      %parallel_loop3A_241 = arith.constant 48 : index
      %parallel_loop3A_242 = tpu.vector_load %arg18[%parallel_loop3A_240, %parallel_loop3A_241] {strides = array<i32>} : memref<80x72xf32, #tpu.memory_space<vmem>>, vector<1x16xf32>,
      %parallel_loop3A_243 = vector.shape_cast %parallel_loop3A_242 : vector<1x16xf32> to vector<16xf32>
      %parallel_loop3A_244 = vector.shape_cast %parallel_loop3A_239 : vector<16xf32> to vector<1x16xf32>
      tpu.vector_store %arg18[%parallel_loop3A_240, %parallel_loop3A_241], %parallel_loop3A_244 {strides = array<i32>} : memref<80x72xf32, #tpu.memory_space<vmem>>, vector<1x16xf32>,
    } {sc.loop_unroll_factor = 4 : i64, sc.parallel_access}
    %dma_start3A_125 = arith.constant 124 : i32
    %dma_start3A_126 = arith.constant 0 : i32
    %dma_start3A_127 = tpu.memref_slice %arg9[%dma_start3A_125, %dma_start3A_126] : memref<125x80xi32, #tpu.memory_space<vmem>> -> memref<1x80xi32, #tpu.memory_space<vmem>>
    %dma_start3A_128 = tpu.memref_squeeze %dma_start3A_127 : memref<1x80xi32, #tpu.memory_space<vmem>> -> memref<80xi32, #tpu.memory_space<vmem>>
    %dma_start3A_129 = arith.constant 0 : i32
    %dma_start3A_130 = arith.constant 0 : i32
    %dma_start3A_131 = tpu.memref_slice %arg7[%dma_start3A_129, %dma_start3A_130] : memref<10240x72xf32, #tpu.memory_space<vmem_shared>> -> memref<10240x72xf32, #tpu.memory_space<vmem_shared>>
    tpu.enqueue_indirect_dma source(%arg18 : memref<80x72xf32, #tpu.memory_space<vmem>>) target(%dma_start3A_131 : memref<10240x72xf32, #tpu.memory_space<vmem_shared>>) offsets(%dma_start3A_128 : memref<80xi32, #tpu.memory_space<vmem>>) semaphore(%arg27 : memref<!tpu.dma_semaphore, #tpu.memory_space<semaphore_mem>>) {add = true}
    %dma_wait3A_132 = arith.constant 0 : i32
    %dma_wait3A_133 = arith.constant 0 : i32
    %dma_wait3A_134 = arith.constant 0 : i32
    %dma_wait3A_135 = tpu.memref_slice %arg6[%dma_wait3A_132, %dma_wait3A_133, %dma_wait3A_134] : memref<2x10240x72xf32, #tpu.memory_space<hbm>> -> memref<1x80x72xf32, #tpu.memory_space<hbm>>
    %dma_wait3A_136 = tpu.memref_squeeze %dma_wait3A_135 : memref<1x80x72xf32, #tpu.memory_space<hbm>> -> memref<80x72xf32, #tpu.memory_space<hbm>>
    %dma_wait3A_137 = arith.constant 0 : i32
    %dma_wait3A_138 = arith.constant 0 : i32
    %dma_wait3A_139 = tpu.memref_slice %arg6[%dma_wait3A_132, %dma_wait3A_137, %dma_wait3A_138] : memref<2x10240x72xf32, #tpu.memory_space<hbm>> -> memref<1x80x72xf32, #tpu.memory_space<hbm>>
    %dma_wait3A_140 = tpu.memref_squeeze %dma_wait3A_139 : memref<1x80x72xf32, #tpu.memory_space<hbm>> -> memref<80x72xf32, #tpu.memory_space<hbm>>
    tpu.wait_dma2 semaphore(%arg27 : memref<!tpu.dma_semaphore, #tpu.memory_space<semaphore_mem>>) src(%dma_wait3A_140 : memref<80x72xf32, #tpu.memory_space<hbm>>) dst(%arg18 : memref<80x72xf32, #tpu.memory_space<vmem>>)
    %dma_wait3A_141 = arith.constant 0 : i32
    %dma_wait3A_142 = arith.constant 0 : i32
    %dma_wait3A_143 = arith.constant 0 : i32
    %dma_wait3A_144 = tpu.memref_slice %arg6[%dma_wait3A_141, %dma_wait3A_142, %dma_wait3A_143] : memref<2x10240x72xf32, #tpu.memory_space<hbm>> -> memref<1x80x72xf32, #tpu.memory_space<hbm>>
    %dma_wait3A_145 = tpu.memref_squeeze %dma_wait3A_144 : memref<1x80x72xf32, #tpu.memory_space<hbm>> -> memref<80x72xf32, #tpu.memory_space<hbm>>
    %dma_wait3A_146 = arith.constant 0 : i32
    %dma_wait3A_147 = arith.constant 0 : i32
    %dma_wait3A_148 = tpu.memref_slice %arg6[%dma_wait3A_141, %dma_wait3A_146, %dma_wait3A_147] : memref<2x10240x72xf32, #tpu.memory_space<hbm>> -> memref<1x80x72xf32, #tpu.memory_space<hbm>>
    %dma_wait3A_149 = tpu.memref_squeeze %dma_wait3A_148 : memref<1x80x72xf32, #tpu.memory_space<hbm>> -> memref<80x72xf32, #tpu.memory_space<hbm>>
    tpu.wait_dma2 semaphore(%arg28 : memref<!tpu.dma_semaphore, #tpu.memory_space<semaphore_mem>>) src(%dma_wait3A_149 : memref<80x72xf32, #tpu.memory_space<hbm>>) dst(%arg19 : memref<80x72xf32, #tpu.memory_space<vmem>>)
    %dma_wait3A_150 = arith.constant 0 : i32
    %dma_wait3A_151 = arith.constant 0 : i32
    %dma_wait3A_152 = arith.constant 0 : i32
    %dma_wait3A_153 = tpu.memref_slice %arg6[%dma_wait3A_150, %dma_wait3A_151, %dma_wait3A_152] : memref<2x10240x72xf32, #tpu.memory_space<hbm>> -> memref<1x80x72xf32, #tpu.memory_space<hbm>>
    %dma_wait3A_154 = tpu.memref_squeeze %dma_wait3A_153 : memref<1x80x72xf32, #tpu.memory_space<hbm>> -> memref<80x72xf32, #tpu.memory_space<hbm>>
    %dma_wait3A_155 = arith.constant 0 : i32
    %dma_wait3A_156 = arith.constant 0 : i32
    %dma_wait3A_157 = tpu.memref_slice %arg6[%dma_wait3A_150, %dma_wait3A_155, %dma_wait3A_156] : memref<2x10240x72xf32, #tpu.memory_space<hbm>> -> memref<1x80x72xf32, #tpu.memory_space<hbm>>
    %dma_wait3A_158 = tpu.memref_squeeze %dma_wait3A_157 : memref<1x80x72xf32, #tpu.memory_space<hbm>> -> memref<80x72xf32, #tpu.memory_space<hbm>>
    tpu.wait_dma2 semaphore(%arg29 : memref<!tpu.dma_semaphore, #tpu.memory_space<semaphore_mem>>) src(%dma_wait3A_158 : memref<80x72xf32, #tpu.memory_space<hbm>>) dst(%arg20 : memref<80x72xf32, #tpu.memory_space<vmem>>)
    %dma_wait3A_159 = arith.constant 0 : i32
    %dma_wait3A_160 = arith.constant 0 : i32
    %dma_wait3A_161 = arith.constant 0 : i32
    %dma_wait3A_162 = tpu.memref_slice %arg6[%dma_wait3A_159, %dma_wait3A_160, %dma_wait3A_161] : memref<2x10240x72xf32, #tpu.memory_space<hbm>> -> memref<1x80x72xf32, #tpu.memory_space<hbm>>
    %dma_wait3A_163 = tpu.memref_squeeze %dma_wait3A_162 : memref<1x80x72xf32, #tpu.memory_space<hbm>> -> memref<80x72xf32, #tpu.memory_space<hbm>>
    %dma_wait3A_164 = arith.constant 0 : i32
    %dma_wait3A_165 = arith.constant 0 : i32
    %dma_wait3A_166 = tpu.memref_slice %arg6[%dma_wait3A_159, %dma_wait3A_164, %dma_wait3A_165] : memref<2x10240x72xf32, #tpu.memory_space<hbm>> -> memref<1x80x72xf32, #tpu.memory_space<hbm>>
    %dma_wait3A_167 = tpu.memref_squeeze %dma_wait3A_166 : memref<1x80x72xf32, #tpu.memory_space<hbm>> -> memref<80x72xf32, #tpu.memory_space<hbm>>
    tpu.wait_dma2 semaphore(%arg30 : memref<!tpu.dma_semaphore, #tpu.memory_space<semaphore_mem>>) src(%dma_wait3A_167 : memref<80x72xf32, #tpu.memory_space<hbm>>) dst(%arg21 : memref<80x72xf32, #tpu.memory_space<vmem>>)
    %barrier3A_168 = arith.constant 0 : index
    tpu.barrier barrier_id(%barrier3A_168)
    "tpu.region"() ({
      %run_scoped3A_169 = tpu.sem_alloc : memref<!tpu.dma_semaphore, #tpu.memory_space<semaphore_mem>>
      %dma_start3A_170 = arith.constant 0 : i32
      %dma_start3A_171 = tpu.memref_slice %arg6[%arg0, %mul3A_2, %dma_start3A_170] : memref<2x10240x72xf32, #tpu.memory_space<hbm>> -> memref<1x640x72xf32, #tpu.memory_space<hbm>>
      %dma_start3A_172 = tpu.memref_squeeze %dma_start3A_171 : memref<1x640x72xf32, #tpu.memory_space<hbm>> -> memref<640x72xf32, #tpu.memory_space<hbm>>
      %dma_start3A_173 = arith.constant 0 : i32
      %dma_start3A_174 = tpu.memref_slice %arg7[%mul3A_2, %dma_start3A_173] : memref<10240x72xf32, #tpu.memory_space<vmem_shared>> -> memref<640x72xf32, #tpu.memory_space<vmem_shared>>
      tpu.enqueue_dma source(%dma_start3A_174 : memref<640x72xf32, #tpu.memory_space<vmem_shared>>) target(%dma_start3A_172 : memref<640x72xf32, #tpu.memory_space<hbm>>) target_semaphore(%run_scoped3A_169 : memref<!tpu.dma_semaphore, #tpu.memory_space<semaphore_mem>>)
      %dma_wait3A_175 = arith.constant 0 : i32
      %dma_wait3A_176 = tpu.memref_slice %arg6[%arg0, %mul3A_2, %dma_wait3A_175] : memref<2x10240x72xf32, #tpu.memory_space<hbm>> -> memref<1x640x72xf32, #tpu.memory_space<hbm>>
      %dma_wait3A_177 = tpu.memref_squeeze %dma_wait3A_176 : memref<1x640x72xf32, #tpu.memory_space<hbm>> -> memref<640x72xf32, #tpu.memory_space<hbm>>
      %dma_wait3A_178 = arith.constant 0 : i32
      %dma_wait3A_179 = tpu.memref_slice %arg7[%mul3A_2, %dma_wait3A_178] : memref<10240x72xf32, #tpu.memory_space<vmem_shared>> -> memref<640x72xf32, #tpu.memory_space<vmem_shared>>
      tpu.wait_dma2 semaphore(%run_scoped3A_169 : memref<!tpu.dma_semaphore, #tpu.memory_space<semaphore_mem>>) src(%dma_wait3A_179 : memref<640x72xf32, #tpu.memory_space<vmem_shared>>) dst(%dma_wait3A_177 : memref<640x72xf32, #tpu.memory_space<hbm>>)
      tpu.yield
    }) : () -> ()
    return
  }
}

module attributes {stable_mosaic.version = 14 : i64} {
  func.func @_pre_body(%arg0: i32, %arg1: memref<2000x128xf32, #tpu.memory_space<vmem>>, %arg2: memref<2000x128xf32, #tpu.memory_space<vmem>>, %arg3: memref<128x64xf32, #tpu.memory_space<vmem>>, %arg4: memref<128x64xf32, #tpu.memory_space<vmem>>, %arg5: memref<1x64xf32, #tpu.memory_space<vmem>>, %arg6: memref<1x64xf32, #tpu.memory_space<vmem>>, %arg7: memref<64x8xf32, #tpu.memory_space<vmem>>, %arg8: memref<64x8xf32, #tpu.memory_space<vmem>>, %arg9: memref<2000x80xf32, #tpu.memory_space<vmem>>, %arg10: memref<2000x16xf32, #tpu.memory_space<vmem>>, %arg11: memref<1x16xf32, #tpu.memory_space<vmem>>, %arg12: memref<1x8xf32, #tpu.memory_space<vmem>>, %arg13: memref<1x8xf32, #tpu.memory_space<vmem>>) attributes {dimension_semantics = [#tpu.dimension_semantics<arbitrary>], iteration_bounds = array<i64: 5>, scalar_prefetch = 0 : i64, scratch_operands = 2 : i64, tpu.core_type = #tpu.core_type<tc>, window_params = [{transform_indices = @transform_0, window_bounds = array<i64: 2000, 128>}, {transform_indices = @transform_1, window_bounds = array<i64: 2000, 128>}, {pipeline_mode = #tpu.pipeline_mode<synchronous>, transform_indices = @transform_2, window_bounds = array<i64: 128, 64>}, {pipeline_mode = #tpu.pipeline_mode<synchronous>, transform_indices = @transform_3, window_bounds = array<i64: 128, 64>}, {pipeline_mode = #tpu.pipeline_mode<synchronous>, transform_indices = @transform_4, window_bounds = array<i64: 1, 64>}, {pipeline_mode = #tpu.pipeline_mode<synchronous>, transform_indices = @transform_5, window_bounds = array<i64: 1, 64>}, {pipeline_mode = #tpu.pipeline_mode<synchronous>, transform_indices = @transform_6, window_bounds = array<i64: 64, 8>}, {pipeline_mode = #tpu.pipeline_mode<synchronous>, transform_indices = @transform_7, window_bounds = array<i64: 64, 8>}, {transform_indices = @transform_8, window_bounds = array<i64: 2000, 80>}, {transform_indices = @transform_9, window_bounds = array<i64: 2000, 16>}, {pipeline_mode = #tpu.pipeline_mode<synchronous>, transform_indices = @transform_10, window_bounds = array<i64: 1, 16>}]} {
    %get3A = arith.constant 0 : index
    %get3A_0 = arith.constant 0 : index
    %get3A_1 = vector.load %arg1[%get3A, %get3A_0] : memref<2000x128xf32, #tpu.memory_space<vmem>>, vector<2000x128xf32>
    %get3A_2 = arith.constant 0 : index
    %get3A_3 = arith.constant 0 : index
    %get3A_4 = vector.load %arg3[%get3A_2, %get3A_3] : memref<128x64xf32, #tpu.memory_space<vmem>>, vector<128x64xf32>
    %dot_general3A = arith.constant dense<0.000000e+00> : vector<2000x64xf32>
    %dot_general3A_5 = tpu.matmul %get3A_1, %get3A_4, %dot_general3A {dimension_numbers = #tpu.dot_dimension_numbers<[1], [0], [0], [1], [0, 0, 1, 1], [], []>, transpose_lhs_hint = false} : vector<2000x128xf32>, vector<128x64xf32>, vector<2000x64xf32> -> vector<2000x64xf32>
    %get3A_6 = arith.constant 0 : index
    %get3A_7 = arith.constant 0 : index
    %get3A_8 = vector.load %arg5[%get3A_6, %get3A_7] : memref<1x64xf32, #tpu.memory_space<vmem>>, vector<1x64xf32>
    %add3A = vector.broadcast %get3A_8 : vector<1x64xf32> to vector<2000x64xf32>
    %add3A_9 = arith.addf %dot_general3A_5, %add3A : vector<2000x64xf32>
    %get3A_10 = arith.constant 0 : index
    %get3A_11 = arith.constant 0 : index
    %get3A_12 = vector.load %arg2[%get3A_10, %get3A_11] : memref<2000x128xf32, #tpu.memory_space<vmem>>, vector<2000x128xf32>
    %get3A_13 = arith.constant 0 : index
    %get3A_14 = arith.constant 0 : index
    %get3A_15 = vector.load %arg4[%get3A_13, %get3A_14] : memref<128x64xf32, #tpu.memory_space<vmem>>, vector<128x64xf32>
    %dot_general3A_16 = arith.constant dense<0.000000e+00> : vector<2000x64xf32>
    %dot_general3A_17 = tpu.matmul %get3A_12, %get3A_15, %dot_general3A_16 {dimension_numbers = #tpu.dot_dimension_numbers<[1], [0], [0], [1], [0, 0, 1, 1], [], []>, transpose_lhs_hint = false} : vector<2000x128xf32>, vector<128x64xf32>, vector<2000x64xf32> -> vector<2000x64xf32>
    %get3A_18 = arith.constant 0 : index
    %get3A_19 = arith.constant 0 : index
    %get3A_20 = vector.load %arg6[%get3A_18, %get3A_19] : memref<1x64xf32, #tpu.memory_space<vmem>>, vector<1x64xf32>
    %add3A_21 = vector.broadcast %get3A_20 : vector<1x64xf32> to vector<2000x64xf32>
    %add3A_22 = arith.addf %dot_general3A_17, %add3A_21 : vector<2000x64xf32>
    %get3A_23 = arith.constant 0 : index
    %get3A_24 = arith.constant 0 : index
    %get3A_25 = vector.load %arg7[%get3A_23, %get3A_24] : memref<64x8xf32, #tpu.memory_space<vmem>>, vector<64x8xf32>
    %dot_general3A_26 = arith.constant dense<0.000000e+00> : vector<2000x8xf32>
    %dot_general3A_27 = tpu.matmul %add3A_22, %get3A_25, %dot_general3A_26 {dimension_numbers = #tpu.dot_dimension_numbers<[1], [0], [0], [1], [0, 0, 1, 1], [], []>, precision = #tpu.contract_precision<fp32>, transpose_lhs_hint = false} : vector<2000x64xf32>, vector<64x8xf32>, vector<2000x8xf32> -> vector<2000x8xf32>
    %get3A_28 = arith.constant 0 : index
    %get3A_29 = arith.constant 0 : index
    %get3A_30 = vector.load %arg8[%get3A_28, %get3A_29] : memref<64x8xf32, #tpu.memory_space<vmem>>, vector<64x8xf32>
    %dot_general3A_31 = arith.constant dense<0.000000e+00> : vector<2000x8xf32>
    %dot_general3A_32 = tpu.matmul %add3A_9, %get3A_30, %dot_general3A_31 {dimension_numbers = #tpu.dot_dimension_numbers<[1], [0], [0], [1], [0, 0, 1, 1], [], []>, precision = #tpu.contract_precision<fp32>, transpose_lhs_hint = false} : vector<2000x64xf32>, vector<64x8xf32>, vector<2000x8xf32> -> vector<2000x8xf32>
    %concatenate3A = tpu.concatenate %dot_general3A_27, %dot_general3A_32 in 1 : vector<2000x8xf32>, vector<2000x8xf32> -> vector<2000x16xf32>
    %concatenate3A_33 = tpu.concatenate %concatenate3A, %add3A_22 in 1 : vector<2000x16xf32>, vector<2000x64xf32> -> vector<2000x80xf32>
    %swap3A = arith.constant 0 : index
    %swap3A_34 = arith.constant 0 : index
    %swap3A_35 = vector.load %arg9[%swap3A, %swap3A_34] : memref<2000x80xf32, #tpu.memory_space<vmem>>, vector<2000x80xf32>
    tpu.vector_store %arg9[%swap3A, %swap3A_34], %concatenate3A_33 {strides = array<i32>} : memref<2000x80xf32, #tpu.memory_space<vmem>>, vector<2000x80xf32>,
    %swap3A_36 = arith.constant 0 : index
    %swap3A_37 = arith.constant 0 : index
    %swap3A_38 = vector.load %arg10[%swap3A_36, %swap3A_37] : memref<2000x16xf32, #tpu.memory_space<vmem>>, vector<2000x16xf32>
    tpu.vector_store %arg10[%swap3A_36, %swap3A_37], %concatenate3A {strides = array<i32>} : memref<2000x16xf32, #tpu.memory_space<vmem>>, vector<2000x16xf32>,
    %reduce_max3A = arith.constant dense<0xFF800000> : vector<8xf32>
    %reduce_max3A_39 = vector.multi_reduction <maximumf>, %dot_general3A_27, %reduce_max3A [0] : vector<2000x8xf32> to vector<8xf32>
    %broadcast_in_dim3A = vector.shape_cast %reduce_max3A_39 : vector<8xf32> to vector<1x8xf32>
    %reduce_max3A_40 = arith.constant dense<0xFF800000> : vector<8xf32>
    %reduce_max3A_41 = vector.multi_reduction <maximumf>, %dot_general3A_32, %reduce_max3A_40 [0] : vector<2000x8xf32> to vector<8xf32>
    %broadcast_in_dim3A_42 = vector.shape_cast %reduce_max3A_41 : vector<8xf32> to vector<1x8xf32>
    %eq3A = arith.constant 0 : i32
    %eq3A_43 = arith.cmpi eq, %arg0, %eq3A : i32
    %convert_element_type3A = arith.extui %eq3A_43 : i1 to i32
    %cond3A = arith.constant 0 : i32
    %cond3A_44 = arith.cmpi ne, %convert_element_type3A, %cond3A : i32
    scf.if %cond3A_44 {
      %swap3A_54 = arith.constant 0 : index
      %swap3A_55 = arith.constant 0 : index
      %swap3A_56 = vector.load %arg12[%swap3A_54, %swap3A_55] : memref<1x8xf32, #tpu.memory_space<vmem>>, vector<1x8xf32>
      tpu.vector_store %arg12[%swap3A_54, %swap3A_55], %broadcast_in_dim3A {strides = array<i32>} : memref<1x8xf32, #tpu.memory_space<vmem>>, vector<1x8xf32>,
      %swap3A_57 = arith.constant 0 : index
      %swap3A_58 = arith.constant 0 : index
      %swap3A_59 = vector.load %arg13[%swap3A_57, %swap3A_58] : memref<1x8xf32, #tpu.memory_space<vmem>>, vector<1x8xf32>
      tpu.vector_store %arg13[%swap3A_57, %swap3A_58], %broadcast_in_dim3A_42 {strides = array<i32>} : memref<1x8xf32, #tpu.memory_space<vmem>>, vector<1x8xf32>,
    } else {
    }
    %gt3A = arith.constant 0 : i32
    %gt3A_45 = arith.cmpi sgt, %arg0, %gt3A : i32
    %convert_element_type3A_46 = arith.extui %gt3A_45 : i1 to i32
    %cond3A_47 = arith.constant 0 : i32
    %cond3A_48 = arith.cmpi ne, %convert_element_type3A_46, %cond3A_47 : i32
    scf.if %cond3A_48 {
      %get3A_54 = arith.constant 0 : index
      %get3A_55 = arith.constant 0 : index
      %get3A_56 = vector.load %arg12[%get3A_54, %get3A_55] : memref<1x8xf32, #tpu.memory_space<vmem>>, vector<1x8xf32>
      %max3A = arith.maximumf %get3A_56, %broadcast_in_dim3A : vector<1x8xf32>
      %swap3A_57 = arith.constant 0 : index
      %swap3A_58 = arith.constant 0 : index
      %swap3A_59 = vector.load %arg12[%swap3A_57, %swap3A_58] : memref<1x8xf32, #tpu.memory_space<vmem>>, vector<1x8xf32>
      tpu.vector_store %arg12[%swap3A_57, %swap3A_58], %max3A {strides = array<i32>} : memref<1x8xf32, #tpu.memory_space<vmem>>, vector<1x8xf32>,
      %get3A_60 = arith.constant 0 : index
      %get3A_61 = arith.constant 0 : index
      %get3A_62 = vector.load %arg13[%get3A_60, %get3A_61] : memref<1x8xf32, #tpu.memory_space<vmem>>, vector<1x8xf32>
      %max3A_63 = arith.maximumf %get3A_62, %broadcast_in_dim3A_42 : vector<1x8xf32>
      %swap3A_64 = arith.constant 0 : index
      %swap3A_65 = arith.constant 0 : index
      %swap3A_66 = vector.load %arg13[%swap3A_64, %swap3A_65] : memref<1x8xf32, #tpu.memory_space<vmem>>, vector<1x8xf32>
      tpu.vector_store %arg13[%swap3A_64, %swap3A_65], %max3A_63 {strides = array<i32>} : memref<1x8xf32, #tpu.memory_space<vmem>>, vector<1x8xf32>,
    } else {
    }
    %eq3A_49 = arith.constant 4 : i32
    %eq3A_50 = arith.cmpi eq, %arg0, %eq3A_49 : i32
    %convert_element_type3A_51 = arith.extui %eq3A_50 : i1 to i32
    %cond3A_52 = arith.constant 0 : i32
    %cond3A_53 = arith.cmpi ne, %convert_element_type3A_51, %cond3A_52 : i32
    scf.if %cond3A_53 {
      %get3A_54 = arith.constant 0 : index
      %get3A_55 = arith.constant 0 : index
      %get3A_56 = vector.load %arg12[%get3A_54, %get3A_55] : memref<1x8xf32, #tpu.memory_space<vmem>>, vector<1x8xf32>
      %get3A_57 = arith.constant 0 : index
      %get3A_58 = arith.constant 0 : index
      %get3A_59 = vector.load %arg13[%get3A_57, %get3A_58] : memref<1x8xf32, #tpu.memory_space<vmem>>, vector<1x8xf32>
      %add3A_60 = arith.addf %get3A_56, %get3A_59 : vector<1x8xf32>
      %mul3A = arith.constant 2.000000e-01 : f32
      %mul3A_61 = vector.broadcast %mul3A : f32 to vector<1x8xf32>
      %mul3A_62 = arith.mulf %mul3A_61, %add3A_60 : vector<1x8xf32>
      %max3A = arith.maximumf %add3A_60, %mul3A_62 : vector<1x8xf32>
      %concatenate3A_63 = tpu.concatenate %max3A, %max3A in 1 : vector<1x8xf32>, vector<1x8xf32> -> vector<1x16xf32>
      %swap3A_64 = arith.constant 0 : index
      %swap3A_65 = arith.constant 0 : index
      %swap3A_66 = vector.load %arg11[%swap3A_64, %swap3A_65] : memref<1x16xf32, #tpu.memory_space<vmem>>, vector<1x16xf32>
      tpu.vector_store %arg11[%swap3A_64, %swap3A_65], %concatenate3A_63 {strides = array<i32>} : memref<1x16xf32, #tpu.memory_space<vmem>>, vector<1x16xf32>,
    } else {
    }
    return
  }
  func.func @transform_0(%arg0: i32) -> (i32, i32) {
    %c0_i32 = arith.constant 0 : i32
    %c0_i32_0 = arith.constant 0 : i32
    return %arg0, %c0_i32 : i32, i32
  }
  func.func @transform_1(%arg0: i32) -> (i32, i32) {
    %c0_i32 = arith.constant 0 : i32
    %c0_i32_0 = arith.constant 0 : i32
    return %arg0, %c0_i32 : i32, i32
  }
  func.func @transform_2(%arg0: i32) -> (i32, i32) {
    %c0_i32 = arith.constant 0 : i32
    %c0_i32_0 = arith.constant 0 : i32
    %c0_i32_1 = arith.constant 0 : i32
    return %c0_i32, %c0_i32_0 : i32, i32
  }
  func.func @transform_3(%arg0: i32) -> (i32, i32) {
    %c0_i32 = arith.constant 0 : i32
    %c0_i32_0 = arith.constant 0 : i32
    %c0_i32_1 = arith.constant 0 : i32
    return %c0_i32, %c0_i32_0 : i32, i32
  }
  func.func @transform_4(%arg0: i32) -> (i32, i32) {
    %c0_i32 = arith.constant 0 : i32
    %c0_i32_0 = arith.constant 0 : i32
    %c0_i32_1 = arith.constant 0 : i32
    return %c0_i32, %c0_i32_0 : i32, i32
  }
  func.func @transform_5(%arg0: i32) -> (i32, i32) {
    %c0_i32 = arith.constant 0 : i32
    %c0_i32_0 = arith.constant 0 : i32
    %c0_i32_1 = arith.constant 0 : i32
    return %c0_i32, %c0_i32_0 : i32, i32
  }
  func.func @transform_6(%arg0: i32) -> (i32, i32) {
    %c0_i32 = arith.constant 0 : i32
    %c0_i32_0 = arith.constant 0 : i32
    %c0_i32_1 = arith.constant 0 : i32
    return %c0_i32, %c0_i32_0 : i32, i32
  }
  func.func @transform_7(%arg0: i32) -> (i32, i32) {
    %c0_i32 = arith.constant 0 : i32
    %c0_i32_0 = arith.constant 0 : i32
    %c0_i32_1 = arith.constant 0 : i32
    return %c0_i32, %c0_i32_0 : i32, i32
  }
  func.func @transform_8(%arg0: i32) -> (i32, i32) {
    %c0_i32 = arith.constant 0 : i32
    %c0_i32_0 = arith.constant 0 : i32
    return %arg0, %c0_i32 : i32, i32
  }
  func.func @transform_9(%arg0: i32) -> (i32, i32) {
    %c0_i32 = arith.constant 0 : i32
    %c0_i32_0 = arith.constant 0 : i32
    return %arg0, %c0_i32 : i32, i32
  }
  func.func @transform_10(%arg0: i32) -> (i32, i32) {
    %c0_i32 = arith.constant 0 : i32
    %c0_i32_0 = arith.constant 0 : i32
    %c0_i32_1 = arith.constant 0 : i32
    return %c0_i32, %c0_i32_0 : i32, i32
  }
}

</mosaic_0001>

<sc_bundles>
// kernel: kernel.5.cloned.1.call-start
scs
__scs_entry_jumppad:
0x0: {  	(pc) =	sbr.rel $0x88, $3  }
0x1: {  	(tag) =	ssettag $0x0;
	lr =	simm.s32 $0x1  }
0x2: {  	[smem:$0x3F98] =	sst lr;
	_ =	strace $0xD0000000  }
0x3: {  	_ = 	snop  }
0x4: {  	_ = 	snop  }
0x5: {  	_ = 	snop  }
0x6: {  	_ = 	snop  }
0x7: {  	_ = 	snop  }
__scs_overlays_trampoline_lowered:
0x8: {  	[smem:$0x3FA7] =	sst s0  }
0x9: {  	[smem:$0x3FA8] =	sst s1  }
0xa: {  	[smem:$0x3FA9] =	sst s2  }
0xb: {  	[smem:$0x3FAA] =	sst s3  }
0xc: {  	[smem:$0x3FAB] =	sst s4  }
0xd: {  	[smem:$0x3FAC] =	sst s5  }
0xe: {  	[smem:$0x3FAD] =	sst s6  }
0xf: {  	[smem:$0x3FAE] =	sst s7  }
0x10: {  	[smem:$0x3FAF] =	sst s8  }
0x11: {  	[smem:$0x3FB0] =	sst s9;
	s0 =	simm.s32 @!p0 $0x0  }
0x12: {  	s1 =	sld [smem:$0x3F96];
	s0 =	simm.s32 @p0 $0x1  }
0x13: {  	[smem:$0x3FB1] =	sst s0;
	s0 =	simm.s32 @!p1 $0x0  }
0x14: {  	s2 =	sld [smem:$0x3F95];
	s0 =	simm.s32 @p1 $0x1  }
0x15: {  	[smem:$0x3FB2] =	sst s0;
	s0 =	simm.s32 @!p2 $0x0  }
0x16: {  	s3 =	sld [smem:$0x3FDB];
	s0 =	simm.s32 @p2 $0x1  }
0x17: {  	s4 =	simm.s32 $0x1BF5;
	[smem:$0x3FB4] =	sst s0  }
0x18: {  	s0 =	sld [smem:$0x3F97];
	_ =	swait.ge [sflag:s4], $0x0  }
0x19: {  	s7 =	sld [smem:$0x3F98]  }
0x1a: {  	s8 =	sadd.s32 $0xFFFFE003, lr  }
0x1b: {  	s9 =	sadd.s32 $0xFFFFFEF7, lr;
	s5 =	simm.s32 $0xFFFFFFFF;
	p2 =	slt.u32 s8, $0xFFFFF086  }
0x1c: {  	p1 =	slt.u32 s9, $0xF7A;
	s5 =	simm.s32 @!p2 $0x0  }
0x1d: {  	s5 =	simm.s32 @p1 $0x1;
	p0 =	seq.s32 s7, s2  }
0x1e: {  	s7 =	smul.u32 @!p0 $0xF7A, s2;
	p2 =	seq.s32 @!p0 s5, $0x0  }
0x1f: {  	s9 =	smul.u32 $0xF7A, s1;
	s8 =	simm.s32 @!p0 $0x1BF5;
	p2 =	por !p2, p0  }
0x20: {  	[sflag:s8] =	ssyncset.s32 @!p0 $0xFFFFF086;
	s6 =	sadd.s32 @!p0 s3, s7;
	s7 =	simm.s32 @!p0 $0x108  }
0x21: {  	s3 =	sadd.s32 s3, s9;
	s6 =	sadd.s32 @!p0 $0x88, s6;
	s7 =	simm.s32 @p2 $0x1082  }
0x22: {  	[simem:s7], [sflag:s8] =	dma.local @!p0 [hbm:s6], $0xF7A  }
0x23: {  	s9 =	sor.u32 $0xD0000000, s2;
	s6 =	simm.s32 $0x108;
	_ =	swait.ge @!p0 [sflag:s8], $0x0  }
0x24: {  	s3 =	sadd.s32 $0x88, s3;
	s6 =	simm.s32 @!p1 $0x1082;
	[sflag:s4] =	ssyncset.s32 $0xFFFFF086  }
0x25: {  	[simem:s6], [sflag:s4] =	dma.local [hbm:s3], $0xF7A  }
0x26: {  	[smem:$0x3F98] =	sst s1;
	(tag) =	ssettag s2;
	_ =	strace s9  }
0x27: {  	s1 =	sld [smem:$0x3FA8]  }
0x28: {  	s2 =	sld [smem:$0x3FA9]  }
0x29: {  	s4 =	sld [smem:$0x3FAB]  }
0x2a: {  	p0 =	seq.s32 s5, $0x0;
	s5 =	sld [smem:$0x3FAC]  }
0x2b: {  	s6 =	sld [smem:$0x3FAD]  }
0x2c: {  	s7 =	sld [smem:$0x3FAE]  }
0x2d: {  	s3 =	simm.s32 $0x108;
	s8 =	sld [smem:$0x3FAF]  }
0x2e: {  	s3 =	simm.s32 @!p0 $0x1082;
	s9 =	sld [smem:$0x3FB0]  }
0x2f: {  	lr =	sadd.s32 s0, s3;
	s0 =	sld [smem:$0x3FA7]  }
0x30: {  	s3 =	sld [smem:$0x3FAA]  }
0x31: {  	[smem:$0x3FB3] =	sst s10  }
0x32: {  	s10 =	sld [smem:$0x3FB1];
	_ =	sdelay $0x3  }
0x33: {  	p0 =	seq.s32 s10, $0x1;
	s10 =	sld [smem:$0x3FB3];
	_ =	sdelay $0x3  }
0x34: {  	[smem:$0x3FB3] =	sst s10  }
0x35: {  	s10 =	sld [smem:$0x3FB2];
	_ =	sdelay $0x3  }
0x36: {  	p1 =	seq.s32 s10, $0x1;
	s10 =	sld [smem:$0x3FB3];
	_ =	sdelay $0x3  }
0x37: {  	[smem:$0x3FB3] =	sst s10  }
0x38: {  	s10 =	sld [smem:$0x3FB4]  }
0x39: {  	_ = 	snop;
	(pc) =	sbr.ind lr, $3  }
0x3a: {  	_ = 	snop  }
0x3b: {  	_ = 	snop  }
0x3c: {  	p2 =	seq.s32 s10, $0x1;
	s10 =	sld [smem:$0x3FB3]  }
0x3d: {  	_ =	shalt  }
0x3e: {  	_ =	shalt  }
0x3f: {  	_ =	shalt  }
0x40: {  	_ =	shalt  }
0x41: {  	_ =	shalt  }
0x42: {  	_ =	shalt  }
0x43: {  	_ =	shalt  }
0x44: {  	_ =	shalt  }
0x45: {  	_ =	shalt  }
0x46: {  	_ =	shalt  }
0x47: {  	_ =	shalt  }
0x48: {  	_ =	shalt  }
0x49: {  	_ =	shalt  }
0x4a: {  	_ =	shalt  }
0x4b: {  	_ =	shalt  }
0x4c: {  	_ =	shalt  }
0x4d: {  	_ =	shalt  }
0x4e: {  	_ =	shalt  }
0x4f: {  	_ =	shalt  }
0x50: {  	_ =	shalt  }
0x51: {  	_ =	shalt  }
0x52: {  	_ =	shalt  }
0x53: {  	_ =	shalt  }
0x54: {  	_ =	shalt  }
0x55: {  	_ =	shalt  }
0x56: {  	_ =	shalt  }
0x57: {  	_ =	shalt  }
0x58: {  	_ =	shalt  }
0x59: {  	_ =	shalt  }
0x5a: {  	_ =	shalt  }
0x5b: {  	_ =	shalt  }
0x5c: {  	_ =	shalt  }
0x5d: {  	_ =	shalt  }
0x5e: {  	_ =	shalt  }
0x5f: {  	_ =	shalt  }
0x60: {  	_ =	shalt  }
0x61: {  	_ =	shalt  }
0x62: {  	_ =	shalt  }
0x63: {  	_ =	shalt  }
0x64: {  	_ =	shalt  }
0x65: {  	_ =	shalt  }
0x66: {  	_ =	shalt  }
0x67: {  	_ =	shalt  }
0x68: {  	_ =	shalt  }
0x69: {  	_ =	shalt  }
0x6a: {  	_ =	shalt  }
0x6b: {  	_ =	shalt  }
0x6c: {  	_ =	shalt  }
0x6d: {  	_ =	shalt  }
0x6e: {  	_ =	shalt  }
0x6f: {  	_ =	shalt  }
0x70: {  	_ =	shalt  }
0x71: {  	_ =	shalt  }
0x72: {  	_ =	shalt  }
0x73: {  	_ =	shalt  }
0x74: {  	_ =	shalt  }
0x75: {  	_ =	shalt  }
0x76: {  	_ =	shalt  }
0x77: {  	_ =	shalt  }
0x78: {  	_ =	shalt  }
0x79: {  	_ =	shalt  }
0x7a: {  	_ =	shalt  }
0x7b: {  	_ =	shalt  }
0x7c: {  	_ =	shalt  }
0x7d: {  	_ =	shalt  }
0x7e: {  	_ =	shalt  }
0x7f: {  	_ =	shalt  }
0x80: {  	_ =	shalt  }
0x81: {  	_ =	shalt  }
0x82: {  	_ =	shalt  }
0x83: {  	_ =	shalt  }
0x84: {  	_ =	shalt  }
0x85: {  	_ =	shalt  }
0x86: {  	_ =	shalt  }
0x87: {  	_ =	shalt  }
.Lfunc_end0:
.L_simem_size_0:
called_computation_lowered:
.L_overlay_start_0:
0x88: {  	s2 =	sld [smem:$0x3FD9]  }
0x89: {  	s3 =	sld [smem:$0x3FFE];
	_ =	sdelay $0x1  }
0x8a: {  	s1 =	srdreg.scid  }
0x8b: {  	s0 =	sand.u32 $0x1, s1  }
0x8c: {  	s17 =	sshll.u32 s0, $0xA;
	s2 =	sadd.s32 s3, s2  }
0x8d: {  	s2 =	sadd.s32 s2, s17  }
0x8e: {  	[smem:$0x3FBF] =	sst s2  }
0x8f: {  	_ = 	snop  }
0x90: {  	s2 =	sld [smem:$0x3FD0];
	(tm) =	ssettm $0x1  }
0x91: {  	s18 =	sld [smem:$0x3FFB];
	_ =	sdelay $0x3  }
0x92: {  	_ =	strace s18  }
0x93: {  	s3 =	sld [smem:$0x3FFC];
	_ =	sdelay $0x3  }
0x94: {  	_ =	strace s3  }
0x95: {  	s3 =	sld [smem:$0x3FFD];
	_ =	sdelay $0x3  }
0x96: {  	_ =	strace s3  }
0x97: {  	_ =	strace $0x8FFFFFFF  }
0x98: {  	s19 =	sld [smem:$0x3FDB];
	_ =	sdelay $0x1  }
0x99: {  	s4 =	simm.s32 $_scs_section_size  }
0x9a: {  	s5 =	simm.s32 $_size__tile_overlayer_lowered;
	s6 =	simm.s32 $_tile_overlayer_lowered  }
0x9b: {  	s22 =	simm.s32 $0x1BFF;
	s21 =	sshll.u32 s6, $0x1;
	s3 =	sadd.s32 s4, s19  }
0x9c: {  	s7 =	simm.s32 $0x0;
	s20 =	sshll.u32 s5, $0x1;
	s5 =	sadd.s32 s21, s3  }
0x9d: {  	[timem:s7], [sflag:s22] =	dma.local [hbm:s5], s20  }
0x9e: {  	_ =	swait.ge [sflag:s22], s20  }
0x9f: {  	s4 =	ssub.s32 $0x0, s20;
	[sflag:s22] =	ssyncset.done $0x0  }
0xa0: {  	[sflag:s22] =	ssyncadd.s32 s4;
	_ =	sdelay $0x1  }
0xa1: {  	s23 =	simm.s32 $0x1B8B  }
0xa2: {  	_ =	swait.ge [sflag:s23], $0x1  }
0xa3: {  	[sflag:s23] =	ssyncset.done $0x0  }
0xa4: {  	s25 =	simm.s32 $0x1B8E;
	s24 =	sld [smem:$0x3FFE];
	[sflag:s23] =	ssyncadd.s32 $0xFFFFFFFF  }
0xa5: {  	s26 =	simm.s32 $execute0_lowered;
	[smem:$0x3FD2] =	sst s25  }
0xa6: {  	s5 =	sshll.u32 s26, $0x1;
	_ =	strace $0x80000046;
	[dreg:$0x1] =	wrdreg $0xFFFFFFFF  }
0xa7: {  	s28 =	simm.s32 $_size_execute0_lowered;
	s3 =	sadd.s32 s3, s5;
	[dreg:$0x0] =	wrdreg $0x0  }
0xa8: {  	s5 =	sshll.u32 s28, $0x1;
	[dreg:$0x2] =	wrdreg s3  }
0xa9: {  	[dreg:$0x3] =	wrdreg s5  }
0xaa: {  	[dreg:$0x4] =	wrdreg $0xC0  }
0xab: {  	_ =	task [dreg:s7], $0x5FFFF  }
0xac: {  	[dreg:$0x1] =	wrdreg $0xFFFFFFFF  }
0xad: {  	[dreg:$0x0] =	wrdreg $0x60  }
0xae: {  	[dreg:$0x2] =	wrdreg s2  }
0xaf: {  	[dreg:$0x3] =	wrdreg s24  }
0xb0: {  	[dreg:$0x4] =	wrdreg $0x0  }
0xb1: {  	[dreg:$0x5] =	wrdreg $0x9  }
0xb2: {  	_ =	task.clear_ibuf [dreg:s7], $0x6FFFF;
	_ =	strace $0x90000046  }
0xb3: {  	s29 =	simm.s32 $0x9;
	_ =	strace $0x80000048  }
0xb4: {  	_ =	swait.ge [sflag:s29], $0x1  }
0xb5: {  	[sflag:s29] =	ssyncadd.s32 $0xFFFFFFFF  }
0xb6: {  	_ =	strace $0x90000048  }
0xb7: {  	_ =	sfence  }
0xb8: {  	s30 =	sld [smem:$0x0];
	_ =	sdelay $0x2  }
0xb9: {  	s31 =	sshll.u32 s1, $0xD;
	s1 =	sshrl.u32 s1, $0x2  }
0xba: {  	s3 =	sand.u32 $0x4000, s31;
	s1 =	sadd.s32 s1, s30  }
0xbb: {  	s0 =	sor.u32 s3, s0;
	s1 =	sshll.u32 s1, $0x11  }
0xbc: {  	s0 =	sor.u32 s1, s0  }
0xbd: {  	s0 =	sadd.s32 $0x8F2B, s0  }
0xbe: {  	[sflag:s0] =	ssyncadd.remote.s32 $0x1  }
0xbf: {  	_ =	sfence.sel $0xFFFF  }
0xc0: {  	[dreg:$0x0] =	wrdreg $0xFFFFFFFF;
	(pc) =	sbr.abs _section_cstart, $3  }
0xc1: {  	[dreg:$0x1] =	wrdreg $0xFFFFFFFF  }
0xc2: {  	_ =	task.clear_ibuf [dreg:s7], $0x2FFFF;
	_ =	strace $0x9FFFFFFF  }
0xc3: {  	(tm) =	ssettm $0x7FFFFFFF  }
tec
execute0_lowered:
.L_overlay_start_1:
0x0: {  	(tag) =	ssettag $0x1  }
0x1: {  	s0 =	rddreg [dreg:$0x0]  }
0x2: {  	s1 =	rddreg [dreg:$0x1]  }
0x3: {  	s2 =	rddreg [dreg:$0x2]  }
0x4: {  	s3 =	srdreg.scid;
	s9 =	stileid.u32  }
0x5: {  	s4 =	simm.s32 $0x0;
	s13 =	simm.s32 $0xDB10;
	s30 =	simm.s32 $0x1  }
0x6: {  	s3 =	sand.u32 $0x1, s3;
	s6 =	smul.u32 $0xB400, s9;
	[smem:$0x7FF] =	sst s4  }
0x7: {  	s4 =	sadd.s32 $0x1A00, s1;
	s10 =	sadd.s32 $0x1800, s1;
	s5 =	smul.u32 $0xB4000, s3  }
0x8: {  	s16 =	sshll.u32 s3, $0x4;
	_ =	strace $0x80000047;
	[dreg:$0x4] =	wrdreg s10  }
0x9: {  	s3 =	ssub.s32 $0x2, s3;
	s7 =	sor.u32 s9, s16;
	s9 =	smul.u32 $0x2D000, s9  }
0xa: {  	s17 =	sshrl.u32 s3, $0x1;
	s8 =	sadd.s32 s6, s5;
	s7 =	smul.u32 $0x2710, s7  }
0xb: {  	s5 =	sadd.s32 $0x1A200, s1;
	s3 =	ssub.s32 s3, s17;
	s8 =	sshrl.u32 s8, $0x3  }
0xc: {  	s9 =	sshrl.u32 s9, $0x2;
	s26 =	smax.u32 s3, $0x1;
	s1 =	sadd.s32 s8, s1  }
0xd: {  	s7 =	sshrl.u32 s7, $0x3;
	s8 =	sadd.s32 s6, s2;
	[dreg:$0x10] =	wrdreg s26  }
0xe: {  	s18 =	sadd.s32 s9, s2;
	s7 =	sadd.s32 s0, s7;
	[dreg:$0x7] =	wrdreg s8  }
0xf: {  	s31 =	simm.s32 $0x14D20;
	s19 =	sadd.s32 $0x1680, s18;
	[dreg:$0x5] =	wrdreg s7  }
0x10: {  	s28 =	simm.s32 $0x190A0;
	s20 =	sadd.s32 $0x2D00, s18;
	[dreg:$0x8] =	wrdreg s19  }
0x11: {  	s29 =	simm.s32 $0x3;
	s21 =	sadd.s32 $0x4380, s18;
	[dreg:$0x9] =	wrdreg s20  }
0x12: {  	s11 =	simm.s32 $0x8;
	s22 =	sadd.s32 $0x5A00, s18;
	[dreg:$0xa] =	wrdreg s21  }
0x13: {  	s12 =	simm.s32 $0x0;
	s23 =	sadd.s32 $0x7080, s18;
	[dreg:$0xb] =	wrdreg s22  }
0x14: {  	v0 =	vimm.s32 $0xFEDCBA98;
	s10 =	simm.s32 $0x7;
	s24 =	sadd.s32 $0x8700, s18;
	[dreg:$0xc] =	wrdreg s23  }
0x15: {  	v1 =	vimm.s32 $0x76543210;
	v0 =	vunpack.c.l.s4.s8 v0;
	s9 =	simm.s32 $0xB400;
	s0 =	sadd.s32 $0x9D80, s18;
	[dreg:$0xd] =	wrdreg s24  }
0x16: {  	v2 =	vlaneseq.u32;
	v1 =	vunpack.c.l.s4.s8 v1;
	s26 =	simm.s32 $0x16620;
	s25 =	sadd.s32 $0x1F200, s1;
	[dreg:$0xe] =	wrdreg s0  }
0x17: {  	v5 =	vshrl.u32 v2, $0x3;
	v0 =	vunpack.c.0.s8.s32 v0;
	s1 =	simm.s32 $0x1A720;
	s7 =	sadd.s32 $0x9C40, s7;
	[dreg:$0xf] =	wrdreg s25  }
0x18: {  	v2 =	vor.u32 $0x8, v5;
	v1 =	vunpack.c.0.s8.s32 v1;
	s20 =	simm.s32 $0x9;
	s23 =	simm.s32 $0x17A20;
	s24 =	simm.s32 $0x50  }
0x19: {  	v4 =	vor.u32 $0xC, v5;
	v3 =	vand.u32 $0xF, v0;
	v0 =	vimm.f32 $0.0e+00;
	s25 =	simm.s32 $0x10220;
	s0 =	simm.s32 $0x17520;
	s19 =	simm.s32 $0x2  }
0x1a: {  	v1 =	vcombine.low v3, v1;
	v3 =	vor.u32 $0xA, v5;
	v5 =	vor.u32 $0xE, v5;
	s21 =	simm.s32 $0x4;
	s22 =	simm.s32 $0x1BDA0;
	[dreg:$0x6] =	wrdreg s7  }
.LBB2_1:
0x1b: {  	s3 =	simm.s32 $0x0;
	s6 =	rddreg [dreg:$0x4];
	s7 =	simm.s32 $0x1D420  }
0x1c: {  	[tilespmem:s7], [sflag:$0x9] =	stream.linear.gather [hbm4b:s6+s3], $0x10, $0x38;
	[tilespmem:$0x1D430] =	vst v63  }
0x1d: {  	_ =	swait.ge [sflag:s20], $0x10  }
0x1e: {  	[sflag:s20] =	ssyncset.done $0x0  }
0x1f: {  	s17 =	rddreg [dreg:$0x5];
	[sflag:s20] =	ssyncadd.s32 $0xFFFFFFF0  }
0x20: {  	[tilespmem:s9], [sflag:$0x9] =	stream.linear.gather [hbm4b:s17+s3], $0x2710, $0x38;
	[tilespmem:$0x1D430] =	vst v63  }
0x21: {  	_ =	swait.ge [sflag:s20], $0x2710  }
0x22: {  	[sflag:s20] =	ssyncset.done $0x0  }
0x23: {  	s18 =	rddreg [dreg:$0x6];
	[sflag:s20] =	ssyncadd.s32 $0xFFFFD8F0  }
0x24: {  	[tilespmem:s13], [sflag:$0x9] =	stream.linear.gather [hbm4b:s18+s3], $0x2710, $0x38;
	[tilespmem:$0x1D430] =	vst v63  }
0x25: {  	_ =	swait.ge [sflag:s20], $0x2710  }
0x26: {  	[sflag:s20] =	ssyncset.done $0x0  }
0x27: {  	s3 =	simm.s32 $0x0;
	[sflag:s20] =	ssyncadd.s32 $0xFFFFD8F0  }
0x28: {  	s6 =	simm.s32 $0x120;
	[tilespmem:s3+$0x17A40] =	vst v0  }
.LBB2_2:
0x29: {  	p0 =	sne.s32 s6, $0x58E0;
	[tilespmem:s3+$0x17A30] =	vst v0;
	s7 =	smov.u32 s6;
	s6 =	sadd.s32 $0x120, s6  }
.Ltmp0:
0x2a: {  	[tilespmem:s3+$0x17A50] =	vst v0;
	(pc) =	sbr.rel @p0 .LBB2_2-.Ltmp0, $4  }
0x2b: {  	[tilespmem:s3+$0x17A58] =	vst v0  }
0x2c: {  	[tilespmem:s3+$0x17A20] =	vst v0  }
0x2d: {  	s3 =	sshra.s32 s7, $0x2  }
0x2e: {  	[tilespmem:s3+$0x17A40] =	vst v0  }
0x2f: {  	[tilespmem:s3+$0x17A30] =	vst v0  }
0x30: {  	[tilespmem:s3+$0x17A50] =	vst v0  }
0x31: {  	[tilespmem:s3+$0x17A20] =	vst v0  }
0x32: {  	[tilespmem:s3+$0x17A58] =	vst v0  }
0x33: {  	[spmem:s8] =	stream.linear.scatter [tilespmem:s23], [sflag:$0x9], $0x1680, $0x38;
	[tilespmem:$0x1D430] =	vst v63  }
0x34: {  	_ =	swait.ge [sflag:s20], $0x1680  }
0x35: {  	[sflag:s20] =	ssyncset.done $0x0  }
0x36: {  	s15 =	rddreg [dreg:$0x8];
	[sflag:s20] =	ssyncadd.s32 $0xFFFFE980  }
0x37: {  	[spmem:s15] =	stream.linear.scatter [tilespmem:s23], [sflag:$0x9], $0x1680, $0x38;
	[tilespmem:$0x1D430] =	vst v63  }
0x38: {  	_ =	swait.ge [sflag:s20], $0x1680  }
0x39: {  	[sflag:s20] =	ssyncset.done $0x0  }
0x3a: {  	s16 =	rddreg [dreg:$0x9];
	[sflag:s20] =	ssyncadd.s32 $0xFFFFE980  }
0x3b: {  	[spmem:s16] =	stream.linear.scatter [tilespmem:s23], [sflag:$0x9], $0x1680, $0x38;
	[tilespmem:$0x1D430] =	vst v63  }
0x3c: {  	_ =	swait.ge [sflag:s20], $0x1680  }
0x3d: {  	[sflag:s20] =	ssyncset.done $0x0  }
0x3e: {  	s17 =	rddreg [dreg:$0xa];
	[sflag:s20] =	ssyncadd.s32 $0xFFFFE980  }
0x3f: {  	[spmem:s17] =	stream.linear.scatter [tilespmem:s23], [sflag:$0x9], $0x1680, $0x38;
	[tilespmem:$0x1D430] =	vst v63  }
0x40: {  	_ =	swait.ge [sflag:s20], $0x1680  }
0x41: {  	[sflag:s20] =	ssyncset.done $0x0  }
0x42: {  	s18 =	rddreg [dreg:$0xb];
	[sflag:s20] =	ssyncadd.s32 $0xFFFFE980  }
0x43: {  	[spmem:s18] =	stream.linear.scatter [tilespmem:s23], [sflag:$0x9], $0x1680, $0x38;
	[tilespmem:$0x1D430] =	vst v63  }
0x44: {  	_ =	swait.ge [sflag:s20], $0x1680  }
0x45: {  	[sflag:s20] =	ssyncset.done $0x0  }
0x46: {  	s6 =	rddreg [dreg:$0xc];
	[sflag:s20] =	ssyncadd.s32 $0xFFFFE980  }
0x47: {  	[spmem:s6] =	stream.linear.scatter [tilespmem:s23], [sflag:$0x9], $0x1680, $0x38;
	[tilespmem:$0x1D430] =	vst v63  }
0x48: {  	_ =	swait.ge [sflag:s20], $0x1680  }
0x49: {  	[sflag:s20] =	ssyncset.done $0x0  }
0x4a: {  	s7 =	rddreg [dreg:$0xd];
	[sflag:s20] =	ssyncadd.s32 $0xFFFFE980  }
0x4b: {  	[spmem:s7] =	stream.linear.scatter [tilespmem:s23], [sflag:$0x9], $0x1680, $0x38;
	[tilespmem:$0x1D430] =	vst v63  }
0x4c: {  	_ =	swait.ge [sflag:s20], $0x1680  }
0x4d: {  	[sflag:s20] =	ssyncset.done $0x0  }
0x4e: {  	s8 =	rddreg [dreg:$0xe];
	[sflag:s20] =	ssyncadd.s32 $0xFFFFE980  }
0x4f: {  	[spmem:s8] =	stream.linear.scatter [tilespmem:s23], [sflag:$0x9], $0x1680, $0x38;
	[tilespmem:$0x1D430] =	vst v63  }
0x50: {  	_ =	swait.ge [sflag:s20], $0x1680  }
0x51: {  	[sflag:s20] =	ssyncset.done $0x0  }
0x52: {  	[sflag:s20] =	ssyncadd.s32 $0xFFFFE980  }
0x53: {  	v6 =	vld [tilespmem:$0x1D420];
	[bflag:$0x0] =	sbarrier.arrive $0xFFFF  }
0x54: {  	[tilespmem:s25], [sflag:$0x1] =	stream.indirect.gather [hbm4b:s4+s24], $0x50, s9, s24, $0xb8;
	[tilespmem:$0x1D430] =	vst v63  }
0x55: {  	_ = 	snop  }
0x56: {  	[tilespmem:s26], [sflag:$0x1] =	stream.indirect.gather [hbm4b:s5+s24], $0x10, s13, s24, $0xb8;
	[tilespmem:$0x1D430] =	vst v63  }
0x57: {  	s6 =	simm.s32 $0x11B20;
	s9 =	simm.s32 $0xB450  }
0x58: {  	[tilespmem:s6], [sflag:$0x2] =	stream.indirect.gather [hbm4b:s4+s24], $0x50, s9, s24, $0xb8;
	[tilespmem:$0x1D430] =	vst v63  }
0x59: {  	s14 =	simm.s32 $0x16B20;
	s13 =	simm.s32 $0xDB60  }
0x5a: {  	[tilespmem:s14], [sflag:$0x2] =	stream.indirect.gather [hbm4b:s5+s24], $0x10, s13, s24, $0xb8;
	[tilespmem:$0x1D430] =	vst v63  }
0x5b: {  	s15 =	simm.s32 $0xB4A0;
	s16 =	simm.s32 $0x13420  }
0x5c: {  	[tilespmem:s16], [sflag:$0x3] =	stream.indirect.gather [hbm4b:s4+s24], $0x50, s15, s24, $0xb8;
	[tilespmem:$0x1D430] =	vst v63  }
0x5d: {  	s17 =	simm.s32 $0xDBB0;
	s18 =	simm.s32 $0x17020;
	s13 =	simm.s32 $0x0  }
0x5e: {  	[tilespmem:s18], [sflag:$0x3] =	stream.indirect.gather [hbm4b:s5+s24], $0x10, s17, s24, $0xb8;
	[tilespmem:$0x1D430] =	vst v63  }
.LBB2_4:
0x5f: {  	_ =	swait.ge [sflag:s30], $0x1900  }
0x60: {  	[sflag:s30] =	ssyncset.done $0x0  }
0x61: {  	s14 =	sshllo.u32 s13, $0x2;
	[sflag:s30] =	ssyncadd.s32 $0xFFFFE700  }
0x62: {  	s3 =	smul.u32 $0x50, s14;
	_ =	swait.ge [sflag:s30], $0x500  }
0x63: {  	[sflag:s30] =	ssyncset.done $0x0  }
0x64: {  	s6 =	sadd.s32 $0xB400, s3;
	[sflag:s30] =	ssyncadd.s32 $0xFFFFFB00  }
0x65: {  	[tilespmem:s31], [sflag:$0x4] =	stream.indirect.gather [hbm4b:s4+s24], $0x50, s6, s24, $0xb8;
	[tilespmem:$0x1D430] =	vst v63  }
0x66: {  	p0 =	seq.s32 s13, $0x0;
	s3 =	sadd.s32 $0xDB10, s3  }
0x67: {  	[tilespmem:s0], [sflag:$0x4] =	stream.indirect.gather [hbm4b:s5+s24], $0x10, s3, s24, $0xb8;
	[tilespmem:$0x1D430] =	vst v63  }
0x68: {  	s3 =	simm.s32 @!p0 $0x5  }
0x69: {  	_ =	swait.ge @!p0 [sflag:s3], $0x1680  }
0x6a: {  	[sflag:s3] =	ssyncset.done @!p0 $0x0  }
0x6b: {  	s17 =	simm.s32 $0x102C0;
	[sflag:s3] =	ssyncadd.s32 @!p0 $0xFFFFE980  }
0x6c: {  	v7 =	vld [tilespmem:s17+$0xFFFFFF60]  }
0x6d: {  	s16 =	simm.s32 $0x16640  }
0x6e: {  	v8 =	vld [tilespmem:s16+$0xFFFFFFE0];
	_ =	sdelay $0x1  }
0x6f: {  	v9 =	vld [tilespmem:s16+$0x0]  }
0x70: {  	v10 =	vld [tilespmem:s17+$0x0];
	v7 =	vperm.xlane v7, v1  }
0x71: {  	v11 =	vld [tilespmem:s17+$0xFFFFFFB0]  }
0x72: {  	v12 =	vld [tilespmem:s17+$0x50];
	v7 =	vadd.f32 v8, v7  }
0x73: {  	v8 =	vld [tilespmem:s16+$0xFFFFFFF0]  }
0x74: {  	v13 =	vld [tilespmem:s16+$0x10];
	v14 =	vmul.f32 $2.000000030e-01, v7  }
0x75: {  	v10 =	vperm.xlane v10, v1  }
0x76: {  	v11 =	vperm.xlane v11, v1;
	v7 =	vmax.f32 v7, v14  }
0x77: {  	v12 =	vperm.xlane v12, v1;
	v9 =	vadd.f32 v9, v10;
	v7 =	vsub.f32 v7, v6  }
0x78: {  	v8 =	vadd.f32 v8, v11  }
0x79: {  	v10 =	vadd.f32 v13, v12;
	v11 =	vmul.f32 $2.000000030e-01, v9;
	v7 =	vmul.f32 $1.442695020e+00, v7  }
0x7a: {  	v12 =	vmul.f32 $2.000000030e-01, v8  }
0x7b: {  	v13 =	vmul.f32 $2.000000030e-01, v10;
	v9 =	vmax.f32 v9, v11;
	(erf) = vpow2.f32 v7  }
0x7c: {  	v7 =	vmax.f32 v8, v12;
	v8 =	vsub.f32 v9, v6  }
0x7d: {  	v9 =	vmax.f32 v10, v13;
	v7 =	vsub.f32 v7, v6  }
0x7e: {  	v9 =	vsub.f32 v9, v6;
	v8 =	vmul.f32 $1.442695020e+00, v8  }
0x7f: {  	s18 =	simm.s32 $0x16680;
	v7 =	vmul.f32 $1.442695020e+00, v7  }
0x80: {  	s15 =	simm.s32 $0x10400;
	v15 =	vld [tilespmem:s18+$0x0];
	v9 =	vmul.f32 $1.442695020e+00, v9;
	(erf) = vpow2.f32 v8  }
0x81: {  	v14 =	vld [tilespmem:s15+$0x50];
	(erf) = vpow2.f32 v7  }
0x82: {  	v11 =	vld [tilespmem:s18+$0xFFFFFFE0];
	(erf) = vpow2.f32 v9  }
0x83: {  	v10 =	vld [tilespmem:s15+$0xFFFFFF60]  }
0x84: {  	s3 =	simm.s32 $0x17AB0;
	v7 =	vld [tilespmem:s15+$0x0];
	v13 =	vpop (erf)  }
0x85: {  	v9 =	vld [tilespmem:s15+$0xFFFFFFB0];
	[tilespmem:s3+$0xFFFFFFA8] =	vst v13  }
0x86: {  	v12 =	vld [tilespmem:s17+$0xFFFFFF70]  }
0x87: {  	v8 =	vld [tilespmem:s18+$0xFFFFFFF0]  }
0x88: {  	v10 =	vperm.xlane v10, v1  }
0x89: {  	v16 =	vld [tilespmem:s18+$0x10];
	v17 =	vperm.xlane v13, v2;
	v7 =	vperm.xlane v7, v1;
	v19 =	vpop (erf)  }
0x8a: {  	v10 =	vadd.f32 v11, v10;
	v9 =	vperm.xlane v9, v1;
	v18 =	vpop (erf);
	[tilespmem:s3+$0x38] =	vst v19  }
0x8b: {  	v7 =	vadd.f32 v15, v7;
	v21 =	vpop (erf);
	v11 =	vmul.f32 v17, v12;
	v12 =	vperm.xlane v14, v1;
	v14 =	vld [tilespmem:s17+$0x10]  }
0x8c: {  	v8 =	vadd.f32 v8, v9;
	v9 =	vperm.xlane v13, v3;
	[tilespmem:s3+$0x80] =	vst v21;
	v17 =	vmul.f32 $2.000000030e-01, v10  }
0x8d: {  	v22 =	vperm.xlane v19, v2;
	v23 =	vmul.f32 $2.000000030e-01, v7;
	[tilespmem:s3+$0xFFFFFFF0] =	vst v18;
	v15 =	vld [tilespmem:s17+$0x60]  }
0x8e: {  	[tilespmem:s3+$0xFFFFFF70] =	vst v11;
	v12 =	vadd.f32 v16, v12;
	v16 =	vmul.f32 $2.000000030e-01, v8;
	v10 =	vmax.f32 v10, v17;
	v17 =	vld [tilespmem:s17+$0xFFFFFFC0]  }
0x8f: {  	s8 =	simm.s32 $0x166C0;
	v7 =	vmax.f32 v7, v23;
	v23 =	vperm.xlane v13, v4;
	v20 =	vld [tilespmem:s17+$0xFFFFFF80];
	v10 =	vsub.f32 v10, v6  }
0x90: {  	v25 =	vld [tilespmem:s8+$0x10];
	v8 =	vmax.f32 v8, v16;
	v16 =	vperm.xlane v21, v2;
	v14 =	vmul.f32 v22, v14  }
0x91: {  	v27 =	vld [tilespmem:s8+$0xFFFFFFE0];
	s16 =	simm.s32 $0x10540;
	v7 =	vsub.f32 v7, v6;
	v11 =	vperm.xlane v18, v2;
	v24 =	vmul.f32 $2.000000030e-01, v12  }
0x92: {  	v28 =	vld [tilespmem:s16+$0xFFFFFFB0];
	v10 =	vmul.f32 $1.442695020e+00, v10;
	[tilespmem:s3+$0x0] =	vst v14;
	v14 =	vmul.f32 v16, v15  }
0x93: {  	v7 =	vmul.f32 $1.442695020e+00, v7;
	v8 =	vsub.f32 v8, v6;
	v11 =	vmul.f32 v11, v17;
	v16 =	vld [tilespmem:s17+$0x20]  }
0x94: {  	v22 =	vmax.f32 v12, v24;
	v12 =	vld [tilespmem:s8+$0x0];
	(erf) = vpow2.f32 v10;
	v9 =	vmul.f32 v9, v20;
	[tilespmem:s3+$0x48] =	vst v14  }
0x95: {  	v31 =	vperm.xlane v21, v4;
	v8 =	vmul.f32 $1.442695020e+00, v8;
	v15 =	vsub.f32 v22, v6;
	[tilespmem:s3+$0xFFFFFFB8] =	vst v11;
	v17 =	vld [tilespmem:s17+$0x70]  }
0x96: {  	(erf) = vpow2.f32 v7;
	[tilespmem:s3+$0xFFFFFF80] =	vst v9;
	v7 =	vld [tilespmem:s17+$0xFFFFFFD0];
	v9 =	vperm.xlane v19, v3  }
0x97: {  	v10 =	vld [tilespmem:s16+$0x0];
	v14 =	vmul.f32 $1.442695020e+00, v15;
	(erf) = vpow2.f32 v8  }
0x98: {  	v20 =	vperm.xlane v21, v3;
	v8 =	vld [tilespmem:s17+$0xFFFFFF90];
	v9 =	vmul.f32 v9, v16  }
0x99: {  	v22 =	vperm.xlane v18, v3;
	(erf) = vpow2.f32 v14;
	v14 =	vld [tilespmem:s16+$0xFFFFFF60]  }
0x9a: {  	v15 =	vperm.xlane v13, v5;
	v16 =	vld [tilespmem:s16+$0x50];
	[tilespmem:s3+$0x10] =	vst v9;
	v9 =	vmul.f32 v20, v17  }
0x9b: {  	v11 =	vperm.xlane v21, v5;
	v22 =	vmul.f32 v22, v7;
	v26 =	vld [tilespmem:s17+$0x30]  }
0x9c: {  	v13 =	vperm.xlane v18, v5;
	v20 =	vperm.xlane v18, v4;
	v18 =	vld [tilespmem:s8+$0xFFFFFFF0];
	[tilespmem:s3+$0x58] =	vst v9  }
0x9d: {  	s7 =	simm.s32 $0x17BD0;
	v24 =	vperm.xlane v10, v1;
	v10 =	vperm.xlane v19, v4;
	v7 =	vpop (erf);
	[tilespmem:s3+$0xFFFFFFC8] =	vst v22;
	v30 =	vld [tilespmem:s17+$0x80]  }
0x9e: {  	v17 =	vperm.xlane v19, v5;
	v23 =	vmul.f32 v23, v8;
	[tilespmem:s7+$0xFFFFFFA8] =	vst v7;
	v21 =	vld [tilespmem:s17+$0xFFFFFFE0]  }
0x9f: {  	v29 =	vperm.xlane v14, v1;
	v14 =	vperm.xlane v7, v3;
	v8 =	vpop (erf);
	v22 =	vld [tilespmem:s15+$0xFFFFFF70]  }
0xa0: {  	[tilespmem:s3+$0xFFFFFF90] =	vst v23;
	v32 =	vperm.xlane v16, v1;
	v9 =	vpop (erf);
	v33 =	vmul.f32 v10, v26  }
0xa1: {  	[tilespmem:s7+$0x38] =	vst v8;
	v27 =	vadd.f32 v27, v29;
	v29 =	vperm.xlane v28, v1;
	v19 =	vld [tilespmem:s17+$0xFFFFFFA0];
	v16 =	vperm.xlane v9, v2  }
0xa2: {  	s9 =	simm.s32 $0x8;
	v23 =	vld [tilespmem:s15+$0x10];
	v25 =	vadd.f32 v25, v32;
	v26 =	vperm.xlane v7, v2;
	v10 =	vpop (erf);
	[tilespmem:s3+$0x20] =	vst v33;
	v28 =	vmul.f32 v31, v30  }
.LBB2_5:
0xa3: {  	s9 =	sadd.s32 $0x4, s9;
	[tilespmem:s7+$0x80] =	vst v10;
	v30 =	vperm.xlane v10, v2;
	v20 =	vmul.f32 v20, v21;
	v21 =	vld [tilespmem:s17+$0x40]  }
0xa4: {  	v24 =	vadd.f32 v12, v24;
	p1 =	slt.u32 s9, $0x4C;
	v18 =	vadd.f32 v18, v29;
	v12 =	vmul.f32 v26, v22;
	v22 =	vld [tilespmem:s15+$0x60];
	[tilespmem:s3+$0x68] =	vst v28  }
0xa5: {  	v26 =	vmul.f32 $2.000000030e-01, v27;
	v28 =	vperm.xlane v8, v2;
	[tilespmem:s3+$0xFFFFFFD8] =	vst v20;
	v20 =	vld [tilespmem:s17+$0x90]  }
0xa6: {  	v31 =	vmul.f32 $2.000000030e-01, v24;
	v29 =	vmul.f32 $2.000000030e-01, v18;
	[tilespmem:s7+$0xFFFFFF70] =	vst v12;
	v32 =	vld [tilespmem:s17+$0xFFFFFFF0];
	s17 =	smov.u32 s15;
	s15 =	smov.u32 s16  }
0xa7: {  	v12 =	vmax.f32 v27, v26;
	v26 =	vmul.f32 $2.000000030e-01, v25;
	v23 =	vmul.f32 v28, v23;
	v27 =	vld [tilespmem:s17+$0xFFFFFF80];
	[tilespmem:s7+$0xFFFFFFF0] =	vst v9  }
0xa8: {  	v28 =	vsub.f32 v12, v6;
	v12 =	vmax.f32 v18, v29;
	v29 =	vld [tilespmem:s17+$0xFFFFFFC0];
	v17 =	vmul.f32 v17, v21  }
0xa9: {  	s8 =	sadd.s32 $0x40, s8;
	v15 =	vmul.f32 v15, v19;
	v18 =	vmax.f32 v25, v26;
	v21 =	vsub.f32 v12, v6;
	[tilespmem:s7+$0x0] =	vst v23  }
0xaa: {  	v19 =	vmul.f32 $1.442695020e+00, v28;
	v23 =	vsub.f32 v18, v6;
	v12 =	vld [tilespmem:s8+$0x0];
	[tilespmem:s3+$0x30] =	vst v17;
	v11 =	vmul.f32 v11, v20  }
0xab: {  	v17 =	vmax.f32 v24, v31;
	v20 =	vmul.f32 v30, v22;
	v18 =	vld [tilespmem:s8+$0xFFFFFFF0];
	[tilespmem:s3+$0xFFFFFFA0] =	vst v15;
	v13 =	vmul.f32 v13, v32  }
0xac: {  	v15 =	vmul.f32 $1.442695020e+00, v21;
	v17 =	vsub.f32 v17, v6;
	v25 =	vld [tilespmem:s8+$0x10];
	v14 =	vmul.f32 v14, v27;
	[tilespmem:s3+$0x78] =	vst v11  }
0xad: {  	s16 =	sadd.s32 $0x140, s16;
	(erf) = vpow2.f32 v19;
	v11 =	vmul.f32 v16, v29;
	v16 =	vld [tilespmem:s17+$0x20];
	[tilespmem:s3+$0xFFFFFFE8] =	vst v13;
	s3 =	smov.u32 s7  }
0xae: {  	v13 =	vmul.f32 $1.442695020e+00, v17;
	v17 =	vmul.f32 $1.442695020e+00, v23;
	v19 =	vld [tilespmem:s16+$0x0];
	[tilespmem:s7+$0x48] =	vst v20  }
0xaf: {  	v21 =	vperm.xlane v10, v3;
	[tilespmem:s7+$0xFFFFFFB8] =	vst v11;
	v20 =	vld [tilespmem:s17+$0x70]  }
0xb0: {  	v11 =	vperm.xlane v8, v3;
	(erf) = vpow2.f32 v13;
	[tilespmem:s7+$0xFFFFFF80] =	vst v14;
	v13 =	vld [tilespmem:s17+$0xFFFFFFD0]  }
0xb1: {  	v22 =	vperm.xlane v9, v3;
	(erf) = vpow2.f32 v15;
	v14 =	vld [tilespmem:s17+$0xFFFFFF90]  }
0xb2: {  	v28 =	vld [tilespmem:s16+$0xFFFFFFB0];
	(erf) = vpow2.f32 v17;
	v16 =	vmul.f32 v11, v16  }
0xb3: {  	v15 =	vperm.xlane v7, v5;
	v11 =	vperm.xlane v10, v5;
	v23 =	vld [tilespmem:s16+$0x50]  }
0xb4: {  	s7 =	sadd.s32 $0x120, s7;
	v17 =	vperm.xlane v7, v4;
	v26 =	vld [tilespmem:s16+$0xFFFFFF60];
	[tilespmem:s3+$0x10] =	vst v16;
	v16 =	vmul.f32 v21, v20  }
0xb5: {  	v20 =	vmul.f32 v22, v13;
	v13 =	vperm.xlane v9, v5;
	v27 =	vld [tilespmem:s17+$0x30]  }
0xb6: {  	v29 =	vld [tilespmem:s8+$0xFFFFFFE0];
	v7 =	vpop (erf);
	v30 =	vmul.f32 v17, v14;
	v17 =	vperm.xlane v8, v5;
	[tilespmem:s3+$0x58] =	vst v16  }
0xb7: {  	v32 =	vperm.xlane v10, v4;
	[tilespmem:s3+$0xFFFFFFC8] =	vst v20;
	v20 =	vperm.xlane v9, v4;
	v31 =	vld [tilespmem:s17+$0x80]  }
.Ltmp1:
0xb8: {  	v34 =	vperm.xlane v8, v4;
	v24 =	vperm.xlane v19, v1;
	[tilespmem:s7+$0xFFFFFFA8] =	vst v7;
	v21 =	vld [tilespmem:s17+$0xFFFFFFE0];
	(pc) =	sbr.rel @p1 .LBB2_5-.Ltmp1, $4  }
0xb9: {  	v14 =	vperm.xlane v7, v3;
	v16 =	vperm.xlane v26, v1;
	v22 =	vld [tilespmem:s15+$0xFFFFFF70];
	v8 =	vpop (erf);
	[tilespmem:s3+$0xFFFFFF90] =	vst v30  }
0xba: {  	v30 =	vperm.xlane v23, v1;
	[tilespmem:s7+$0x38] =	vst v8;
	v9 =	vpop (erf);
	v19 =	vld [tilespmem:s17+$0xFFFFFFA0];
	v33 =	vmul.f32 v34, v27  }
0xbb: {  	v26 =	vperm.xlane v7, v2;
	v27 =	vadd.f32 v29, v16;
	v16 =	vperm.xlane v9, v2;
	v23 =	vld [tilespmem:s15+$0x10];
	v10 =	vpop (erf)  }
0xbc: {  	v29 =	vperm.xlane v28, v1;
	v25 =	vadd.f32 v25, v30;
	[tilespmem:s3+$0x20] =	vst v33;
	v28 =	vmul.f32 v32, v31  }
0xbd: {  	v12 =	vadd.f32 v12, v24  }
0xbe: {  	v24 =	vmul.f32 $2.000000030e-01, v27  }
0xbf: {  	v18 =	vadd.f32 v18, v29;
	v29 =	vmul.f32 $2.000000030e-01, v12  }
0xc0: {  	v24 =	vmax.f32 v27, v24  }
0xc1: {  	v30 =	vmul.f32 $2.000000030e-01, v18;
	v24 =	vsub.f32 v24, v6;
	v12 =	vmax.f32 v12, v29  }
0xc2: {  	v27 =	vmul.f32 $2.000000030e-01, v25;
	v12 =	vsub.f32 v12, v6  }
0xc3: {  	v18 =	vmax.f32 v18, v30;
	v24 =	vmul.f32 $1.442695020e+00, v24  }
0xc4: {  	v25 =	vmax.f32 v25, v27;
	v18 =	vsub.f32 v18, v6;
	v12 =	vmul.f32 $1.442695020e+00, v12  }
0xc5: {  	v25 =	vsub.f32 v25, v6;
	(erf) = vpow2.f32 v24  }
0xc6: {  	v18 =	vmul.f32 $1.442695020e+00, v18;
	(erf) = vpow2.f32 v12;
	v12 =	vld [tilespmem:s17+$0x40]  }
0xc7: {  	v24 =	vmul.f32 $1.442695020e+00, v25  }
0xc8: {  	(erf) = vpow2.f32 v18  }
0xc9: {  	[tilespmem:s7+$0x80] =	vst v10;
	(erf) = vpow2.f32 v24  }
0xca: {  	[tilespmem:s7+$0xFFFFFFF0] =	vst v9;
	v18 =	vmul.f32 v20, v21;
	v21 =	vperm.xlane v8, v2  }
0xcb: {  	[tilespmem:s3+$0x68] =	vst v28;
	v15 =	vmul.f32 v15, v19;
	v12 =	vmul.f32 v17, v12  }
0xcc: {  	[tilespmem:s3+$0xFFFFFFD8] =	vst v18;
	v18 =	vmul.f32 v21, v23  }
0xcd: {  	[tilespmem:s3+$0xFFFFFFA0] =	vst v15  }
0xce: {  	v20 =	vmul.f32 v26, v22;
	v17 =	vld [tilespmem:s17+$0x90];
	[tilespmem:s7+$0x0] =	vst v18  }
0xcf: {  	v18 =	vld [tilespmem:s17+$0xFFFFFFF0];
	[tilespmem:s3+$0x30] =	vst v12;
	v12 =	vpop (erf)  }
0xd0: {  	s6 =	sadd.s32 $0x120, s7;
	v19 =	vld [tilespmem:s15+$0x60];
	[tilespmem:s7+$0xFFFFFF70] =	vst v20;
	v15 =	vpop (erf)  }
0xd1: {  	v20 =	vld [tilespmem:s15+$0xFFFFFFC0];
	[tilespmem:s6+$0x38] =	vst v15;
	v21 =	vpop (erf)  }
0xd2: {  	[tilespmem:s6+$0xFFFFFFA8] =	vst v12;
	v22 =	vld [tilespmem:s16+$0x10];
	v23 =	vpop (erf)  }
0xd3: {  	v24 =	vperm.xlane v10, v2;
	v11 =	vmul.f32 v11, v17;
	v17 =	vld [tilespmem:s16+$0xFFFFFF70];
	[tilespmem:s6+$0x80] =	vst v23  }
0xd4: {  	v13 =	vmul.f32 v13, v18;
	[tilespmem:s6+$0xFFFFFFF0] =	vst v21;
	v18 =	vld [tilespmem:s16+$0x60]  }
0xd5: {  	v19 =	vmul.f32 v24, v19;
	[tilespmem:s3+$0x78] =	vst v11;
	v11 =	vperm.xlane v15, v2;
	v24 =	vld [tilespmem:s16+$0xFFFFFFC0]  }
0xd6: {  	v16 =	vmul.f32 v16, v20;
	v20 =	vld [tilespmem:s15+$0x20];
	[tilespmem:s3+$0xFFFFFFE8] =	vst v13;
	v13 =	vperm.xlane v12, v2  }
0xd7: {  	v25 =	vld [tilespmem:s15+$0xFFFFFF80];
	[tilespmem:s7+$0x48] =	vst v19;
	v19 =	vperm.xlane v23, v2;
	v11 =	vmul.f32 v11, v22  }
0xd8: {  	[tilespmem:s7+$0xFFFFFFB8] =	vst v16;
	v16 =	vld [tilespmem:s15+$0x70];
	v13 =	vmul.f32 v13, v17;
	v22 =	vperm.xlane v21, v2  }
0xd9: {  	v26 =	vperm.xlane v8, v3;
	v17 =	vld [tilespmem:s15+$0xFFFFFFD0];
	[tilespmem:s6+$0x0] =	vst v11;
	v11 =	vmul.f32 v19, v18  }
0xda: {  	[tilespmem:s6+$0xFFFFFF70] =	vst v13;
	v13 =	vmul.f32 v22, v24;
	v18 =	vld [tilespmem:s16+$0x20]  }
0xdb: {  	v20 =	vmul.f32 v26, v20;
	v19 =	vperm.xlane v10, v3;
	v22 =	vld [tilespmem:s16+$0xFFFFFF80];
	[tilespmem:s6+$0x48] =	vst v11  }
0xdc: {  	v11 =	vmul.f32 v14, v25;
	v14 =	vperm.xlane v9, v3;
	[tilespmem:s6+$0xFFFFFFB8] =	vst v13;
	v13 =	vld [tilespmem:s16+$0x70]  }
0xdd: {  	[tilespmem:s7+$0x10] =	vst v20;
	v20 =	vperm.xlane v15, v3;
	v16 =	vmul.f32 v19, v16;
	v19 =	vld [tilespmem:s16+$0xFFFFFFD0]  }
0xde: {  	[tilespmem:s7+$0xFFFFFF80] =	vst v11;
	v11 =	vmul.f32 v14, v17;
	v14 =	vld [tilespmem:s15+$0x30];
	v17 =	vperm.xlane v12, v3  }
0xdf: {  	[tilespmem:s7+$0x58] =	vst v16;
	v16 =	vperm.xlane v23, v3;
	v24 =	vld [tilespmem:s15+$0xFFFFFF90];
	v18 =	vmul.f32 v20, v18  }
0xe0: {  	[tilespmem:s7+$0xFFFFFFC8] =	vst v11;
	v11 =	vld [tilespmem:s15+$0x80];
	v17 =	vmul.f32 v17, v22;
	v20 =	vperm.xlane v21, v3  }
0xe1: {  	v25 =	vperm.xlane v8, v4;
	v22 =	vld [tilespmem:s15+$0xFFFFFFE0];
	[tilespmem:s6+$0x10] =	vst v18;
	v13 =	vmul.f32 v16, v13  }
0xe2: {  	v16 =	vperm.xlane v7, v4;
	[tilespmem:s6+$0xFFFFFF80] =	vst v17;
	v17 =	vmul.f32 v20, v19;
	v18 =	vld [tilespmem:s16+$0x30]  }
0xe3: {  	v19 =	vperm.xlane v10, v4;
	v14 =	vmul.f32 v25, v14;
	v20 =	vld [tilespmem:s16+$0xFFFFFF90];
	[tilespmem:s6+$0x58] =	vst v13  }
0xe4: {  	v13 =	vmul.f32 v16, v24;
	v16 =	vperm.xlane v9, v4;
	[tilespmem:s6+$0xFFFFFFC8] =	vst v17;
	v17 =	vld [tilespmem:s16+$0x80]  }
0xe5: {  	[tilespmem:s7+$0x20] =	vst v14;
	v11 =	vmul.f32 v19, v11;
	v14 =	vld [tilespmem:s16+$0xFFFFFFE0];
	v19 =	vperm.xlane v15, v4  }
0xe6: {  	[tilespmem:s7+$0xFFFFFF90] =	vst v13;
	v13 =	vmul.f32 v16, v22;
	v16 =	vld [tilespmem:s15+$0x40];
	v22 =	vperm.xlane v12, v4  }
0xe7: {  	v24 =	vld [tilespmem:s15+$0xFFFFFFA0];
	[tilespmem:s7+$0x68] =	vst v11;
	v11 =	vperm.xlane v23, v4;
	v18 =	vmul.f32 v19, v18  }
0xe8: {  	[tilespmem:s7+$0xFFFFFFD8] =	vst v13;
	v13 =	vld [tilespmem:s15+$0x90];
	v19 =	vmul.f32 v22, v20;
	v20 =	vperm.xlane v21, v4  }
0xe9: {  	v8 =	vperm.xlane v8, v5;
	v22 =	vld [tilespmem:s15+$0xFFFFFFF0];
	[tilespmem:s6+$0x20] =	vst v18;
	v11 =	vmul.f32 v11, v17  }
0xea: {  	v7 =	vperm.xlane v7, v5;
	[tilespmem:s6+$0xFFFFFF90] =	vst v19;
	v14 =	vmul.f32 v20, v14;
	v17 =	vld [tilespmem:s16+$0x40]  }
0xeb: {  	v10 =	vperm.xlane v10, v5;
	v8 =	vmul.f32 v8, v16;
	v16 =	vld [tilespmem:s16+$0xFFFFFFA0];
	[tilespmem:s6+$0x68] =	vst v11  }
0xec: {  	v9 =	vperm.xlane v9, v5;
	v7 =	vmul.f32 v7, v24;
	[tilespmem:s6+$0xFFFFFFD8] =	vst v14;
	v11 =	vld [tilespmem:s16+$0x90]  }
0xed: {  	[tilespmem:s7+$0x30] =	vst v8;
	v8 =	vmul.f32 v10, v13;
	v10 =	vperm.xlane v15, v5;
	v13 =	vld [tilespmem:s16+$0xFFFFFFF0]  }
0xee: {  	[tilespmem:s7+$0xFFFFFFA0] =	vst v7;
	v7 =	vmul.f32 v9, v22;
	v9 =	vperm.xlane v12, v5  }
0xef: {  	[tilespmem:s7+$0x78] =	vst v8;
	v8 =	vperm.xlane v23, v5;
	v10 =	vmul.f32 v10, v17  }
0xf0: {  	[tilespmem:s7+$0xFFFFFFE8] =	vst v7;
	v7 =	vperm.xlane v21, v5;
	v9 =	vmul.f32 v9, v16  }
0xf1: {  	s7 =	smul.u32 $0x500, s13;
	[tilespmem:s6+$0x30] =	vst v10;
	v8 =	vmul.f32 v8, v11  }
0xf2: {  	[tilespmem:s6+$0xFFFFFFA0] =	vst v9;
	v7 =	vmul.f32 v7, v13  }
0xf3: {  	s16 =	sshra.s32 s7, $0x2;
	[tilespmem:s6+$0x78] =	vst v8  }
0xf4: {  	s3 =	sadd.s32 $0xDB10, s16;
	[tilespmem:s6+$0xFFFFFFE8] =	vst v7  }
0xf5: {  	[spmem:s2] =	stream.indirect.scatter.add.f32 [tilespmem:s23], [sflag:$0x5], $0x48, s3, s24, $0xb8;
	[tilespmem:$0x1D430] =	vst v63  }
0xf6: {  	_ =	swait.ge [sflag:s19], $0x1900  }
0xf7: {  	[sflag:s19] =	ssyncset.done $0x0  }
0xf8: {  	[sflag:s19] =	ssyncadd.s32 $0xFFFFE700  }
0xf9: {  	s15 =	smul.u32 $0x140, s13;
	_ =	swait.ge [sflag:s19], $0x500  }
0xfa: {  	[sflag:s19] =	ssyncset.done $0x0  }
0xfb: {  	s8 =	sadd.s32 $0xB540, s15;
	[sflag:s19] =	ssyncadd.s32 $0xFFFFFB00  }
0xfc: {  	[tilespmem:s25], [sflag:$0x1] =	stream.indirect.gather [hbm4b:s4+s24], $0x50, s8, s24, $0xb8;
	[tilespmem:$0x1D430] =	vst v63  }
0xfd: {  	s9 =	sadd.s32 $0xDC50, s15;
	s3 =	simm.s32 @!p0 $0x6  }
0xfe: {  	[tilespmem:s26], [sflag:$0x1] =	stream.indirect.gather [hbm4b:s5+s24], $0x10, s9, s24, $0xb8;
	[tilespmem:$0x1D430] =	vst v63  }
0xff: {  	_ =	swait.ge @!p0 [sflag:s3], $0x1680  }
0x100: {  	[sflag:s3] =	ssyncset.done @!p0 $0x0  }
0x101: {  	s7 =	simm.s32 $0x11BC0;
	[sflag:s3] =	ssyncadd.s32 @!p0 $0xFFFFE980  }
0x102: {  	v7 =	vld [tilespmem:s7+$0xFFFFFF60]  }
0x103: {  	s17 =	simm.s32 $0x16B40  }
0x104: {  	v8 =	vld [tilespmem:s17+$0xFFFFFFE0];
	_ =	sdelay $0x1  }
0x105: {  	v9 =	vld [tilespmem:s17+$0x0]  }
0x106: {  	v10 =	vld [tilespmem:s7+$0x0];
	v7 =	vperm.xlane v7, v1  }
0x107: {  	v11 =	vld [tilespmem:s7+$0xFFFFFFB0]  }
0x108: {  	v12 =	vld [tilespmem:s7+$0x50];
	v7 =	vadd.f32 v8, v7  }
0x109: {  	v8 =	vld [tilespmem:s17+$0xFFFFFFF0]  }
0x10a: {  	v13 =	vld [tilespmem:s17+$0x10];
	v14 =	vmul.f32 $2.000000030e-01, v7  }
0x10b: {  	v10 =	vperm.xlane v10, v1  }
0x10c: {  	v11 =	vperm.xlane v11, v1;
	v7 =	vmax.f32 v7, v14  }
0x10d: {  	v12 =	vperm.xlane v12, v1;
	v9 =	vadd.f32 v9, v10;
	v7 =	vsub.f32 v7, v6  }
0x10e: {  	v8 =	vadd.f32 v8, v11  }
0x10f: {  	v10 =	vadd.f32 v13, v12;
	v11 =	vmul.f32 $2.000000030e-01, v9;
	v7 =	vmul.f32 $1.442695020e+00, v7  }
0x110: {  	v12 =	vmul.f32 $2.000000030e-01, v8  }
0x111: {  	v13 =	vmul.f32 $2.000000030e-01, v10;
	v9 =	vmax.f32 v9, v11;
	(erf) = vpow2.f32 v7  }
0x112: {  	v7 =	vmax.f32 v8, v12;
	v8 =	vsub.f32 v9, v6  }
0x113: {  	v9 =	vmax.f32 v10, v13;
	v7 =	vsub.f32 v7, v6  }
0x114: {  	v9 =	vsub.f32 v9, v6;
	v8 =	vmul.f32 $1.442695020e+00, v8  }
0x115: {  	s18 =	simm.s32 $0x16B80;
	v7 =	vmul.f32 $1.442695020e+00, v7  }
0x116: {  	v15 =	vld [tilespmem:s18+$0x0];
	s17 =	simm.s32 $0x11D00;
	v9 =	vmul.f32 $1.442695020e+00, v9;
	(erf) = vpow2.f32 v8  }
0x117: {  	v14 =	vld [tilespmem:s17+$0x50];
	(erf) = vpow2.f32 v7  }
0x118: {  	v11 =	vld [tilespmem:s18+$0xFFFFFFE0];
	(erf) = vpow2.f32 v9  }
0x119: {  	v10 =	vld [tilespmem:s17+$0xFFFFFF60]  }
0x11a: {  	s8 =	simm.s32 $0x19130;
	v7 =	vld [tilespmem:s17+$0x0];
	v13 =	vpop (erf)  }
0x11b: {  	v9 =	vld [tilespmem:s17+$0xFFFFFFB0];
	[tilespmem:s8+$0xFFFFFFA8] =	vst v13  }
0x11c: {  	v12 =	vld [tilespmem:s7+$0xFFFFFF70]  }
0x11d: {  	v8 =	vld [tilespmem:s18+$0xFFFFFFF0]  }
0x11e: {  	v10 =	vperm.xlane v10, v1  }
0x11f: {  	v16 =	vld [tilespmem:s18+$0x10];
	v17 =	vperm.xlane v13, v2;
	v7 =	vperm.xlane v7, v1;
	v19 =	vpop (erf)  }
0x120: {  	v10 =	vadd.f32 v11, v10;
	v9 =	vperm.xlane v9, v1;
	v18 =	vpop (erf);
	[tilespmem:s8+$0x38] =	vst v19  }
0x121: {  	v7 =	vadd.f32 v15, v7;
	v21 =	vpop (erf);
	v11 =	vmul.f32 v17, v12;
	v12 =	vperm.xlane v14, v1;
	v14 =	vld [tilespmem:s7+$0x10]  }
0x122: {  	v8 =	vadd.f32 v8, v9;
	v9 =	vperm.xlane v13, v3;
	[tilespmem:s8+$0x80] =	vst v21;
	v17 =	vmul.f32 $2.000000030e-01, v10  }
0x123: {  	v22 =	vperm.xlane v19, v2;
	v23 =	vmul.f32 $2.000000030e-01, v7;
	[tilespmem:s8+$0xFFFFFFF0] =	vst v18;
	v15 =	vld [tilespmem:s7+$0x60]  }
0x124: {  	[tilespmem:s8+$0xFFFFFF70] =	vst v11;
	v12 =	vadd.f32 v16, v12;
	v16 =	vmul.f32 $2.000000030e-01, v8;
	v10 =	vmax.f32 v10, v17;
	v17 =	vld [tilespmem:s7+$0xFFFFFFC0]  }
0x125: {  	s9 =	simm.s32 $0x16BC0;
	v7 =	vmax.f32 v7, v23;
	v23 =	vperm.xlane v13, v4;
	v20 =	vld [tilespmem:s7+$0xFFFFFF80];
	v10 =	vsub.f32 v10, v6  }
0x126: {  	v25 =	vld [tilespmem:s9+$0x10];
	v8 =	vmax.f32 v8, v16;
	v16 =	vperm.xlane v21, v2;
	v14 =	vmul.f32 v22, v14  }
0x127: {  	v27 =	vld [tilespmem:s9+$0xFFFFFFE0];
	s18 =	simm.s32 $0x11E40;
	v7 =	vsub.f32 v7, v6;
	v11 =	vperm.xlane v18, v2;
	v24 =	vmul.f32 $2.000000030e-01, v12  }
0x128: {  	v28 =	vld [tilespmem:s18+$0xFFFFFFB0];
	v10 =	vmul.f32 $1.442695020e+00, v10;
	[tilespmem:s8+$0x0] =	vst v14;
	v14 =	vmul.f32 v16, v15  }
0x129: {  	v7 =	vmul.f32 $1.442695020e+00, v7;
	v8 =	vsub.f32 v8, v6;
	v11 =	vmul.f32 v11, v17;
	v16 =	vld [tilespmem:s7+$0x20]  }
0x12a: {  	v22 =	vmax.f32 v12, v24;
	v12 =	vld [tilespmem:s9+$0x0];
	(erf) = vpow2.f32 v10;
	v9 =	vmul.f32 v9, v20;
	[tilespmem:s8+$0x48] =	vst v14  }
0x12b: {  	v31 =	vperm.xlane v21, v4;
	v8 =	vmul.f32 $1.442695020e+00, v8;
	v15 =	vsub.f32 v22, v6;
	[tilespmem:s8+$0xFFFFFFB8] =	vst v11;
	v17 =	vld [tilespmem:s7+$0x70]  }
0x12c: {  	(erf) = vpow2.f32 v7;
	[tilespmem:s8+$0xFFFFFF80] =	vst v9;
	v7 =	vld [tilespmem:s7+$0xFFFFFFD0];
	v9 =	vperm.xlane v19, v3  }
0x12d: {  	v10 =	vld [tilespmem:s18+$0x0];
	v14 =	vmul.f32 $1.442695020e+00, v15;
	(erf) = vpow2.f32 v8  }
0x12e: {  	v20 =	vperm.xlane v21, v3;
	v8 =	vld [tilespmem:s7+$0xFFFFFF90];
	v9 =	vmul.f32 v9, v16  }
0x12f: {  	v22 =	vperm.xlane v18, v3;
	(erf) = vpow2.f32 v14;
	v14 =	vld [tilespmem:s18+$0xFFFFFF60]  }
0x130: {  	v15 =	vperm.xlane v13, v5;
	v16 =	vld [tilespmem:s18+$0x50];
	[tilespmem:s8+$0x10] =	vst v9;
	v9 =	vmul.f32 v20, v17  }
0x131: {  	v11 =	vperm.xlane v21, v5;
	v22 =	vmul.f32 v22, v7;
	v26 =	vld [tilespmem:s7+$0x30]  }
0x132: {  	v13 =	vperm.xlane v18, v5;
	v20 =	vperm.xlane v18, v4;
	v18 =	vld [tilespmem:s9+$0xFFFFFFF0];
	[tilespmem:s8+$0x58] =	vst v9  }
0x133: {  	s3 =	simm.s32 $0x19250;
	v24 =	vperm.xlane v10, v1;
	v10 =	vperm.xlane v19, v4;
	v7 =	vpop (erf);
	[tilespmem:s8+$0xFFFFFFC8] =	vst v22;
	v30 =	vld [tilespmem:s7+$0x80]  }
0x134: {  	v17 =	vperm.xlane v19, v5;
	v23 =	vmul.f32 v23, v8;
	[tilespmem:s3+$0xFFFFFFA8] =	vst v7;
	v21 =	vld [tilespmem:s7+$0xFFFFFFE0]  }
0x135: {  	v29 =	vperm.xlane v14, v1;
	v14 =	vperm.xlane v7, v3;
	v8 =	vpop (erf);
	v22 =	vld [tilespmem:s17+$0xFFFFFF70]  }
0x136: {  	[tilespmem:s8+$0xFFFFFF90] =	vst v23;
	v32 =	vperm.xlane v16, v1;
	v9 =	vpop (erf);
	v33 =	vmul.f32 v10, v26  }
0x137: {  	[tilespmem:s3+$0x38] =	vst v8;
	v27 =	vadd.f32 v27, v29;
	v29 =	vperm.xlane v28, v1;
	v19 =	vld [tilespmem:s7+$0xFFFFFFA0];
	v16 =	vperm.xlane v9, v2  }
0x138: {  	s6 =	simm.s32 $0x8;
	v23 =	vld [tilespmem:s17+$0x10];
	v25 =	vadd.f32 v25, v32;
	v26 =	vperm.xlane v7, v2;
	v10 =	vpop (erf);
	[tilespmem:s8+$0x20] =	vst v33;
	v28 =	vmul.f32 v31, v30  }
.LBB2_7:
0x139: {  	s6 =	sadd.s32 $0x4, s6;
	[tilespmem:s3+$0x80] =	vst v10;
	v30 =	vperm.xlane v10, v2;
	v20 =	vmul.f32 v20, v21;
	v21 =	vld [tilespmem:s7+$0x40]  }
0x13a: {  	v24 =	vadd.f32 v12, v24;
	p0 =	slt.u32 s6, $0x4C;
	v18 =	vadd.f32 v18, v29;
	v12 =	vmul.f32 v26, v22;
	v22 =	vld [tilespmem:s17+$0x60];
	[tilespmem:s8+$0x68] =	vst v28  }
0x13b: {  	v26 =	vmul.f32 $2.000000030e-01, v27;
	v28 =	vperm.xlane v8, v2;
	[tilespmem:s8+$0xFFFFFFD8] =	vst v20;
	v20 =	vld [tilespmem:s7+$0x90]  }
0x13c: {  	v31 =	vmul.f32 $2.000000030e-01, v24;
	v29 =	vmul.f32 $2.000000030e-01, v18;
	[tilespmem:s3+$0xFFFFFF70] =	vst v12;
	v32 =	vld [tilespmem:s7+$0xFFFFFFF0];
	s7 =	smov.u32 s17;
	s17 =	smov.u32 s18  }
0x13d: {  	v12 =	vmax.f32 v27, v26;
	v26 =	vmul.f32 $2.000000030e-01, v25;
	v23 =	vmul.f32 v28, v23;
	v27 =	vld [tilespmem:s7+$0xFFFFFF80];
	[tilespmem:s3+$0xFFFFFFF0] =	vst v9  }
0x13e: {  	v28 =	vsub.f32 v12, v6;
	v12 =	vmax.f32 v18, v29;
	v29 =	vld [tilespmem:s7+$0xFFFFFFC0];
	v17 =	vmul.f32 v17, v21  }
0x13f: {  	s9 =	sadd.s32 $0x40, s9;
	v15 =	vmul.f32 v15, v19;
	v18 =	vmax.f32 v25, v26;
	v21 =	vsub.f32 v12, v6;
	[tilespmem:s3+$0x0] =	vst v23  }
0x140: {  	v19 =	vmul.f32 $1.442695020e+00, v28;
	v23 =	vsub.f32 v18, v6;
	v12 =	vld [tilespmem:s9+$0x0];
	[tilespmem:s8+$0x30] =	vst v17;
	v11 =	vmul.f32 v11, v20  }
0x141: {  	v17 =	vmax.f32 v24, v31;
	v20 =	vmul.f32 v30, v22;
	v18 =	vld [tilespmem:s9+$0xFFFFFFF0];
	[tilespmem:s8+$0xFFFFFFA0] =	vst v15;
	v13 =	vmul.f32 v13, v32  }
0x142: {  	v15 =	vmul.f32 $1.442695020e+00, v21;
	v17 =	vsub.f32 v17, v6;
	v25 =	vld [tilespmem:s9+$0x10];
	v14 =	vmul.f32 v14, v27;
	[tilespmem:s8+$0x78] =	vst v11  }
0x143: {  	s18 =	sadd.s32 $0x140, s18;
	(erf) = vpow2.f32 v19;
	v11 =	vmul.f32 v16, v29;
	v16 =	vld [tilespmem:s7+$0x20];
	[tilespmem:s8+$0xFFFFFFE8] =	vst v13;
	s8 =	smov.u32 s3  }
0x144: {  	v13 =	vmul.f32 $1.442695020e+00, v17;
	v17 =	vmul.f32 $1.442695020e+00, v23;
	v19 =	vld [tilespmem:s18+$0x0];
	[tilespmem:s3+$0x48] =	vst v20  }
0x145: {  	v21 =	vperm.xlane v10, v3;
	[tilespmem:s3+$0xFFFFFFB8] =	vst v11;
	v20 =	vld [tilespmem:s7+$0x70]  }
0x146: {  	v11 =	vperm.xlane v8, v3;
	(erf) = vpow2.f32 v13;
	[tilespmem:s3+$0xFFFFFF80] =	vst v14;
	v13 =	vld [tilespmem:s7+$0xFFFFFFD0]  }
0x147: {  	v22 =	vperm.xlane v9, v3;
	(erf) = vpow2.f32 v15;
	v14 =	vld [tilespmem:s7+$0xFFFFFF90]  }
0x148: {  	v28 =	vld [tilespmem:s18+$0xFFFFFFB0];
	(erf) = vpow2.f32 v17;
	v16 =	vmul.f32 v11, v16  }
0x149: {  	v15 =	vperm.xlane v7, v5;
	v11 =	vperm.xlane v10, v5;
	v23 =	vld [tilespmem:s18+$0x50]  }
0x14a: {  	s3 =	sadd.s32 $0x120, s3;
	v17 =	vperm.xlane v7, v4;
	v26 =	vld [tilespmem:s18+$0xFFFFFF60];
	[tilespmem:s8+$0x10] =	vst v16;
	v16 =	vmul.f32 v21, v20  }
0x14b: {  	v20 =	vmul.f32 v22, v13;
	v13 =	vperm.xlane v9, v5;
	v27 =	vld [tilespmem:s7+$0x30]  }
0x14c: {  	v29 =	vld [tilespmem:s9+$0xFFFFFFE0];
	v7 =	vpop (erf);
	v30 =	vmul.f32 v17, v14;
	v17 =	vperm.xlane v8, v5;
	[tilespmem:s8+$0x58] =	vst v16  }
0x14d: {  	v32 =	vperm.xlane v10, v4;
	[tilespmem:s8+$0xFFFFFFC8] =	vst v20;
	v20 =	vperm.xlane v9, v4;
	v31 =	vld [tilespmem:s7+$0x80]  }
.Ltmp2:
0x14e: {  	v34 =	vperm.xlane v8, v4;
	v24 =	vperm.xlane v19, v1;
	[tilespmem:s3+$0xFFFFFFA8] =	vst v7;
	v21 =	vld [tilespmem:s7+$0xFFFFFFE0];
	(pc) =	sbr.rel @p0 .LBB2_7-.Ltmp2, $4  }
0x14f: {  	v14 =	vperm.xlane v7, v3;
	v16 =	vperm.xlane v26, v1;
	v22 =	vld [tilespmem:s17+$0xFFFFFF70];
	v8 =	vpop (erf);
	[tilespmem:s8+$0xFFFFFF90] =	vst v30  }
0x150: {  	v30 =	vperm.xlane v23, v1;
	[tilespmem:s3+$0x38] =	vst v8;
	v9 =	vpop (erf);
	v19 =	vld [tilespmem:s7+$0xFFFFFFA0];
	v33 =	vmul.f32 v34, v27  }
0x151: {  	v26 =	vperm.xlane v7, v2;
	v27 =	vadd.f32 v29, v16;
	v16 =	vperm.xlane v9, v2;
	v23 =	vld [tilespmem:s17+$0x10];
	v10 =	vpop (erf)  }
0x152: {  	v29 =	vperm.xlane v28, v1;
	v25 =	vadd.f32 v25, v30;
	[tilespmem:s8+$0x20] =	vst v33;
	v28 =	vmul.f32 v32, v31  }
0x153: {  	v12 =	vadd.f32 v12, v24  }
0x154: {  	v24 =	vmul.f32 $2.000000030e-01, v27  }
0x155: {  	v18 =	vadd.f32 v18, v29;
	v29 =	vmul.f32 $2.000000030e-01, v12  }
0x156: {  	v24 =	vmax.f32 v27, v24  }
0x157: {  	v30 =	vmul.f32 $2.000000030e-01, v18;
	v24 =	vsub.f32 v24, v6;
	v12 =	vmax.f32 v12, v29  }
0x158: {  	v27 =	vmul.f32 $2.000000030e-01, v25;
	v12 =	vsub.f32 v12, v6  }
0x159: {  	v18 =	vmax.f32 v18, v30;
	v24 =	vmul.f32 $1.442695020e+00, v24  }
0x15a: {  	v25 =	vmax.f32 v25, v27;
	v18 =	vsub.f32 v18, v6;
	v12 =	vmul.f32 $1.442695020e+00, v12  }
0x15b: {  	v25 =	vsub.f32 v25, v6;
	(erf) = vpow2.f32 v24  }
0x15c: {  	v18 =	vmul.f32 $1.442695020e+00, v18;
	(erf) = vpow2.f32 v12;
	v12 =	vld [tilespmem:s7+$0x40]  }
0x15d: {  	v24 =	vmul.f32 $1.442695020e+00, v25  }
0x15e: {  	(erf) = vpow2.f32 v18  }
0x15f: {  	[tilespmem:s3+$0x80] =	vst v10;
	(erf) = vpow2.f32 v24  }
0x160: {  	[tilespmem:s3+$0xFFFFFFF0] =	vst v9;
	v18 =	vmul.f32 v20, v21;
	v21 =	vperm.xlane v8, v2  }
0x161: {  	[tilespmem:s8+$0x68] =	vst v28;
	v15 =	vmul.f32 v15, v19;
	v12 =	vmul.f32 v17, v12  }
0x162: {  	[tilespmem:s8+$0xFFFFFFD8] =	vst v18;
	v18 =	vmul.f32 v21, v23  }
0x163: {  	[tilespmem:s8+$0xFFFFFFA0] =	vst v15  }
0x164: {  	v20 =	vmul.f32 v26, v22;
	v17 =	vld [tilespmem:s7+$0x90];
	[tilespmem:s3+$0x0] =	vst v18  }
0x165: {  	v18 =	vld [tilespmem:s7+$0xFFFFFFF0];
	[tilespmem:s8+$0x30] =	vst v12;
	v12 =	vpop (erf)  }
0x166: {  	s6 =	sadd.s32 $0x120, s3;
	v19 =	vld [tilespmem:s17+$0x60];
	[tilespmem:s3+$0xFFFFFF70] =	vst v20;
	v15 =	vpop (erf)  }
0x167: {  	v20 =	vld [tilespmem:s17+$0xFFFFFFC0];
	[tilespmem:s6+$0x38] =	vst v15;
	v21 =	vpop (erf)  }
0x168: {  	[tilespmem:s6+$0xFFFFFFA8] =	vst v12;
	v22 =	vld [tilespmem:s18+$0x10];
	v23 =	vpop (erf)  }
0x169: {  	v24 =	vperm.xlane v10, v2;
	v11 =	vmul.f32 v11, v17;
	v17 =	vld [tilespmem:s18+$0xFFFFFF70];
	[tilespmem:s6+$0x80] =	vst v23  }
0x16a: {  	v13 =	vmul.f32 v13, v18;
	[tilespmem:s6+$0xFFFFFFF0] =	vst v21;
	v18 =	vld [tilespmem:s18+$0x60]  }
0x16b: {  	v19 =	vmul.f32 v24, v19;
	[tilespmem:s8+$0x78] =	vst v11;
	v11 =	vperm.xlane v15, v2;
	v24 =	vld [tilespmem:s18+$0xFFFFFFC0]  }
0x16c: {  	v16 =	vmul.f32 v16, v20;
	v20 =	vld [tilespmem:s17+$0x20];
	[tilespmem:s8+$0xFFFFFFE8] =	vst v13;
	v13 =	vperm.xlane v12, v2  }
0x16d: {  	v25 =	vld [tilespmem:s17+$0xFFFFFF80];
	[tilespmem:s3+$0x48] =	vst v19;
	v19 =	vperm.xlane v23, v2;
	v11 =	vmul.f32 v11, v22  }
0x16e: {  	[tilespmem:s3+$0xFFFFFFB8] =	vst v16;
	v16 =	vld [tilespmem:s17+$0x70];
	v13 =	vmul.f32 v13, v17;
	v22 =	vperm.xlane v21, v2  }
0x16f: {  	v26 =	vperm.xlane v8, v3;
	v17 =	vld [tilespmem:s17+$0xFFFFFFD0];
	[tilespmem:s6+$0x0] =	vst v11;
	v11 =	vmul.f32 v19, v18  }
0x170: {  	[tilespmem:s6+$0xFFFFFF70] =	vst v13;
	v13 =	vmul.f32 v22, v24;
	v18 =	vld [tilespmem:s18+$0x20]  }
0x171: {  	v20 =	vmul.f32 v26, v20;
	v19 =	vperm.xlane v10, v3;
	v22 =	vld [tilespmem:s18+$0xFFFFFF80];
	[tilespmem:s6+$0x48] =	vst v11  }
0x172: {  	v11 =	vmul.f32 v14, v25;
	v14 =	vperm.xlane v9, v3;
	[tilespmem:s6+$0xFFFFFFB8] =	vst v13;
	v13 =	vld [tilespmem:s18+$0x70]  }
0x173: {  	[tilespmem:s3+$0x10] =	vst v20;
	v20 =	vperm.xlane v15, v3;
	v16 =	vmul.f32 v19, v16;
	v19 =	vld [tilespmem:s18+$0xFFFFFFD0]  }
0x174: {  	[tilespmem:s3+$0xFFFFFF80] =	vst v11;
	v11 =	vmul.f32 v14, v17;
	v14 =	vld [tilespmem:s17+$0x30];
	v17 =	vperm.xlane v12, v3  }
0x175: {  	[tilespmem:s3+$0x58] =	vst v16;
	v16 =	vperm.xlane v23, v3;
	v24 =	vld [tilespmem:s17+$0xFFFFFF90];
	v18 =	vmul.f32 v20, v18  }
0x176: {  	[tilespmem:s3+$0xFFFFFFC8] =	vst v11;
	v11 =	vld [tilespmem:s17+$0x80];
	v17 =	vmul.f32 v17, v22;
	v20 =	vperm.xlane v21, v3  }
0x177: {  	v25 =	vperm.xlane v8, v4;
	v22 =	vld [tilespmem:s17+$0xFFFFFFE0];
	[tilespmem:s6+$0x10] =	vst v18;
	v13 =	vmul.f32 v16, v13  }
0x178: {  	v16 =	vperm.xlane v7, v4;
	[tilespmem:s6+$0xFFFFFF80] =	vst v17;
	v17 =	vmul.f32 v20, v19;
	v18 =	vld [tilespmem:s18+$0x30]  }
0x179: {  	v19 =	vperm.xlane v10, v4;
	v14 =	vmul.f32 v25, v14;
	v20 =	vld [tilespmem:s18+$0xFFFFFF90];
	[tilespmem:s6+$0x58] =	vst v13  }
0x17a: {  	v13 =	vmul.f32 v16, v24;
	v16 =	vperm.xlane v9, v4;
	[tilespmem:s6+$0xFFFFFFC8] =	vst v17;
	v17 =	vld [tilespmem:s18+$0x80]  }
0x17b: {  	[tilespmem:s3+$0x20] =	vst v14;
	v11 =	vmul.f32 v19, v11;
	v14 =	vld [tilespmem:s18+$0xFFFFFFE0];
	v19 =	vperm.xlane v15, v4  }
0x17c: {  	[tilespmem:s3+$0xFFFFFF90] =	vst v13;
	v13 =	vmul.f32 v16, v22;
	v16 =	vld [tilespmem:s17+$0x40];
	v22 =	vperm.xlane v12, v4  }
0x17d: {  	v24 =	vld [tilespmem:s17+$0xFFFFFFA0];
	[tilespmem:s3+$0x68] =	vst v11;
	v11 =	vperm.xlane v23, v4;
	v18 =	vmul.f32 v19, v18  }
0x17e: {  	[tilespmem:s3+$0xFFFFFFD8] =	vst v13;
	v13 =	vld [tilespmem:s17+$0x90];
	v19 =	vmul.f32 v22, v20;
	v20 =	vperm.xlane v21, v4  }
0x17f: {  	v8 =	vperm.xlane v8, v5;
	v22 =	vld [tilespmem:s17+$0xFFFFFFF0];
	[tilespmem:s6+$0x20] =	vst v18;
	v11 =	vmul.f32 v11, v17  }
0x180: {  	v7 =	vperm.xlane v7, v5;
	[tilespmem:s6+$0xFFFFFF90] =	vst v19;
	v14 =	vmul.f32 v20, v14;
	v17 =	vld [tilespmem:s18+$0x40]  }
0x181: {  	v10 =	vperm.xlane v10, v5;
	v8 =	vmul.f32 v8, v16;
	v16 =	vld [tilespmem:s18+$0xFFFFFFA0];
	[tilespmem:s6+$0x68] =	vst v11  }
0x182: {  	v9 =	vperm.xlane v9, v5;
	v7 =	vmul.f32 v7, v24;
	[tilespmem:s6+$0xFFFFFFD8] =	vst v14;
	v11 =	vld [tilespmem:s18+$0x90]  }
0x183: {  	[tilespmem:s3+$0x30] =	vst v8;
	v8 =	vmul.f32 v10, v13;
	v10 =	vperm.xlane v15, v5;
	v13 =	vld [tilespmem:s18+$0xFFFFFFF0]  }
0x184: {  	[tilespmem:s3+$0xFFFFFFA0] =	vst v7;
	v7 =	vmul.f32 v9, v22;
	v9 =	vperm.xlane v12, v5  }
0x185: {  	[tilespmem:s3+$0x78] =	vst v8;
	v8 =	vperm.xlane v23, v5;
	v10 =	vmul.f32 v10, v17  }
0x186: {  	[tilespmem:s3+$0xFFFFFFE8] =	vst v7;
	v7 =	vperm.xlane v21, v5;
	v9 =	vmul.f32 v9, v16  }
0x187: {  	[tilespmem:s6+$0x30] =	vst v10;
	v8 =	vmul.f32 v8, v11  }
0x188: {  	[tilespmem:s6+$0xFFFFFFA0] =	vst v9;
	v7 =	vmul.f32 v7, v13  }
0x189: {  	[tilespmem:s6+$0x78] =	vst v8  }
0x18a: {  	s9 =	sadd.s32 $0xDB60, s16;
	[tilespmem:s6+$0xFFFFFFE8] =	vst v7  }
0x18b: {  	[spmem:s2] =	stream.indirect.scatter.add.f32 [tilespmem:s28], [sflag:$0x6], $0x48, s9, s24, $0xb8;
	[tilespmem:$0x1D430] =	vst v63  }
0x18c: {  	_ =	swait.ge [sflag:s29], $0x1900  }
0x18d: {  	[sflag:s29] =	ssyncset.done $0x0  }
0x18e: {  	[sflag:s29] =	ssyncadd.s32 $0xFFFFE700  }
0x18f: {  	p0 =	seq.s32 s13, $0x1E;
	_ =	swait.ge [sflag:s29], $0x500  }
0x190: {  	p1 =	seq.s32 @!p0 s13, $0x0;
	s7 =	simm.s32 @!p0 $0x11B20;
	[sflag:s29] =	ssyncset.done $0x0  }
0x191: {  	s3 =	sadd.s32 @!p0 $0xB590, s15;
	s6 =	simm.s32 @!p0 $0x50;
	[sflag:s29] =	ssyncadd.s32 $0xFFFFFB00  }
0x192: {  	[tilespmem:s7], [sflag:$0x2] =	stream.indirect.gather @!p0 [hbm4b:s4+s6], $0x50, s3, s6, $0xb8;
	[tilespmem:$0x1D430] =	vst v63  }
0x193: {  	p1 =	por p0, !p1;
	s3 =	sadd.s32 @!p0 $0xDCA0, s15;
	s7 =	simm.s32 @!p0 $0x16B20  }
0x194: {  	[tilespmem:s7], [sflag:$0x2] =	stream.indirect.gather @!p0 [hbm4b:s5+s6], $0x10, s3, s6, $0xb8;
	[tilespmem:$0x1D430] =	vst v63  }
0x195: {  	_ =	swait.ge @p1 [sflag:s10], $0x1680  }
0x196: {  	[sflag:s10] =	ssyncset.done @p1 $0x0  }
0x197: {  	s7 =	simm.s32 $0x134C0;
	[sflag:s10] =	ssyncadd.s32 @p1 $0xFFFFE980  }
0x198: {  	v7 =	vld [tilespmem:s7+$0xFFFFFF60]  }
0x199: {  	s17 =	simm.s32 $0x17040  }
0x19a: {  	v8 =	vld [tilespmem:s17+$0xFFFFFFE0];
	_ =	sdelay $0x1  }
0x19b: {  	v9 =	vld [tilespmem:s17+$0x0]  }
0x19c: {  	v10 =	vld [tilespmem:s7+$0x0];
	v7 =	vperm.xlane v7, v1  }
0x19d: {  	v11 =	vld [tilespmem:s7+$0xFFFFFFB0]  }
0x19e: {  	v12 =	vld [tilespmem:s7+$0x50];
	v7 =	vadd.f32 v8, v7  }
0x19f: {  	v8 =	vld [tilespmem:s17+$0xFFFFFFF0]  }
0x1a0: {  	v13 =	vld [tilespmem:s17+$0x10];
	v14 =	vmul.f32 $2.000000030e-01, v7  }
0x1a1: {  	v10 =	vperm.xlane v10, v1  }
0x1a2: {  	v11 =	vperm.xlane v11, v1;
	v7 =	vmax.f32 v7, v14  }
0x1a3: {  	v12 =	vperm.xlane v12, v1;
	v9 =	vadd.f32 v9, v10;
	v7 =	vsub.f32 v7, v6  }
0x1a4: {  	v8 =	vadd.f32 v8, v11  }
0x1a5: {  	v10 =	vadd.f32 v13, v12;
	v11 =	vmul.f32 $2.000000030e-01, v9;
	v7 =	vmul.f32 $1.442695020e+00, v7  }
0x1a6: {  	v12 =	vmul.f32 $2.000000030e-01, v8  }
0x1a7: {  	v13 =	vmul.f32 $2.000000030e-01, v10;
	v9 =	vmax.f32 v9, v11;
	(erf) = vpow2.f32 v7  }
0x1a8: {  	v7 =	vmax.f32 v8, v12;
	v8 =	vsub.f32 v9, v6  }
0x1a9: {  	v9 =	vmax.f32 v10, v13;
	v7 =	vsub.f32 v7, v6  }
0x1aa: {  	v9 =	vsub.f32 v9, v6;
	v8 =	vmul.f32 $1.442695020e+00, v8  }
0x1ab: {  	s18 =	simm.s32 $0x17080;
	v7 =	vmul.f32 $1.442695020e+00, v7  }
0x1ac: {  	v15 =	vld [tilespmem:s18+$0x0];
	s17 =	simm.s32 $0x13600;
	v9 =	vmul.f32 $1.442695020e+00, v9;
	(erf) = vpow2.f32 v8  }
0x1ad: {  	v14 =	vld [tilespmem:s17+$0x50];
	(erf) = vpow2.f32 v7  }
0x1ae: {  	v11 =	vld [tilespmem:s18+$0xFFFFFFE0];
	(erf) = vpow2.f32 v9  }
0x1af: {  	v10 =	vld [tilespmem:s17+$0xFFFFFF60]  }
0x1b0: {  	s8 =	simm.s32 $0x1A7B0;
	v7 =	vld [tilespmem:s17+$0x0];
	v13 =	vpop (erf)  }
0x1b1: {  	v9 =	vld [tilespmem:s17+$0xFFFFFFB0];
	[tilespmem:s8+$0xFFFFFFA8] =	vst v13  }
0x1b2: {  	v12 =	vld [tilespmem:s7+$0xFFFFFF70]  }
0x1b3: {  	v8 =	vld [tilespmem:s18+$0xFFFFFFF0]  }
0x1b4: {  	v10 =	vperm.xlane v10, v1  }
0x1b5: {  	v16 =	vld [tilespmem:s18+$0x10];
	v17 =	vperm.xlane v13, v2;
	v7 =	vperm.xlane v7, v1;
	v19 =	vpop (erf)  }
0x1b6: {  	v10 =	vadd.f32 v11, v10;
	v9 =	vperm.xlane v9, v1;
	v18 =	vpop (erf);
	[tilespmem:s8+$0x38] =	vst v19  }
0x1b7: {  	v7 =	vadd.f32 v15, v7;
	v21 =	vpop (erf);
	v11 =	vmul.f32 v17, v12;
	v12 =	vperm.xlane v14, v1;
	v14 =	vld [tilespmem:s7+$0x10]  }
0x1b8: {  	v8 =	vadd.f32 v8, v9;
	v9 =	vperm.xlane v13, v3;
	[tilespmem:s8+$0x80] =	vst v21;
	v17 =	vmul.f32 $2.000000030e-01, v10  }
0x1b9: {  	v22 =	vperm.xlane v19, v2;
	v23 =	vmul.f32 $2.000000030e-01, v7;
	[tilespmem:s8+$0xFFFFFFF0] =	vst v18;
	v15 =	vld [tilespmem:s7+$0x60]  }
0x1ba: {  	[tilespmem:s8+$0xFFFFFF70] =	vst v11;
	v12 =	vadd.f32 v16, v12;
	v16 =	vmul.f32 $2.000000030e-01, v8;
	v10 =	vmax.f32 v10, v17;
	v17 =	vld [tilespmem:s7+$0xFFFFFFC0]  }
0x1bb: {  	s9 =	simm.s32 $0x170C0;
	v7 =	vmax.f32 v7, v23;
	v23 =	vperm.xlane v13, v4;
	v20 =	vld [tilespmem:s7+$0xFFFFFF80];
	v10 =	vsub.f32 v10, v6  }
0x1bc: {  	v25 =	vld [tilespmem:s9+$0x10];
	v8 =	vmax.f32 v8, v16;
	v16 =	vperm.xlane v21, v2;
	v14 =	vmul.f32 v22, v14  }
0x1bd: {  	v27 =	vld [tilespmem:s9+$0xFFFFFFE0];
	s18 =	simm.s32 $0x13740;
	v7 =	vsub.f32 v7, v6;
	v11 =	vperm.xlane v18, v2;
	v24 =	vmul.f32 $2.000000030e-01, v12  }
0x1be: {  	v28 =	vld [tilespmem:s18+$0xFFFFFFB0];
	v10 =	vmul.f32 $1.442695020e+00, v10;
	[tilespmem:s8+$0x0] =	vst v14;
	v14 =	vmul.f32 v16, v15  }
0x1bf: {  	v7 =	vmul.f32 $1.442695020e+00, v7;
	v8 =	vsub.f32 v8, v6;
	v11 =	vmul.f32 v11, v17;
	v16 =	vld [tilespmem:s7+$0x20]  }
0x1c0: {  	v22 =	vmax.f32 v12, v24;
	v12 =	vld [tilespmem:s9+$0x0];
	(erf) = vpow2.f32 v10;
	v9 =	vmul.f32 v9, v20;
	[tilespmem:s8+$0x48] =	vst v14  }
0x1c1: {  	v31 =	vperm.xlane v21, v4;
	v8 =	vmul.f32 $1.442695020e+00, v8;
	v15 =	vsub.f32 v22, v6;
	[tilespmem:s8+$0xFFFFFFB8] =	vst v11;
	v17 =	vld [tilespmem:s7+$0x70]  }
0x1c2: {  	(erf) = vpow2.f32 v7;
	[tilespmem:s8+$0xFFFFFF80] =	vst v9;
	v7 =	vld [tilespmem:s7+$0xFFFFFFD0];
	v9 =	vperm.xlane v19, v3  }
0x1c3: {  	v10 =	vld [tilespmem:s18+$0x0];
	v14 =	vmul.f32 $1.442695020e+00, v15;
	(erf) = vpow2.f32 v8  }
0x1c4: {  	v20 =	vperm.xlane v21, v3;
	v8 =	vld [tilespmem:s7+$0xFFFFFF90];
	v9 =	vmul.f32 v9, v16  }
0x1c5: {  	v22 =	vperm.xlane v18, v3;
	(erf) = vpow2.f32 v14;
	v14 =	vld [tilespmem:s18+$0xFFFFFF60]  }
0x1c6: {  	v15 =	vperm.xlane v13, v5;
	v16 =	vld [tilespmem:s18+$0x50];
	[tilespmem:s8+$0x10] =	vst v9;
	v9 =	vmul.f32 v20, v17  }
0x1c7: {  	v11 =	vperm.xlane v21, v5;
	v22 =	vmul.f32 v22, v7;
	v26 =	vld [tilespmem:s7+$0x30]  }
0x1c8: {  	v13 =	vperm.xlane v18, v5;
	v20 =	vperm.xlane v18, v4;
	v18 =	vld [tilespmem:s9+$0xFFFFFFF0];
	[tilespmem:s8+$0x58] =	vst v9  }
0x1c9: {  	s3 =	simm.s32 $0x1A8D0;
	v24 =	vperm.xlane v10, v1;
	v10 =	vperm.xlane v19, v4;
	v7 =	vpop (erf);
	[tilespmem:s8+$0xFFFFFFC8] =	vst v22;
	v30 =	vld [tilespmem:s7+$0x80]  }
0x1ca: {  	v17 =	vperm.xlane v19, v5;
	v23 =	vmul.f32 v23, v8;
	[tilespmem:s3+$0xFFFFFFA8] =	vst v7;
	v21 =	vld [tilespmem:s7+$0xFFFFFFE0]  }
0x1cb: {  	v29 =	vperm.xlane v14, v1;
	v14 =	vperm.xlane v7, v3;
	v8 =	vpop (erf);
	v22 =	vld [tilespmem:s17+$0xFFFFFF70]  }
0x1cc: {  	[tilespmem:s8+$0xFFFFFF90] =	vst v23;
	v32 =	vperm.xlane v16, v1;
	v9 =	vpop (erf);
	v33 =	vmul.f32 v10, v26  }
0x1cd: {  	[tilespmem:s3+$0x38] =	vst v8;
	v27 =	vadd.f32 v27, v29;
	v29 =	vperm.xlane v28, v1;
	v19 =	vld [tilespmem:s7+$0xFFFFFFA0];
	v16 =	vperm.xlane v9, v2  }
0x1ce: {  	s6 =	simm.s32 $0x8;
	v23 =	vld [tilespmem:s17+$0x10];
	v25 =	vadd.f32 v25, v32;
	v26 =	vperm.xlane v7, v2;
	v10 =	vpop (erf);
	[tilespmem:s8+$0x20] =	vst v33;
	v28 =	vmul.f32 v31, v30  }
.LBB2_9:
0x1cf: {  	s6 =	sadd.s32 $0x4, s6;
	[tilespmem:s3+$0x80] =	vst v10;
	v30 =	vperm.xlane v10, v2;
	v20 =	vmul.f32 v20, v21;
	v21 =	vld [tilespmem:s7+$0x40]  }
0x1d0: {  	v24 =	vadd.f32 v12, v24;
	p2 =	slt.u32 s6, $0x4C;
	v18 =	vadd.f32 v18, v29;
	v12 =	vmul.f32 v26, v22;
	v22 =	vld [tilespmem:s17+$0x60];
	[tilespmem:s8+$0x68] =	vst v28  }
0x1d1: {  	v26 =	vmul.f32 $2.000000030e-01, v27;
	v28 =	vperm.xlane v8, v2;
	[tilespmem:s8+$0xFFFFFFD8] =	vst v20;
	v20 =	vld [tilespmem:s7+$0x90]  }
0x1d2: {  	v31 =	vmul.f32 $2.000000030e-01, v24;
	v29 =	vmul.f32 $2.000000030e-01, v18;
	[tilespmem:s3+$0xFFFFFF70] =	vst v12;
	v32 =	vld [tilespmem:s7+$0xFFFFFFF0];
	s7 =	smov.u32 s17;
	s17 =	smov.u32 s18  }
0x1d3: {  	v12 =	vmax.f32 v27, v26;
	v26 =	vmul.f32 $2.000000030e-01, v25;
	v23 =	vmul.f32 v28, v23;
	v27 =	vld [tilespmem:s7+$0xFFFFFF80];
	[tilespmem:s3+$0xFFFFFFF0] =	vst v9  }
0x1d4: {  	v28 =	vsub.f32 v12, v6;
	v12 =	vmax.f32 v18, v29;
	v29 =	vld [tilespmem:s7+$0xFFFFFFC0];
	v17 =	vmul.f32 v17, v21  }
0x1d5: {  	s9 =	sadd.s32 $0x40, s9;
	v15 =	vmul.f32 v15, v19;
	v18 =	vmax.f32 v25, v26;
	v21 =	vsub.f32 v12, v6;
	[tilespmem:s3+$0x0] =	vst v23  }
0x1d6: {  	v19 =	vmul.f32 $1.442695020e+00, v28;
	v23 =	vsub.f32 v18, v6;
	v12 =	vld [tilespmem:s9+$0x0];
	[tilespmem:s8+$0x30] =	vst v17;
	v11 =	vmul.f32 v11, v20  }
0x1d7: {  	v17 =	vmax.f32 v24, v31;
	v20 =	vmul.f32 v30, v22;
	v18 =	vld [tilespmem:s9+$0xFFFFFFF0];
	[tilespmem:s8+$0xFFFFFFA0] =	vst v15;
	v13 =	vmul.f32 v13, v32  }
0x1d8: {  	v15 =	vmul.f32 $1.442695020e+00, v21;
	v17 =	vsub.f32 v17, v6;
	v25 =	vld [tilespmem:s9+$0x10];
	v14 =	vmul.f32 v14, v27;
	[tilespmem:s8+$0x78] =	vst v11  }
0x1d9: {  	s18 =	sadd.s32 $0x140, s18;
	(erf) = vpow2.f32 v19;
	v11 =	vmul.f32 v16, v29;
	v16 =	vld [tilespmem:s7+$0x20];
	[tilespmem:s8+$0xFFFFFFE8] =	vst v13;
	s8 =	smov.u32 s3  }
0x1da: {  	v13 =	vmul.f32 $1.442695020e+00, v17;
	v17 =	vmul.f32 $1.442695020e+00, v23;
	v19 =	vld [tilespmem:s18+$0x0];
	[tilespmem:s3+$0x48] =	vst v20  }
0x1db: {  	v21 =	vperm.xlane v10, v3;
	[tilespmem:s3+$0xFFFFFFB8] =	vst v11;
	v20 =	vld [tilespmem:s7+$0x70]  }
0x1dc: {  	v11 =	vperm.xlane v8, v3;
	(erf) = vpow2.f32 v13;
	[tilespmem:s3+$0xFFFFFF80] =	vst v14;
	v13 =	vld [tilespmem:s7+$0xFFFFFFD0]  }
0x1dd: {  	v22 =	vperm.xlane v9, v3;
	(erf) = vpow2.f32 v15;
	v14 =	vld [tilespmem:s7+$0xFFFFFF90]  }
0x1de: {  	v28 =	vld [tilespmem:s18+$0xFFFFFFB0];
	(erf) = vpow2.f32 v17;
	v16 =	vmul.f32 v11, v16  }
0x1df: {  	v15 =	vperm.xlane v7, v5;
	v11 =	vperm.xlane v10, v5;
	v23 =	vld [tilespmem:s18+$0x50]  }
0x1e0: {  	s3 =	sadd.s32 $0x120, s3;
	v17 =	vperm.xlane v7, v4;
	v26 =	vld [tilespmem:s18+$0xFFFFFF60];
	[tilespmem:s8+$0x10] =	vst v16;
	v16 =	vmul.f32 v21, v20  }
0x1e1: {  	v20 =	vmul.f32 v22, v13;
	v13 =	vperm.xlane v9, v5;
	v27 =	vld [tilespmem:s7+$0x30]  }
0x1e2: {  	v29 =	vld [tilespmem:s9+$0xFFFFFFE0];
	v7 =	vpop (erf);
	v30 =	vmul.f32 v17, v14;
	v17 =	vperm.xlane v8, v5;
	[tilespmem:s8+$0x58] =	vst v16  }
0x1e3: {  	v32 =	vperm.xlane v10, v4;
	[tilespmem:s8+$0xFFFFFFC8] =	vst v20;
	v20 =	vperm.xlane v9, v4;
	v31 =	vld [tilespmem:s7+$0x80]  }
.Ltmp3:
0x1e4: {  	v34 =	vperm.xlane v8, v4;
	v24 =	vperm.xlane v19, v1;
	[tilespmem:s3+$0xFFFFFFA8] =	vst v7;
	v21 =	vld [tilespmem:s7+$0xFFFFFFE0];
	(pc) =	sbr.rel @p2 .LBB2_9-.Ltmp3, $4  }
0x1e5: {  	v14 =	vperm.xlane v7, v3;
	v16 =	vperm.xlane v26, v1;
	v22 =	vld [tilespmem:s17+$0xFFFFFF70];
	v8 =	vpop (erf);
	[tilespmem:s8+$0xFFFFFF90] =	vst v30  }
0x1e6: {  	v30 =	vperm.xlane v23, v1;
	[tilespmem:s3+$0x38] =	vst v8;
	v9 =	vpop (erf);
	v19 =	vld [tilespmem:s7+$0xFFFFFFA0];
	v33 =	vmul.f32 v34, v27  }
0x1e7: {  	v26 =	vperm.xlane v7, v2;
	v27 =	vadd.f32 v29, v16;
	v16 =	vperm.xlane v9, v2;
	v23 =	vld [tilespmem:s17+$0x10];
	v10 =	vpop (erf)  }
0x1e8: {  	v29 =	vperm.xlane v28, v1;
	v25 =	vadd.f32 v25, v30;
	[tilespmem:s8+$0x20] =	vst v33;
	v28 =	vmul.f32 v32, v31  }
0x1e9: {  	v12 =	vadd.f32 v12, v24  }
0x1ea: {  	v24 =	vmul.f32 $2.000000030e-01, v27  }
0x1eb: {  	v18 =	vadd.f32 v18, v29;
	v29 =	vmul.f32 $2.000000030e-01, v12  }
0x1ec: {  	v24 =	vmax.f32 v27, v24  }
0x1ed: {  	v30 =	vmul.f32 $2.000000030e-01, v18;
	v24 =	vsub.f32 v24, v6;
	v12 =	vmax.f32 v12, v29  }
0x1ee: {  	v27 =	vmul.f32 $2.000000030e-01, v25;
	v12 =	vsub.f32 v12, v6  }
0x1ef: {  	v18 =	vmax.f32 v18, v30;
	v24 =	vmul.f32 $1.442695020e+00, v24  }
0x1f0: {  	v25 =	vmax.f32 v25, v27;
	v18 =	vsub.f32 v18, v6;
	v12 =	vmul.f32 $1.442695020e+00, v12  }
0x1f1: {  	v25 =	vsub.f32 v25, v6;
	(erf) = vpow2.f32 v24  }
0x1f2: {  	v18 =	vmul.f32 $1.442695020e+00, v18;
	(erf) = vpow2.f32 v12;
	v12 =	vld [tilespmem:s7+$0x40]  }
0x1f3: {  	v24 =	vmul.f32 $1.442695020e+00, v25  }
0x1f4: {  	(erf) = vpow2.f32 v18  }
0x1f5: {  	[tilespmem:s3+$0x80] =	vst v10;
	(erf) = vpow2.f32 v24  }
0x1f6: {  	[tilespmem:s3+$0xFFFFFFF0] =	vst v9;
	v18 =	vmul.f32 v20, v21;
	v21 =	vperm.xlane v8, v2  }
0x1f7: {  	[tilespmem:s8+$0x68] =	vst v28;
	v15 =	vmul.f32 v15, v19;
	v12 =	vmul.f32 v17, v12  }
0x1f8: {  	[tilespmem:s8+$0xFFFFFFD8] =	vst v18;
	v18 =	vmul.f32 v21, v23  }
0x1f9: {  	[tilespmem:s8+$0xFFFFFFA0] =	vst v15  }
0x1fa: {  	v20 =	vmul.f32 v26, v22;
	v17 =	vld [tilespmem:s7+$0x90];
	[tilespmem:s3+$0x0] =	vst v18  }
0x1fb: {  	v18 =	vld [tilespmem:s7+$0xFFFFFFF0];
	[tilespmem:s8+$0x30] =	vst v12;
	v12 =	vpop (erf)  }
0x1fc: {  	s6 =	sadd.s32 $0x120, s3;
	v19 =	vld [tilespmem:s17+$0x60];
	[tilespmem:s3+$0xFFFFFF70] =	vst v20;
	v15 =	vpop (erf)  }
0x1fd: {  	v20 =	vld [tilespmem:s17+$0xFFFFFFC0];
	[tilespmem:s6+$0x38] =	vst v15;
	v21 =	vpop (erf)  }
0x1fe: {  	[tilespmem:s6+$0xFFFFFFA8] =	vst v12;
	v22 =	vld [tilespmem:s18+$0x10];
	v23 =	vpop (erf)  }
0x1ff: {  	v24 =	vperm.xlane v10, v2;
	v11 =	vmul.f32 v11, v17;
	v17 =	vld [tilespmem:s18+$0xFFFFFF70];
	[tilespmem:s6+$0x80] =	vst v23  }
0x200: {  	v13 =	vmul.f32 v13, v18;
	[tilespmem:s6+$0xFFFFFFF0] =	vst v21;
	v18 =	vld [tilespmem:s18+$0x60]  }
0x201: {  	v19 =	vmul.f32 v24, v19;
	[tilespmem:s8+$0x78] =	vst v11;
	v11 =	vperm.xlane v15, v2;
	v24 =	vld [tilespmem:s18+$0xFFFFFFC0]  }
0x202: {  	v16 =	vmul.f32 v16, v20;
	v20 =	vld [tilespmem:s17+$0x20];
	[tilespmem:s8+$0xFFFFFFE8] =	vst v13;
	v13 =	vperm.xlane v12, v2  }
0x203: {  	v25 =	vld [tilespmem:s17+$0xFFFFFF80];
	[tilespmem:s3+$0x48] =	vst v19;
	v19 =	vperm.xlane v23, v2;
	v11 =	vmul.f32 v11, v22  }
0x204: {  	[tilespmem:s3+$0xFFFFFFB8] =	vst v16;
	v16 =	vld [tilespmem:s17+$0x70];
	v13 =	vmul.f32 v13, v17;
	v22 =	vperm.xlane v21, v2  }
0x205: {  	v26 =	vperm.xlane v8, v3;
	v17 =	vld [tilespmem:s17+$0xFFFFFFD0];
	[tilespmem:s6+$0x0] =	vst v11;
	v11 =	vmul.f32 v19, v18  }
0x206: {  	[tilespmem:s6+$0xFFFFFF70] =	vst v13;
	v13 =	vmul.f32 v22, v24;
	v18 =	vld [tilespmem:s18+$0x20]  }
0x207: {  	v20 =	vmul.f32 v26, v20;
	v19 =	vperm.xlane v10, v3;
	v22 =	vld [tilespmem:s18+$0xFFFFFF80];
	[tilespmem:s6+$0x48] =	vst v11  }
0x208: {  	v11 =	vmul.f32 v14, v25;
	v14 =	vperm.xlane v9, v3;
	[tilespmem:s6+$0xFFFFFFB8] =	vst v13;
	v13 =	vld [tilespmem:s18+$0x70]  }
0x209: {  	[tilespmem:s3+$0x10] =	vst v20;
	v20 =	vperm.xlane v15, v3;
	v16 =	vmul.f32 v19, v16;
	v19 =	vld [tilespmem:s18+$0xFFFFFFD0]  }
0x20a: {  	[tilespmem:s3+$0xFFFFFF80] =	vst v11;
	v11 =	vmul.f32 v14, v17;
	v14 =	vld [tilespmem:s17+$0x30];
	v17 =	vperm.xlane v12, v3  }
0x20b: {  	[tilespmem:s3+$0x58] =	vst v16;
	v16 =	vperm.xlane v23, v3;
	v24 =	vld [tilespmem:s17+$0xFFFFFF90];
	v18 =	vmul.f32 v20, v18  }
0x20c: {  	[tilespmem:s3+$0xFFFFFFC8] =	vst v11;
	v11 =	vld [tilespmem:s17+$0x80];
	v17 =	vmul.f32 v17, v22;
	v20 =	vperm.xlane v21, v3  }
0x20d: {  	v25 =	vperm.xlane v8, v4;
	v22 =	vld [tilespmem:s17+$0xFFFFFFE0];
	[tilespmem:s6+$0x10] =	vst v18;
	v13 =	vmul.f32 v16, v13  }
0x20e: {  	v16 =	vperm.xlane v7, v4;
	[tilespmem:s6+$0xFFFFFF80] =	vst v17;
	v17 =	vmul.f32 v20, v19;
	v18 =	vld [tilespmem:s18+$0x30]  }
0x20f: {  	v19 =	vperm.xlane v10, v4;
	v14 =	vmul.f32 v25, v14;
	v20 =	vld [tilespmem:s18+$0xFFFFFF90];
	[tilespmem:s6+$0x58] =	vst v13  }
0x210: {  	v13 =	vmul.f32 v16, v24;
	v16 =	vperm.xlane v9, v4;
	[tilespmem:s6+$0xFFFFFFC8] =	vst v17;
	v17 =	vld [tilespmem:s18+$0x80]  }
0x211: {  	[tilespmem:s3+$0x20] =	vst v14;
	v11 =	vmul.f32 v19, v11;
	v14 =	vld [tilespmem:s18+$0xFFFFFFE0];
	v19 =	vperm.xlane v15, v4  }
0x212: {  	[tilespmem:s3+$0xFFFFFF90] =	vst v13;
	v13 =	vmul.f32 v16, v22;
	v16 =	vld [tilespmem:s17+$0x40];
	v22 =	vperm.xlane v12, v4  }
0x213: {  	v24 =	vld [tilespmem:s17+$0xFFFFFFA0];
	[tilespmem:s3+$0x68] =	vst v11;
	v11 =	vperm.xlane v23, v4;
	v18 =	vmul.f32 v19, v18  }
0x214: {  	[tilespmem:s3+$0xFFFFFFD8] =	vst v13;
	v13 =	vld [tilespmem:s17+$0x90];
	v19 =	vmul.f32 v22, v20;
	v20 =	vperm.xlane v21, v4  }
0x215: {  	v8 =	vperm.xlane v8, v5;
	v22 =	vld [tilespmem:s17+$0xFFFFFFF0];
	[tilespmem:s6+$0x20] =	vst v18;
	v11 =	vmul.f32 v11, v17  }
0x216: {  	v7 =	vperm.xlane v7, v5;
	[tilespmem:s6+$0xFFFFFF90] =	vst v19;
	v14 =	vmul.f32 v20, v14;
	v17 =	vld [tilespmem:s18+$0x40]  }
0x217: {  	v10 =	vperm.xlane v10, v5;
	v8 =	vmul.f32 v8, v16;
	v16 =	vld [tilespmem:s18+$0xFFFFFFA0];
	[tilespmem:s6+$0x68] =	vst v11  }
0x218: {  	v9 =	vperm.xlane v9, v5;
	v7 =	vmul.f32 v7, v24;
	[tilespmem:s6+$0xFFFFFFD8] =	vst v14;
	v11 =	vld [tilespmem:s18+$0x90]  }
0x219: {  	[tilespmem:s3+$0x30] =	vst v8;
	v8 =	vmul.f32 v10, v13;
	v10 =	vperm.xlane v15, v5;
	v13 =	vld [tilespmem:s18+$0xFFFFFFF0]  }
0x21a: {  	[tilespmem:s3+$0xFFFFFFA0] =	vst v7;
	v7 =	vmul.f32 v9, v22;
	v9 =	vperm.xlane v12, v5  }
0x21b: {  	[tilespmem:s3+$0x78] =	vst v8;
	v8 =	vperm.xlane v23, v5;
	v10 =	vmul.f32 v10, v17  }
0x21c: {  	[tilespmem:s3+$0xFFFFFFE8] =	vst v7;
	v7 =	vperm.xlane v21, v5;
	v9 =	vmul.f32 v9, v16  }
0x21d: {  	[tilespmem:s6+$0x30] =	vst v10;
	v8 =	vmul.f32 v8, v11  }
0x21e: {  	[tilespmem:s6+$0xFFFFFFA0] =	vst v9;
	v7 =	vmul.f32 v7, v13  }
0x21f: {  	[tilespmem:s6+$0x78] =	vst v8  }
0x220: {  	s16 =	sadd.s32 $0xDBB0, s16;
	[tilespmem:s6+$0xFFFFFFE8] =	vst v7  }
0x221: {  	[spmem:s2] =	stream.indirect.scatter.add.f32 [tilespmem:s1], [sflag:$0x7], $0x48, s16, s24, $0xb8;
	[tilespmem:$0x1D430] =	vst v63  }
0x222: {  	_ =	swait.ge [sflag:s21], $0x1900  }
0x223: {  	[sflag:s21] =	ssyncset.done $0x0  }
0x224: {  	[sflag:s21] =	ssyncadd.s32 $0xFFFFE700  }
0x225: {  	_ =	swait.ge [sflag:s21], $0x500  }
0x226: {  	s7 =	simm.s32 @!p0 $0x13420;
	[sflag:s21] =	ssyncset.done $0x0  }
0x227: {  	s3 =	sadd.s32 @!p0 $0xB5E0, s15;
	s6 =	simm.s32 @!p0 $0x50;
	[sflag:s21] =	ssyncadd.s32 $0xFFFFFB00  }
0x228: {  	[tilespmem:s7], [sflag:$0x3] =	stream.indirect.gather @!p0 [hbm4b:s4+s6], $0x50, s3, s6, $0xb8;
	[tilespmem:$0x1D430] =	vst v63  }
0x229: {  	s3 =	sadd.s32 @!p0 $0xDCF0, s15;
	s7 =	simm.s32 @!p0 $0x17020  }
0x22a: {  	[tilespmem:s7], [sflag:$0x3] =	stream.indirect.gather @!p0 [hbm4b:s5+s6], $0x10, s3, s6, $0xb8;
	[tilespmem:$0x1D430] =	vst v63  }
0x22b: {  	_ =	swait.ge @p1 [sflag:s11], $0x1680  }
0x22c: {  	[sflag:s11] =	ssyncset.done @p1 $0x0  }
0x22d: {  	s7 =	simm.s32 $0x14DC0;
	[sflag:s11] =	ssyncadd.s32 @p1 $0xFFFFE980  }
0x22e: {  	v7 =	vld [tilespmem:s7+$0xFFFFFF60]  }
0x22f: {  	s17 =	simm.s32 $0x17540  }
0x230: {  	v8 =	vld [tilespmem:s17+$0xFFFFFFE0];
	_ =	sdelay $0x1  }
0x231: {  	v9 =	vld [tilespmem:s17+$0x0]  }
0x232: {  	v10 =	vld [tilespmem:s7+$0x0];
	v7 =	vperm.xlane v7, v1  }
0x233: {  	v11 =	vld [tilespmem:s7+$0xFFFFFFB0]  }
0x234: {  	v12 =	vld [tilespmem:s7+$0x50];
	v7 =	vadd.f32 v8, v7  }
0x235: {  	v8 =	vld [tilespmem:s17+$0xFFFFFFF0]  }
0x236: {  	v13 =	vld [tilespmem:s17+$0x10];
	v14 =	vmul.f32 $2.000000030e-01, v7  }
0x237: {  	v10 =	vperm.xlane v10, v1  }
0x238: {  	v11 =	vperm.xlane v11, v1;
	v7 =	vmax.f32 v7, v14  }
0x239: {  	v12 =	vperm.xlane v12, v1;
	v9 =	vadd.f32 v9, v10;
	v7 =	vsub.f32 v7, v6  }
0x23a: {  	v8 =	vadd.f32 v8, v11  }
0x23b: {  	v10 =	vadd.f32 v13, v12;
	v11 =	vmul.f32 $2.000000030e-01, v9;
	v7 =	vmul.f32 $1.442695020e+00, v7  }
0x23c: {  	v12 =	vmul.f32 $2.000000030e-01, v8  }
0x23d: {  	v13 =	vmul.f32 $2.000000030e-01, v10;
	v9 =	vmax.f32 v9, v11;
	(erf) = vpow2.f32 v7  }
0x23e: {  	v7 =	vmax.f32 v8, v12;
	v8 =	vsub.f32 v9, v6  }
0x23f: {  	v9 =	vmax.f32 v10, v13;
	v7 =	vsub.f32 v7, v6  }
0x240: {  	v9 =	vsub.f32 v9, v6;
	v8 =	vmul.f32 $1.442695020e+00, v8  }
0x241: {  	s18 =	simm.s32 $0x17580;
	v7 =	vmul.f32 $1.442695020e+00, v7  }
0x242: {  	s15 =	simm.s32 $0x14F00;
	v15 =	vld [tilespmem:s18+$0x0];
	v9 =	vmul.f32 $1.442695020e+00, v9;
	(erf) = vpow2.f32 v8  }
0x243: {  	v14 =	vld [tilespmem:s15+$0x50];
	(erf) = vpow2.f32 v7  }
0x244: {  	v11 =	vld [tilespmem:s18+$0xFFFFFFE0];
	(erf) = vpow2.f32 v9  }
0x245: {  	v10 =	vld [tilespmem:s15+$0xFFFFFF60]  }
0x246: {  	s8 =	simm.s32 $0x1BE30;
	v7 =	vld [tilespmem:s15+$0x0];
	v13 =	vpop (erf)  }
0x247: {  	v9 =	vld [tilespmem:s15+$0xFFFFFFB0];
	[tilespmem:s8+$0xFFFFFFA8] =	vst v13  }
0x248: {  	v12 =	vld [tilespmem:s7+$0xFFFFFF70]  }
0x249: {  	v8 =	vld [tilespmem:s18+$0xFFFFFFF0]  }
0x24a: {  	v10 =	vperm.xlane v10, v1  }
0x24b: {  	v16 =	vld [tilespmem:s18+$0x10];
	v17 =	vperm.xlane v13, v2;
	v7 =	vperm.xlane v7, v1;
	v19 =	vpop (erf)  }
0x24c: {  	v10 =	vadd.f32 v11, v10;
	v9 =	vperm.xlane v9, v1;
	v18 =	vpop (erf);
	[tilespmem:s8+$0x38] =	vst v19  }
0x24d: {  	v7 =	vadd.f32 v15, v7;
	v21 =	vpop (erf);
	v11 =	vmul.f32 v17, v12;
	v12 =	vperm.xlane v14, v1;
	v14 =	vld [tilespmem:s7+$0x10]  }
0x24e: {  	v8 =	vadd.f32 v8, v9;
	v9 =	vperm.xlane v13, v3;
	[tilespmem:s8+$0x80] =	vst v21;
	v17 =	vmul.f32 $2.000000030e-01, v10  }
0x24f: {  	v22 =	vperm.xlane v19, v2;
	v23 =	vmul.f32 $2.000000030e-01, v7;
	[tilespmem:s8+$0xFFFFFFF0] =	vst v18;
	v15 =	vld [tilespmem:s7+$0x60]  }
0x250: {  	[tilespmem:s8+$0xFFFFFF70] =	vst v11;
	v12 =	vadd.f32 v16, v12;
	v16 =	vmul.f32 $2.000000030e-01, v8;
	v10 =	vmax.f32 v10, v17;
	v17 =	vld [tilespmem:s7+$0xFFFFFFC0]  }
0x251: {  	s9 =	simm.s32 $0x175C0;
	v7 =	vmax.f32 v7, v23;
	v23 =	vperm.xlane v13, v4;
	v20 =	vld [tilespmem:s7+$0xFFFFFF80];
	v10 =	vsub.f32 v10, v6  }
0x252: {  	s16 =	simm.s32 $0x15040;
	v25 =	vld [tilespmem:s9+$0x10];
	v8 =	vmax.f32 v8, v16;
	v16 =	vperm.xlane v21, v2;
	v14 =	vmul.f32 v22, v14  }
0x253: {  	v28 =	vld [tilespmem:s16+$0xFFFFFFB0];
	v7 =	vsub.f32 v7, v6;
	v11 =	vperm.xlane v18, v2;
	v24 =	vmul.f32 $2.000000030e-01, v12  }
0x254: {  	v27 =	vld [tilespmem:s9+$0xFFFFFFE0];
	v10 =	vmul.f32 $1.442695020e+00, v10;
	[tilespmem:s8+$0x0] =	vst v14;
	v14 =	vmul.f32 v16, v15  }
0x255: {  	v7 =	vmul.f32 $1.442695020e+00, v7;
	v8 =	vsub.f32 v8, v6;
	v11 =	vmul.f32 v11, v17;
	v16 =	vld [tilespmem:s7+$0x20]  }
0x256: {  	v22 =	vmax.f32 v12, v24;
	v12 =	vld [tilespmem:s9+$0x0];
	(erf) = vpow2.f32 v10;
	v9 =	vmul.f32 v9, v20;
	[tilespmem:s8+$0x48] =	vst v14  }
0x257: {  	v31 =	vperm.xlane v21, v4;
	v8 =	vmul.f32 $1.442695020e+00, v8;
	v15 =	vsub.f32 v22, v6;
	[tilespmem:s8+$0xFFFFFFB8] =	vst v11;
	v17 =	vld [tilespmem:s7+$0x70]  }
0x258: {  	(erf) = vpow2.f32 v7;
	[tilespmem:s8+$0xFFFFFF80] =	vst v9;
	v7 =	vld [tilespmem:s7+$0xFFFFFFD0];
	v9 =	vperm.xlane v19, v3  }
0x259: {  	v10 =	vld [tilespmem:s16+$0x0];
	v14 =	vmul.f32 $1.442695020e+00, v15;
	(erf) = vpow2.f32 v8  }
0x25a: {  	v20 =	vperm.xlane v21, v3;
	v8 =	vld [tilespmem:s7+$0xFFFFFF90];
	v9 =	vmul.f32 v9, v16  }
0x25b: {  	v22 =	vperm.xlane v18, v3;
	(erf) = vpow2.f32 v14;
	v14 =	vld [tilespmem:s16+$0xFFFFFF60]  }
0x25c: {  	v15 =	vperm.xlane v13, v5;
	v16 =	vld [tilespmem:s16+$0x50];
	[tilespmem:s8+$0x10] =	vst v9;
	v9 =	vmul.f32 v20, v17  }
0x25d: {  	v11 =	vperm.xlane v21, v5;
	v22 =	vmul.f32 v22, v7;
	v26 =	vld [tilespmem:s7+$0x30]  }
0x25e: {  	v13 =	vperm.xlane v18, v5;
	v20 =	vperm.xlane v18, v4;
	v18 =	vld [tilespmem:s9+$0xFFFFFFF0];
	[tilespmem:s8+$0x58] =	vst v9  }
0x25f: {  	s3 =	simm.s32 $0x1BF50;
	v24 =	vperm.xlane v10, v1;
	v10 =	vperm.xlane v19, v4;
	v7 =	vpop (erf);
	[tilespmem:s8+$0xFFFFFFC8] =	vst v22;
	v30 =	vld [tilespmem:s7+$0x80]  }
0x260: {  	v17 =	vperm.xlane v19, v5;
	v23 =	vmul.f32 v23, v8;
	[tilespmem:s3+$0xFFFFFFA8] =	vst v7;
	v21 =	vld [tilespmem:s7+$0xFFFFFFE0]  }
0x261: {  	v29 =	vperm.xlane v14, v1;
	v14 =	vperm.xlane v7, v3;
	v8 =	vpop (erf);
	v22 =	vld [tilespmem:s15+$0xFFFFFF70]  }
0x262: {  	[tilespmem:s8+$0xFFFFFF90] =	vst v23;
	v32 =	vperm.xlane v16, v1;
	v9 =	vpop (erf);
	v33 =	vmul.f32 v10, v26  }
0x263: {  	[tilespmem:s3+$0x38] =	vst v8;
	v27 =	vadd.f32 v27, v29;
	v29 =	vperm.xlane v28, v1;
	v19 =	vld [tilespmem:s7+$0xFFFFFFA0];
	v16 =	vperm.xlane v9, v2  }
0x264: {  	s6 =	simm.s32 $0x8;
	v23 =	vld [tilespmem:s15+$0x10];
	v25 =	vadd.f32 v25, v32;
	v26 =	vperm.xlane v7, v2;
	v10 =	vpop (erf);
	[tilespmem:s8+$0x20] =	vst v33;
	v28 =	vmul.f32 v31, v30  }
.LBB2_11:
0x265: {  	s6 =	sadd.s32 $0x4, s6;
	[tilespmem:s3+$0x80] =	vst v10;
	v30 =	vperm.xlane v10, v2;
	v20 =	vmul.f32 v20, v21;
	v21 =	vld [tilespmem:s7+$0x40]  }
0x266: {  	v24 =	vadd.f32 v12, v24;
	p0 =	slt.u32 s6, $0x4C;
	v18 =	vadd.f32 v18, v29;
	v12 =	vmul.f32 v26, v22;
	v22 =	vld [tilespmem:s15+$0x60];
	[tilespmem:s8+$0x68] =	vst v28  }
0x267: {  	v26 =	vmul.f32 $2.000000030e-01, v27;
	v28 =	vperm.xlane v8, v2;
	[tilespmem:s8+$0xFFFFFFD8] =	vst v20;
	v20 =	vld [tilespmem:s7+$0x90]  }
0x268: {  	v31 =	vmul.f32 $2.000000030e-01, v24;
	v29 =	vmul.f32 $2.000000030e-01, v18;
	[tilespmem:s3+$0xFFFFFF70] =	vst v12;
	v32 =	vld [tilespmem:s7+$0xFFFFFFF0];
	s7 =	smov.u32 s15;
	s15 =	smov.u32 s16  }
0x269: {  	v12 =	vmax.f32 v27, v26;
	v26 =	vmul.f32 $2.000000030e-01, v25;
	v23 =	vmul.f32 v28, v23;
	v27 =	vld [tilespmem:s7+$0xFFFFFF80];
	[tilespmem:s3+$0xFFFFFFF0] =	vst v9  }
0x26a: {  	v28 =	vsub.f32 v12, v6;
	v12 =	vmax.f32 v18, v29;
	v29 =	vld [tilespmem:s7+$0xFFFFFFC0];
	v17 =	vmul.f32 v17, v21  }
0x26b: {  	s9 =	sadd.s32 $0x40, s9;
	v15 =	vmul.f32 v15, v19;
	v18 =	vmax.f32 v25, v26;
	v21 =	vsub.f32 v12, v6;
	[tilespmem:s3+$0x0] =	vst v23  }
0x26c: {  	v19 =	vmul.f32 $1.442695020e+00, v28;
	v23 =	vsub.f32 v18, v6;
	v12 =	vld [tilespmem:s9+$0x0];
	[tilespmem:s8+$0x30] =	vst v17;
	v11 =	vmul.f32 v11, v20  }
0x26d: {  	v17 =	vmax.f32 v24, v31;
	v20 =	vmul.f32 v30, v22;
	v18 =	vld [tilespmem:s9+$0xFFFFFFF0];
	[tilespmem:s8+$0xFFFFFFA0] =	vst v15;
	v13 =	vmul.f32 v13, v32  }
0x26e: {  	v15 =	vmul.f32 $1.442695020e+00, v21;
	v17 =	vsub.f32 v17, v6;
	v25 =	vld [tilespmem:s9+$0x10];
	v14 =	vmul.f32 v14, v27;
	[tilespmem:s8+$0x78] =	vst v11  }
0x26f: {  	s16 =	sadd.s32 $0x140, s16;
	(erf) = vpow2.f32 v19;
	v11 =	vmul.f32 v16, v29;
	v16 =	vld [tilespmem:s7+$0x20];
	[tilespmem:s8+$0xFFFFFFE8] =	vst v13;
	s8 =	smov.u32 s3  }
0x270: {  	v13 =	vmul.f32 $1.442695020e+00, v17;
	v17 =	vmul.f32 $1.442695020e+00, v23;
	v19 =	vld [tilespmem:s16+$0x0];
	[tilespmem:s3+$0x48] =	vst v20  }
0x271: {  	v21 =	vperm.xlane v10, v3;
	[tilespmem:s3+$0xFFFFFFB8] =	vst v11;
	v20 =	vld [tilespmem:s7+$0x70]  }
0x272: {  	v11 =	vperm.xlane v8, v3;
	(erf) = vpow2.f32 v13;
	[tilespmem:s3+$0xFFFFFF80] =	vst v14;
	v13 =	vld [tilespmem:s7+$0xFFFFFFD0]  }
0x273: {  	v22 =	vperm.xlane v9, v3;
	(erf) = vpow2.f32 v15;
	v14 =	vld [tilespmem:s7+$0xFFFFFF90]  }
0x274: {  	v28 =	vld [tilespmem:s16+$0xFFFFFFB0];
	(erf) = vpow2.f32 v17;
	v16 =	vmul.f32 v11, v16  }
0x275: {  	v15 =	vperm.xlane v7, v5;
	v11 =	vperm.xlane v10, v5;
	v23 =	vld [tilespmem:s16+$0x50]  }
0x276: {  	s3 =	sadd.s32 $0x120, s3;
	v17 =	vperm.xlane v7, v4;
	v26 =	vld [tilespmem:s16+$0xFFFFFF60];
	[tilespmem:s8+$0x10] =	vst v16;
	v16 =	vmul.f32 v21, v20  }
0x277: {  	v20 =	vmul.f32 v22, v13;
	v13 =	vperm.xlane v9, v5;
	v27 =	vld [tilespmem:s7+$0x30]  }
0x278: {  	v29 =	vld [tilespmem:s9+$0xFFFFFFE0];
	v7 =	vpop (erf);
	v30 =	vmul.f32 v17, v14;
	v17 =	vperm.xlane v8, v5;
	[tilespmem:s8+$0x58] =	vst v16  }
0x279: {  	v32 =	vperm.xlane v10, v4;
	[tilespmem:s8+$0xFFFFFFC8] =	vst v20;
	v20 =	vperm.xlane v9, v4;
	v31 =	vld [tilespmem:s7+$0x80]  }
.Ltmp4:
0x27a: {  	v34 =	vperm.xlane v8, v4;
	v24 =	vperm.xlane v19, v1;
	[tilespmem:s3+$0xFFFFFFA8] =	vst v7;
	v21 =	vld [tilespmem:s7+$0xFFFFFFE0];
	(pc) =	sbr.rel @p0 .LBB2_11-.Ltmp4, $4  }
0x27b: {  	v14 =	vperm.xlane v7, v3;
	v16 =	vperm.xlane v26, v1;
	v22 =	vld [tilespmem:s15+$0xFFFFFF70];
	v8 =	vpop (erf);
	[tilespmem:s8+$0xFFFFFF90] =	vst v30  }
0x27c: {  	v30 =	vperm.xlane v23, v1;
	[tilespmem:s3+$0x38] =	vst v8;
	v9 =	vpop (erf);
	v19 =	vld [tilespmem:s7+$0xFFFFFFA0];
	v33 =	vmul.f32 v34, v27  }
0x27d: {  	v26 =	vperm.xlane v7, v2;
	v27 =	vadd.f32 v29, v16;
	v16 =	vperm.xlane v9, v2;
	v23 =	vld [tilespmem:s15+$0x10];
	v10 =	vpop (erf)  }
0x27e: {  	v29 =	vperm.xlane v28, v1;
	v25 =	vadd.f32 v25, v30;
	[tilespmem:s8+$0x20] =	vst v33;
	v28 =	vmul.f32 v32, v31  }
0x27f: {  	v12 =	vadd.f32 v12, v24  }
0x280: {  	v62 =	vmul.f32 $2.000000030e-01, v27;
	v18 =	vadd.f32 v18, v29  }
0x281: {  	v63 =	vmul.f32 $2.000000030e-01, v12  }
0x282: {  	v24 =	vmax.f32 v27, v62;
	v30 =	vmul.f32 $2.000000030e-01, v18  }
0x283: {  	v31 =	vmul.f32 $2.000000030e-01, v25;
	v24 =	vsub.f32 v24, v6;
	v12 =	vmax.f32 v12, v63  }
0x284: {  	v18 =	vmax.f32 v18, v30;
	v12 =	vsub.f32 v12, v6  }
0x285: {  	v25 =	vmax.f32 v25, v31;
	v24 =	vmul.f32 $1.442695020e+00, v24;
	v18 =	vsub.f32 v18, v6  }
0x286: {  	v25 =	vsub.f32 v25, v6;
	v12 =	vmul.f32 $1.442695020e+00, v12  }
0x287: {  	v33 =	vld [tilespmem:s7+$0x40];
	(erf) = vpow2.f32 v24;
	v18 =	vmul.f32 $1.442695020e+00, v18  }
0x288: {  	v32 =	vmul.f32 $1.442695020e+00, v25;
	(erf) = vpow2.f32 v12  }
0x289: {  	[tilespmem:s3+$0x80] =	vst v10;
	(erf) = vpow2.f32 v18  }
0x28a: {  	v34 =	vmul.f32 v20, v21;
	[tilespmem:s3+$0xFFFFFFF0] =	vst v9;
	(erf) = vpow2.f32 v32  }
0x28b: {  	v36 =	vperm.xlane v8, v2;
	v35 =	vmul.f32 v26, v22;
	[tilespmem:s8+$0x68] =	vst v28  }
0x28c: {  	[tilespmem:s8+$0xFFFFFFD8] =	vst v34;
	v15 =	vmul.f32 v15, v19;
	v12 =	vmul.f32 v17, v33  }
0x28d: {  	[tilespmem:s3+$0xFFFFFF70] =	vst v35;
	v37 =	vmul.f32 v36, v23  }
0x28e: {  	v40 =	vld [tilespmem:s15+$0x60];
	[tilespmem:s8+$0xFFFFFFA0] =	vst v15  }
0x28f: {  	v41 =	vld [tilespmem:s15+$0xFFFFFFC0];
	[tilespmem:s3+$0x0] =	vst v37  }
0x290: {  	s6 =	sadd.s32 $0x120, s3;
	v39 =	vld [tilespmem:s7+$0xFFFFFFF0];
	[tilespmem:s8+$0x30] =	vst v12;
	v12 =	vpop (erf)  }
0x291: {  	v43 =	vperm.xlane v10, v2;
	v38 =	vld [tilespmem:s7+$0x90];
	[tilespmem:s6+$0xFFFFFFA8] =	vst v12;
	v15 =	vpop (erf)  }
0x292: {  	v44 =	vld [tilespmem:s16+$0xFFFFFF70];
	[tilespmem:s6+$0x38] =	vst v15;
	v21 =	vpop (erf)  }
0x293: {  	v19 =	vmul.f32 v43, v40;
	v42 =	vld [tilespmem:s16+$0x10];
	v23 =	vpop (erf);
	[tilespmem:s6+$0xFFFFFFF0] =	vst v21  }
0x294: {  	v16 =	vmul.f32 v16, v41;
	[tilespmem:s6+$0x80] =	vst v23;
	v47 =	vld [tilespmem:s16+$0xFFFFFFC0]  }
0x295: {  	v13 =	vmul.f32 v13, v39;
	[tilespmem:s3+$0x48] =	vst v19;
	v49 =	vperm.xlane v12, v2;
	v45 =	vld [tilespmem:s16+$0x60]  }
0x296: {  	v50 =	vld [tilespmem:s15+$0xFFFFFF80];
	v11 =	vmul.f32 v11, v38;
	[tilespmem:s3+$0xFFFFFFB8] =	vst v16;
	v46 =	vperm.xlane v15, v2  }
0x297: {  	v48 =	vld [tilespmem:s15+$0x20];
	[tilespmem:s8+$0xFFFFFFE8] =	vst v13;
	v53 =	vperm.xlane v21, v2;
	v13 =	vmul.f32 v49, v44  }
0x298: {  	[tilespmem:s8+$0x78] =	vst v11;
	v54 =	vld [tilespmem:s15+$0xFFFFFFD0];
	v51 =	vperm.xlane v23, v2;
	v11 =	vmul.f32 v46, v42  }
0x299: {  	v52 =	vld [tilespmem:s15+$0x70];
	[tilespmem:s6+$0xFFFFFF70] =	vst v13;
	v57 =	vmul.f32 v53, v47  }
0x29a: {  	v55 =	vperm.xlane v8, v3;
	v60 =	vld [tilespmem:s16+$0xFFFFFF80];
	[tilespmem:s6+$0x0] =	vst v11;
	v56 =	vmul.f32 v51, v45  }
0x29b: {  	v62 =	vperm.xlane v9, v3;
	v61 =	vmul.f32 v14, v50;
	v58 =	vld [tilespmem:s16+$0x20];
	[tilespmem:s6+$0xFFFFFFB8] =	vst v57  }
0x29c: {  	v59 =	vperm.xlane v10, v3;
	v20 =	vmul.f32 v55, v48;
	[tilespmem:s6+$0x48] =	vst v56;
	v28 =	vld [tilespmem:s16+$0xFFFFFFD0]  }
0x29d: {  	[tilespmem:s3+$0xFFFFFF80] =	vst v61;
	v30 =	vmul.f32 v62, v54;
	v32 =	vperm.xlane v12, v3;
	v63 =	vld [tilespmem:s16+$0x70]  }
0x29e: {  	v33 =	vld [tilespmem:s15+$0xFFFFFF90];
	[tilespmem:s3+$0x10] =	vst v20;
	v16 =	vmul.f32 v59, v52;
	v29 =	vperm.xlane v15, v3  }
0x29f: {  	v31 =	vld [tilespmem:s15+$0x30];
	[tilespmem:s3+$0xFFFFFFC8] =	vst v30;
	v36 =	vperm.xlane v21, v3;
	v17 =	vmul.f32 v32, v60  }
0x2a0: {  	[tilespmem:s3+$0x58] =	vst v16;
	v37 =	vld [tilespmem:s15+$0xFFFFFFE0];
	v34 =	vperm.xlane v23, v3;
	v18 =	vmul.f32 v29, v58  }
0x2a1: {  	v39 =	vperm.xlane v7, v4;
	v35 =	vld [tilespmem:s15+$0x80];
	[tilespmem:s6+$0xFFFFFF80] =	vst v17;
	v40 =	vmul.f32 v36, v28  }
0x2a2: {  	v38 =	vperm.xlane v8, v4;
	v42 =	vld [tilespmem:s16+$0xFFFFFF90];
	[tilespmem:s6+$0x10] =	vst v18;
	v13 =	vmul.f32 v34, v63  }
0x2a3: {  	v43 =	vmul.f32 v39, v33;
	v44 =	vperm.xlane v9, v4;
	v18 =	vld [tilespmem:s16+$0x30];
	[tilespmem:s6+$0xFFFFFFC8] =	vst v40  }
0x2a4: {  	v41 =	vperm.xlane v10, v4;
	v14 =	vmul.f32 v38, v31;
	[tilespmem:s6+$0x58] =	vst v13;
	v46 =	vld [tilespmem:s16+$0xFFFFFFE0]  }
0x2a5: {  	v50 =	vperm.xlane v12, v4;
	[tilespmem:s3+$0xFFFFFF90] =	vst v43;
	v48 =	vmul.f32 v44, v37;
	v45 =	vld [tilespmem:s16+$0x80]  }
0x2a6: {  	[tilespmem:s3+$0x20] =	vst v14;
	v47 =	vperm.xlane v15, v4;
	v11 =	vmul.f32 v41, v35;
	v51 =	vld [tilespmem:s15+$0xFFFFFFA0]  }
0x2a7: {  	v55 =	vperm.xlane v21, v4;
	v49 =	vld [tilespmem:s15+$0x40];
	[tilespmem:s3+$0xFFFFFFD8] =	vst v48;
	v54 =	vmul.f32 v50, v42  }
0x2a8: {  	v52 =	vperm.xlane v23, v4;
	[tilespmem:s3+$0x68] =	vst v11;
	v56 =	vld [tilespmem:s15+$0xFFFFFFF0];
	v18 =	vmul.f32 v47, v18  }
0x2a9: {  	v7 =	vperm.xlane v7, v5;
	v53 =	vld [tilespmem:s15+$0x90];
	[tilespmem:s6+$0xFFFFFF90] =	vst v54;
	v14 =	vmul.f32 v55, v46  }
0x2aa: {  	v8 =	vperm.xlane v8, v5;
	v59 =	vld [tilespmem:s16+$0xFFFFFFA0];
	[tilespmem:s6+$0x20] =	vst v18;
	v11 =	vmul.f32 v52, v45  }
0x2ab: {  	v60 =	vperm.xlane v9, v5;
	v7 =	vmul.f32 v7, v51;
	v57 =	vld [tilespmem:s16+$0x40];
	[tilespmem:s6+$0xFFFFFFD8] =	vst v14  }
0x2ac: {  	v8 =	vmul.f32 v8, v49;
	v58 =	vperm.xlane v10, v5;
	[tilespmem:s6+$0x68] =	vst v11;
	v62 =	vld [tilespmem:s16+$0xFFFFFFF0]  }
0x2ad: {  	[tilespmem:s3+$0xFFFFFFA0] =	vst v7;
	v7 =	vmul.f32 v60, v56;
	v63 =	vperm.xlane v12, v5;
	v11 =	vld [tilespmem:s16+$0x90]  }
0x2ae: {  	v61 =	vperm.xlane v15, v5;
	[tilespmem:s3+$0x30] =	vst v8;
	v8 =	vmul.f32 v58, v53  }
0x2af: {  	s13 =	sadd.s32 $0x1, s13;
	[tilespmem:s3+$0xFFFFFFE8] =	vst v7;
	v7 =	vperm.xlane v21, v5;
	v9 =	vmul.f32 v63, v59  }
0x2b0: {  	s18 =	smul.u32 $0x140, s14;
	p0 =	sne.s32 s13, $0x1F;
	[tilespmem:s3+$0x78] =	vst v8;
	v8 =	vperm.xlane v23, v5;
	v10 =	vmul.f32 v61, v57  }
.Ltmp5:
0x2b1: {  	[tilespmem:s6+$0xFFFFFFA0] =	vst v9;
	v7 =	vmul.f32 v7, v62;
	(pc) =	sbr.rel @p0 .LBB2_4-.Ltmp5, $4  }
0x2b2: {  	[tilespmem:s6+$0x30] =	vst v10;
	v8 =	vmul.f32 v8, v11  }
0x2b3: {  	s3 =	sshra.s32 s18, $0x2;
	[tilespmem:s6+$0xFFFFFFE8] =	vst v7  }
0x2b4: {  	s3 =	sadd.s32 $0xDB10, s3;
	[tilespmem:s6+$0x78] =	vst v8  }
0x2b5: {  	[spmem:s2] =	stream.indirect.scatter.add.f32 [tilespmem:s22], [sflag:$0x8], $0x48, s3, s24, $0xb8;
	[tilespmem:$0x1D430] =	vst v63  }
0x2b6: {  	_ =	swait.ge [sflag:s30], $0x1900  }
0x2b7: {  	[sflag:s30] =	ssyncset.done $0x0  }
0x2b8: {  	[sflag:s30] =	ssyncadd.s32 $0xFFFFE700  }
0x2b9: {  	_ =	swait.ge [sflag:s30], $0x500  }
0x2ba: {  	[sflag:s30] =	ssyncset.done $0x0  }
0x2bb: {  	s15 =	simm.s32 $0x5;
	[sflag:s30] =	ssyncadd.s32 $0xFFFFFB00  }
0x2bc: {  	_ =	swait.ge [sflag:s15], $0x1680  }
0x2bd: {  	[sflag:s15] =	ssyncset.done $0x0  }
0x2be: {  	s7 =	simm.s32 $0x102C0;
	[sflag:s15] =	ssyncadd.s32 $0xFFFFE980  }
0x2bf: {  	v7 =	vld [tilespmem:s7+$0xFFFFFF60]  }
0x2c0: {  	s3 =	simm.s32 $0x16640  }
0x2c1: {  	v8 =	vld [tilespmem:s3+$0xFFFFFFE0];
	_ =	sdelay $0x1  }
0x2c2: {  	v9 =	vld [tilespmem:s3+$0x0]  }
0x2c3: {  	v10 =	vld [tilespmem:s7+$0x0];
	v7 =	vperm.xlane v7, v1  }
0x2c4: {  	v11 =	vld [tilespmem:s7+$0xFFFFFFB0]  }
0x2c5: {  	v12 =	vld [tilespmem:s7+$0x50];
	v7 =	vadd.f32 v8, v7  }
0x2c6: {  	v8 =	vld [tilespmem:s3+$0xFFFFFFF0]  }
0x2c7: {  	v13 =	vld [tilespmem:s3+$0x10];
	v14 =	vmul.f32 $2.000000030e-01, v7  }
0x2c8: {  	v10 =	vperm.xlane v10, v1  }
0x2c9: {  	v11 =	vperm.xlane v11, v1;
	v7 =	vmax.f32 v7, v14  }
0x2ca: {  	v12 =	vperm.xlane v12, v1;
	v9 =	vadd.f32 v9, v10;
	v7 =	vsub.f32 v7, v6  }
0x2cb: {  	v8 =	vadd.f32 v8, v11  }
0x2cc: {  	v10 =	vadd.f32 v13, v12;
	v11 =	vmul.f32 $2.000000030e-01, v9;
	v7 =	vmul.f32 $1.442695020e+00, v7  }
0x2cd: {  	v12 =	vmul.f32 $2.000000030e-01, v8  }
0x2ce: {  	v13 =	vmul.f32 $2.000000030e-01, v10;
	v9 =	vmax.f32 v9, v11;
	(erf) = vpow2.f32 v7  }
0x2cf: {  	v7 =	vmax.f32 v8, v12;
	v8 =	vsub.f32 v9, v6  }
0x2d0: {  	v9 =	vmax.f32 v10, v13;
	v7 =	vsub.f32 v7, v6  }
0x2d1: {  	v9 =	vsub.f32 v9, v6;
	v8 =	vmul.f32 $1.442695020e+00, v8  }
0x2d2: {  	s18 =	simm.s32 $0x16680;
	v7 =	vmul.f32 $1.442695020e+00, v7  }
0x2d3: {  	s13 =	simm.s32 $0x10400;
	v15 =	vld [tilespmem:s18+$0x0];
	v9 =	vmul.f32 $1.442695020e+00, v9;
	(erf) = vpow2.f32 v8  }
0x2d4: {  	v14 =	vld [tilespmem:s13+$0x50];
	(erf) = vpow2.f32 v7  }
0x2d5: {  	v11 =	vld [tilespmem:s18+$0xFFFFFFE0];
	(erf) = vpow2.f32 v9  }
0x2d6: {  	v10 =	vld [tilespmem:s13+$0xFFFFFF60]  }
0x2d7: {  	s8 =	simm.s32 $0x17AB0;
	v7 =	vld [tilespmem:s13+$0x0];
	v13 =	vpop (erf)  }
0x2d8: {  	v9 =	vld [tilespmem:s13+$0xFFFFFFB0];
	[tilespmem:s8+$0xFFFFFFA8] =	vst v13  }
0x2d9: {  	v12 =	vld [tilespmem:s7+$0xFFFFFF70]  }
0x2da: {  	v8 =	vld [tilespmem:s18+$0xFFFFFFF0]  }
0x2db: {  	v10 =	vperm.xlane v10, v1  }
0x2dc: {  	v16 =	vld [tilespmem:s18+$0x10];
	v17 =	vperm.xlane v13, v2;
	v7 =	vperm.xlane v7, v1;
	v19 =	vpop (erf)  }
0x2dd: {  	v10 =	vadd.f32 v11, v10;
	v9 =	vperm.xlane v9, v1;
	v18 =	vpop (erf);
	[tilespmem:s8+$0x38] =	vst v19  }
0x2de: {  	v7 =	vadd.f32 v15, v7;
	v21 =	vpop (erf);
	v11 =	vmul.f32 v17, v12;
	v12 =	vperm.xlane v14, v1;
	v14 =	vld [tilespmem:s7+$0x10]  }
0x2df: {  	v8 =	vadd.f32 v8, v9;
	v9 =	vperm.xlane v13, v3;
	[tilespmem:s8+$0x80] =	vst v21;
	v17 =	vmul.f32 $2.000000030e-01, v10  }
0x2e0: {  	v22 =	vperm.xlane v19, v2;
	v23 =	vmul.f32 $2.000000030e-01, v7;
	[tilespmem:s8+$0xFFFFFFF0] =	vst v18;
	v15 =	vld [tilespmem:s7+$0x60]  }
0x2e1: {  	[tilespmem:s8+$0xFFFFFF70] =	vst v11;
	v12 =	vadd.f32 v16, v12;
	v16 =	vmul.f32 $2.000000030e-01, v8;
	v10 =	vmax.f32 v10, v17;
	v17 =	vld [tilespmem:s7+$0xFFFFFFC0]  }
0x2e2: {  	s9 =	simm.s32 $0x166C0;
	v7 =	vmax.f32 v7, v23;
	v23 =	vperm.xlane v13, v4;
	v20 =	vld [tilespmem:s7+$0xFFFFFF80];
	v10 =	vsub.f32 v10, v6  }
0x2e3: {  	s14 =	simm.s32 $0x10540;
	v25 =	vld [tilespmem:s9+$0x10];
	v8 =	vmax.f32 v8, v16;
	v16 =	vperm.xlane v21, v2;
	v14 =	vmul.f32 v22, v14  }
0x2e4: {  	v28 =	vld [tilespmem:s14+$0xFFFFFFB0];
	v7 =	vsub.f32 v7, v6;
	v11 =	vperm.xlane v18, v2;
	v24 =	vmul.f32 $2.000000030e-01, v12  }
0x2e5: {  	v27 =	vld [tilespmem:s9+$0xFFFFFFE0];
	v10 =	vmul.f32 $1.442695020e+00, v10;
	[tilespmem:s8+$0x0] =	vst v14;
	v14 =	vmul.f32 v16, v15  }
0x2e6: {  	v7 =	vmul.f32 $1.442695020e+00, v7;
	v8 =	vsub.f32 v8, v6;
	v11 =	vmul.f32 v11, v17;
	v16 =	vld [tilespmem:s7+$0x20]  }
0x2e7: {  	v22 =	vmax.f32 v12, v24;
	v12 =	vld [tilespmem:s9+$0x0];
	(erf) = vpow2.f32 v10;
	v9 =	vmul.f32 v9, v20;
	[tilespmem:s8+$0x48] =	vst v14  }
0x2e8: {  	v31 =	vperm.xlane v21, v4;
	v8 =	vmul.f32 $1.442695020e+00, v8;
	v15 =	vsub.f32 v22, v6;
	[tilespmem:s8+$0xFFFFFFB8] =	vst v11;
	v17 =	vld [tilespmem:s7+$0x70]  }
0x2e9: {  	(erf) = vpow2.f32 v7;
	[tilespmem:s8+$0xFFFFFF80] =	vst v9;
	v7 =	vld [tilespmem:s7+$0xFFFFFFD0];
	v9 =	vperm.xlane v19, v3  }
0x2ea: {  	v10 =	vld [tilespmem:s14+$0x0];
	v14 =	vmul.f32 $1.442695020e+00, v15;
	(erf) = vpow2.f32 v8  }
0x2eb: {  	v20 =	vperm.xlane v21, v3;
	v8 =	vld [tilespmem:s7+$0xFFFFFF90];
	v9 =	vmul.f32 v9, v16  }
0x2ec: {  	v22 =	vperm.xlane v18, v3;
	(erf) = vpow2.f32 v14;
	v14 =	vld [tilespmem:s14+$0xFFFFFF60]  }
0x2ed: {  	v15 =	vperm.xlane v13, v5;
	v16 =	vld [tilespmem:s14+$0x50];
	[tilespmem:s8+$0x10] =	vst v9;
	v9 =	vmul.f32 v20, v17  }
0x2ee: {  	v11 =	vperm.xlane v21, v5;
	v22 =	vmul.f32 v22, v7;
	v26 =	vld [tilespmem:s7+$0x30]  }
0x2ef: {  	v13 =	vperm.xlane v18, v5;
	v20 =	vperm.xlane v18, v4;
	v18 =	vld [tilespmem:s9+$0xFFFFFFF0];
	[tilespmem:s8+$0x58] =	vst v9  }
0x2f0: {  	s3 =	simm.s32 $0x17BD0;
	v24 =	vperm.xlane v10, v1;
	v10 =	vperm.xlane v19, v4;
	v7 =	vpop (erf);
	[tilespmem:s8+$0xFFFFFFC8] =	vst v22;
	v30 =	vld [tilespmem:s7+$0x80]  }
0x2f1: {  	v17 =	vperm.xlane v19, v5;
	v23 =	vmul.f32 v23, v8;
	[tilespmem:s3+$0xFFFFFFA8] =	vst v7;
	v21 =	vld [tilespmem:s7+$0xFFFFFFE0]  }
0x2f2: {  	v29 =	vperm.xlane v14, v1;
	v14 =	vperm.xlane v7, v3;
	v8 =	vpop (erf);
	v22 =	vld [tilespmem:s13+$0xFFFFFF70]  }
0x2f3: {  	[tilespmem:s8+$0xFFFFFF90] =	vst v23;
	v32 =	vperm.xlane v16, v1;
	v9 =	vpop (erf);
	v33 =	vmul.f32 v10, v26  }
0x2f4: {  	[tilespmem:s3+$0x38] =	vst v8;
	v27 =	vadd.f32 v27, v29;
	v29 =	vperm.xlane v28, v1;
	v19 =	vld [tilespmem:s7+$0xFFFFFFA0];
	v16 =	vperm.xlane v9, v2  }
0x2f5: {  	s6 =	simm.s32 $0x8;
	v23 =	vld [tilespmem:s13+$0x10];
	v25 =	vadd.f32 v25, v32;
	v26 =	vperm.xlane v7, v2;
	v10 =	vpop (erf);
	[tilespmem:s8+$0x20] =	vst v33;
	v28 =	vmul.f32 v31, v30  }
.LBB2_14:
0x2f6: {  	s6 =	sadd.s32 $0x4, s6;
	[tilespmem:s3+$0x80] =	vst v10;
	v30 =	vperm.xlane v10, v2;
	v20 =	vmul.f32 v20, v21;
	v21 =	vld [tilespmem:s7+$0x40]  }
0x2f7: {  	v24 =	vadd.f32 v12, v24;
	p0 =	slt.u32 s6, $0x4C;
	v18 =	vadd.f32 v18, v29;
	v12 =	vmul.f32 v26, v22;
	v22 =	vld [tilespmem:s13+$0x60];
	[tilespmem:s8+$0x68] =	vst v28  }
0x2f8: {  	v26 =	vmul.f32 $2.000000030e-01, v27;
	v28 =	vperm.xlane v8, v2;
	[tilespmem:s8+$0xFFFFFFD8] =	vst v20;
	v20 =	vld [tilespmem:s7+$0x90]  }
0x2f9: {  	v31 =	vmul.f32 $2.000000030e-01, v24;
	v29 =	vmul.f32 $2.000000030e-01, v18;
	[tilespmem:s3+$0xFFFFFF70] =	vst v12;
	v32 =	vld [tilespmem:s7+$0xFFFFFFF0];
	s7 =	smov.u32 s13;
	s13 =	smov.u32 s14  }
0x2fa: {  	v12 =	vmax.f32 v27, v26;
	v26 =	vmul.f32 $2.000000030e-01, v25;
	v23 =	vmul.f32 v28, v23;
	v27 =	vld [tilespmem:s7+$0xFFFFFF80];
	[tilespmem:s3+$0xFFFFFFF0] =	vst v9  }
0x2fb: {  	v28 =	vsub.f32 v12, v6;
	v12 =	vmax.f32 v18, v29;
	v29 =	vld [tilespmem:s7+$0xFFFFFFC0];
	v17 =	vmul.f32 v17, v21  }
0x2fc: {  	s9 =	sadd.s32 $0x40, s9;
	v15 =	vmul.f32 v15, v19;
	v18 =	vmax.f32 v25, v26;
	v21 =	vsub.f32 v12, v6;
	[tilespmem:s3+$0x0] =	vst v23  }
0x2fd: {  	v19 =	vmul.f32 $1.442695020e+00, v28;
	v23 =	vsub.f32 v18, v6;
	v12 =	vld [tilespmem:s9+$0x0];
	[tilespmem:s8+$0x30] =	vst v17;
	v11 =	vmul.f32 v11, v20  }
0x2fe: {  	v17 =	vmax.f32 v24, v31;
	v20 =	vmul.f32 v30, v22;
	v18 =	vld [tilespmem:s9+$0xFFFFFFF0];
	[tilespmem:s8+$0xFFFFFFA0] =	vst v15;
	v13 =	vmul.f32 v13, v32  }
0x2ff: {  	v15 =	vmul.f32 $1.442695020e+00, v21;
	v17 =	vsub.f32 v17, v6;
	v25 =	vld [tilespmem:s9+$0x10];
	v14 =	vmul.f32 v14, v27;
	[tilespmem:s8+$0x78] =	vst v11  }
0x300: {  	s14 =	sadd.s32 $0x140, s14;
	(erf) = vpow2.f32 v19;
	v11 =	vmul.f32 v16, v29;
	v16 =	vld [tilespmem:s7+$0x20];
	[tilespmem:s8+$0xFFFFFFE8] =	vst v13;
	s8 =	smov.u32 s3  }
0x301: {  	v13 =	vmul.f32 $1.442695020e+00, v17;
	v17 =	vmul.f32 $1.442695020e+00, v23;
	v19 =	vld [tilespmem:s14+$0x0];
	[tilespmem:s3+$0x48] =	vst v20  }
0x302: {  	v21 =	vperm.xlane v10, v3;
	[tilespmem:s3+$0xFFFFFFB8] =	vst v11;
	v20 =	vld [tilespmem:s7+$0x70]  }
0x303: {  	v11 =	vperm.xlane v8, v3;
	(erf) = vpow2.f32 v13;
	[tilespmem:s3+$0xFFFFFF80] =	vst v14;
	v13 =	vld [tilespmem:s7+$0xFFFFFFD0]  }
0x304: {  	v22 =	vperm.xlane v9, v3;
	(erf) = vpow2.f32 v15;
	v14 =	vld [tilespmem:s7+$0xFFFFFF90]  }
0x305: {  	v28 =	vld [tilespmem:s14+$0xFFFFFFB0];
	(erf) = vpow2.f32 v17;
	v16 =	vmul.f32 v11, v16  }
0x306: {  	v15 =	vperm.xlane v7, v5;
	v11 =	vperm.xlane v10, v5;
	v23 =	vld [tilespmem:s14+$0x50]  }
0x307: {  	s3 =	sadd.s32 $0x120, s3;
	v17 =	vperm.xlane v7, v4;
	v26 =	vld [tilespmem:s14+$0xFFFFFF60];
	[tilespmem:s8+$0x10] =	vst v16;
	v16 =	vmul.f32 v21, v20  }
0x308: {  	v20 =	vmul.f32 v22, v13;
	v13 =	vperm.xlane v9, v5;
	v27 =	vld [tilespmem:s7+$0x30]  }
0x309: {  	v29 =	vld [tilespmem:s9+$0xFFFFFFE0];
	v7 =	vpop (erf);
	v30 =	vmul.f32 v17, v14;
	v17 =	vperm.xlane v8, v5;
	[tilespmem:s8+$0x58] =	vst v16  }
0x30a: {  	v32 =	vperm.xlane v10, v4;
	[tilespmem:s8+$0xFFFFFFC8] =	vst v20;
	v20 =	vperm.xlane v9, v4;
	v31 =	vld [tilespmem:s7+$0x80]  }
.Ltmp6:
0x30b: {  	v34 =	vperm.xlane v8, v4;
	v24 =	vperm.xlane v19, v1;
	[tilespmem:s3+$0xFFFFFFA8] =	vst v7;
	v21 =	vld [tilespmem:s7+$0xFFFFFFE0];
	(pc) =	sbr.rel @p0 .LBB2_14-.Ltmp6, $4  }
0x30c: {  	v14 =	vperm.xlane v7, v3;
	v16 =	vperm.xlane v26, v1;
	v22 =	vld [tilespmem:s13+$0xFFFFFF70];
	v8 =	vpop (erf);
	[tilespmem:s8+$0xFFFFFF90] =	vst v30  }
0x30d: {  	v30 =	vperm.xlane v23, v1;
	[tilespmem:s3+$0x38] =	vst v8;
	v9 =	vpop (erf);
	v19 =	vld [tilespmem:s7+$0xFFFFFFA0];
	v33 =	vmul.f32 v34, v27  }
0x30e: {  	v26 =	vperm.xlane v7, v2;
	v27 =	vadd.f32 v29, v16;
	v16 =	vperm.xlane v9, v2;
	v23 =	vld [tilespmem:s13+$0x10];
	v10 =	vpop (erf)  }
0x30f: {  	v29 =	vperm.xlane v28, v1;
	v25 =	vadd.f32 v25, v30;
	[tilespmem:s8+$0x20] =	vst v33;
	v28 =	vmul.f32 v32, v31  }
0x310: {  	v12 =	vadd.f32 v12, v24  }
0x311: {  	v62 =	vmul.f32 $2.000000030e-01, v27;
	v18 =	vadd.f32 v18, v29  }
0x312: {  	v63 =	vmul.f32 $2.000000030e-01, v12  }
0x313: {  	v24 =	vmax.f32 v27, v62;
	v30 =	vmul.f32 $2.000000030e-01, v18  }
0x314: {  	v33 =	vmul.f32 $2.000000030e-01, v25;
	v24 =	vsub.f32 v24, v6;
	v12 =	vmax.f32 v12, v63  }
0x315: {  	v18 =	vmax.f32 v18, v30;
	v12 =	vsub.f32 v12, v6  }
0x316: {  	v25 =	vmax.f32 v25, v33;
	v24 =	vmul.f32 $1.442695020e+00, v24;
	v18 =	vsub.f32 v18, v6  }
0x317: {  	v6 =	vsub.f32 v25, v6;
	v12 =	vmul.f32 $1.442695020e+00, v12  }
0x318: {  	(erf) = vpow2.f32 v24;
	v18 =	vmul.f32 $1.442695020e+00, v18  }
0x319: {  	v34 =	vld [tilespmem:s7+$0x40];
	v6 =	vmul.f32 $1.442695020e+00, v6;
	(erf) = vpow2.f32 v12  }
0x31a: {  	v36 =	vperm.xlane v8, v2;
	(erf) = vpow2.f32 v18  }
0x31b: {  	[tilespmem:s3+$0x80] =	vst v10;
	(erf) = vpow2.f32 v6;
	v6 =	vmul.f32 v26, v22  }
0x31c: {  	[tilespmem:s3+$0xFFFFFFF0] =	vst v9  }
0x31d: {  	[tilespmem:s3+$0xFFFFFF70] =	vst v6;
	v6 =	vmul.f32 v36, v23  }
0x31e: {  	v35 =	vmul.f32 v20, v21;
	[tilespmem:s8+$0x68] =	vst v28;
	v12 =	vmul.f32 v17, v34  }
0x31f: {  	[tilespmem:s3+$0x0] =	vst v6;
	v6 =	vmul.f32 v15, v19  }
0x320: {  	v40 =	vld [tilespmem:s13+$0xFFFFFFC0];
	[tilespmem:s8+$0xFFFFFFD8] =	vst v35  }
0x321: {  	v39 =	vld [tilespmem:s13+$0x60];
	[tilespmem:s8+$0x30] =	vst v12  }
0x322: {  	s6 =	sadd.s32 $0x120, s3;
	v38 =	vld [tilespmem:s7+$0xFFFFFFF0];
	v12 =	vpop (erf);
	[tilespmem:s8+$0xFFFFFFA0] =	vst v6  }
0x323: {  	v37 =	vld [tilespmem:s7+$0x90];
	[tilespmem:s6+$0xFFFFFFA8] =	vst v12;
	v6 =	vpop (erf)  }
0x324: {  	v42 =	vperm.xlane v10, v2;
	v43 =	vld [tilespmem:s14+$0xFFFFFF70];
	[tilespmem:s6+$0x38] =	vst v6;
	v20 =	vpop (erf)  }
0x325: {  	v16 =	vmul.f32 v16, v40;
	v41 =	vld [tilespmem:s14+$0x10];
	v22 =	vpop (erf);
	[tilespmem:s6+$0xFFFFFFF0] =	vst v20  }
0x326: {  	v18 =	vmul.f32 v42, v39;
	[tilespmem:s6+$0x80] =	vst v22;
	v46 =	vld [tilespmem:s14+$0xFFFFFFC0]  }
0x327: {  	v13 =	vmul.f32 v13, v38;
	[tilespmem:s3+$0xFFFFFFB8] =	vst v16;
	v48 =	vperm.xlane v12, v2;
	v44 =	vld [tilespmem:s14+$0x60]  }
0x328: {  	v11 =	vmul.f32 v11, v37;
	[tilespmem:s3+$0x48] =	vst v18;
	v49 =	vld [tilespmem:s13+$0xFFFFFF80];
	v45 =	vperm.xlane v6, v2  }
0x329: {  	[tilespmem:s8+$0xFFFFFFE8] =	vst v13;
	v51 =	vld [tilespmem:s13+$0x70];
	v52 =	vperm.xlane v20, v2;
	v13 =	vmul.f32 v48, v43  }
0x32a: {  	[tilespmem:s8+$0x78] =	vst v11;
	v53 =	vld [tilespmem:s13+$0xFFFFFFD0];
	v50 =	vperm.xlane v22, v2;
	v11 =	vmul.f32 v45, v41  }
0x32b: {  	v47 =	vld [tilespmem:s13+$0x20];
	[tilespmem:s6+$0xFFFFFF70] =	vst v13;
	v56 =	vmul.f32 v52, v46  }
0x32c: {  	v58 =	vperm.xlane v10, v3;
	v59 =	vld [tilespmem:s14+$0xFFFFFF80];
	[tilespmem:s6+$0x0] =	vst v11;
	v55 =	vmul.f32 v50, v44  }
0x32d: {  	v61 =	vperm.xlane v9, v3;
	v60 =	vmul.f32 v14, v49;
	v57 =	vld [tilespmem:s14+$0x20];
	[tilespmem:s6+$0xFFFFFFB8] =	vst v56  }
0x32e: {  	v54 =	vperm.xlane v8, v3;
	v16 =	vmul.f32 v58, v51;
	[tilespmem:s6+$0x48] =	vst v55;
	v63 =	vld [tilespmem:s14+$0xFFFFFFD0]  }
0x32f: {  	v27 =	vmul.f32 v61, v53;
	v29 =	vperm.xlane v12, v3;
	[tilespmem:s3+$0xFFFFFF80] =	vst v60;
	v62 =	vld [tilespmem:s14+$0x70]  }
0x330: {  	v26 =	vperm.xlane v6, v3;
	[tilespmem:s3+$0x58] =	vst v16;
	v19 =	vmul.f32 v54, v47;
	v30 =	vld [tilespmem:s13+$0xFFFFFF90]  }
0x331: {  	[tilespmem:s3+$0xFFFFFFC8] =	vst v27;
	v32 =	vld [tilespmem:s13+$0x80];
	v33 =	vperm.xlane v20, v3;
	v17 =	vmul.f32 v29, v59  }
0x332: {  	v34 =	vld [tilespmem:s13+$0xFFFFFFE0];
	v31 =	vperm.xlane v22, v3;
	[tilespmem:s3+$0x10] =	vst v19;
	v15 =	vmul.f32 v26, v57  }
0x333: {  	v36 =	vperm.xlane v7, v4;
	v28 =	vld [tilespmem:s13+$0x30];
	[tilespmem:s6+$0xFFFFFF80] =	vst v17;
	v37 =	vmul.f32 v33, v63  }
0x334: {  	v39 =	vperm.xlane v10, v4;
	v40 =	vld [tilespmem:s14+$0xFFFFFF90];
	[tilespmem:s6+$0x10] =	vst v15;
	v13 =	vmul.f32 v31, v62  }
0x335: {  	v42 =	vperm.xlane v9, v4;
	v41 =	vmul.f32 v36, v30;
	v38 =	vld [tilespmem:s14+$0x30];
	[tilespmem:s6+$0xFFFFFFC8] =	vst v37  }
0x336: {  	v35 =	vperm.xlane v8, v4;
	v11 =	vmul.f32 v39, v32;
	[tilespmem:s6+$0x58] =	vst v13;
	v44 =	vld [tilespmem:s14+$0xFFFFFFE0]  }
0x337: {  	v48 =	vperm.xlane v12, v4;
	v46 =	vmul.f32 v42, v34;
	[tilespmem:s3+$0xFFFFFF90] =	vst v41;
	v43 =	vld [tilespmem:s14+$0x80]  }
0x338: {  	v45 =	vperm.xlane v6, v4;
	v14 =	vmul.f32 v35, v28;
	v49 =	vld [tilespmem:s13+$0xFFFFFFA0];
	[tilespmem:s3+$0x68] =	vst v11  }
0x339: {  	v53 =	vperm.xlane v20, v4;
	[tilespmem:s3+$0xFFFFFFD8] =	vst v46;
	v51 =	vld [tilespmem:s13+$0x90];
	v52 =	vmul.f32 v48, v40  }
0x33a: {  	v50 =	vperm.xlane v22, v4;
	v55 =	vld [tilespmem:s13+$0xFFFFFFF0];
	[tilespmem:s3+$0x20] =	vst v14;
	v17 =	vmul.f32 v45, v38  }
0x33b: {  	v7 =	vperm.xlane v7, v5;
	v47 =	vld [tilespmem:s13+$0x40];
	[tilespmem:s6+$0xFFFFFF90] =	vst v52;
	v14 =	vmul.f32 v53, v44  }
0x33c: {  	v57 =	vperm.xlane v10, v5;
	v58 =	vld [tilespmem:s14+$0xFFFFFFA0];
	[tilespmem:s6+$0x20] =	vst v17;
	v11 =	vmul.f32 v50, v43  }
0x33d: {  	v59 =	vperm.xlane v9, v5;
	v7 =	vmul.f32 v7, v49;
	v56 =	vld [tilespmem:s14+$0x40];
	[tilespmem:s6+$0xFFFFFFD8] =	vst v14  }
0x33e: {  	v54 =	vperm.xlane v8, v5;
	v60 =	vmul.f32 v57, v51;
	[tilespmem:s6+$0x68] =	vst v11;
	v61 =	vld [tilespmem:s14+$0xFFFFFFF0]  }
0x33f: {  	v62 =	vperm.xlane v12, v5;
	[tilespmem:s3+$0xFFFFFFA0] =	vst v7;
	v7 =	vmul.f32 v59, v55;
	v11 =	vld [tilespmem:s14+$0x90]  }
0x340: {  	v6 =	vperm.xlane v6, v5;
	v8 =	vmul.f32 v54, v47;
	[tilespmem:s3+$0x78] =	vst v60  }
0x341: {  	[tilespmem:s3+$0xFFFFFFE8] =	vst v7;
	v7 =	vperm.xlane v20, v5;
	v9 =	vmul.f32 v62, v58  }
0x342: {  	v63 =	vperm.xlane v22, v5;
	[tilespmem:s3+$0x30] =	vst v8;
	v6 =	vmul.f32 v6, v56  }
0x343: {  	[tilespmem:s6+$0xFFFFFFA0] =	vst v9;
	v7 =	vmul.f32 v7, v61  }
0x344: {  	[tilespmem:s6+$0x30] =	vst v6;
	v6 =	vmul.f32 v63, v11  }
0x345: {  	[tilespmem:s6+$0xFFFFFFE8] =	vst v7  }
0x346: {  	s13 =	simm.s32 $0x101D0;
	[tilespmem:s6+$0x78] =	vst v6  }
0x347: {  	[spmem:s2] =	stream.indirect.scatter.add.f32 [tilespmem:s23], [sflag:$0x5], $0x48, s13, s24, $0xb8;
	[tilespmem:$0x1D430] =	vst v63  }
0x348: {  	_ =	swait.ge [sflag:s15], $0x1680  }
0x349: {  	[sflag:s15] =	ssyncset.done $0x0  }
0x34a: {  	s14 =	simm.s32 $0x6;
	[sflag:s15] =	ssyncadd.s32 $0xFFFFE980  }
0x34b: {  	_ =	swait.ge [sflag:s14], $0x1680  }
0x34c: {  	[sflag:s14] =	ssyncset.done $0x0  }
0x34d: {  	[sflag:s14] =	ssyncadd.s32 $0xFFFFE980  }
0x34e: {  	_ =	swait.ge [sflag:s10], $0x1680  }
0x34f: {  	[sflag:s10] =	ssyncset.done $0x0  }
0x350: {  	[sflag:s10] =	ssyncadd.s32 $0xFFFFE980  }
0x351: {  	_ =	swait.ge [sflag:s11], $0x1680  }
0x352: {  	[sflag:s11] =	ssyncset.done $0x0  }
0x353: {  	[sflag:s11] =	ssyncadd.s32 $0xFFFFE980  }
0x354: {  	s15 =	stileid.u32;
	[bflag:$0x0] =	sbarrier.arrive $0xFFFF  }
0x355: {  	s3 =	sshll.u32 s15, $0x6;
	s8 =	rddreg [dreg:$0x7]  }
0x356: {  	s3 =	sor.u32 $0x1C09, s3;
	s17 =	rddreg [dreg:$0xf];
	s16 =	sshrl.u32 s8, $0x3  }
0x357: {  	[hbm:s17], [sflag:s3] =	dma.local [spmem:s16], $0x1680  }
0x358: {  	_ =	swait.ge [sflag:s20], $0x1680  }
0x359: {  	s12 =	sadd.s32 $0x1, s12;
	s18 =	rddreg [dreg:$0x10]  }
0x35a: {  	p0 =	sne.s32 s12, s18  }
.Ltmp7:
0x35b: {  	_ = 	snop;
	(pc) =	sbr.rel @p0 .LBB2_1-.Ltmp7, $3  }
0x35c: {  	_ =	sdelay $0x1  }
0x35d: {  	[sflag:s20] =	ssyncset.done $0x0  }
0x35e: {  	s9 =	simm.s32 $0xB400;
	s13 =	simm.s32 $0xDB10;
	[sflag:s20] =	ssyncadd.s32 $0xFFFFE980  }
0x35f: {  	_ =	sfence.sel $0x180000  }
0x360: {  	[bflag:$0x0] =	sbarrier.arrive $0xFFFF  }
0x361: {  	_ =	strace $0x90000047  }
0x362: {  	s0 =	stileid.u32;
	[bflag:$0x2] =	sbarrier.arrive $0xFFFF  }
0x363: {  	p0 =	sne.s32 s0, $0x0;
	s0 =	rddreg [dreg:$0x3]  }
0x364: {  	s0 =	sadd.s32 @!p0 $0x100000, s0  }
0x365: {  	[sflag:s0] =	ssyncadd.tile.s32 @!p0 $0x1;
	_ =	shalt  }
.Lfunc_end2:
_tile_overlayer_lowered:
.L_overlay_start_2:
0x366: {  	(tag) =	ssettag $0x2  }
0x367: {  	s0 =	rddreg [dreg:$0x0];
	s2 =	stileid.u32  }
0x368: {  	s1 =	rddreg [dreg:$0x1];
	p0 =	sne.s32 s2, $0x0  }
0x369: {  	s3 =	rddreg [dreg:$0x2];
	[bflag:$0x3] =	sbarrier.arrive $0xFFFF;
	s2 =	simm.s32 @!p0 $0x1C09  }
0x36a: {  	[timem:s3], [sflag:s2] =	dma.local @!p0 [hbm:s0], s1  }
0x36b: {  	s0 =	simm.s32 @!p0 $0x9  }
0x36c: {  	_ =	swait.ge @!p0 [sflag:s0], s1  }
0x36d: {  	s1 =	ssub.s32 @!p0 $0x0, s1;
	[sflag:s0] =	ssyncset.done @!p0 $0x0  }
0x36e: {  	[sflag:s0] =	ssyncadd.s32 @!p0 s1  }
0x36f: {  	[bflag:$0x3] =	sbarrier.arrive $0xFFFF  }
0x370: {  	_ =	shalt  }

// kernel: kernel.8.cloned.1.call-start
scs
__scs_entry_jumppad:
0x0: {  	(pc) =	sbr.rel $0x88, $3  }
0x1: {  	(tag) =	ssettag $0x0;
	lr =	simm.s32 $0x1  }
0x2: {  	[smem:$0x3F98] =	sst lr;
	_ =	strace $0xD0000000  }
0x3: {  	_ = 	snop  }
0x4: {  	_ = 	snop  }
0x5: {  	_ = 	snop  }
0x6: {  	_ = 	snop  }
0x7: {  	_ = 	snop  }
__scs_overlays_trampoline_lowered:
0x8: {  	[smem:$0x3FA7] =	sst s0  }
0x9: {  	[smem:$0x3FA8] =	sst s1  }
0xa: {  	[smem:$0x3FA9] =	sst s2  }
0xb: {  	[smem:$0x3FAA] =	sst s3  }
0xc: {  	[smem:$0x3FAB] =	sst s4  }
0xd: {  	[smem:$0x3FAC] =	sst s5  }
0xe: {  	[smem:$0x3FAD] =	sst s6  }
0xf: {  	[smem:$0x3FAE] =	sst s7  }
0x10: {  	[smem:$0x3FAF] =	sst s8  }
0x11: {  	[smem:$0x3FB0] =	sst s9;
	s0 =	simm.s32 @!p0 $0x0  }
0x12: {  	s1 =	sld [smem:$0x3F96];
	s0 =	simm.s32 @p0 $0x1  }
0x13: {  	[smem:$0x3FB1] =	sst s0;
	s0 =	simm.s32 @!p1 $0x0  }
0x14: {  	s2 =	sld [smem:$0x3F95];
	s0 =	simm.s32 @p1 $0x1  }
0x15: {  	[smem:$0x3FB2] =	sst s0;
	s0 =	simm.s32 @!p2 $0x0  }
0x16: {  	s3 =	sld [smem:$0x3FDB];
	s0 =	simm.s32 @p2 $0x1  }
0x17: {  	s4 =	simm.s32 $0x1BF5;
	[smem:$0x3FB4] =	sst s0  }
0x18: {  	s0 =	sld [smem:$0x3F97];
	_ =	swait.ge [sflag:s4], $0x0  }
0x19: {  	s7 =	sld [smem:$0x3F98]  }
0x1a: {  	s8 =	sadd.s32 $0xFFFFE003, lr  }
0x1b: {  	s9 =	sadd.s32 $0xFFFFFEF7, lr;
	s5 =	simm.s32 $0xFFFFFFFF;
	p2 =	slt.u32 s8, $0xFFFFF086  }
0x1c: {  	p1 =	slt.u32 s9, $0xF7A;
	s5 =	simm.s32 @!p2 $0x0  }
0x1d: {  	s5 =	simm.s32 @p1 $0x1;
	p0 =	seq.s32 s7, s2  }
0x1e: {  	s7 =	smul.u32 @!p0 $0xF7A, s2;
	p2 =	seq.s32 @!p0 s5, $0x0  }
0x1f: {  	s9 =	smul.u32 $0xF7A, s1;
	s8 =	simm.s32 @!p0 $0x1BF5;
	p2 =	por !p2, p0  }
0x20: {  	[sflag:s8] =	ssyncset.s32 @!p0 $0xFFFFF086;
	s6 =	sadd.s32 @!p0 s3, s7;
	s7 =	simm.s32 @!p0 $0x108  }
0x21: {  	s3 =	sadd.s32 s3, s9;
	s6 =	sadd.s32 @!p0 $0x88, s6;
	s7 =	simm.s32 @p2 $0x1082  }
0x22: {  	[simem:s7], [sflag:s8] =	dma.local @!p0 [hbm:s6], $0xF7A  }
0x23: {  	s9 =	sor.u32 $0xD0000000, s2;
	s6 =	simm.s32 $0x108;
	_ =	swait.ge @!p0 [sflag:s8], $0x0  }
0x24: {  	s3 =	sadd.s32 $0x88, s3;
	s6 =	simm.s32 @!p1 $0x1082;
	[sflag:s4] =	ssyncset.s32 $0xFFFFF086  }
0x25: {  	[simem:s6], [sflag:s4] =	dma.local [hbm:s3], $0xF7A  }
0x26: {  	[smem:$0x3F98] =	sst s1;
	(tag) =	ssettag s2;
	_ =	strace s9  }
0x27: {  	s1 =	sld [smem:$0x3FA8]  }
0x28: {  	s2 =	sld [smem:$0x3FA9]  }
0x29: {  	s4 =	sld [smem:$0x3FAB]  }
0x2a: {  	p0 =	seq.s32 s5, $0x0;
	s5 =	sld [smem:$0x3FAC]  }
0x2b: {  	s6 =	sld [smem:$0x3FAD]  }
0x2c: {  	s7 =	sld [smem:$0x3FAE]  }
0x2d: {  	s3 =	simm.s32 $0x108;
	s8 =	sld [smem:$0x3FAF]  }
0x2e: {  	s3 =	simm.s32 @!p0 $0x1082;
	s9 =	sld [smem:$0x3FB0]  }
0x2f: {  	lr =	sadd.s32 s0, s3;
	s0 =	sld [smem:$0x3FA7]  }
0x30: {  	s3 =	sld [smem:$0x3FAA]  }
0x31: {  	[smem:$0x3FB3] =	sst s10  }
0x32: {  	s10 =	sld [smem:$0x3FB1];
	_ =	sdelay $0x3  }
0x33: {  	p0 =	seq.s32 s10, $0x1;
	s10 =	sld [smem:$0x3FB3];
	_ =	sdelay $0x3  }
0x34: {  	[smem:$0x3FB3] =	sst s10  }
0x35: {  	s10 =	sld [smem:$0x3FB2];
	_ =	sdelay $0x3  }
0x36: {  	p1 =	seq.s32 s10, $0x1;
	s10 =	sld [smem:$0x3FB3];
	_ =	sdelay $0x3  }
0x37: {  	[smem:$0x3FB3] =	sst s10  }
0x38: {  	s10 =	sld [smem:$0x3FB4]  }
0x39: {  	_ = 	snop;
	(pc) =	sbr.ind lr, $3  }
0x3a: {  	_ = 	snop  }
0x3b: {  	_ = 	snop  }
0x3c: {  	p2 =	seq.s32 s10, $0x1;
	s10 =	sld [smem:$0x3FB3]  }
0x3d: {  	_ =	shalt  }
0x3e: {  	_ =	shalt  }
0x3f: {  	_ =	shalt  }
0x40: {  	_ =	shalt  }
0x41: {  	_ =	shalt  }
0x42: {  	_ =	shalt  }
0x43: {  	_ =	shalt  }
0x44: {  	_ =	shalt  }
0x45: {  	_ =	shalt  }
0x46: {  	_ =	shalt  }
0x47: {  	_ =	shalt  }
0x48: {  	_ =	shalt  }
0x49: {  	_ =	shalt  }
0x4a: {  	_ =	shalt  }
0x4b: {  	_ =	shalt  }
0x4c: {  	_ =	shalt  }
0x4d: {  	_ =	shalt  }
0x4e: {  	_ =	shalt  }
0x4f: {  	_ =	shalt  }
0x50: {  	_ =	shalt  }
0x51: {  	_ =	shalt  }
0x52: {  	_ =	shalt  }
0x53: {  	_ =	shalt  }
0x54: {  	_ =	shalt  }
0x55: {  	_ =	shalt  }
0x56: {  	_ =	shalt  }
0x57: {  	_ =	shalt  }
0x58: {  	_ =	shalt  }
0x59: {  	_ =	shalt  }
0x5a: {  	_ =	shalt  }
0x5b: {  	_ =	shalt  }
0x5c: {  	_ =	shalt  }
0x5d: {  	_ =	shalt  }
0x5e: {  	_ =	shalt  }
0x5f: {  	_ =	shalt  }
0x60: {  	_ =	shalt  }
0x61: {  	_ =	shalt  }
0x62: {  	_ =	shalt  }
0x63: {  	_ =	shalt  }
0x64: {  	_ =	shalt  }
0x65: {  	_ =	shalt  }
0x66: {  	_ =	shalt  }
0x67: {  	_ =	shalt  }
0x68: {  	_ =	shalt  }
0x69: {  	_ =	shalt  }
0x6a: {  	_ =	shalt  }
0x6b: {  	_ =	shalt  }
0x6c: {  	_ =	shalt  }
0x6d: {  	_ =	shalt  }
0x6e: {  	_ =	shalt  }
0x6f: {  	_ =	shalt  }
0x70: {  	_ =	shalt  }
0x71: {  	_ =	shalt  }
0x72: {  	_ =	shalt  }
0x73: {  	_ =	shalt  }
0x74: {  	_ =	shalt  }
0x75: {  	_ =	shalt  }
0x76: {  	_ =	shalt  }
0x77: {  	_ =	shalt  }
0x78: {  	_ =	shalt  }
0x79: {  	_ =	shalt  }
0x7a: {  	_ =	shalt  }
0x7b: {  	_ =	shalt  }
0x7c: {  	_ =	shalt  }
0x7d: {  	_ =	shalt  }
0x7e: {  	_ =	shalt  }
0x7f: {  	_ =	shalt  }
0x80: {  	_ =	shalt  }
0x81: {  	_ =	shalt  }
0x82: {  	_ =	shalt  }
0x83: {  	_ =	shalt  }
0x84: {  	_ =	shalt  }
0x85: {  	_ =	shalt  }
0x86: {  	_ =	shalt  }
0x87: {  	_ =	shalt  }
.Lfunc_end0:
.L_simem_size_0:
called_computation.1_lowered:
.L_overlay_start_0:
0x88: {  	s2 =	sld [smem:$0x3FD9]  }
0x89: {  	s3 =	sld [smem:$0x3FFE];
	_ =	sdelay $0x1  }
0x8a: {  	s1 =	srdreg.scid  }
0x8b: {  	s0 =	sand.u32 $0x1, s1  }
0x8c: {  	s17 =	sshll.u32 s0, $0xA;
	s2 =	sadd.s32 s3, s2  }
0x8d: {  	s2 =	sadd.s32 s2, s17  }
0x8e: {  	[smem:$0x3FBF] =	sst s2  }
0x8f: {  	_ = 	snop  }
0x90: {  	s2 =	sld [smem:$0x3FD0];
	(tm) =	ssettm $0x1  }
0x91: {  	s18 =	sld [smem:$0x3FFB];
	_ =	sdelay $0x3  }
0x92: {  	_ =	strace s18  }
0x93: {  	s3 =	sld [smem:$0x3FFC];
	_ =	sdelay $0x3  }
0x94: {  	_ =	strace s3  }
0x95: {  	s3 =	sld [smem:$0x3FFD];
	_ =	sdelay $0x3  }
0x96: {  	_ =	strace s3  }
0x97: {  	_ =	strace $0x8FFFFFFF  }
0x98: {  	s19 =	sld [smem:$0x3FDB];
	_ =	sdelay $0x1  }
0x99: {  	s4 =	simm.s32 $_scs_section_size  }
0x9a: {  	s5 =	simm.s32 $_size__tile_overlayer_lowered;
	s6 =	simm.s32 $_tile_overlayer_lowered  }
0x9b: {  	s22 =	simm.s32 $0x1BFF;
	s21 =	sshll.u32 s6, $0x1;
	s3 =	sadd.s32 s4, s19  }
0x9c: {  	s7 =	simm.s32 $0x0;
	s20 =	sshll.u32 s5, $0x1;
	s5 =	sadd.s32 s21, s3  }
0x9d: {  	[timem:s7], [sflag:s22] =	dma.local [hbm:s5], s20  }
0x9e: {  	_ =	swait.ge [sflag:s22], s20  }
0x9f: {  	s4 =	ssub.s32 $0x0, s20;
	[sflag:s22] =	ssyncset.done $0x0  }
0xa0: {  	[sflag:s22] =	ssyncadd.s32 s4;
	_ =	sdelay $0x1  }
0xa1: {  	s23 =	simm.s32 $0x1B8B  }
0xa2: {  	_ =	swait.ge [sflag:s23], $0x1  }
0xa3: {  	[sflag:s23] =	ssyncset.done $0x0  }
0xa4: {  	s25 =	simm.s32 $0x1B8E;
	s24 =	sld [smem:$0x3FFE];
	[sflag:s23] =	ssyncadd.s32 $0xFFFFFFFF  }
0xa5: {  	s26 =	simm.s32 $execute0_lowered;
	[smem:$0x3FD2] =	sst s25  }
0xa6: {  	s5 =	sshll.u32 s26, $0x1;
	_ =	strace $0x80000049;
	[dreg:$0x1] =	wrdreg $0xFFFFFFFF  }
0xa7: {  	s28 =	simm.s32 $_size_execute0_lowered;
	s3 =	sadd.s32 s3, s5;
	[dreg:$0x0] =	wrdreg $0x0  }
0xa8: {  	s5 =	sshll.u32 s28, $0x1;
	[dreg:$0x2] =	wrdreg s3  }
0xa9: {  	[dreg:$0x3] =	wrdreg s5  }
0xaa: {  	[dreg:$0x4] =	wrdreg $0xC0  }
0xab: {  	_ =	task [dreg:s7], $0x5FFFF  }
0xac: {  	[dreg:$0x1] =	wrdreg $0xFFFFFFFF  }
0xad: {  	[dreg:$0x0] =	wrdreg $0x60  }
0xae: {  	[dreg:$0x2] =	wrdreg s24  }
0xaf: {  	[dreg:$0x3] =	wrdreg s2  }
0xb0: {  	[dreg:$0x4] =	wrdreg $0x9  }
0xb1: {  	_ =	task.clear_ibuf [dreg:s7], $0x5FFFF;
	_ =	strace $0x90000049  }
0xb2: {  	s29 =	simm.s32 $0x9;
	_ =	strace $0x8000004B  }
0xb3: {  	_ =	swait.ge [sflag:s29], $0x1  }
0xb4: {  	[sflag:s29] =	ssyncadd.s32 $0xFFFFFFFF  }
0xb5: {  	_ =	strace $0x9000004B  }
0xb6: {  	_ =	sfence  }
0xb7: {  	s30 =	sld [smem:$0x0];
	_ =	sdelay $0x2  }
0xb8: {  	s31 =	sshll.u32 s1, $0xD;
	s1 =	sshrl.u32 s1, $0x2  }
0xb9: {  	s3 =	sand.u32 $0x4000, s31;
	s1 =	sadd.s32 s1, s30  }
0xba: {  	s0 =	sor.u32 s3, s0;
	s1 =	sshll.u32 s1, $0x11  }
0xbb: {  	s0 =	sor.u32 s1, s0  }
0xbc: {  	s0 =	sadd.s32 $0x8F2B, s0  }
0xbd: {  	[sflag:s0] =	ssyncadd.remote.s32 $0x1  }
0xbe: {  	_ =	sfence.sel $0xFFFF  }
0xbf: {  	[dreg:$0x0] =	wrdreg $0xFFFFFFFF;
	(pc) =	sbr.abs _section_cstart, $3  }
0xc0: {  	[dreg:$0x1] =	wrdreg $0xFFFFFFFF  }
0xc1: {  	_ =	task.clear_ibuf [dreg:s7], $0x2FFFF;
	_ =	strace $0x9FFFFFFF  }
0xc2: {  	(tm) =	ssettm $0x7FFFFFFF  }
0xc3: {  	_ =	shalt  }
tec
execute0_lowered:
.L_overlay_start_1:
0x0: {  	(tag) =	ssettag $0x1  }
0x1: {  	s4 =	rddreg [dreg:$0x0]  }
0x2: {  	s0 =	srdreg.scid;
	s9 =	rddreg [dreg:$0x1]  }
0x3: {  	s2 =	simm.s32 $0x0;
	s13 =	simm.s32 $0xAF00;
	s14 =	simm.s32 $0x1  }
0x4: {  	s15 =	simm.s32 $0x2;
	s16 =	simm.s32 $0x5A00;
	s3 =	sand.u32 $0x1, s0  }
0x5: {  	s17 =	simm.s32 $0x3;
	s0 =	stileid.u32;
	s1 =	sshll.u32 s3, $0x4  }
0x6: {  	s18 =	simm.s32 $0xDC00;
	s19 =	simm.s32 $0x0;
	s11 =	sor.u32 s0, s1  }
0x7: {  	[smem:$0x7FF] =	sst s2;
	s10 =	sadd.s32 $0x1F200, s4;
	s5 =	smul.u32 $0x140, s11  }
0x8: {  	s3 =	ssub.s32 $0x2, s3;
	s1 =	rddreg [dreg:$0x2];
	s26 =	smul.u32 $0x5A00, s11  }
0x9: {  	s7 =	sshrl.u32 s3, $0x1;
	s30 =	smul.u32 $0xA00, s11;
	s6 =	sadd.s32 $0xA0, s5  }
0xa: {  	_ =	strace $0x8000004A;
	s12 =	ssub.s32 s3, s7;
	s8 =	smul.u32 $0x48, s6  }
.Ltmp0:
0xb: {  	p0 =	seq.s32 s11, $0x1F;
	s28 =	sshrl.u32 s26, $0x3;
	(pc) =	sbr.rel .LBB2_1-.Ltmp0, $4  }
0xc: {  	v0 =	vlaneseq.u32;
	s11 =	simm.s32 $0x2D00;
	s7 =	sadd.s32 s9, s30;
	s3 =	sadd.s32 s10, s28  }
0xd: {  	v3 =	vshrl.u32 v0, $0x3;
	s31 =	sshll.u32 s6, $0x3;
	s4 =	sadd.s32 $0x16800, s3;
	s29 =	sshrl.u32 s8, $0x3  }
0xe: {  	v0 =	vor.u32 $0x8, v3;
	s8 =	sadd.s32 s9, s31;
	s9 =	sadd.s32 $0x13600, s9;
	s5 =	sadd.s32 s10, s29  }
0xf: {  	v1 =	vor.u32 $0xA, v3;
	v2 =	vor.u32 $0xC, v3;
	v3 =	vor.u32 $0xE, v3;
	s10 =	smax.u32 s12, $0x1;
	s12 =	simm.s32 $0x8200;
	s6 =	sadd.s32 $0x16800, s5  }
.LBB2_9:
0x10: {  	v15 =	vmul.f32 v15, v23  }
0x11: {  	[tilespmem:s25+$0xFFFFFFD0] =	vst v21  }
0x12: {  	v39 =	vmul.f32 v16, v22;
	v43 =	vld [tilespmem:s23+$0xFFFFFFD8];
	v15 =	vmax.f32 v15, $0.0e+00  }
0x13: {  	v45 =	vld [tilespmem:s28+$0xFFFFFFD8];
	[tilespmem:s25+$0xFFFFFF90] =	vst v15  }
0x14: {  	v15 =	vmax.f32 v39, $0.0e+00;
	v40 =	vld [tilespmem:s23+$0xFFFFFF90]  }
0x15: {  	v42 =	vld [tilespmem:s28+$0xFFFFFF90];
	[tilespmem:s25+$0x10] =	vst v15  }
0x16: {  	v19 =	vadd.f32 v20, v19;
	v41 =	vperm.xlane v4, v2;
	v46 =	vld [tilespmem:s23+$0x20]  }
0x17: {  	v47 =	vld [tilespmem:s28+$0x20]  }
0x18: {  	v44 =	vmul.f32 v41, v19;
	v19 =	vadd.f32 v45, v43  }
0x19: {  	v51 =	vld [tilespmem:s21+$0xFFFFFFE8]  }
0x1a: {  	v52 =	vld [tilespmem:s22+$0x30];
	v15 =	vmax.f32 v44, $0.0e+00;
	v10 =	vmul.f32 v10, v19;
	v48 =	vadd.f32 v42, v40  }
0x1b: {  	v53 =	vld [tilespmem:s21+$0x30];
	[tilespmem:s25+$0x60] =	vst v15  }
0x1c: {  	v49 =	vld [tilespmem:s23+$0x78];
	v20 =	vadd.f32 v47, v46;
	v10 =	vmax.f32 v10, $0.0e+00;
	v12 =	vmul.f32 v12, v48  }
0x1d: {  	v50 =	vld [tilespmem:s28+$0x78];
	[tilespmem:s26+$0xFFFFFFE0] =	vst v10  }
0x1e: {  	v11 =	vmul.f32 v11, v20;
	v55 =	vld [tilespmem:s23+$0xFFFFFFE8];
	v12 =	vmax.f32 v12, $0.0e+00  }
0x1f: {  	v56 =	vld [tilespmem:s28+$0xFFFFFFE8];
	[tilespmem:s26+$0xFFFFFFA0] =	vst v12  }
0x20: {  	v11 =	vmax.f32 v11, $0.0e+00;
	v12 =	vld [tilespmem:s23+$0xFFFFFFA0]  }
0x21: {  	v17 =	vadd.f32 v18, v17;
	v54 =	vld [tilespmem:s28+$0xFFFFFFA0];
	[tilespmem:s26+$0x20] =	vst v11  }
0x22: {  	v4 =	vperm.xlane v4, v3;
	v16 =	vadd.f32 v50, v49;
	v57 =	vld [tilespmem:s23+$0x30]  }
0x23: {  	v5 =	vmul.f32 v5, v17;
	v13 =	vadd.f32 v51, v13;
	v58 =	vld [tilespmem:s28+$0x30]  }
0x24: {  	v4 =	vmul.f32 v4, v16  }
0x25: {  	v5 =	vmax.f32 v5, $0.0e+00;
	v59 =	vadd.f32 v53, v52;
	v6 =	vmul.f32 v6, v13  }
0x26: {  	[tilespmem:s20+$0xFFFFFFB0] =	vst v5;
	v4 =	vmax.f32 v4, $0.0e+00;
	v60 =	vadd.f32 v56, v55  }
0x27: {  	v5 =	vmul.f32 v7, v59;
	[tilespmem:s25+$0x70] =	vst v4;
	v4 =	vmax.f32 v6, $0.0e+00;
	v10 =	vadd.f32 v54, v12  }
0x28: {  	[tilespmem:s20+$0xFFFFFFF0] =	vst v4;
	v4 =	vmul.f32 v9, v60;
	v62 =	vadd.f32 v58, v57  }
0x29: {  	v5 =	vmax.f32 v5, $0.0e+00;
	v61 =	vmul.f32 v14, v10  }
0x2a: {  	[tilespmem:s20+$0x30] =	vst v5;
	v4 =	vmax.f32 v4, $0.0e+00;
	v63 =	vmul.f32 v8, v62  }
0x2b: {  	[tilespmem:s26+$0xFFFFFFF0] =	vst v4;
	v5 =	vmax.f32 v61, $0.0e+00  }
0x2c: {  	[tilespmem:s26+$0xFFFFFFB0] =	vst v5;
	v5 =	vmax.f32 v63, $0.0e+00  }
0x2d: {  	[tilespmem:s26+$0x30] =	vst v5  }
0x2e: {  	[hbm4b:s9+s2] =	stream.linear.scatter [tilespmem:s16], [sflag:$0x3], $0x1400, $0x38;
	[tilespmem:$0x10400] =	vst v63  }
0x2f: {  	_ =	swait.ge [sflag:s17], $0x1400  }
0x30: {  	[sflag:s17] =	ssyncset.done $0x0  }
0x31: {  	[sflag:s17] =	ssyncadd.s32 $0xFFFFEC00  }
.LBB2_10:
0x32: {  	s19 =	sadd.s32 $0x1, s19  }
0x33: {  	p1 =	sne.s32 s19, s10  }
.Ltmp1:
0x34: {  	_ = 	snop;
	(pc) =	sbr.rel @!p1 .LBB2_11-.Ltmp1, $1  }
0x35: {  	_ =	sdelay $0x3  }
.LBB2_1:
0x36: {  	[tilespmem:s2], [sflag:$0x1] =	stream.linear.gather [hbm4b:s3+s2], $0x2D00, $0x38;
	[tilespmem:$0x10400] =	vst v63  }
0x37: {  	_ = 	snop  }
0x38: {  	[tilespmem:s11], [sflag:$0x1] =	stream.linear.gather [hbm4b:s4+s2], $0x2D00, $0x38;
	[tilespmem:$0x10400] =	vst v63  }
0x39: {  	_ = 	snop  }
0x3a: {  	[tilespmem:s12], [sflag:$0x2] =	stream.linear.gather [hbm4b:s5+s2], $0x2D00, $0x38;
	[tilespmem:$0x10400] =	vst v63  }
0x3b: {  	_ = 	snop  }
0x3c: {  	[tilespmem:s13], [sflag:$0x2] =	stream.linear.gather [hbm4b:s6+s2], $0x2D00, $0x38;
	[tilespmem:$0x10400] =	vst v63  }
0x3d: {  	_ =	swait.ge [sflag:s14], $0x2D00  }
.Ltmp2:
0x3e: {  	[sflag:s14] =	ssyncset.done $0x0;
	(pc) =	sbr.rel @!p0 .LBB2_2-.Ltmp2, $4  }
0x3f: {  	[sflag:s14] =	ssyncadd.s32 $0xFFFFD300  }
0x40: {  	_ =	swait.ge [sflag:s14], $0x2D00  }
0x41: {  	[sflag:s14] =	ssyncset.done $0x0  }
0x42: {  	[sflag:s14] =	ssyncadd.s32 $0xFFFFD300  }
0x43: {  	_ =	swait.ge [sflag:s15], $0x2D00  }
0x44: {  	[sflag:s15] =	ssyncset.done $0x0  }
0x45: {  	[sflag:s15] =	ssyncadd.s32 $0xFFFFD300  }
0x46: {  	_ =	swait.ge [sflag:s15], $0x2D00  }
0x47: {  	[sflag:s15] =	ssyncset.done $0x0  }
0x48: {  	s22 =	simm.s32 $0x90;
	[sflag:s15] =	ssyncadd.s32 $0xFFFFD300  }
0x49: {  	s21 =	simm.s32 $0x2D90;
	v4 =	vld [tilespmem:s22+$0x80]  }
0x4a: {  	v5 =	vld [tilespmem:s21+$0x80];
	_ =	sdelay $0x4  }
0x4b: {  	v4 =	vadd.f32 v5, v4;
	_ =	sdelay $0x1  }
0x4c: {  	v4 =	vadd.f32 $1.000000020e-16, v4  }
0x4d: {  	v6 =	vld [tilespmem:s21+$0xFFFFFFF0]  }
0x4e: {  	v5 =	vld [tilespmem:s22+$0xFFFFFFF0];
	(erf) = vrcp.f32 v4;
	_ =	sdelay $0x1  }
0x4f: {  	v7 =	vld [tilespmem:s21+$0x38]  }
0x50: {  	v4 =	vld [tilespmem:s22+$0x38]  }
0x51: {  	v8 =	vld [tilespmem:s22+$0x48]  }
0x52: {  	v9 =	vld [tilespmem:s21+$0x48];
	v5 =	vadd.f32 v6, v5;
	_ =	sdelay $0x1  }
0x53: {  	v5 =	vadd.f32 $1.000000020e-16, v5  }
0x54: {  	v4 =	vadd.f32 v7, v4  }
0x55: {  	(erf) = vrcp.f32 v5;
	v5 =	vld [tilespmem:s21+$0xFFFFFFA8];
	v6 =	vpop (erf)  }
0x56: {  	v7 =	vadd.f32 v9, v8;
	v9 =	vld [tilespmem:s22+$0xFFFFFFA8];
	v4 =	vadd.f32 $1.000000020e-16, v4;
	v8 =	vperm.xlane v6, v0;
	_ =	sdelay $0x1  }
0x57: {  	v10 =	vld [tilespmem:s22+$0x0];
	(erf) = vrcp.f32 v4;
	v7 =	vmul.f32 v8, v7  }
0x58: {  	v4 =	vld [tilespmem:s22+$0xFFFFFFB8]  }
0x59: {  	s20 =	simm.s32 $0x5A80;
	v8 =	vld [tilespmem:s21+$0xFFFFFFB8];
	v7 =	vmax.f32 v7, $0.0e+00  }
0x5a: {  	v11 =	vld [tilespmem:s21+$0x0];
	v5 =	vadd.f32 v5, v9;
	[tilespmem:s20+$0x40] =	vst v7  }
0x5b: {  	v7 =	vld [tilespmem:s22+$0x58]  }
0x5c: {  	v5 =	vadd.f32 $1.000000020e-16, v5;
	v12 =	vld [tilespmem:s21+$0x58]  }
0x5d: {  	v9 =	vpop (erf)  }
0x5e: {  	(erf) = vrcp.f32 v5;
	v4 =	vadd.f32 v8, v4;
	v8 =	vperm.xlane v9, v0;
	_ =	sdelay $0x1  }
0x5f: {  	v10 =	vadd.f32 v11, v10;
	v13 =	vpop (erf);
	v4 =	vmul.f32 v8, v4  }
0x60: {  	v8 =	vperm.xlane v13, v0;
	v5 =	vadd.f32 v12, v7;
	v7 =	vperm.xlane v6, v1  }
0x61: {  	v11 =	vld [tilespmem:s22+$0xFFFFFF70];
	v4 =	vmax.f32 v4, $0.0e+00  }
0x62: {  	s23 =	simm.s32 $0x1B0;
	v8 =	vmul.f32 v8, v10;
	v10 =	vld [tilespmem:s21+$0xFFFFFF70];
	[tilespmem:s20+$0xFFFFFFC0] =	vst v4;
	v4 =	vmul.f32 v7, v5  }
0x63: {  	s24 =	simm.s32 $0x2EB0;
	v14 =	vld [tilespmem:s23+$0x80]  }
0x64: {  	v16 =	vld [tilespmem:s24+$0x80];
	v4 =	vmax.f32 v4, $0.0e+00  }
0x65: {  	v17 =	vld [tilespmem:s24+$0xFFFFFFA8];
	[tilespmem:s20+$0x50] =	vst v4  }
0x66: {  	v15 =	vpop (erf);
	v4 =	vld [tilespmem:s22+$0x68]  }
0x67: {  	v10 =	vadd.f32 v10, v11;
	v11 =	vperm.xlane v15, v0;
	v12 =	vld [tilespmem:s21+$0x68]  }
0x68: {  	v18 =	vld [tilespmem:s23+$0xFFFFFFF0]  }
0x69: {  	v19 =	vld [tilespmem:s23+$0x38];
	v14 =	vadd.f32 v16, v14;
	v10 =	vmul.f32 v11, v10  }
0x6a: {  	v11 =	vld [tilespmem:s24+$0xFFFFFFF0]  }
0x6b: {  	v20 =	vld [tilespmem:s24+$0x38];
	v14 =	vadd.f32 $1.000000020e-16, v14;
	v10 =	vmax.f32 v10, $0.0e+00  }
0x6c: {  	[tilespmem:s20+$0xFFFFFF80] =	vst v10;
	v10 =	vperm.xlane v6, v2;
	v4 =	vadd.f32 v12, v4;
	v12 =	vld [tilespmem:s23+$0xFFFFFFA8]  }
0x6d: {  	(erf) = vrcp.f32 v14;
	v14 =	vld [tilespmem:s23+$0xFFFFFF70]  }
0x6e: {  	v5 =	vld [tilespmem:s22+$0xFFFFFFC8];
	v4 =	vmul.f32 v10, v4  }
0x6f: {  	v7 =	vmax.f32 v8, $0.0e+00;
	v8 =	vld [tilespmem:s21+$0xFFFFFFC8];
	v10 =	vadd.f32 v11, v18  }
0x70: {  	[tilespmem:s20+$0x0] =	vst v7;
	v16 =	vld [tilespmem:s22+$0xFFFFFF80];
	v18 =	vadd.f32 v20, v19;
	v4 =	vmax.f32 v4, $0.0e+00  }
0x71: {  	v21 =	vld [tilespmem:s21+$0xFFFFFF80];
	v10 =	vadd.f32 $1.000000020e-16, v10;
	[tilespmem:s20+$0x60] =	vst v4;
	v4 =	vadd.f32 v17, v12  }
0x72: {  	v7 =	vld [tilespmem:s22+$0x10];
	v17 =	vadd.f32 $1.000000020e-16, v18  }
0x73: {  	v11 =	vld [tilespmem:s21+$0x10];
	(erf) = vrcp.f32 v10;
	v4 =	vadd.f32 $1.000000020e-16, v4  }
0x74: {  	v20 =	vld [tilespmem:s24+$0x48];
	(erf) = vrcp.f32 v17  }
0x75: {  	v10 =	vld [tilespmem:s23+$0x48];
	(erf) = vrcp.f32 v4;
	v4 =	vperm.xlane v9, v1  }
0x76: {  	v19 =	vld [tilespmem:s24+$0xFFFFFF70];
	v18 =	vperm.xlane v15, v1;
	v16 =	vadd.f32 v21, v16  }
0x77: {  	v5 =	vadd.f32 v8, v5;
	v21 =	vld [tilespmem:s24+$0xFFFFFFB8]  }
0x78: {  	v12 =	vld [tilespmem:s22+$0x78];
	v8 =	vmul.f32 v18, v16;
	v18 =	vperm.xlane v13, v1;
	v7 =	vadd.f32 v11, v7  }
0x79: {  	v17 =	vld [tilespmem:s21+$0x78];
	v5 =	vmul.f32 v4, v5;
	v4 =	vpop (erf)  }
0x7a: {  	v16 =	vld [tilespmem:s23+$0xFFFFFFB8];
	v7 =	vmul.f32 v18, v7;
	v10 =	vadd.f32 v20, v10;
	v20 =	vperm.xlane v4, v0  }
0x7b: {  	v11 =	vld [tilespmem:s23+$0x0];
	v8 =	vmax.f32 v8, $0.0e+00  }
0x7c: {  	[tilespmem:s20+$0xFFFFFF90] =	vst v8;
	v8 =	vld [tilespmem:s24+$0x0];
	v7 =	vmax.f32 v7, $0.0e+00  }
0x7d: {  	v18 =	vld [tilespmem:s22+$0xFFFFFF90];
	[tilespmem:s20+$0x10] =	vst v7;
	v5 =	vmax.f32 v5, $0.0e+00  }
0x7e: {  	v22 =	vld [tilespmem:s21+$0xFFFFFF90];
	[tilespmem:s20+$0xFFFFFFD0] =	vst v5;
	v5 =	vmul.f32 v20, v10;
	v20 =	vpop (erf)  }
0x7f: {  	v12 =	vadd.f32 v17, v12;
	v17 =	vld [tilespmem:s21+$0x20];
	v10 =	vadd.f32 v21, v16;
	v21 =	vperm.xlane v20, v0  }
0x80: {  	v25 =	vld [tilespmem:s21+$0xFFFFFFD8]  }
0x81: {  	v23 =	vperm.xlane v9, v2;
	v7 =	vadd.f32 v8, v11;
	v8 =	vld [tilespmem:s22+$0x20]  }
0x82: {  	s25 =	simm.s32 $0x5B80;
	v27 =	vperm.xlane v13, v2;
	v24 =	vperm.xlane v15, v2;
	v16 =	vld [tilespmem:s22+$0xFFFFFFD8];
	v5 =	vmax.f32 v5, $0.0e+00;
	v26 =	vpop (erf)  }
0x83: {  	[tilespmem:s25+$0x40] =	vst v5;
	v11 =	vperm.xlane v26, v0;
	v10 =	vmul.f32 v21, v10;
	v21 =	vpop (erf)  }
0x84: {  	v14 =	vadd.f32 v19, v14;
	v5 =	vperm.xlane v15, v3;
	v28 =	vld [tilespmem:s23+$0x58];
	v19 =	vperm.xlane v21, v0  }
0x85: {  	v15 =	vperm.xlane v6, v3;
	v7 =	vmul.f32 v11, v7;
	v11 =	vld [tilespmem:s24+$0x58];
	v10 =	vmax.f32 v10, $0.0e+00  }
0x86: {  	v6 =	vperm.xlane v9, v3;
	v9 =	vadd.f32 v22, v18;
	[tilespmem:s25+$0xFFFFFFC0] =	vst v10;
	v14 =	vmul.f32 v19, v14  }
0x87: {  	v8 =	vadd.f32 v17, v8;
	v16 =	vadd.f32 v25, v16;
	v10 =	vmax.f32 v7, $0.0e+00;
	v18 =	vld [tilespmem:s23+$0xFFFFFFC8]  }
0x88: {  	v7 =	vperm.xlane v13, v3;
	v13 =	vmul.f32 v15, v12;
	[tilespmem:s25+$0x0] =	vst v10;
	v12 =	vmax.f32 v14, $0.0e+00;
	v14 =	vld [tilespmem:s24+$0xFFFFFFC8]  }
0x89: {  	v9 =	vmul.f32 v24, v9;
	v8 =	vmul.f32 v27, v8;
	v22 =	vld [tilespmem:s23+$0x10];
	[tilespmem:s25+$0xFFFFFF80] =	vst v12  }
0x8a: {  	v23 =	vmul.f32 v23, v16;
	v11 =	vadd.f32 v11, v28;
	v12 =	vperm.xlane v4, v1;
	v61 =	vld [tilespmem:s23+$0xFFFFFF80]  }
0x8b: {  	v9 =	vmax.f32 v9, $0.0e+00;
	v16 =	vperm.xlane v26, v1;
	v15 =	vperm.xlane v21, v1;
	v62 =	vld [tilespmem:s24+$0xFFFFFF80]  }
0x8c: {  	[tilespmem:s20+$0xFFFFFFA0] =	vst v9;
	v10 =	vperm.xlane v20, v2;
	v63 =	vld [tilespmem:s24+$0x10];
	v9 =	vmul.f32 v12, v11  }
0x8d: {  	v23 =	vmax.f32 v23, $0.0e+00;
	v17 =	vld [tilespmem:s22+$0xFFFFFFA0];
	v19 =	vperm.xlane v20, v1;
	v29 =	vadd.f32 v14, v18  }
0x8e: {  	[tilespmem:s20+$0xFFFFFFE0] =	vst v23;
	v12 =	vperm.xlane v21, v2;
	v11 =	vperm.xlane v26, v2;
	v9 =	vmax.f32 v9, $0.0e+00;
	v18 =	vld [tilespmem:s21+$0xFFFFFFA0]  }
0x8f: {  	v23 =	vmax.f32 v13, $0.0e+00;
	v13 =	vld [tilespmem:s22+$0xFFFFFFE8];
	v14 =	vperm.xlane v21, v3;
	[tilespmem:s25+$0x50] =	vst v9;
	v21 =	vmul.f32 v19, v29  }
0x90: {  	s29 =	simm.s32 $0x4;
	[tilespmem:s20+$0x70] =	vst v23;
	v9 =	vperm.xlane v20, v3;
	v20 =	vmax.f32 v8, $0.0e+00;
	v19 =	vld [tilespmem:s23+$0x68];
	v23 =	vadd.f32 v62, v61  }
0x91: {  	s30 =	simm.s32 $0x2D0;
	s28 =	simm.s32 $0x2EB0;
	s26 =	simm.s32 $0x5B80;
	v22 =	vadd.f32 v63, v22;
	v8 =	vperm.xlane v26, v3;
	[tilespmem:s20+$0x20] =	vst v20;
	v20 =	vld [tilespmem:s24+$0x68];
	v21 =	vmax.f32 v21, $0.0e+00  }
.LBB2_8:
0x92: {  	v24 =	vld [tilespmem:s30+$0x80];
	v15 =	vmul.f32 v15, v23;
	[tilespmem:s25+$0xFFFFFFD0] =	vst v21;
	s24 =	sadd.s32 $0x120, s24  }
0x93: {  	v16 =	vmul.f32 v16, v22;
	v17 =	vadd.f32 v18, v17;
	v21 =	vld [tilespmem:s24+$0x80]  }
0x94: {  	v18 =	vld [tilespmem:s24+$0xFFFFFFA8];
	v15 =	vmax.f32 v15, $0.0e+00  }
0x95: {  	v22 =	vld [tilespmem:s30+$0xFFFFFFF0];
	[tilespmem:s25+$0xFFFFFF90] =	vst v15;
	v15 =	vmax.f32 v16, $0.0e+00;
	v16 =	vmul.f32 v5, v17;
	v5 =	vmov v14  }
0x96: {  	s29 =	sadd.s32 $0x4, s29;
	v17 =	vperm.xlane v4, v2;
	v14 =	vld [tilespmem:s24+$0xFFFFFFF0];
	[tilespmem:s25+$0x10] =	vst v15;
	v15 =	vadd.f32 v20, v19  }
0x97: {  	p1 =	slt.u32 s29, $0x9C;
	v19 =	vld [tilespmem:s30+$0x38];
	v16 =	vmax.f32 v16, $0.0e+00  }
0x98: {  	v20 =	vld [tilespmem:s24+$0x38];
	v21 =	vadd.f32 v21, v24;
	v15 =	vmul.f32 v17, v15;
	[tilespmem:s20+$0xFFFFFFB0] =	vst v16  }
0x99: {  	v16 =	vld [tilespmem:s30+$0xFFFFFFA8]  }
0x9a: {  	v17 =	vld [tilespmem:s30+$0xFFFFFF70];
	v21 =	vadd.f32 $1.000000020e-16, v21;
	v15 =	vmax.f32 v15, $0.0e+00  }
0x9b: {  	v23 =	vld [tilespmem:s24+$0xFFFFFF70];
	v14 =	vadd.f32 v14, v22;
	[tilespmem:s25+$0x60] =	vst v15  }
0x9c: {  	(erf) = vrcp.f32 v21;
	v15 =	vld [tilespmem:s23+$0x78]  }
0x9d: {  	v14 =	vadd.f32 $1.000000020e-16, v14;
	v19 =	vadd.f32 v20, v19;
	v20 =	vld [tilespmem:s28+$0x78]  }
0x9e: {  	v16 =	vadd.f32 v18, v16;
	v18 =	vld [tilespmem:s30+$0xFFFFFFB8]  }
0x9f: {  	v21 =	vld [tilespmem:s24+$0xFFFFFFB8];
	v19 =	vadd.f32 $1.000000020e-16, v19;
	(erf) = vrcp.f32 v14  }
0xa0: {  	v14 =	vadd.f32 $1.000000020e-16, v16;
	v17 =	vadd.f32 v23, v17;
	v16 =	vld [tilespmem:s30+$0x48]  }
0xa1: {  	v22 =	vld [tilespmem:s24+$0x48];
	(erf) = vrcp.f32 v19  }
0xa2: {  	v23 =	vperm.xlane v4, v3;
	v19 =	vld [tilespmem:s30+$0x0];
	(erf) = vrcp.f32 v14;
	v14 =	vadd.f32 v20, v15  }
0xa3: {  	v15 =	vld [tilespmem:s24+$0x0]  }
0xa4: {  	v18 =	vadd.f32 v21, v18;
	v20 =	vld [tilespmem:s23+$0xFFFFFF90];
	v14 =	vmul.f32 v23, v14  }
0xa5: {  	v4 =	vpop (erf);
	v21 =	vld [tilespmem:s28+$0xFFFFFF90]  }
0xa6: {  	v16 =	vadd.f32 v22, v16;
	v22 =	vperm.xlane v4, v0;
	v23 =	vld [tilespmem:s23+$0xFFFFFFD8];
	v14 =	vmax.f32 v14, $0.0e+00  }
0xa7: {  	v24 =	vld [tilespmem:s28+$0xFFFFFFD8];
	[tilespmem:s25+$0x70] =	vst v14  }
0xa8: {  	v14 =	vadd.f32 v15, v19;
	v15 =	vmul.f32 v22, v16;
	v19 =	vpop (erf);
	v22 =	vld [tilespmem:s23+$0x20]  }
0xa9: {  	v16 =	vperm.xlane v19, v0;
	v25 =	vperm.xlane v19, v1;
	v26 =	vld [tilespmem:s28+$0x20]  }
0xaa: {  	s25 =	sadd.s32 $0x100, s25;
	v27 =	vperm.xlane v19, v2;
	v15 =	vmax.f32 v15, $0.0e+00;
	v28 =	vpop (erf);
	v20 =	vadd.f32 v21, v20;
	v21 =	vld [tilespmem:s21+$0xFFFFFFE8]  }
0xab: {  	v16 =	vmul.f32 v16, v18;
	v18 =	vperm.xlane v28, v0;
	[tilespmem:s25+$0x40] =	vst v15;
	v29 =	vpop (erf);
	v30 =	vld [tilespmem:s22+$0x30];
	s22 =	smov.u32 s23;
	s23 =	smov.u32 s30  }
0xac: {  	v31 =	vperm.xlane v29, v0;
	v15 =	vperm.xlane v29, v1;
	v32 =	vld [tilespmem:s30+$0x58];
	v23 =	vadd.f32 v24, v23  }
0xad: {  	v24 =	vmax.f32 v16, $0.0e+00;
	v14 =	vmul.f32 v18, v14;
	v16 =	vperm.xlane v28, v1;
	v18 =	vld [tilespmem:s24+$0x58]  }
0xae: {  	v17 =	vmul.f32 v31, v17;
	v31 =	vperm.xlane v29, v2;
	[tilespmem:s25+$0xFFFFFFC0] =	vst v24;
	v22 =	vadd.f32 v26, v22;
	v24 =	vld [tilespmem:s21+$0x30];
	s21 =	smov.u32 s28;
	s28 =	smov.u32 s24  }
0xaf: {  	v33 =	vperm.xlane v28, v2;
	v34 =	vmul.f32 v12, v20;
	v26 =	vld [tilespmem:s30+$0xFFFFFFC8];
	v14 =	vmax.f32 v14, $0.0e+00  }
0xb0: {  	v23 =	vmul.f32 v10, v23;
	v10 =	vmovc v27;
	v17 =	vmax.f32 v17, $0.0e+00;
	v20 =	vld [tilespmem:s24+$0xFFFFFFC8];
	[tilespmem:s25+$0x0] =	vst v14;
	v22 =	vmul.f32 v11, v22  }
0xb1: {  	v13 =	vadd.f32 v21, v13;
	v14 =	vperm.xlane v29, v3;
	v29 =	vmax.f32 v34, $0.0e+00;
	v12 =	vmovc v31;
	[tilespmem:s25+$0xFFFFFF80] =	vst v17;
	v27 =	vld [tilespmem:s30+$0x10]  }
0xb2: {  	v23 =	vmax.f32 v23, $0.0e+00;
	v11 =	vmovc v33;
	v21 =	vld [tilespmem:s30+$0xFFFFFF80];
	v17 =	vadd.f32 v18, v32;
	v18 =	vperm.xlane v4, v1;
	[tilespmem:s26+$0xFFFFFFA0] =	vst v29  }
0xb3: {  	v19 =	vperm.xlane v19, v3;
	v22 =	vmax.f32 v22, $0.0e+00;
	v29 =	vld [tilespmem:s24+$0xFFFFFF80];
	[tilespmem:s26+$0xFFFFFFE0] =	vst v23;
	v23 =	vadd.f32 v24, v30  }
0xb4: {  	v28 =	vperm.xlane v28, v3;
	v24 =	vld [tilespmem:s24+$0x10];
	v18 =	vmul.f32 v18, v17;
	[tilespmem:s26+$0x20] =	vst v22  }
.Ltmp3:
0xb5: {  	v22 =	vmul.f32 v6, v13;
	v6 =	vmovc v9;
	v20 =	vadd.f32 v20, v26;
	v17 =	vld [tilespmem:s22+$0xFFFFFFA0];
	v23 =	vmul.f32 v7, v23;
	(pc) =	sbr.rel @p1 .LBB2_8-.Ltmp3, $4  }
0xb6: {  	v9 =	vmovc v19;
	v7 =	vmov v8;
	v8 =	vmov v28;
	v13 =	vmax.f32 v18, $0.0e+00;
	v18 =	vld [tilespmem:s21+$0xFFFFFFA0]  }
0xb7: {  	v22 =	vmax.f32 v22, $0.0e+00;
	v20 =	vmul.f32 v25, v20;
	[tilespmem:s25+$0x50] =	vst v13;
	v13 =	vld [tilespmem:s22+$0xFFFFFFE8];
	v25 =	vmax.f32 v23, $0.0e+00  }
0xb8: {  	v23 =	vadd.f32 v29, v21;
	v19 =	vld [tilespmem:s30+$0x68];
	[tilespmem:s20+$0xFFFFFFF0] =	vst v22  }
0xb9: {  	s30 =	sadd.s32 $0x120, s30;
	v21 =	vmax.f32 v20, $0.0e+00;
	v22 =	vadd.f32 v24, v27;
	v20 =	vld [tilespmem:s24+$0x68];
	[tilespmem:s20+$0x30] =	vst v25;
	s20 =	smov.u32 s26;
	s26 =	smov.u32 s25  }
.Ltmp4:
0xba: {  	_ = 	snop;
	(pc) =	sbr.rel .LBB2_9-.Ltmp4, $1  }
0xbb: {  	_ =	sdelay $0x3  }
.LBB2_2:
0xbc: {  	s22 =	simm.s32 $0x90  }
0xbd: {  	s21 =	simm.s32 $0x2D90;
	v4 =	vld [tilespmem:s22+$0x80]  }
0xbe: {  	v5 =	vld [tilespmem:s21+$0x80];
	_ =	sdelay $0x4  }
0xbf: {  	v4 =	vadd.f32 v5, v4;
	_ =	sdelay $0x1  }
0xc0: {  	v4 =	vadd.f32 $1.000000020e-16, v4  }
0xc1: {  	v6 =	vld [tilespmem:s21+$0xFFFFFFF0]  }
0xc2: {  	v5 =	vld [tilespmem:s22+$0xFFFFFFF0];
	(erf) = vrcp.f32 v4;
	_ =	sdelay $0x1  }
0xc3: {  	v7 =	vld [tilespmem:s21+$0x38]  }
0xc4: {  	v4 =	vld [tilespmem:s22+$0x38]  }
0xc5: {  	v8 =	vld [tilespmem:s22+$0x48]  }
0xc6: {  	v9 =	vld [tilespmem:s21+$0x48];
	v5 =	vadd.f32 v6, v5;
	_ =	sdelay $0x1  }
0xc7: {  	v5 =	vadd.f32 $1.000000020e-16, v5  }
0xc8: {  	v4 =	vadd.f32 v7, v4  }
0xc9: {  	(erf) = vrcp.f32 v5;
	v5 =	vld [tilespmem:s21+$0xFFFFFFA8];
	v6 =	vpop (erf)  }
0xca: {  	v7 =	vadd.f32 v9, v8;
	v9 =	vld [tilespmem:s22+$0xFFFFFFA8];
	v4 =	vadd.f32 $1.000000020e-16, v4;
	v8 =	vperm.xlane v6, v0;
	_ =	sdelay $0x1  }
0xcb: {  	v10 =	vld [tilespmem:s22+$0x0];
	(erf) = vrcp.f32 v4;
	v7 =	vmul.f32 v8, v7  }
0xcc: {  	v4 =	vld [tilespmem:s22+$0xFFFFFFB8]  }
0xcd: {  	s20 =	simm.s32 $0x5A80;
	v8 =	vld [tilespmem:s21+$0xFFFFFFB8];
	v7 =	vmax.f32 v7, $0.0e+00  }
0xce: {  	v11 =	vld [tilespmem:s21+$0x0];
	v5 =	vadd.f32 v5, v9;
	[tilespmem:s20+$0x40] =	vst v7  }
0xcf: {  	v7 =	vld [tilespmem:s22+$0x58]  }
0xd0: {  	v5 =	vadd.f32 $1.000000020e-16, v5;
	v12 =	vld [tilespmem:s21+$0x58]  }
0xd1: {  	v9 =	vpop (erf)  }
0xd2: {  	(erf) = vrcp.f32 v5;
	v4 =	vadd.f32 v8, v4;
	v8 =	vperm.xlane v9, v0;
	_ =	sdelay $0x1  }
0xd3: {  	v10 =	vadd.f32 v11, v10;
	v13 =	vpop (erf);
	v4 =	vmul.f32 v8, v4  }
0xd4: {  	v8 =	vperm.xlane v13, v0;
	v5 =	vadd.f32 v12, v7;
	v7 =	vperm.xlane v6, v1  }
0xd5: {  	v11 =	vld [tilespmem:s22+$0xFFFFFF70];
	v4 =	vmax.f32 v4, $0.0e+00  }
0xd6: {  	s23 =	simm.s32 $0x1B0;
	v8 =	vmul.f32 v8, v10;
	v10 =	vld [tilespmem:s21+$0xFFFFFF70];
	[tilespmem:s20+$0xFFFFFFC0] =	vst v4;
	v4 =	vmul.f32 v7, v5  }
0xd7: {  	s24 =	simm.s32 $0x2EB0;
	v14 =	vld [tilespmem:s23+$0x80]  }
0xd8: {  	v16 =	vld [tilespmem:s24+$0x80];
	v4 =	vmax.f32 v4, $0.0e+00  }
0xd9: {  	v17 =	vld [tilespmem:s24+$0xFFFFFFA8];
	[tilespmem:s20+$0x50] =	vst v4  }
0xda: {  	v15 =	vpop (erf);
	v4 =	vld [tilespmem:s22+$0x68]  }
0xdb: {  	v10 =	vadd.f32 v10, v11;
	v11 =	vperm.xlane v15, v0;
	v12 =	vld [tilespmem:s21+$0x68]  }
0xdc: {  	v18 =	vld [tilespmem:s23+$0xFFFFFFF0]  }
0xdd: {  	v19 =	vld [tilespmem:s23+$0x38];
	v14 =	vadd.f32 v16, v14;
	v10 =	vmul.f32 v11, v10  }
0xde: {  	v11 =	vld [tilespmem:s24+$0xFFFFFFF0]  }
0xdf: {  	v20 =	vld [tilespmem:s24+$0x38];
	v14 =	vadd.f32 $1.000000020e-16, v14;
	v10 =	vmax.f32 v10, $0.0e+00  }
0xe0: {  	[tilespmem:s20+$0xFFFFFF80] =	vst v10;
	v10 =	vperm.xlane v6, v2;
	v4 =	vadd.f32 v12, v4;
	v12 =	vld [tilespmem:s23+$0xFFFFFFA8]  }
0xe1: {  	(erf) = vrcp.f32 v14;
	v14 =	vld [tilespmem:s23+$0xFFFFFF70]  }
0xe2: {  	v5 =	vld [tilespmem:s22+$0xFFFFFFC8];
	v4 =	vmul.f32 v10, v4  }
0xe3: {  	v7 =	vmax.f32 v8, $0.0e+00;
	v8 =	vld [tilespmem:s21+$0xFFFFFFC8];
	v10 =	vadd.f32 v11, v18  }
0xe4: {  	[tilespmem:s20+$0x0] =	vst v7;
	v16 =	vld [tilespmem:s22+$0xFFFFFF80];
	v18 =	vadd.f32 v20, v19;
	v4 =	vmax.f32 v4, $0.0e+00  }
0xe5: {  	v21 =	vld [tilespmem:s21+$0xFFFFFF80];
	v10 =	vadd.f32 $1.000000020e-16, v10;
	[tilespmem:s20+$0x60] =	vst v4;
	v4 =	vadd.f32 v17, v12  }
0xe6: {  	v7 =	vld [tilespmem:s22+$0x10];
	v17 =	vadd.f32 $1.000000020e-16, v18  }
0xe7: {  	v11 =	vld [tilespmem:s21+$0x10];
	(erf) = vrcp.f32 v10;
	v4 =	vadd.f32 $1.000000020e-16, v4  }
0xe8: {  	v20 =	vld [tilespmem:s24+$0x48];
	(erf) = vrcp.f32 v17  }
0xe9: {  	v10 =	vld [tilespmem:s23+$0x48];
	(erf) = vrcp.f32 v4;
	v4 =	vperm.xlane v9, v1  }
0xea: {  	v19 =	vld [tilespmem:s24+$0xFFFFFF70];
	v18 =	vperm.xlane v15, v1;
	v16 =	vadd.f32 v21, v16  }
0xeb: {  	v5 =	vadd.f32 v8, v5;
	v21 =	vld [tilespmem:s24+$0xFFFFFFB8]  }
0xec: {  	v12 =	vld [tilespmem:s22+$0x78];
	v8 =	vmul.f32 v18, v16;
	v18 =	vperm.xlane v13, v1;
	v7 =	vadd.f32 v11, v7  }
0xed: {  	v17 =	vld [tilespmem:s21+$0x78];
	v5 =	vmul.f32 v4, v5;
	v4 =	vpop (erf)  }
0xee: {  	v16 =	vld [tilespmem:s23+$0xFFFFFFB8];
	v7 =	vmul.f32 v18, v7;
	v10 =	vadd.f32 v20, v10;
	v20 =	vperm.xlane v4, v0  }
0xef: {  	v11 =	vld [tilespmem:s23+$0x0];
	v8 =	vmax.f32 v8, $0.0e+00  }
0xf0: {  	[tilespmem:s20+$0xFFFFFF90] =	vst v8;
	v8 =	vld [tilespmem:s24+$0x0];
	v7 =	vmax.f32 v7, $0.0e+00  }
0xf1: {  	v18 =	vld [tilespmem:s22+$0xFFFFFF90];
	[tilespmem:s20+$0x10] =	vst v7;
	v5 =	vmax.f32 v5, $0.0e+00  }
0xf2: {  	v22 =	vld [tilespmem:s21+$0xFFFFFF90];
	[tilespmem:s20+$0xFFFFFFD0] =	vst v5;
	v5 =	vmul.f32 v20, v10;
	v20 =	vpop (erf)  }
0xf3: {  	v12 =	vadd.f32 v17, v12;
	v17 =	vld [tilespmem:s21+$0x20];
	v10 =	vadd.f32 v21, v16;
	v21 =	vperm.xlane v20, v0  }
0xf4: {  	v25 =	vld [tilespmem:s21+$0xFFFFFFD8]  }
0xf5: {  	v23 =	vperm.xlane v9, v2;
	v7 =	vadd.f32 v8, v11;
	v8 =	vld [tilespmem:s22+$0x20]  }
0xf6: {  	s25 =	simm.s32 $0x5B80;
	v27 =	vperm.xlane v13, v2;
	v24 =	vperm.xlane v15, v2;
	v16 =	vld [tilespmem:s22+$0xFFFFFFD8];
	v5 =	vmax.f32 v5, $0.0e+00;
	v26 =	vpop (erf)  }
0xf7: {  	[tilespmem:s25+$0x40] =	vst v5;
	v11 =	vperm.xlane v26, v0;
	v10 =	vmul.f32 v21, v10;
	v21 =	vpop (erf)  }
0xf8: {  	v14 =	vadd.f32 v19, v14;
	v5 =	vperm.xlane v15, v3;
	v28 =	vld [tilespmem:s23+$0x58];
	v19 =	vperm.xlane v21, v0  }
0xf9: {  	v15 =	vperm.xlane v6, v3;
	v7 =	vmul.f32 v11, v7;
	v11 =	vld [tilespmem:s24+$0x58];
	v10 =	vmax.f32 v10, $0.0e+00  }
0xfa: {  	v6 =	vperm.xlane v9, v3;
	v9 =	vadd.f32 v22, v18;
	[tilespmem:s25+$0xFFFFFFC0] =	vst v10;
	v14 =	vmul.f32 v19, v14  }
0xfb: {  	v8 =	vadd.f32 v17, v8;
	v16 =	vadd.f32 v25, v16;
	v10 =	vmax.f32 v7, $0.0e+00;
	v18 =	vld [tilespmem:s23+$0xFFFFFFC8]  }
0xfc: {  	v7 =	vperm.xlane v13, v3;
	v13 =	vmul.f32 v15, v12;
	[tilespmem:s25+$0x0] =	vst v10;
	v12 =	vmax.f32 v14, $0.0e+00;
	v14 =	vld [tilespmem:s24+$0xFFFFFFC8]  }
0xfd: {  	v9 =	vmul.f32 v24, v9;
	v8 =	vmul.f32 v27, v8;
	v22 =	vld [tilespmem:s23+$0x10];
	[tilespmem:s25+$0xFFFFFF80] =	vst v12  }
0xfe: {  	v23 =	vmul.f32 v23, v16;
	v11 =	vadd.f32 v11, v28;
	v12 =	vperm.xlane v4, v1;
	v61 =	vld [tilespmem:s23+$0xFFFFFF80]  }
0xff: {  	v9 =	vmax.f32 v9, $0.0e+00;
	v16 =	vperm.xlane v26, v1;
	v15 =	vperm.xlane v21, v1;
	v62 =	vld [tilespmem:s24+$0xFFFFFF80]  }
0x100: {  	[tilespmem:s20+$0xFFFFFFA0] =	vst v9;
	v10 =	vperm.xlane v20, v2;
	v63 =	vld [tilespmem:s24+$0x10];
	v9 =	vmul.f32 v12, v11  }
0x101: {  	v23 =	vmax.f32 v23, $0.0e+00;
	v17 =	vld [tilespmem:s22+$0xFFFFFFA0];
	v19 =	vperm.xlane v20, v1;
	v29 =	vadd.f32 v14, v18  }
0x102: {  	[tilespmem:s20+$0xFFFFFFE0] =	vst v23;
	v12 =	vperm.xlane v21, v2;
	v11 =	vperm.xlane v26, v2;
	v9 =	vmax.f32 v9, $0.0e+00;
	v18 =	vld [tilespmem:s21+$0xFFFFFFA0]  }
0x103: {  	v23 =	vmax.f32 v13, $0.0e+00;
	v13 =	vld [tilespmem:s22+$0xFFFFFFE8];
	v14 =	vperm.xlane v21, v3;
	[tilespmem:s25+$0x50] =	vst v9;
	v21 =	vmul.f32 v19, v29  }
0x104: {  	s29 =	simm.s32 $0x4;
	[tilespmem:s20+$0x70] =	vst v23;
	v9 =	vperm.xlane v20, v3;
	v20 =	vmax.f32 v8, $0.0e+00;
	v19 =	vld [tilespmem:s23+$0x68];
	v23 =	vadd.f32 v62, v61  }
0x105: {  	s30 =	simm.s32 $0x2D0;
	s28 =	simm.s32 $0x2EB0;
	s26 =	simm.s32 $0x5B80;
	v22 =	vadd.f32 v63, v22;
	v8 =	vperm.xlane v26, v3;
	[tilespmem:s20+$0x20] =	vst v20;
	v20 =	vld [tilespmem:s24+$0x68];
	v21 =	vmax.f32 v21, $0.0e+00  }
.LBB2_3:
0x106: {  	v24 =	vld [tilespmem:s30+$0x80];
	v15 =	vmul.f32 v15, v23;
	[tilespmem:s25+$0xFFFFFFD0] =	vst v21;
	s24 =	sadd.s32 $0x120, s24  }
0x107: {  	v21 =	vld [tilespmem:s24+$0x80];
	v16 =	vmul.f32 v16, v22;
	v17 =	vadd.f32 v18, v17  }
0x108: {  	v18 =	vld [tilespmem:s24+$0xFFFFFFA8];
	v15 =	vmax.f32 v15, $0.0e+00  }
0x109: {  	v22 =	vld [tilespmem:s30+$0xFFFFFFF0];
	[tilespmem:s25+$0xFFFFFF90] =	vst v15;
	v15 =	vmax.f32 v16, $0.0e+00;
	v16 =	vmul.f32 v5, v17;
	v5 =	vmov v14  }
0x10a: {  	s29 =	sadd.s32 $0x4, s29;
	v17 =	vperm.xlane v4, v2;
	v14 =	vld [tilespmem:s24+$0xFFFFFFF0];
	[tilespmem:s25+$0x10] =	vst v15;
	v15 =	vadd.f32 v20, v19  }
0x10b: {  	p1 =	slt.u32 s29, $0x9C;
	v19 =	vld [tilespmem:s30+$0x38];
	v16 =	vmax.f32 v16, $0.0e+00  }
0x10c: {  	v20 =	vld [tilespmem:s24+$0x38];
	v21 =	vadd.f32 v21, v24;
	v15 =	vmul.f32 v17, v15;
	[tilespmem:s20+$0xFFFFFFB0] =	vst v16  }
0x10d: {  	v16 =	vld [tilespmem:s30+$0xFFFFFFA8]  }
0x10e: {  	v17 =	vld [tilespmem:s30+$0xFFFFFF70];
	v21 =	vadd.f32 $1.000000020e-16, v21;
	v15 =	vmax.f32 v15, $0.0e+00  }
0x10f: {  	v23 =	vld [tilespmem:s24+$0xFFFFFF70];
	v14 =	vadd.f32 v14, v22;
	[tilespmem:s25+$0x60] =	vst v15  }
0x110: {  	(erf) = vrcp.f32 v21;
	v15 =	vld [tilespmem:s23+$0x78]  }
0x111: {  	v14 =	vadd.f32 $1.000000020e-16, v14;
	v19 =	vadd.f32 v20, v19;
	v20 =	vld [tilespmem:s28+$0x78]  }
0x112: {  	v16 =	vadd.f32 v18, v16;
	v18 =	vld [tilespmem:s30+$0xFFFFFFB8]  }
0x113: {  	v21 =	vld [tilespmem:s24+$0xFFFFFFB8];
	v19 =	vadd.f32 $1.000000020e-16, v19;
	(erf) = vrcp.f32 v14  }
0x114: {  	v14 =	vadd.f32 $1.000000020e-16, v16;
	v17 =	vadd.f32 v23, v17;
	v16 =	vld [tilespmem:s30+$0x48]  }
0x115: {  	v22 =	vld [tilespmem:s24+$0x48];
	(erf) = vrcp.f32 v19  }
0x116: {  	v23 =	vperm.xlane v4, v3;
	v19 =	vld [tilespmem:s30+$0x0];
	(erf) = vrcp.f32 v14;
	v14 =	vadd.f32 v20, v15  }
0x117: {  	v15 =	vld [tilespmem:s24+$0x0]  }
0x118: {  	v18 =	vadd.f32 v21, v18;
	v20 =	vld [tilespmem:s23+$0xFFFFFF90];
	v14 =	vmul.f32 v23, v14  }
0x119: {  	v4 =	vpop (erf);
	v21 =	vld [tilespmem:s28+$0xFFFFFF90]  }
0x11a: {  	v16 =	vadd.f32 v22, v16;
	v22 =	vperm.xlane v4, v0;
	v23 =	vld [tilespmem:s23+$0xFFFFFFD8];
	v14 =	vmax.f32 v14, $0.0e+00  }
0x11b: {  	v24 =	vld [tilespmem:s28+$0xFFFFFFD8];
	[tilespmem:s25+$0x70] =	vst v14  }
0x11c: {  	v14 =	vadd.f32 v15, v19;
	v15 =	vmul.f32 v22, v16;
	v19 =	vpop (erf);
	v22 =	vld [tilespmem:s23+$0x20]  }
0x11d: {  	v16 =	vperm.xlane v19, v0;
	v25 =	vperm.xlane v19, v1;
	v26 =	vld [tilespmem:s28+$0x20]  }
0x11e: {  	s25 =	sadd.s32 $0x100, s25;
	v27 =	vperm.xlane v19, v2;
	v15 =	vmax.f32 v15, $0.0e+00;
	v28 =	vpop (erf);
	v20 =	vadd.f32 v21, v20;
	v21 =	vld [tilespmem:s21+$0xFFFFFFE8]  }
0x11f: {  	v16 =	vmul.f32 v16, v18;
	v18 =	vperm.xlane v28, v0;
	[tilespmem:s25+$0x40] =	vst v15;
	v29 =	vpop (erf);
	v30 =	vld [tilespmem:s22+$0x30];
	s22 =	smov.u32 s23;
	s23 =	smov.u32 s30  }
0x120: {  	v31 =	vperm.xlane v29, v0;
	v15 =	vperm.xlane v29, v1;
	v32 =	vld [tilespmem:s30+$0x58];
	v23 =	vadd.f32 v24, v23  }
0x121: {  	v24 =	vmax.f32 v16, $0.0e+00;
	v14 =	vmul.f32 v18, v14;
	v16 =	vperm.xlane v28, v1;
	v18 =	vld [tilespmem:s24+$0x58]  }
0x122: {  	v17 =	vmul.f32 v31, v17;
	v31 =	vperm.xlane v29, v2;
	[tilespmem:s25+$0xFFFFFFC0] =	vst v24;
	v22 =	vadd.f32 v26, v22;
	v24 =	vld [tilespmem:s21+$0x30];
	s21 =	smov.u32 s28;
	s28 =	smov.u32 s24  }
0x123: {  	v33 =	vperm.xlane v28, v2;
	v34 =	vmul.f32 v12, v20;
	v26 =	vld [tilespmem:s30+$0xFFFFFFC8];
	v14 =	vmax.f32 v14, $0.0e+00  }
0x124: {  	v23 =	vmul.f32 v10, v23;
	v10 =	vmovc v27;
	v17 =	vmax.f32 v17, $0.0e+00;
	v20 =	vld [tilespmem:s24+$0xFFFFFFC8];
	[tilespmem:s25+$0x0] =	vst v14;
	v22 =	vmul.f32 v11, v22  }
0x125: {  	v13 =	vadd.f32 v21, v13;
	v14 =	vperm.xlane v29, v3;
	v29 =	vmax.f32 v34, $0.0e+00;
	v12 =	vmovc v31;
	[tilespmem:s25+$0xFFFFFF80] =	vst v17;
	v27 =	vld [tilespmem:s30+$0x10]  }
0x126: {  	v23 =	vmax.f32 v23, $0.0e+00;
	v11 =	vmovc v33;
	v21 =	vld [tilespmem:s30+$0xFFFFFF80];
	v17 =	vadd.f32 v18, v32;
	v18 =	vperm.xlane v4, v1;
	[tilespmem:s26+$0xFFFFFFA0] =	vst v29  }
0x127: {  	v19 =	vperm.xlane v19, v3;
	v22 =	vmax.f32 v22, $0.0e+00;
	v29 =	vld [tilespmem:s24+$0xFFFFFF80];
	[tilespmem:s26+$0xFFFFFFE0] =	vst v23;
	v23 =	vadd.f32 v24, v30  }
0x128: {  	v28 =	vperm.xlane v28, v3;
	v24 =	vld [tilespmem:s24+$0x10];
	v18 =	vmul.f32 v18, v17;
	[tilespmem:s26+$0x20] =	vst v22  }
.Ltmp5:
0x129: {  	v22 =	vmul.f32 v6, v13;
	v6 =	vmovc v9;
	v20 =	vadd.f32 v20, v26;
	v17 =	vld [tilespmem:s22+$0xFFFFFFA0];
	v23 =	vmul.f32 v7, v23;
	(pc) =	sbr.rel @p1 .LBB2_3-.Ltmp5, $4  }
0x12a: {  	v9 =	vmovc v19;
	v7 =	vmov v8;
	v8 =	vmov v28;
	v13 =	vmax.f32 v18, $0.0e+00;
	v18 =	vld [tilespmem:s21+$0xFFFFFFA0]  }
0x12b: {  	v22 =	vmax.f32 v22, $0.0e+00;
	v20 =	vmul.f32 v25, v20;
	[tilespmem:s25+$0x50] =	vst v13;
	v13 =	vld [tilespmem:s22+$0xFFFFFFE8];
	v25 =	vmax.f32 v23, $0.0e+00  }
0x12c: {  	v23 =	vadd.f32 v29, v21;
	v19 =	vld [tilespmem:s30+$0x68];
	[tilespmem:s20+$0xFFFFFFF0] =	vst v22  }
0x12d: {  	s30 =	sadd.s32 $0x120, s30;
	v21 =	vmax.f32 v20, $0.0e+00;
	v22 =	vadd.f32 v24, v27;
	v20 =	vld [tilespmem:s24+$0x68];
	[tilespmem:s20+$0x30] =	vst v25;
	s20 =	smov.u32 s26;
	s26 =	smov.u32 s25  }
0x12e: {  	v15 =	vmul.f32 v15, v23;
	_ =	sdelay $0x1  }
0x12f: {  	v15 =	vmax.f32 v15, $0.0e+00  }
0x130: {  	[tilespmem:s25+$0xFFFFFF90] =	vst v15  }
0x131: {  	v15 =	vmul.f32 v16, v22;
	v16 =	vld [tilespmem:s23+$0xFFFFFF90]  }
0x132: {  	[tilespmem:s25+$0xFFFFFFD0] =	vst v21;
	v19 =	vadd.f32 v20, v19;
	v20 =	vperm.xlane v4, v2;
	v21 =	vld [tilespmem:s28+$0xFFFFFF90]  }
0x133: {  	v22 =	vld [tilespmem:s23+$0xFFFFFFD8];
	v15 =	vmax.f32 v15, $0.0e+00  }
0x134: {  	[tilespmem:s25+$0x10] =	vst v15;
	v15 =	vmul.f32 v20, v19;
	v19 =	vld [tilespmem:s28+$0xFFFFFFD8]  }
0x135: {  	v20 =	vld [tilespmem:s23+$0x20]  }
0x136: {  	v23 =	vld [tilespmem:s28+$0x20];
	v15 =	vmax.f32 v15, $0.0e+00  }
0x137: {  	[tilespmem:s25+$0x60] =	vst v15;
	v15 =	vadd.f32 v21, v16  }
0x138: {  	v16 =	vld [tilespmem:s23+$0x78]  }
0x139: {  	v21 =	vld [tilespmem:s28+$0x78];
	v19 =	vadd.f32 v19, v22;
	v12 =	vmul.f32 v12, v15  }
0x13a: {  	v15 =	vld [tilespmem:s21+$0xFFFFFFE8]  }
0x13b: {  	v22 =	vld [tilespmem:s22+$0x30];
	v20 =	vadd.f32 v23, v20;
	v10 =	vmul.f32 v10, v19;
	v12 =	vmax.f32 v12, $0.0e+00  }
0x13c: {  	v19 =	vld [tilespmem:s21+$0x30];
	[tilespmem:s26+$0xFFFFFFA0] =	vst v12  }
0x13d: {  	v11 =	vmul.f32 v11, v20;
	v10 =	vmax.f32 v10, $0.0e+00;
	v12 =	vld [tilespmem:s23+$0xFFFFFFA0]  }
0x13e: {  	[tilespmem:s26+$0xFFFFFFE0] =	vst v10;
	v10 =	vld [tilespmem:s28+$0xFFFFFFA0]  }
0x13f: {  	v11 =	vmax.f32 v11, $0.0e+00;
	v20 =	vld [tilespmem:s23+$0xFFFFFFE8]  }
0x140: {  	[tilespmem:s26+$0x20] =	vst v11;
	v11 =	vld [tilespmem:s28+$0xFFFFFFE8]  }
0x141: {  	v17 =	vadd.f32 v18, v17;
	v18 =	vld [tilespmem:s23+$0x30]  }
0x142: {  	v4 =	vperm.xlane v4, v3;
	v16 =	vadd.f32 v21, v16;
	v21 =	vld [tilespmem:s28+$0x30]  }
0x143: {  	v5 =	vmul.f32 v5, v17;
	v13 =	vadd.f32 v15, v13  }
0x144: {  	v4 =	vmul.f32 v4, v16;
	v15 =	vadd.f32 v19, v22  }
0x145: {  	v5 =	vmax.f32 v5, $0.0e+00;
	v6 =	vmul.f32 v6, v13;
	v10 =	vadd.f32 v10, v12  }
0x146: {  	[tilespmem:s20+$0xFFFFFFB0] =	vst v5;
	v4 =	vmax.f32 v4, $0.0e+00;
	v5 =	vmul.f32 v7, v15;
	v7 =	vadd.f32 v11, v20  }
0x147: {  	[tilespmem:s25+$0x70] =	vst v4;
	v4 =	vmax.f32 v6, $0.0e+00;
	v6 =	vmul.f32 v14, v10;
	v10 =	vadd.f32 v21, v18  }
0x148: {  	[tilespmem:s20+$0xFFFFFFF0] =	vst v4;
	v5 =	vmax.f32 v5, $0.0e+00;
	v4 =	vmul.f32 v9, v7  }
0x149: {  	[tilespmem:s20+$0x30] =	vst v5;
	v5 =	vmax.f32 v6, $0.0e+00;
	v6 =	vmul.f32 v8, v10  }
0x14a: {  	[tilespmem:s26+$0xFFFFFFB0] =	vst v5;
	v4 =	vmax.f32 v4, $0.0e+00  }
0x14b: {  	v5 =	vmax.f32 v6, $0.0e+00;
	[tilespmem:s26+$0xFFFFFFF0] =	vst v4  }
0x14c: {  	[tilespmem:s26+$0x30] =	vst v5  }
0x14d: {  	[hbm4b:s7+s2] =	stream.linear.scatter [tilespmem:s16], [sflag:$0x3], $0x2800, $0x38;
	[tilespmem:$0x10400] =	vst v63  }
0x14e: {  	_ =	swait.ge [sflag:s17], $0x2800  }
0x14f: {  	[sflag:s17] =	ssyncset.done $0x0  }
0x150: {  	[sflag:s17] =	ssyncadd.s32 $0xFFFFD800  }
0x151: {  	_ =	swait.ge [sflag:s15], $0x2D00  }
0x152: {  	[sflag:s15] =	ssyncset.done $0x0  }
0x153: {  	[sflag:s15] =	ssyncadd.s32 $0xFFFFD300  }
0x154: {  	_ =	swait.ge [sflag:s15], $0x2D00  }
0x155: {  	[sflag:s15] =	ssyncset.done $0x0  }
0x156: {  	s22 =	simm.s32 $0x8290;
	[sflag:s15] =	ssyncadd.s32 $0xFFFFD300  }
0x157: {  	s21 =	simm.s32 $0xAF90;
	v4 =	vld [tilespmem:s22+$0x80]  }
0x158: {  	v5 =	vld [tilespmem:s21+$0x80];
	_ =	sdelay $0x4  }
0x159: {  	v4 =	vadd.f32 v5, v4;
	_ =	sdelay $0x1  }
0x15a: {  	v4 =	vadd.f32 $1.000000020e-16, v4  }
0x15b: {  	v6 =	vld [tilespmem:s21+$0xFFFFFFF0]  }
0x15c: {  	v5 =	vld [tilespmem:s22+$0xFFFFFFF0];
	(erf) = vrcp.f32 v4;
	_ =	sdelay $0x1  }
0x15d: {  	v7 =	vld [tilespmem:s21+$0x38]  }
0x15e: {  	v4 =	vld [tilespmem:s22+$0x38]  }
0x15f: {  	v8 =	vld [tilespmem:s22+$0x48]  }
0x160: {  	v9 =	vld [tilespmem:s21+$0x48];
	v5 =	vadd.f32 v6, v5;
	_ =	sdelay $0x1  }
0x161: {  	v5 =	vadd.f32 $1.000000020e-16, v5  }
0x162: {  	v4 =	vadd.f32 v7, v4  }
0x163: {  	(erf) = vrcp.f32 v5;
	v5 =	vld [tilespmem:s21+$0xFFFFFFA8];
	v6 =	vpop (erf)  }
0x164: {  	v7 =	vadd.f32 v9, v8;
	v9 =	vld [tilespmem:s22+$0xFFFFFFA8];
	v4 =	vadd.f32 $1.000000020e-16, v4;
	v8 =	vperm.xlane v6, v0;
	_ =	sdelay $0x1  }
0x165: {  	v10 =	vld [tilespmem:s22+$0x0];
	(erf) = vrcp.f32 v4;
	v7 =	vmul.f32 v8, v7  }
0x166: {  	v4 =	vld [tilespmem:s22+$0xFFFFFFB8]  }
0x167: {  	s20 =	simm.s32 $0xDC80;
	v8 =	vld [tilespmem:s21+$0xFFFFFFB8];
	v7 =	vmax.f32 v7, $0.0e+00  }
0x168: {  	v11 =	vld [tilespmem:s21+$0x0];
	v5 =	vadd.f32 v5, v9;
	[tilespmem:s20+$0x40] =	vst v7  }
0x169: {  	v7 =	vld [tilespmem:s22+$0x58]  }
0x16a: {  	v5 =	vadd.f32 $1.000000020e-16, v5;
	v12 =	vld [tilespmem:s21+$0x58]  }
0x16b: {  	v9 =	vpop (erf)  }
0x16c: {  	(erf) = vrcp.f32 v5;
	v4 =	vadd.f32 v8, v4;
	v8 =	vperm.xlane v9, v0;
	_ =	sdelay $0x1  }
0x16d: {  	v10 =	vadd.f32 v11, v10;
	v13 =	vpop (erf);
	v4 =	vmul.f32 v8, v4  }
0x16e: {  	v8 =	vperm.xlane v13, v0;
	v5 =	vadd.f32 v12, v7;
	v7 =	vperm.xlane v6, v1  }
0x16f: {  	v11 =	vld [tilespmem:s22+$0xFFFFFF70];
	v4 =	vmax.f32 v4, $0.0e+00  }
0x170: {  	s23 =	simm.s32 $0x83B0;
	v8 =	vmul.f32 v8, v10;
	v10 =	vld [tilespmem:s21+$0xFFFFFF70];
	[tilespmem:s20+$0xFFFFFFC0] =	vst v4;
	v4 =	vmul.f32 v7, v5  }
0x171: {  	s24 =	simm.s32 $0xB0B0;
	v14 =	vld [tilespmem:s23+$0x80]  }
0x172: {  	v16 =	vld [tilespmem:s24+$0x80];
	v4 =	vmax.f32 v4, $0.0e+00  }
0x173: {  	v17 =	vld [tilespmem:s24+$0xFFFFFFA8];
	[tilespmem:s20+$0x50] =	vst v4  }
0x174: {  	v15 =	vpop (erf);
	v4 =	vld [tilespmem:s22+$0x68]  }
0x175: {  	v10 =	vadd.f32 v10, v11;
	v11 =	vperm.xlane v15, v0;
	v12 =	vld [tilespmem:s21+$0x68]  }
0x176: {  	v18 =	vld [tilespmem:s23+$0xFFFFFFF0]  }
0x177: {  	v19 =	vld [tilespmem:s23+$0x38];
	v14 =	vadd.f32 v16, v14;
	v10 =	vmul.f32 v11, v10  }
0x178: {  	v11 =	vld [tilespmem:s24+$0xFFFFFFF0]  }
0x179: {  	v20 =	vld [tilespmem:s24+$0x38];
	v14 =	vadd.f32 $1.000000020e-16, v14;
	v10 =	vmax.f32 v10, $0.0e+00  }
0x17a: {  	[tilespmem:s20+$0xFFFFFF80] =	vst v10;
	v10 =	vperm.xlane v6, v2;
	v4 =	vadd.f32 v12, v4;
	v12 =	vld [tilespmem:s23+$0xFFFFFFA8]  }
0x17b: {  	(erf) = vrcp.f32 v14;
	v14 =	vld [tilespmem:s23+$0xFFFFFF70]  }
0x17c: {  	v5 =	vld [tilespmem:s22+$0xFFFFFFC8];
	v4 =	vmul.f32 v10, v4  }
0x17d: {  	v7 =	vmax.f32 v8, $0.0e+00;
	v8 =	vld [tilespmem:s21+$0xFFFFFFC8];
	v10 =	vadd.f32 v11, v18  }
0x17e: {  	[tilespmem:s20+$0x0] =	vst v7;
	v16 =	vld [tilespmem:s22+$0xFFFFFF80];
	v18 =	vadd.f32 v20, v19;
	v4 =	vmax.f32 v4, $0.0e+00  }
0x17f: {  	v21 =	vld [tilespmem:s21+$0xFFFFFF80];
	v10 =	vadd.f32 $1.000000020e-16, v10;
	[tilespmem:s20+$0x60] =	vst v4;
	v4 =	vadd.f32 v17, v12  }
0x180: {  	v7 =	vld [tilespmem:s22+$0x10];
	v17 =	vadd.f32 $1.000000020e-16, v18  }
0x181: {  	v11 =	vld [tilespmem:s21+$0x10];
	(erf) = vrcp.f32 v10;
	v4 =	vadd.f32 $1.000000020e-16, v4  }
0x182: {  	v20 =	vld [tilespmem:s24+$0x48];
	(erf) = vrcp.f32 v17  }
0x183: {  	v10 =	vld [tilespmem:s23+$0x48];
	(erf) = vrcp.f32 v4;
	v4 =	vperm.xlane v9, v1  }
0x184: {  	v19 =	vld [tilespmem:s24+$0xFFFFFF70];
	v18 =	vperm.xlane v15, v1;
	v16 =	vadd.f32 v21, v16  }
0x185: {  	v5 =	vadd.f32 v8, v5;
	v21 =	vld [tilespmem:s24+$0xFFFFFFB8]  }
0x186: {  	v12 =	vld [tilespmem:s22+$0x78];
	v8 =	vmul.f32 v18, v16;
	v18 =	vperm.xlane v13, v1;
	v7 =	vadd.f32 v11, v7  }
0x187: {  	v17 =	vld [tilespmem:s21+$0x78];
	v5 =	vmul.f32 v4, v5;
	v4 =	vpop (erf)  }
0x188: {  	v16 =	vld [tilespmem:s23+$0xFFFFFFB8];
	v7 =	vmul.f32 v18, v7;
	v10 =	vadd.f32 v20, v10;
	v20 =	vperm.xlane v4, v0  }
0x189: {  	v11 =	vld [tilespmem:s23+$0x0];
	v8 =	vmax.f32 v8, $0.0e+00  }
0x18a: {  	[tilespmem:s20+$0xFFFFFF90] =	vst v8;
	v8 =	vld [tilespmem:s24+$0x0];
	v7 =	vmax.f32 v7, $0.0e+00  }
0x18b: {  	v18 =	vld [tilespmem:s22+$0xFFFFFF90];
	[tilespmem:s20+$0x10] =	vst v7;
	v5 =	vmax.f32 v5, $0.0e+00  }
0x18c: {  	v22 =	vld [tilespmem:s21+$0xFFFFFF90];
	[tilespmem:s20+$0xFFFFFFD0] =	vst v5;
	v5 =	vmul.f32 v20, v10;
	v20 =	vpop (erf)  }
0x18d: {  	v12 =	vadd.f32 v17, v12;
	v17 =	vld [tilespmem:s21+$0x20];
	v10 =	vadd.f32 v21, v16;
	v21 =	vperm.xlane v20, v0  }
0x18e: {  	v25 =	vld [tilespmem:s21+$0xFFFFFFD8]  }
0x18f: {  	v23 =	vperm.xlane v9, v2;
	v7 =	vadd.f32 v8, v11;
	v8 =	vld [tilespmem:s22+$0x20]  }
0x190: {  	s25 =	simm.s32 $0xDD80;
	v27 =	vperm.xlane v13, v2;
	v24 =	vperm.xlane v15, v2;
	v16 =	vld [tilespmem:s22+$0xFFFFFFD8];
	v5 =	vmax.f32 v5, $0.0e+00;
	v26 =	vpop (erf)  }
0x191: {  	[tilespmem:s25+$0x40] =	vst v5;
	v11 =	vperm.xlane v26, v0;
	v10 =	vmul.f32 v21, v10;
	v21 =	vpop (erf)  }
0x192: {  	v14 =	vadd.f32 v19, v14;
	v5 =	vperm.xlane v15, v3;
	v28 =	vld [tilespmem:s23+$0x58];
	v19 =	vperm.xlane v21, v0  }
0x193: {  	v15 =	vperm.xlane v6, v3;
	v7 =	vmul.f32 v11, v7;
	v11 =	vld [tilespmem:s24+$0x58];
	v10 =	vmax.f32 v10, $0.0e+00  }
0x194: {  	v6 =	vperm.xlane v9, v3;
	v9 =	vadd.f32 v22, v18;
	[tilespmem:s25+$0xFFFFFFC0] =	vst v10;
	v14 =	vmul.f32 v19, v14  }
0x195: {  	v8 =	vadd.f32 v17, v8;
	v16 =	vadd.f32 v25, v16;
	v10 =	vmax.f32 v7, $0.0e+00;
	v18 =	vld [tilespmem:s23+$0xFFFFFFC8]  }
0x196: {  	v7 =	vperm.xlane v13, v3;
	v13 =	vmul.f32 v15, v12;
	[tilespmem:s25+$0x0] =	vst v10;
	v12 =	vmax.f32 v14, $0.0e+00;
	v14 =	vld [tilespmem:s24+$0xFFFFFFC8]  }
0x197: {  	v9 =	vmul.f32 v24, v9;
	v8 =	vmul.f32 v27, v8;
	v22 =	vld [tilespmem:s23+$0x10];
	[tilespmem:s25+$0xFFFFFF80] =	vst v12  }
0x198: {  	v23 =	vmul.f32 v23, v16;
	v11 =	vadd.f32 v11, v28;
	v12 =	vperm.xlane v4, v1;
	v61 =	vld [tilespmem:s23+$0xFFFFFF80]  }
0x199: {  	v9 =	vmax.f32 v9, $0.0e+00;
	v16 =	vperm.xlane v26, v1;
	v15 =	vperm.xlane v21, v1;
	v62 =	vld [tilespmem:s24+$0xFFFFFF80]  }
0x19a: {  	[tilespmem:s20+$0xFFFFFFA0] =	vst v9;
	v10 =	vperm.xlane v20, v2;
	v63 =	vld [tilespmem:s24+$0x10];
	v9 =	vmul.f32 v12, v11  }
0x19b: {  	v23 =	vmax.f32 v23, $0.0e+00;
	v17 =	vld [tilespmem:s22+$0xFFFFFFA0];
	v19 =	vperm.xlane v20, v1;
	v29 =	vadd.f32 v14, v18  }
0x19c: {  	[tilespmem:s20+$0xFFFFFFE0] =	vst v23;
	v12 =	vperm.xlane v21, v2;
	v11 =	vperm.xlane v26, v2;
	v9 =	vmax.f32 v9, $0.0e+00;
	v18 =	vld [tilespmem:s21+$0xFFFFFFA0]  }
0x19d: {  	v23 =	vmax.f32 v13, $0.0e+00;
	v13 =	vld [tilespmem:s22+$0xFFFFFFE8];
	v14 =	vperm.xlane v21, v3;
	[tilespmem:s25+$0x50] =	vst v9;
	v21 =	vmul.f32 v19, v29  }
0x19e: {  	s29 =	simm.s32 $0x4;
	[tilespmem:s20+$0x70] =	vst v23;
	v9 =	vperm.xlane v20, v3;
	v20 =	vmax.f32 v8, $0.0e+00;
	v19 =	vld [tilespmem:s23+$0x68];
	v23 =	vadd.f32 v62, v61  }
0x19f: {  	s30 =	simm.s32 $0x84D0;
	s28 =	simm.s32 $0xB0B0;
	s26 =	simm.s32 $0xDD80;
	v22 =	vadd.f32 v63, v22;
	v8 =	vperm.xlane v26, v3;
	[tilespmem:s20+$0x20] =	vst v20;
	v20 =	vld [tilespmem:s24+$0x68];
	v21 =	vmax.f32 v21, $0.0e+00  }
.LBB2_5:
0x1a0: {  	v24 =	vld [tilespmem:s30+$0x80];
	v15 =	vmul.f32 v15, v23;
	[tilespmem:s25+$0xFFFFFFD0] =	vst v21;
	s24 =	sadd.s32 $0x120, s24  }
0x1a1: {  	v21 =	vld [tilespmem:s24+$0x80];
	v16 =	vmul.f32 v16, v22;
	v17 =	vadd.f32 v18, v17  }
0x1a2: {  	v18 =	vld [tilespmem:s24+$0xFFFFFFA8];
	v15 =	vmax.f32 v15, $0.0e+00  }
0x1a3: {  	v22 =	vld [tilespmem:s30+$0xFFFFFFF0];
	[tilespmem:s25+$0xFFFFFF90] =	vst v15;
	v15 =	vmax.f32 v16, $0.0e+00;
	v16 =	vmul.f32 v5, v17;
	v5 =	vmov v14  }
0x1a4: {  	s29 =	sadd.s32 $0x4, s29;
	v17 =	vperm.xlane v4, v2;
	v14 =	vld [tilespmem:s24+$0xFFFFFFF0];
	[tilespmem:s25+$0x10] =	vst v15;
	v15 =	vadd.f32 v20, v19  }
0x1a5: {  	p1 =	slt.u32 s29, $0x9C;
	v19 =	vld [tilespmem:s30+$0x38];
	v16 =	vmax.f32 v16, $0.0e+00  }
0x1a6: {  	v20 =	vld [tilespmem:s24+$0x38];
	v21 =	vadd.f32 v21, v24;
	v15 =	vmul.f32 v17, v15;
	[tilespmem:s20+$0xFFFFFFB0] =	vst v16  }
0x1a7: {  	v16 =	vld [tilespmem:s30+$0xFFFFFFA8]  }
0x1a8: {  	v17 =	vld [tilespmem:s30+$0xFFFFFF70];
	v21 =	vadd.f32 $1.000000020e-16, v21;
	v15 =	vmax.f32 v15, $0.0e+00  }
0x1a9: {  	v23 =	vld [tilespmem:s24+$0xFFFFFF70];
	v14 =	vadd.f32 v14, v22;
	[tilespmem:s25+$0x60] =	vst v15  }
0x1aa: {  	(erf) = vrcp.f32 v21;
	v15 =	vld [tilespmem:s23+$0x78]  }
0x1ab: {  	v14 =	vadd.f32 $1.000000020e-16, v14;
	v19 =	vadd.f32 v20, v19;
	v20 =	vld [tilespmem:s28+$0x78]  }
0x1ac: {  	v16 =	vadd.f32 v18, v16;
	v18 =	vld [tilespmem:s30+$0xFFFFFFB8]  }
0x1ad: {  	v21 =	vld [tilespmem:s24+$0xFFFFFFB8];
	v19 =	vadd.f32 $1.000000020e-16, v19;
	(erf) = vrcp.f32 v14  }
0x1ae: {  	v14 =	vadd.f32 $1.000000020e-16, v16;
	v17 =	vadd.f32 v23, v17;
	v16 =	vld [tilespmem:s30+$0x48]  }
0x1af: {  	v22 =	vld [tilespmem:s24+$0x48];
	(erf) = vrcp.f32 v19  }
0x1b0: {  	v23 =	vperm.xlane v4, v3;
	v19 =	vld [tilespmem:s30+$0x0];
	(erf) = vrcp.f32 v14;
	v14 =	vadd.f32 v20, v15  }
0x1b1: {  	v15 =	vld [tilespmem:s24+$0x0]  }
0x1b2: {  	v18 =	vadd.f32 v21, v18;
	v20 =	vld [tilespmem:s23+$0xFFFFFF90];
	v14 =	vmul.f32 v23, v14  }
0x1b3: {  	v4 =	vpop (erf);
	v21 =	vld [tilespmem:s28+$0xFFFFFF90]  }
0x1b4: {  	v16 =	vadd.f32 v22, v16;
	v22 =	vperm.xlane v4, v0;
	v23 =	vld [tilespmem:s23+$0xFFFFFFD8];
	v14 =	vmax.f32 v14, $0.0e+00  }
0x1b5: {  	v24 =	vld [tilespmem:s28+$0xFFFFFFD8];
	[tilespmem:s25+$0x70] =	vst v14  }
0x1b6: {  	v14 =	vadd.f32 v15, v19;
	v15 =	vmul.f32 v22, v16;
	v19 =	vpop (erf);
	v22 =	vld [tilespmem:s23+$0x20]  }
0x1b7: {  	v16 =	vperm.xlane v19, v0;
	v25 =	vperm.xlane v19, v1;
	v26 =	vld [tilespmem:s28+$0x20]  }
0x1b8: {  	s25 =	sadd.s32 $0x100, s25;
	v27 =	vperm.xlane v19, v2;
	v15 =	vmax.f32 v15, $0.0e+00;
	v28 =	vpop (erf);
	v20 =	vadd.f32 v21, v20;
	v21 =	vld [tilespmem:s21+$0xFFFFFFE8]  }
0x1b9: {  	v16 =	vmul.f32 v16, v18;
	v18 =	vperm.xlane v28, v0;
	[tilespmem:s25+$0x40] =	vst v15;
	v29 =	vpop (erf);
	v30 =	vld [tilespmem:s22+$0x30];
	s22 =	smov.u32 s23;
	s23 =	smov.u32 s30  }
0x1ba: {  	v31 =	vperm.xlane v29, v0;
	v15 =	vperm.xlane v29, v1;
	v32 =	vld [tilespmem:s30+$0x58];
	v23 =	vadd.f32 v24, v23  }
0x1bb: {  	v24 =	vmax.f32 v16, $0.0e+00;
	v14 =	vmul.f32 v18, v14;
	v16 =	vperm.xlane v28, v1;
	v18 =	vld [tilespmem:s24+$0x58]  }
0x1bc: {  	v17 =	vmul.f32 v31, v17;
	v31 =	vperm.xlane v29, v2;
	[tilespmem:s25+$0xFFFFFFC0] =	vst v24;
	v22 =	vadd.f32 v26, v22;
	v24 =	vld [tilespmem:s21+$0x30];
	s21 =	smov.u32 s28;
	s28 =	smov.u32 s24  }
0x1bd: {  	v33 =	vperm.xlane v28, v2;
	v34 =	vmul.f32 v12, v20;
	v26 =	vld [tilespmem:s30+$0xFFFFFFC8];
	v14 =	vmax.f32 v14, $0.0e+00  }
0x1be: {  	v23 =	vmul.f32 v10, v23;
	v10 =	vmovc v27;
	v17 =	vmax.f32 v17, $0.0e+00;
	v20 =	vld [tilespmem:s24+$0xFFFFFFC8];
	[tilespmem:s25+$0x0] =	vst v14;
	v22 =	vmul.f32 v11, v22  }
0x1bf: {  	v13 =	vadd.f32 v21, v13;
	v14 =	vperm.xlane v29, v3;
	v29 =	vmax.f32 v34, $0.0e+00;
	v12 =	vmovc v31;
	[tilespmem:s25+$0xFFFFFF80] =	vst v17;
	v27 =	vld [tilespmem:s30+$0x10]  }
0x1c0: {  	v23 =	vmax.f32 v23, $0.0e+00;
	v11 =	vmovc v33;
	v21 =	vld [tilespmem:s30+$0xFFFFFF80];
	v17 =	vadd.f32 v18, v32;
	v18 =	vperm.xlane v4, v1;
	[tilespmem:s26+$0xFFFFFFA0] =	vst v29  }
0x1c1: {  	v19 =	vperm.xlane v19, v3;
	v22 =	vmax.f32 v22, $0.0e+00;
	v29 =	vld [tilespmem:s24+$0xFFFFFF80];
	[tilespmem:s26+$0xFFFFFFE0] =	vst v23;
	v23 =	vadd.f32 v24, v30  }
0x1c2: {  	v28 =	vperm.xlane v28, v3;
	v24 =	vld [tilespmem:s24+$0x10];
	v18 =	vmul.f32 v18, v17;
	[tilespmem:s26+$0x20] =	vst v22  }
.Ltmp6:
0x1c3: {  	v22 =	vmul.f32 v6, v13;
	v6 =	vmovc v9;
	v20 =	vadd.f32 v20, v26;
	v17 =	vld [tilespmem:s22+$0xFFFFFFA0];
	v23 =	vmul.f32 v7, v23;
	(pc) =	sbr.rel @p1 .LBB2_5-.Ltmp6, $4  }
0x1c4: {  	v9 =	vmovc v19;
	v7 =	vmov v8;
	v8 =	vmov v28;
	v13 =	vmax.f32 v18, $0.0e+00;
	v18 =	vld [tilespmem:s21+$0xFFFFFFA0]  }
0x1c5: {  	v22 =	vmax.f32 v22, $0.0e+00;
	v20 =	vmul.f32 v25, v20;
	[tilespmem:s25+$0x50] =	vst v13;
	v13 =	vld [tilespmem:s22+$0xFFFFFFE8];
	v25 =	vmax.f32 v23, $0.0e+00  }
0x1c6: {  	v23 =	vadd.f32 v29, v21;
	v19 =	vld [tilespmem:s30+$0x68];
	[tilespmem:s20+$0xFFFFFFF0] =	vst v22  }
0x1c7: {  	s30 =	sadd.s32 $0x120, s30;
	v21 =	vmax.f32 v20, $0.0e+00;
	v22 =	vadd.f32 v24, v27;
	v20 =	vld [tilespmem:s24+$0x68];
	[tilespmem:s20+$0x30] =	vst v25;
	s20 =	smov.u32 s26;
	s26 =	smov.u32 s25  }
0x1c8: {  	v15 =	vmul.f32 v15, v23  }
0x1c9: {  	[tilespmem:s25+$0xFFFFFFD0] =	vst v21  }
0x1ca: {  	v39 =	vmul.f32 v16, v22;
	v43 =	vld [tilespmem:s23+$0xFFFFFFD8];
	v15 =	vmax.f32 v15, $0.0e+00  }
0x1cb: {  	v45 =	vld [tilespmem:s28+$0xFFFFFFD8];
	[tilespmem:s25+$0xFFFFFF90] =	vst v15  }
0x1cc: {  	v15 =	vmax.f32 v39, $0.0e+00;
	v40 =	vld [tilespmem:s23+$0xFFFFFF90]  }
0x1cd: {  	v42 =	vld [tilespmem:s28+$0xFFFFFF90];
	[tilespmem:s25+$0x10] =	vst v15  }
0x1ce: {  	v41 =	vperm.xlane v4, v2;
	v19 =	vadd.f32 v20, v19;
	v46 =	vld [tilespmem:s23+$0x20]  }
0x1cf: {  	v47 =	vld [tilespmem:s28+$0x20]  }
0x1d0: {  	v44 =	vmul.f32 v41, v19;
	v19 =	vadd.f32 v45, v43  }
0x1d1: {  	v51 =	vld [tilespmem:s21+$0xFFFFFFE8]  }
0x1d2: {  	v52 =	vld [tilespmem:s22+$0x30];
	v15 =	vmax.f32 v44, $0.0e+00;
	v10 =	vmul.f32 v10, v19;
	v48 =	vadd.f32 v42, v40  }
0x1d3: {  	v53 =	vld [tilespmem:s21+$0x30];
	[tilespmem:s25+$0x60] =	vst v15  }
0x1d4: {  	v49 =	vld [tilespmem:s23+$0x78];
	v20 =	vadd.f32 v47, v46;
	v10 =	vmax.f32 v10, $0.0e+00;
	v12 =	vmul.f32 v12, v48  }
0x1d5: {  	v50 =	vld [tilespmem:s28+$0x78];
	[tilespmem:s26+$0xFFFFFFE0] =	vst v10  }
0x1d6: {  	v11 =	vmul.f32 v11, v20;
	v55 =	vld [tilespmem:s23+$0xFFFFFFE8];
	v12 =	vmax.f32 v12, $0.0e+00  }
0x1d7: {  	v56 =	vld [tilespmem:s28+$0xFFFFFFE8];
	[tilespmem:s26+$0xFFFFFFA0] =	vst v12  }
0x1d8: {  	v11 =	vmax.f32 v11, $0.0e+00;
	v12 =	vld [tilespmem:s23+$0xFFFFFFA0]  }
0x1d9: {  	v17 =	vadd.f32 v18, v17;
	v54 =	vld [tilespmem:s28+$0xFFFFFFA0];
	[tilespmem:s26+$0x20] =	vst v11  }
0x1da: {  	v4 =	vperm.xlane v4, v3;
	v16 =	vadd.f32 v50, v49;
	v57 =	vld [tilespmem:s23+$0x30]  }
0x1db: {  	v5 =	vmul.f32 v5, v17;
	v13 =	vadd.f32 v51, v13;
	v58 =	vld [tilespmem:s28+$0x30]  }
0x1dc: {  	v4 =	vmul.f32 v4, v16  }
0x1dd: {  	v59 =	vadd.f32 v53, v52;
	v5 =	vmax.f32 v5, $0.0e+00;
	v6 =	vmul.f32 v6, v13  }
0x1de: {  	[tilespmem:s20+$0xFFFFFFB0] =	vst v5;
	v60 =	vadd.f32 v56, v55;
	v4 =	vmax.f32 v4, $0.0e+00  }
0x1df: {  	v5 =	vmul.f32 v7, v59;
	v10 =	vadd.f32 v54, v12;
	[tilespmem:s25+$0x70] =	vst v4;
	v4 =	vmax.f32 v6, $0.0e+00  }
0x1e0: {  	v62 =	vadd.f32 v58, v57;
	[tilespmem:s20+$0xFFFFFFF0] =	vst v4;
	v4 =	vmul.f32 v9, v60  }
0x1e1: {  	v5 =	vmax.f32 v5, $0.0e+00;
	v61 =	vmul.f32 v14, v10  }
0x1e2: {  	[tilespmem:s20+$0x30] =	vst v5;
	v63 =	vmul.f32 v8, v62;
	v4 =	vmax.f32 v4, $0.0e+00  }
0x1e3: {  	v5 =	vmax.f32 v61, $0.0e+00;
	[tilespmem:s26+$0xFFFFFFF0] =	vst v4  }
0x1e4: {  	[tilespmem:s26+$0xFFFFFFB0] =	vst v5;
	v5 =	vmax.f32 v63, $0.0e+00  }
.Ltmp7:
0x1e5: {  	[tilespmem:s26+$0x30] =	vst v5;
	(pc) =	sbr.rel .LBB2_10-.Ltmp7, $4  }
0x1e6: {  	[hbm4b:s8+s2] =	stream.linear.scatter [tilespmem:s18], [sflag:$0x3], $0x2800, $0x38;
	[tilespmem:$0x10400] =	vst v63  }
0x1e7: {  	_ =	swait.ge [sflag:s17], $0x2800  }
0x1e8: {  	[sflag:s17] =	ssyncset.done $0x0  }
0x1e9: {  	[sflag:s17] =	ssyncadd.s32 $0xFFFFD800  }
.LBB2_11:
0x1ea: {  	_ =	sfence.sel $0x180000  }
0x1eb: {  	[bflag:$0x0] =	sbarrier.arrive $0xFFFF  }
0x1ec: {  	p0 =	sne.s32 s0, $0x0;
	_ =	strace $0x9000004A  }
0x1ed: {  	s0 =	sadd.s32 @!p0 $0x100000, s1;
	[bflag:$0x2] =	sbarrier.arrive $0xFFFF  }
0x1ee: {  	[sflag:s0] =	ssyncadd.tile.s32 @!p0 $0x1;
	_ =	shalt  }
.Lfunc_end2:
_tile_overlayer_lowered:
.L_overlay_start_2:
0x1ef: {  	(tag) =	ssettag $0x2  }
0x1f0: {  	s0 =	rddreg [dreg:$0x0];
	s2 =	stileid.u32  }
0x1f1: {  	s1 =	rddreg [dreg:$0x1];
	p0 =	sne.s32 s2, $0x0  }
0x1f2: {  	s3 =	rddreg [dreg:$0x2];
	[bflag:$0x3] =	sbarrier.arrive $0xFFFF;
	s2 =	simm.s32 @!p0 $0x1C03  }
0x1f3: {  	[timem:s3], [sflag:s2] =	dma.local @!p0 [hbm:s0], s1  }
0x1f4: {  	s0 =	simm.s32 @!p0 $0x3  }
0x1f5: {  	_ =	swait.ge @!p0 [sflag:s0], s1  }
0x1f6: {  	s1 =	ssub.s32 @!p0 $0x0, s1;
	[sflag:s0] =	ssyncset.done @!p0 $0x0  }
0x1f7: {  	[sflag:s0] =	ssyncadd.s32 @!p0 s1  }
0x1f8: {  	[bflag:$0x3] =	sbarrier.arrive $0xFFFF  }
0x1f9: {  	_ =	shalt  }

</sc_bundles>
